<compile_context>
chip_gen: v7x
topology: tpu7x:2x2x1
jax: 0.10.2.dev20260603
libtpu: 0.0.44.dev20260713+nightly
codegen_flags: <defaults>
</compile_context>

<pallas_src>
import jax
import jax.numpy as jnp
from jax import lax
from jax.experimental import pallas as pl
from jax.experimental.pallas import tpu as pltpu
from jax.experimental.pallas import tpu_sc as plsc

N_NODES = 10000
N_PAD = 10112
D_IN = 128
D_OUT = 128
D_EDGE = 16
D_DEG = 8
D_HALF = 64
N_EDGES = 320000
C = 128
NCHUNKS = N_EDGES // C
NC = 2
NS = 16
NW = NC * NS
NSLOTS = 158
RPT = N_PAD // NS
ZCHUNKS = (128, 128, 128, 128, 120)
NSLOTS_A = 82


def _sc_node_body(featsS_hbm, src_hbm, dst_hbm,
                  out_node,
                  sidx0, didx0, rows0, sidx1, didx1, rows1, sidx2, didx2, rows2,
                  sidx3, didx3, rows3, sidx4, didx4, rows4,
                  acc_node,
                  sem_s0, sem_d0, sem_g0, sem_c0,
                  sem_s1, sem_d1, sem_g1, sem_c1,
                  sem_s2, sem_d2, sem_g2, sem_c2,
                  sem_s3, sem_d3, sem_g3, sem_c3,
                  sem_s4, sem_d4, sem_g4, sem_c4):
    cid = lax.axis_index("c")
    sid = lax.axis_index("s")
    zero16 = jnp.zeros((16,), jnp.float32)
    cid16 = lax.broadcast(cid, (16,)).astype(jnp.int32)
    dump16 = jnp.full((16,), N_NODES, jnp.int32)
    B = ((sidx0, didx0, rows0, sem_s0, sem_d0, sem_g0, sem_c0),
         (sidx1, didx1, rows1, sem_s1, sem_d1, sem_g1, sem_c1),
         (sidx2, didx2, rows2, sem_s2, sem_d2, sem_g2, sem_c2),
         (sidx3, didx3, rows3, sem_s3, sem_d3, sem_g3, sem_c3),
         (sidx4, didx4, rows4, sem_s4, sem_d4, sem_g4, sem_c4))

    def _fill_row(r, carry):
        for j in range(D_HALF // 16):
            rows0[r, pl.ds(j * 16, 16)] = zero16
        return carry
    lax.fori_loop(0, C, _fill_row, 0)

    r0 = sid * RPT
    zoff = 0
    for zc in ZCHUNKS:
        pltpu.sync_copy(rows0.at[pl.ds(0, zc)], acc_node.at[pl.ds(r0 + zoff, zc)])
        zoff += zc
    plsc.subcore_barrier()

    def _base(slot):
        return jnp.minimum(sid + NS * slot, NCHUNKS - 1) * C

    def _valid16(slot):
        v = (sid + NS * slot < NCHUNKS).astype(jnp.int32)
        return lax.broadcast(v, (16,))

    def _fix(slot, b):
        sidx, didx = b[0], b[1]
        v16 = _valid16(slot)
        for j in range(C // 16):
            sl = pl.ds(j * 16, 16)
            sidx[sl] = sidx[sl] * 2 + cid16
            didx[sl] = didx[sl] * v16 + dump16 * (1 - v16)

    def _start_loads(slot, b):
        pltpu.async_copy(src_hbm.at[pl.ds(_base(slot), C)], b[0], b[3])
        pltpu.async_copy(dst_hbm.at[pl.ds(_base(slot), C)], b[1], b[4])

    def _wait_loads(b):
        pltpu.make_async_copy(src_hbm.at[pl.ds(0, C)], b[0], b[3]).wait()
        pltpu.make_async_copy(dst_hbm.at[pl.ds(0, C)], b[1], b[4]).wait()

    def _start_gather(b):
        pltpu.async_copy(featsS_hbm.at[b[0]], b[2], b[5])

    def _wait_gather(b):
        pltpu.make_async_copy(featsS_hbm.at[b[0]], b[2], b[5]).wait()

    def _start_scat(b):
        pltpu.async_copy(b[2], acc_node.at[b[1]], b[6], add=True)

    def _wait_scat(b):
        pltpu.make_async_copy(b[2], acc_node.at[b[1]], b[6]).wait()

    def _slot(k, i, scat_wait):
        _wait_gather(B[i])
        _start_scat(B[i])
        if scat_wait:
            _wait_scat(B[(i - 2) % 5])
        _start_loads(k + 3, B[(i + 3) % 5])
        _wait_loads(B[(i + 2) % 5])
        _fix(k + 2, B[(i + 2) % 5])
        _start_gather(B[(i + 2) % 5])

    for slot in (0, 1):
        b = B[slot]
        pltpu.sync_copy(src_hbm.at[pl.ds(_base(slot), C)], b[0])
        pltpu.sync_copy(dst_hbm.at[pl.ds(_base(slot), C)], b[1])
        _fix(slot, b)
        _start_gather(b)
    _start_loads(2, B[2])

    _slot(0, 0, scat_wait=False)
    _slot(1, 1, scat_wait=False)

    def _group(m, carry):
        k0 = 2 + 5 * m
        for i in range(5):
            _slot(k0 + i, (2 + i) % 5, scat_wait=True)
        return carry
    lax.fori_loop(0, (NSLOTS - 3) // 5, _group, 0)

    k = NSLOTS - 1
    _wait_gather(B[k % 5])
    _start_scat(B[k % 5])
    _wait_scat(B[(k - 2) % 5])
    _wait_scat(B[(k - 1) % 5])
    _wait_scat(B[k % 5])
    _wait_gather(B[(k + 1) % 5])
    _wait_loads(B[(k + 2) % 5])
    plsc.subcore_barrier()

    pltpu.sync_copy(acc_node.at[pl.ds(r0, RPT)], out_node.at[cid, pl.ds(r0, RPT)])


def _sc_attr_body(dst_hbm, attr_hbm, ones_hbm, zeros_hbm,
                  out_attr, out_deg,
                  didx0, attrv0, didx1, attrv1, didx2, attrv2, didx3, attrv3,
                  ones_v,
                  acc_attr, acc_deg,
                  sem_d0, sem_a0, sem_ca0, sem_cd0,
                  sem_d1, sem_a1, sem_ca1, sem_cd1,
                  sem_d2, sem_a2, sem_ca2, sem_cd2,
                  sem_d3, sem_a3, sem_ca3, sem_cd3):
    cid = lax.axis_index("c")
    sid = lax.axis_index("s")
    wid = sid * NC + cid
    zero16 = jnp.zeros((16,), jnp.float32)
    dump16 = jnp.full((16,), N_NODES, jnp.int32)
    B = ((didx0, attrv0, sem_d0, sem_a0, sem_ca0, sem_cd0),
         (didx1, attrv1, sem_d1, sem_a1, sem_ca1, sem_cd1),
         (didx2, attrv2, sem_d2, sem_a2, sem_ca2, sem_cd2),
         (didx3, attrv3, sem_d3, sem_a3, sem_ca3, sem_cd3))

    def _fill_row(r, carry):
        attrv0[r, :] = zero16
        return carry
    lax.fori_loop(0, C, _fill_row, 0)
    pltpu.sync_copy(ones_hbm, ones_v)

    r0 = sid * RPT
    zoff = 0
    for zc in ZCHUNKS:
        pltpu.sync_copy(attrv0.at[pl.ds(0, zc)], acc_attr.at[pl.ds(r0 + zoff, zc)])
        pltpu.sync_copy(zeros_hbm.at[pl.ds(0, zc)], acc_deg.at[pl.ds(r0 + zoff, zc)])
        zoff += zc
    plsc.subcore_barrier()

    def _base(slot):
        return jnp.minimum(wid + NW * slot, NCHUNKS - 1) * C

    def _mask(slot, didx):
        v16 = lax.broadcast((wid + NW * slot < NCHUNKS).astype(jnp.int32), (16,))
        for j in range(C // 16):
            sl = pl.ds(j * 16, 16)
            didx[sl] = didx[sl] * v16 + dump16 * (1 - v16)

    def _start_loads(slot, b):
        pltpu.async_copy(dst_hbm.at[pl.ds(_base(slot), C)], b[0], b[2])
        pltpu.async_copy(attr_hbm.at[pl.ds(_base(slot), C)], b[1], b[3])

    def _wait_loads(b):
        pltpu.make_async_copy(dst_hbm.at[pl.ds(0, C)], b[0], b[2]).wait()
        pltpu.make_async_copy(attr_hbm.at[pl.ds(0, C)], b[1], b[3]).wait()

    def _start_scats(b):
        pltpu.async_copy(b[1], acc_attr.at[b[0]], b[4], add=True)
        pltpu.async_copy(ones_v, acc_deg.at[b[0]], b[5], add=True)

    def _wait_scats(b):
        pltpu.make_async_copy(b[1], acc_attr.at[b[0]], b[4]).wait()
        pltpu.make_async_copy(ones_v, acc_deg.at[b[0]], b[5]).wait()

    def _slot(k, i, scat_wait):
        if scat_wait:
            _wait_scats(B[(i + 2) % 4])
        _start_loads(k + 2, B[(i + 2) % 4])
        _start_scats(B[i])
        _wait_loads(B[(i + 1) % 4])
        _mask(k + 1, B[(i + 1) % 4][0])

    pltpu.sync_copy(dst_hbm.at[pl.ds(_base(0), C)], didx0)
    pltpu.sync_copy(attr_hbm.at[pl.ds(_base(0), C)], attrv0)
    _mask(0, didx0)
    _start_loads(1, B[1])

    _slot(0, 0, scat_wait=False)
    _slot(1, 1, scat_wait=False)

    def _group(m, carry):
        k0 = 2 + 4 * m
        for i in range(4):
            _slot(k0 + i, (2 + i) % 4, scat_wait=True)
        return carry
    lax.fori_loop(0, (NSLOTS_A - 2) // 4, _group, 0)

    _wait_scats(B[(NSLOTS_A - 2) % 4])
    _wait_scats(B[(NSLOTS_A - 1) % 4])
    _wait_loads(B[(NSLOTS_A + 1) % 4])
    plsc.subcore_barrier()

    pltpu.sync_copy(acc_attr.at[pl.ds(r0, RPT)], out_attr.at[cid, pl.ds(r0, RPT)])
    pltpu.sync_copy(acc_deg.at[pl.ds(r0, RPT)], out_deg.at[cid, pl.ds(r0, RPT)])


def _sc_aggregate(featsS, src, dst, edge_attr, ones_d, zeros_d):
    mesh = plsc.VectorSubcoreMesh(core_axis_name="c", subcore_axis_name="s")
    node_fn = pl.kernel(
        _sc_node_body,
        mesh=mesh,
        compiler_params=pltpu.CompilerParams(use_tc_tiling_on_sc=False),
        out_type=[jax.ShapeDtypeStruct((NC, N_PAD, D_HALF), jnp.float32)],
        scratch_types=(
            [pltpu.VMEM((C,), jnp.int32),
             pltpu.VMEM((C,), jnp.int32),
             pltpu.VMEM((C, D_HALF), jnp.float32)] * 5
            + [pltpu.VMEM_SHARED((N_PAD, D_HALF), jnp.float32)]
            + [pltpu.SemaphoreType.DMA] * 20
        ),
    )
    attr_fn = pl.kernel(
        _sc_attr_body,
        mesh=mesh,
        compiler_params=pltpu.CompilerParams(use_tc_tiling_on_sc=False),
        out_type=[
            jax.ShapeDtypeStruct((NC, N_PAD, D_EDGE), jnp.float32),
            jax.ShapeDtypeStruct((NC, N_PAD, D_DEG), jnp.float32),
        ],
        scratch_types=(
            [pltpu.VMEM((C,), jnp.int32),
             pltpu.VMEM((C, D_EDGE), jnp.float32)] * 4
            + [pltpu.VMEM((C, D_DEG), jnp.float32),
               pltpu.VMEM_SHARED((N_PAD, D_EDGE), jnp.float32),
               pltpu.VMEM_SHARED((N_PAD, D_DEG), jnp.float32)]
            + [pltpu.SemaphoreType.DMA] * 16
        ),
    )
    (node_p,) = node_fn(featsS, src, dst)
    attr_p, deg_p = attr_fn(dst, edge_attr, ones_d, zeros_d)
    return node_p, attr_p, deg_p


def _combine_body(np_ref, ap_ref, dp_ref, feats_ref,
                  wrelt_ref, wedget_ref, wrest_ref,
                  bcomb_ref, bres_ref, gamma_ref, beta_ref, out_ref):
    aggf = jnp.concatenate(
        [np_ref[0, :N_NODES, :], np_ref[1, :N_NODES, :]], axis=1)
    segattr = ap_ref[0, :N_NODES, :] + ap_ref[1, :N_NODES, :]
    deg = dp_ref[0, :N_NODES, 0:1] + dp_ref[1, :N_NODES, 0:1]
    agg = (jnp.dot(aggf, wrelt_ref[...], preferred_element_type=jnp.float32)
           + jnp.dot(segattr, wedget_ref[...], preferred_element_type=jnp.float32)
           + deg * bcomb_ref[...])
    new = jnp.maximum(agg, 0.0)
    res = jnp.maximum(
        jnp.dot(feats_ref[...], wrest_ref[...], preferred_element_type=jnp.float32)
        + bres_ref[...], 0.0)
    new = new + res
    mean = jnp.mean(new, axis=0, keepdims=True)
    var = jnp.mean((new - mean) ** 2, axis=0, keepdims=True)
    out_ref[...] = (new - mean) * lax.rsqrt(var + 1e-5) * gamma_ref[...] + beta_ref[...]


def _combine(node_p, attr_p, deg_p, feats, wrelt, wedget, wrest,
             bcomb, bres, gamma, beta):
    return pl.pallas_call(
        _combine_body,
        out_shape=jax.ShapeDtypeStruct((N_NODES, D_OUT), jnp.float32),
    )(node_p, attr_p, deg_p, feats, wrelt, wedget, wrest, bcomb, bres, gamma, beta)


def kernel(feats, edge_index, edge_attr, W_rel, b_rel, W_edge, b_edge,
           W_res, b_res, gamma, beta):
    src = edge_index[0]
    dst = edge_index[1]
    featsR = feats.reshape(2 * N_NODES, D_HALF)
    node_p, attr_p, deg_p = _sc_aggregate(
        featsR, src, dst, edge_attr,
        jnp.ones((C, D_DEG), jnp.float32), jnp.zeros((C, D_DEG), jnp.float32))
    return _combine(
        node_p, attr_p, deg_p, feats,
        W_rel.T, W_edge.T, W_res.T,
        (b_rel + b_edge).reshape(1, D_OUT), b_res.reshape(1, D_OUT),
        gamma.reshape(1, D_OUT), beta.reshape(1, D_OUT))

# --- scband reference (transcript-rebuilt; emitter-appended) ---
"""Pipeline reference for scband-gcnlayer-edge-66374424592811 (READ-ONLY COPY).

The authoritative reference and input builder live on the scoring server;
editing this copy changes nothing except your own understanding.
"""

import jax, jax.numpy as jnp
import numpy as np

N_NODES = 10000
N_EDGES = 320000
D_IN = 128
D_OUT = 128
D_EDGE = 16


def setup_inputs(seed: int = 0) -> dict:
    key = jax.random.key(seed)
    ks = jax.random.split(key, 10)
    feats = jax.random.normal(ks[0], (N_NODES, D_IN), dtype=jnp.float32)
    edge_index = jax.random.randint(ks[1], (2, N_EDGES), 0, N_NODES, dtype=jnp.int64 if jax.config.jax_enable_x64 else jnp.int32).astype(jnp.int32)
    edge_attr = jax.random.normal(ks[2], (N_EDGES, D_EDGE), dtype=jnp.float32)
    # learned parameters (torch Linear layout: W[out, in])
    s_rel = 1.0 / np.sqrt(D_IN)
    s_edge = 1.0 / np.sqrt(D_EDGE)
    W_rel = jax.random.uniform(ks[3], (D_OUT, D_IN), minval=-s_rel, maxval=s_rel, dtype=jnp.float32)
    b_rel = jax.random.uniform(ks[4], (D_OUT,), minval=-s_rel, maxval=s_rel, dtype=jnp.float32)
    W_edge = jax.random.uniform(ks[5], (D_OUT, D_EDGE), minval=-s_edge, maxval=s_edge, dtype=jnp.float32)
    b_edge = jax.random.uniform(ks[6], (D_OUT,), minval=-s_edge, maxval=s_edge, dtype=jnp.float32)
    W_res = jax.random.uniform(ks[7], (D_OUT, D_IN), minval=-s_rel, maxval=s_rel, dtype=jnp.float32)
    b_res = jax.random.uniform(ks[8], (D_OUT,), minval=-s_rel, maxval=s_rel, dtype=jnp.float32)
    gamma = jnp.ones((D_OUT,), dtype=jnp.float32)
    beta = jnp.zeros((D_OUT,), dtype=jnp.float32)
    return {"feats": feats, "edge_index": edge_index, "edge_attr": edge_attr,
            "W_rel": W_rel, "b_rel": b_rel, "W_edge": W_edge, "b_edge": b_edge,
            "W_res": W_res, "b_res": b_res, "gamma": gamma, "beta": beta}


def reference(feats, edge_index, edge_attr, W_rel, b_rel, W_edge, b_edge, W_res, b_res, gamma, beta):
    # GraphConv_edge: x = lin_rel(feats); message = x_j + edge_lin(edge_attr); aggr='add' at dst
    x = feats @ W_rel.T + b_rel
    src = edge_index[0]
    dst = edge_index[1]
    msg = jnp.take(x, src, axis=0) + (edge_attr @ W_edge.T + b_edge)
    agg = jax.ops.segment_sum(msg, dst, num_segments=feats.shape[0])
    # GCNLayer_edge: activation, dropout(0.0)=identity, residual, batchnorm (training stats)
    new_feats = jax.nn.relu(agg)
    res_feats = jax.nn.relu(feats @ W_res.T + b_res)
    new_feats = new_feats + res_feats
    mean = jnp.mean(new_feats, axis=0)
    var = jnp.var(new_feats, axis=0)  # biased, as torch BN uses for normalization
    new_feats = (new_feats - mean) / jnp.sqrt(var + 1e-5) * gamma + beta
    return new_feats

if __name__ == "__main__":
    import jax
    _d = setup_inputs()
    print(jax.jit(kernel)(*tuple(_d.values())))

</pallas_src>

<mosaic_0001>
#map = affine_map<(d0, d1) -> (0, 0)>
#map1 = affine_map<(d0, d1) -> (0)>
#map2 = affine_map<(d0, d1) -> (0, 0, 0)>
module attributes {stable_mosaic.version = 14 : i64} {
  func.func @_sc_node_body(%arg0: i32, %arg1: i32, %arg2: memref<20000x64xf32, #tpu.memory_space<hbm>>, %arg3: memref<320000xi32, #tpu.memory_space<hbm>>, %arg4: memref<320000xi32, #tpu.memory_space<hbm>>, %arg5: memref<2x10112x64xf32, #tpu.memory_space<hbm>>, %arg6: memref<128xi32, #tpu.memory_space<vmem>>, %arg7: memref<128xi32, #tpu.memory_space<vmem>>, %arg8: memref<128x64xf32, #tpu.memory_space<vmem>>, %arg9: memref<128xi32, #tpu.memory_space<vmem>>, %arg10: memref<128xi32, #tpu.memory_space<vmem>>, %arg11: memref<128x64xf32, #tpu.memory_space<vmem>>, %arg12: memref<128xi32, #tpu.memory_space<vmem>>, %arg13: memref<128xi32, #tpu.memory_space<vmem>>, %arg14: memref<128x64xf32, #tpu.memory_space<vmem>>, %arg15: memref<128xi32, #tpu.memory_space<vmem>>, %arg16: memref<128xi32, #tpu.memory_space<vmem>>, %arg17: memref<128x64xf32, #tpu.memory_space<vmem>>, %arg18: memref<128xi32, #tpu.memory_space<vmem>>, %arg19: memref<128xi32, #tpu.memory_space<vmem>>, %arg20: memref<128x64xf32, #tpu.memory_space<vmem>>, %arg21: memref<10112x64xf32, #tpu.memory_space<vmem_shared>>, %arg22: memref<!tpu.dma_semaphore, #tpu.memory_space<semaphore_mem>>, %arg23: memref<!tpu.dma_semaphore, #tpu.memory_space<semaphore_mem>>, %arg24: memref<!tpu.dma_semaphore, #tpu.memory_space<semaphore_mem>>, %arg25: memref<!tpu.dma_semaphore, #tpu.memory_space<semaphore_mem>>, %arg26: memref<!tpu.dma_semaphore, #tpu.memory_space<semaphore_mem>>, %arg27: memref<!tpu.dma_semaphore, #tpu.memory_space<semaphore_mem>>, %arg28: memref<!tpu.dma_semaphore, #tpu.memory_space<semaphore_mem>>, %arg29: memref<!tpu.dma_semaphore, #tpu.memory_space<semaphore_mem>>, %arg30: memref<!tpu.dma_semaphore, #tpu.memory_space<semaphore_mem>>, %arg31: memref<!tpu.dma_semaphore, #tpu.memory_space<semaphore_mem>>, %arg32: memref<!tpu.dma_semaphore, #tpu.memory_space<semaphore_mem>>, %arg33: memref<!tpu.dma_semaphore, #tpu.memory_space<semaphore_mem>>, %arg34: memref<!tpu.dma_semaphore, #tpu.memory_space<semaphore_mem>>, %arg35: memref<!tpu.dma_semaphore, #tpu.memory_space<semaphore_mem>>, %arg36: memref<!tpu.dma_semaphore, #tpu.memory_space<semaphore_mem>>, %arg37: memref<!tpu.dma_semaphore, #tpu.memory_space<semaphore_mem>>, %arg38: memref<!tpu.dma_semaphore, #tpu.memory_space<semaphore_mem>>, %arg39: memref<!tpu.dma_semaphore, #tpu.memory_space<semaphore_mem>>, %arg40: memref<!tpu.dma_semaphore, #tpu.memory_space<semaphore_mem>>, %arg41: memref<!tpu.dma_semaphore, #tpu.memory_space<semaphore_mem>>) attributes {dimension_semantics = [#tpu.dimension_semantics<core_parallel>, #tpu.dimension_semantics<subcore_parallel>], iteration_bounds = array<i64: 2, 16>, scalar_prefetch = 0 : i64, scratch_operands = 36 : i64, tpu.core_type = #tpu.core_type<sc_vector_subcore>, window_params = [{transform_indices = #map}, {transform_indices = #map1}, {transform_indices = #map1}, {transform_indices = #map2}]} {
    %broadcast_in_dim3A = arith.constant 0.000000e+00 : f32
    %broadcast_in_dim3A_0 = vector.broadcast %broadcast_in_dim3A : f32 to vector<16xf32>
    %broadcast_in_dim3A_1 = vector.broadcast %arg0 : i32 to vector<16xi32>
    %broadcast_in_dim3A_2 = arith.constant 10000 : i32
    %broadcast_in_dim3A_3 = vector.broadcast %broadcast_in_dim3A_2 : i32 to vector<16xi32>
    %scan3A = arith.constant 0 : i32
    %scan3A_4 = arith.constant 0 : i32
    %scan3A_5 = arith.constant 128 : i32
    %scan3A_6 = arith.addi %scan3A_4, %scan3A_5 : i32
    %scan3A_7 = arith.constant 1 : i32
    scf.for %scan3A_948 = %scan3A_4 to %scan3A_6 step %scan3A_7  : i32 {
      %swap3A_949 = arith.index_cast %scan3A_948 : i32 to index
      %swap3A_950 = arith.constant 0 : index
      %swap3A_951 = tpu.vector_load %arg8[%swap3A_949, %swap3A_950] {strides = array<i32>} : memref<128x64xf32, #tpu.memory_space<vmem>>, vector<1x16xf32>,
      %swap3A_952 = vector.shape_cast %swap3A_951 : vector<1x16xf32> to vector<16xf32>
      %swap3A_953 = vector.shape_cast %broadcast_in_dim3A_0 : vector<16xf32> to vector<1x16xf32>
      tpu.vector_store %arg8[%swap3A_949, %swap3A_950], %swap3A_953 {strides = array<i32>} : memref<128x64xf32, #tpu.memory_space<vmem>>, vector<1x16xf32>,
      %swap3A_954 = arith.index_cast %scan3A_948 : i32 to index
      %swap3A_955 = arith.constant 16 : index
      %swap3A_956 = tpu.vector_load %arg8[%swap3A_954, %swap3A_955] {strides = array<i32>} : memref<128x64xf32, #tpu.memory_space<vmem>>, vector<1x16xf32>,
      %swap3A_957 = vector.shape_cast %swap3A_956 : vector<1x16xf32> to vector<16xf32>
      %swap3A_958 = vector.shape_cast %broadcast_in_dim3A_0 : vector<16xf32> to vector<1x16xf32>
      tpu.vector_store %arg8[%swap3A_954, %swap3A_955], %swap3A_958 {strides = array<i32>} : memref<128x64xf32, #tpu.memory_space<vmem>>, vector<1x16xf32>,
      %swap3A_959 = arith.index_cast %scan3A_948 : i32 to index
      %swap3A_960 = arith.constant 32 : index
      %swap3A_961 = tpu.vector_load %arg8[%swap3A_959, %swap3A_960] {strides = array<i32>} : memref<128x64xf32, #tpu.memory_space<vmem>>, vector<1x16xf32>,
      %swap3A_962 = vector.shape_cast %swap3A_961 : vector<1x16xf32> to vector<16xf32>
      %swap3A_963 = vector.shape_cast %broadcast_in_dim3A_0 : vector<16xf32> to vector<1x16xf32>
      tpu.vector_store %arg8[%swap3A_959, %swap3A_960], %swap3A_963 {strides = array<i32>} : memref<128x64xf32, #tpu.memory_space<vmem>>, vector<1x16xf32>,
      %swap3A_964 = arith.index_cast %scan3A_948 : i32 to index
      %swap3A_965 = arith.constant 48 : index
      %swap3A_966 = tpu.vector_load %arg8[%swap3A_964, %swap3A_965] {strides = array<i32>} : memref<128x64xf32, #tpu.memory_space<vmem>>, vector<1x16xf32>,
      %swap3A_967 = vector.shape_cast %swap3A_966 : vector<1x16xf32> to vector<16xf32>
      %swap3A_968 = vector.shape_cast %broadcast_in_dim3A_0 : vector<16xf32> to vector<1x16xf32>
      tpu.vector_store %arg8[%swap3A_964, %swap3A_965], %swap3A_968 {strides = array<i32>} : memref<128x64xf32, #tpu.memory_space<vmem>>, vector<1x16xf32>,
    }
    %scan3A_8 = arith.constant 128 : i32
    %mul3A = arith.constant 632 : i32
    %mul3A_9 = arith.muli %arg1, %mul3A : i32
    %add3A = arith.constant 0 : i32
    %add3A_10 = arith.addi %mul3A_9, %add3A : i32
    "tpu.region"() ({
      %run_scoped3A = tpu.sem_alloc : memref<!tpu.dma_semaphore, #tpu.memory_space<semaphore_mem>>
      %dma_start3A_948 = arith.constant 0 : i32
      %dma_start3A_949 = arith.constant 0 : i32
      %dma_start3A_950 = tpu.memref_slice %arg8[%dma_start3A_948, %dma_start3A_949] : memref<128x64xf32, #tpu.memory_space<vmem>> -> memref<128x64xf32, #tpu.memory_space<vmem>>
      %dma_start3A_951 = arith.constant 0 : i32
      %dma_start3A_952 = tpu.memref_slice %arg21[%add3A_10, %dma_start3A_951] : memref<10112x64xf32, #tpu.memory_space<vmem_shared>> -> memref<128x64xf32, #tpu.memory_space<vmem_shared>>
      %dma_start3A_953 = arith.constant 0 : i32
      %dma_start3A_954 = tpu.memref_slice %arg21[%add3A_10, %dma_start3A_953] : memref<10112x64xf32, #tpu.memory_space<vmem_shared>> -> memref<128x64xf32, #tpu.memory_space<vmem_shared>>
      %dma_start3A_955 = arith.constant 0 : i32
      %dma_start3A_956 = arith.constant 0 : i32
      %dma_start3A_957 = tpu.memref_slice %arg8[%dma_start3A_955, %dma_start3A_956] : memref<128x64xf32, #tpu.memory_space<vmem>> -> memref<128x64xf32, #tpu.memory_space<vmem>>
      tpu.enqueue_dma source(%dma_start3A_957 : memref<128x64xf32, #tpu.memory_space<vmem>>) target(%dma_start3A_954 : memref<128x64xf32, #tpu.memory_space<vmem_shared>>) target_semaphore(%run_scoped3A : memref<!tpu.dma_semaphore, #tpu.memory_space<semaphore_mem>>)
      %dma_wait3A_958 = arith.constant 0 : i32
      %dma_wait3A_959 = arith.constant 0 : i32
      %dma_wait3A_960 = tpu.memref_slice %arg8[%dma_wait3A_958, %dma_wait3A_959] : memref<128x64xf32, #tpu.memory_space<vmem>> -> memref<128x64xf32, #tpu.memory_space<vmem>>
      %dma_wait3A_961 = arith.constant 0 : i32
      %dma_wait3A_962 = tpu.memref_slice %arg21[%add3A_10, %dma_wait3A_961] : memref<10112x64xf32, #tpu.memory_space<vmem_shared>> -> memref<128x64xf32, #tpu.memory_space<vmem_shared>>
      %dma_wait3A_963 = arith.constant 0 : i32
      %dma_wait3A_964 = tpu.memref_slice %arg21[%add3A_10, %dma_wait3A_963] : memref<10112x64xf32, #tpu.memory_space<vmem_shared>> -> memref<128x64xf32, #tpu.memory_space<vmem_shared>>
      %dma_wait3A_965 = arith.constant 0 : i32
      %dma_wait3A_966 = arith.constant 0 : i32
      %dma_wait3A_967 = tpu.memref_slice %arg8[%dma_wait3A_965, %dma_wait3A_966] : memref<128x64xf32, #tpu.memory_space<vmem>> -> memref<128x64xf32, #tpu.memory_space<vmem>>
      tpu.wait_dma2 semaphore(%run_scoped3A : memref<!tpu.dma_semaphore, #tpu.memory_space<semaphore_mem>>) src(%dma_wait3A_967 : memref<128x64xf32, #tpu.memory_space<vmem>>) dst(%dma_wait3A_964 : memref<128x64xf32, #tpu.memory_space<vmem_shared>>)
      tpu.yield
    }) : () -> ()
    %add3A_11 = arith.constant 128 : i32
    %add3A_12 = arith.addi %mul3A_9, %add3A_11 : i32
    "tpu.region"() ({
      %run_scoped3A = tpu.sem_alloc : memref<!tpu.dma_semaphore, #tpu.memory_space<semaphore_mem>>
      %dma_start3A_948 = arith.constant 0 : i32
      %dma_start3A_949 = arith.constant 0 : i32
      %dma_start3A_950 = tpu.memref_slice %arg8[%dma_start3A_948, %dma_start3A_949] : memref<128x64xf32, #tpu.memory_space<vmem>> -> memref<128x64xf32, #tpu.memory_space<vmem>>
      %dma_start3A_951 = arith.constant 0 : i32
      %dma_start3A_952 = tpu.memref_slice %arg21[%add3A_12, %dma_start3A_951] : memref<10112x64xf32, #tpu.memory_space<vmem_shared>> -> memref<128x64xf32, #tpu.memory_space<vmem_shared>>
      %dma_start3A_953 = arith.constant 0 : i32
      %dma_start3A_954 = tpu.memref_slice %arg21[%add3A_12, %dma_start3A_953] : memref<10112x64xf32, #tpu.memory_space<vmem_shared>> -> memref<128x64xf32, #tpu.memory_space<vmem_shared>>
      %dma_start3A_955 = arith.constant 0 : i32
      %dma_start3A_956 = arith.constant 0 : i32
      %dma_start3A_957 = tpu.memref_slice %arg8[%dma_start3A_955, %dma_start3A_956] : memref<128x64xf32, #tpu.memory_space<vmem>> -> memref<128x64xf32, #tpu.memory_space<vmem>>
      tpu.enqueue_dma source(%dma_start3A_957 : memref<128x64xf32, #tpu.memory_space<vmem>>) target(%dma_start3A_954 : memref<128x64xf32, #tpu.memory_space<vmem_shared>>) target_semaphore(%run_scoped3A : memref<!tpu.dma_semaphore, #tpu.memory_space<semaphore_mem>>)
      %dma_wait3A_958 = arith.constant 0 : i32
      %dma_wait3A_959 = arith.constant 0 : i32
      %dma_wait3A_960 = tpu.memref_slice %arg8[%dma_wait3A_958, %dma_wait3A_959] : memref<128x64xf32, #tpu.memory_space<vmem>> -> memref<128x64xf32, #tpu.memory_space<vmem>>
      %dma_wait3A_961 = arith.constant 0 : i32
      %dma_wait3A_962 = tpu.memref_slice %arg21[%add3A_12, %dma_wait3A_961] : memref<10112x64xf32, #tpu.memory_space<vmem_shared>> -> memref<128x64xf32, #tpu.memory_space<vmem_shared>>
      %dma_wait3A_963 = arith.constant 0 : i32
      %dma_wait3A_964 = tpu.memref_slice %arg21[%add3A_12, %dma_wait3A_963] : memref<10112x64xf32, #tpu.memory_space<vmem_shared>> -> memref<128x64xf32, #tpu.memory_space<vmem_shared>>
      %dma_wait3A_965 = arith.constant 0 : i32
      %dma_wait3A_966 = arith.constant 0 : i32
      %dma_wait3A_967 = tpu.memref_slice %arg8[%dma_wait3A_965, %dma_wait3A_966] : memref<128x64xf32, #tpu.memory_space<vmem>> -> memref<128x64xf32, #tpu.memory_space<vmem>>
      tpu.wait_dma2 semaphore(%run_scoped3A : memref<!tpu.dma_semaphore, #tpu.memory_space<semaphore_mem>>) src(%dma_wait3A_967 : memref<128x64xf32, #tpu.memory_space<vmem>>) dst(%dma_wait3A_964 : memref<128x64xf32, #tpu.memory_space<vmem_shared>>)
      tpu.yield
    }) : () -> ()
    %add3A_13 = arith.constant 256 : i32
    %add3A_14 = arith.addi %mul3A_9, %add3A_13 : i32
    "tpu.region"() ({
      %run_scoped3A = tpu.sem_alloc : memref<!tpu.dma_semaphore, #tpu.memory_space<semaphore_mem>>
      %dma_start3A_948 = arith.constant 0 : i32
      %dma_start3A_949 = arith.constant 0 : i32
      %dma_start3A_950 = tpu.memref_slice %arg8[%dma_start3A_948, %dma_start3A_949] : memref<128x64xf32, #tpu.memory_space<vmem>> -> memref<128x64xf32, #tpu.memory_space<vmem>>
      %dma_start3A_951 = arith.constant 0 : i32
      %dma_start3A_952 = tpu.memref_slice %arg21[%add3A_14, %dma_start3A_951] : memref<10112x64xf32, #tpu.memory_space<vmem_shared>> -> memref<128x64xf32, #tpu.memory_space<vmem_shared>>
      %dma_start3A_953 = arith.constant 0 : i32
      %dma_start3A_954 = tpu.memref_slice %arg21[%add3A_14, %dma_start3A_953] : memref<10112x64xf32, #tpu.memory_space<vmem_shared>> -> memref<128x64xf32, #tpu.memory_space<vmem_shared>>
      %dma_start3A_955 = arith.constant 0 : i32
      %dma_start3A_956 = arith.constant 0 : i32
      %dma_start3A_957 = tpu.memref_slice %arg8[%dma_start3A_955, %dma_start3A_956] : memref<128x64xf32, #tpu.memory_space<vmem>> -> memref<128x64xf32, #tpu.memory_space<vmem>>
      tpu.enqueue_dma source(%dma_start3A_957 : memref<128x64xf32, #tpu.memory_space<vmem>>) target(%dma_start3A_954 : memref<128x64xf32, #tpu.memory_space<vmem_shared>>) target_semaphore(%run_scoped3A : memref<!tpu.dma_semaphore, #tpu.memory_space<semaphore_mem>>)
      %dma_wait3A_958 = arith.constant 0 : i32
      %dma_wait3A_959 = arith.constant 0 : i32
      %dma_wait3A_960 = tpu.memref_slice %arg8[%dma_wait3A_958, %dma_wait3A_959] : memref<128x64xf32, #tpu.memory_space<vmem>> -> memref<128x64xf32, #tpu.memory_space<vmem>>
      %dma_wait3A_961 = arith.constant 0 : i32
      %dma_wait3A_962 = tpu.memref_slice %arg21[%add3A_14, %dma_wait3A_961] : memref<10112x64xf32, #tpu.memory_space<vmem_shared>> -> memref<128x64xf32, #tpu.memory_space<vmem_shared>>
      %dma_wait3A_963 = arith.constant 0 : i32
      %dma_wait3A_964 = tpu.memref_slice %arg21[%add3A_14, %dma_wait3A_963] : memref<10112x64xf32, #tpu.memory_space<vmem_shared>> -> memref<128x64xf32, #tpu.memory_space<vmem_shared>>
      %dma_wait3A_965 = arith.constant 0 : i32
      %dma_wait3A_966 = arith.constant 0 : i32
      %dma_wait3A_967 = tpu.memref_slice %arg8[%dma_wait3A_965, %dma_wait3A_966] : memref<128x64xf32, #tpu.memory_space<vmem>> -> memref<128x64xf32, #tpu.memory_space<vmem>>
      tpu.wait_dma2 semaphore(%run_scoped3A : memref<!tpu.dma_semaphore, #tpu.memory_space<semaphore_mem>>) src(%dma_wait3A_967 : memref<128x64xf32, #tpu.memory_space<vmem>>) dst(%dma_wait3A_964 : memref<128x64xf32, #tpu.memory_space<vmem_shared>>)
      tpu.yield
    }) : () -> ()
    %add3A_15 = arith.constant 384 : i32
    %add3A_16 = arith.addi %mul3A_9, %add3A_15 : i32
    "tpu.region"() ({
      %run_scoped3A = tpu.sem_alloc : memref<!tpu.dma_semaphore, #tpu.memory_space<semaphore_mem>>
      %dma_start3A_948 = arith.constant 0 : i32
      %dma_start3A_949 = arith.constant 0 : i32
      %dma_start3A_950 = tpu.memref_slice %arg8[%dma_start3A_948, %dma_start3A_949] : memref<128x64xf32, #tpu.memory_space<vmem>> -> memref<128x64xf32, #tpu.memory_space<vmem>>
      %dma_start3A_951 = arith.constant 0 : i32
      %dma_start3A_952 = tpu.memref_slice %arg21[%add3A_16, %dma_start3A_951] : memref<10112x64xf32, #tpu.memory_space<vmem_shared>> -> memref<128x64xf32, #tpu.memory_space<vmem_shared>>
      %dma_start3A_953 = arith.constant 0 : i32
      %dma_start3A_954 = tpu.memref_slice %arg21[%add3A_16, %dma_start3A_953] : memref<10112x64xf32, #tpu.memory_space<vmem_shared>> -> memref<128x64xf32, #tpu.memory_space<vmem_shared>>
      %dma_start3A_955 = arith.constant 0 : i32
      %dma_start3A_956 = arith.constant 0 : i32
      %dma_start3A_957 = tpu.memref_slice %arg8[%dma_start3A_955, %dma_start3A_956] : memref<128x64xf32, #tpu.memory_space<vmem>> -> memref<128x64xf32, #tpu.memory_space<vmem>>
      tpu.enqueue_dma source(%dma_start3A_957 : memref<128x64xf32, #tpu.memory_space<vmem>>) target(%dma_start3A_954 : memref<128x64xf32, #tpu.memory_space<vmem_shared>>) target_semaphore(%run_scoped3A : memref<!tpu.dma_semaphore, #tpu.memory_space<semaphore_mem>>)
      %dma_wait3A_958 = arith.constant 0 : i32
      %dma_wait3A_959 = arith.constant 0 : i32
      %dma_wait3A_960 = tpu.memref_slice %arg8[%dma_wait3A_958, %dma_wait3A_959] : memref<128x64xf32, #tpu.memory_space<vmem>> -> memref<128x64xf32, #tpu.memory_space<vmem>>
      %dma_wait3A_961 = arith.constant 0 : i32
      %dma_wait3A_962 = tpu.memref_slice %arg21[%add3A_16, %dma_wait3A_961] : memref<10112x64xf32, #tpu.memory_space<vmem_shared>> -> memref<128x64xf32, #tpu.memory_space<vmem_shared>>
      %dma_wait3A_963 = arith.constant 0 : i32
      %dma_wait3A_964 = tpu.memref_slice %arg21[%add3A_16, %dma_wait3A_963] : memref<10112x64xf32, #tpu.memory_space<vmem_shared>> -> memref<128x64xf32, #tpu.memory_space<vmem_shared>>
      %dma_wait3A_965 = arith.constant 0 : i32
      %dma_wait3A_966 = arith.constant 0 : i32
      %dma_wait3A_967 = tpu.memref_slice %arg8[%dma_wait3A_965, %dma_wait3A_966] : memref<128x64xf32, #tpu.memory_space<vmem>> -> memref<128x64xf32, #tpu.memory_space<vmem>>
      tpu.wait_dma2 semaphore(%run_scoped3A : memref<!tpu.dma_semaphore, #tpu.memory_space<semaphore_mem>>) src(%dma_wait3A_967 : memref<128x64xf32, #tpu.memory_space<vmem>>) dst(%dma_wait3A_964 : memref<128x64xf32, #tpu.memory_space<vmem_shared>>)
      tpu.yield
    }) : () -> ()
    %add3A_17 = arith.constant 512 : i32
    %add3A_18 = arith.addi %mul3A_9, %add3A_17 : i32
    "tpu.region"() ({
      %run_scoped3A = tpu.sem_alloc : memref<!tpu.dma_semaphore, #tpu.memory_space<semaphore_mem>>
      %dma_start3A_948 = arith.constant 0 : i32
      %dma_start3A_949 = arith.constant 0 : i32
      %dma_start3A_950 = tpu.memref_slice %arg8[%dma_start3A_948, %dma_start3A_949] : memref<128x64xf32, #tpu.memory_space<vmem>> -> memref<120x64xf32, #tpu.memory_space<vmem>>
      %dma_start3A_951 = arith.constant 0 : i32
      %dma_start3A_952 = tpu.memref_slice %arg21[%add3A_18, %dma_start3A_951] : memref<10112x64xf32, #tpu.memory_space<vmem_shared>> -> memref<120x64xf32, #tpu.memory_space<vmem_shared>>
      %dma_start3A_953 = arith.constant 0 : i32
      %dma_start3A_954 = tpu.memref_slice %arg21[%add3A_18, %dma_start3A_953] : memref<10112x64xf32, #tpu.memory_space<vmem_shared>> -> memref<120x64xf32, #tpu.memory_space<vmem_shared>>
      %dma_start3A_955 = arith.constant 0 : i32
      %dma_start3A_956 = arith.constant 0 : i32
      %dma_start3A_957 = tpu.memref_slice %arg8[%dma_start3A_955, %dma_start3A_956] : memref<128x64xf32, #tpu.memory_space<vmem>> -> memref<120x64xf32, #tpu.memory_space<vmem>>
      tpu.enqueue_dma source(%dma_start3A_957 : memref<120x64xf32, #tpu.memory_space<vmem>>) target(%dma_start3A_954 : memref<120x64xf32, #tpu.memory_space<vmem_shared>>) target_semaphore(%run_scoped3A : memref<!tpu.dma_semaphore, #tpu.memory_space<semaphore_mem>>)
      %dma_wait3A_958 = arith.constant 0 : i32
      %dma_wait3A_959 = arith.constant 0 : i32
      %dma_wait3A_960 = tpu.memref_slice %arg8[%dma_wait3A_958, %dma_wait3A_959] : memref<128x64xf32, #tpu.memory_space<vmem>> -> memref<120x64xf32, #tpu.memory_space<vmem>>
      %dma_wait3A_961 = arith.constant 0 : i32
      %dma_wait3A_962 = tpu.memref_slice %arg21[%add3A_18, %dma_wait3A_961] : memref<10112x64xf32, #tpu.memory_space<vmem_shared>> -> memref<120x64xf32, #tpu.memory_space<vmem_shared>>
      %dma_wait3A_963 = arith.constant 0 : i32
      %dma_wait3A_964 = tpu.memref_slice %arg21[%add3A_18, %dma_wait3A_963] : memref<10112x64xf32, #tpu.memory_space<vmem_shared>> -> memref<120x64xf32, #tpu.memory_space<vmem_shared>>
      %dma_wait3A_965 = arith.constant 0 : i32
      %dma_wait3A_966 = arith.constant 0 : i32
      %dma_wait3A_967 = tpu.memref_slice %arg8[%dma_wait3A_965, %dma_wait3A_966] : memref<128x64xf32, #tpu.memory_space<vmem>> -> memref<120x64xf32, #tpu.memory_space<vmem>>
      tpu.wait_dma2 semaphore(%run_scoped3A : memref<!tpu.dma_semaphore, #tpu.memory_space<semaphore_mem>>) src(%dma_wait3A_967 : memref<120x64xf32, #tpu.memory_space<vmem>>) dst(%dma_wait3A_964 : memref<120x64xf32, #tpu.memory_space<vmem_shared>>)
      tpu.yield
    }) : () -> ()
    %barrier3A = arith.constant 0 : index
    tpu.barrier barrier_id(%barrier3A)
    %add3A_19 = arith.constant 0 : i32
    %add3A_20 = arith.addi %arg1, %add3A_19 : i32
    %min3A = arith.constant 2499 : i32
    %min3A_21 = arith.minsi %add3A_20, %min3A : i32
    %mul3A_22 = arith.constant 128 : i32
    %mul3A_23 = arith.muli %min3A_21, %mul3A_22 : i32
    "tpu.region"() ({
      %run_scoped3A = tpu.sem_alloc : memref<!tpu.dma_semaphore, #tpu.memory_space<semaphore_mem>>
      %dma_start3A_948 = tpu.memref_slice %arg3[%mul3A_23] : memref<320000xi32, #tpu.memory_space<hbm>> -> memref<128xi32, #tpu.memory_space<hbm>>
      %dma_start3A_949 = tpu.memref_slice %arg3[%mul3A_23] : memref<320000xi32, #tpu.memory_space<hbm>> -> memref<128xi32, #tpu.memory_space<hbm>>
      tpu.enqueue_dma source(%dma_start3A_949 : memref<128xi32, #tpu.memory_space<hbm>>) target(%arg6 : memref<128xi32, #tpu.memory_space<vmem>>) target_semaphore(%run_scoped3A : memref<!tpu.dma_semaphore, #tpu.memory_space<semaphore_mem>>)
      %dma_wait3A_950 = tpu.memref_slice %arg3[%mul3A_23] : memref<320000xi32, #tpu.memory_space<hbm>> -> memref<128xi32, #tpu.memory_space<hbm>>
      %dma_wait3A_951 = tpu.memref_slice %arg3[%mul3A_23] : memref<320000xi32, #tpu.memory_space<hbm>> -> memref<128xi32, #tpu.memory_space<hbm>>
      tpu.wait_dma2 semaphore(%run_scoped3A : memref<!tpu.dma_semaphore, #tpu.memory_space<semaphore_mem>>) src(%dma_wait3A_951 : memref<128xi32, #tpu.memory_space<hbm>>) dst(%arg6 : memref<128xi32, #tpu.memory_space<vmem>>)
      tpu.yield
    }) : () -> ()
    %add3A_24 = arith.constant 0 : i32
    %add3A_25 = arith.addi %arg1, %add3A_24 : i32
    %min3A_26 = arith.constant 2499 : i32
    %min3A_27 = arith.minsi %add3A_25, %min3A_26 : i32
    %mul3A_28 = arith.constant 128 : i32
    %mul3A_29 = arith.muli %min3A_27, %mul3A_28 : i32
    "tpu.region"() ({
      %run_scoped3A = tpu.sem_alloc : memref<!tpu.dma_semaphore, #tpu.memory_space<semaphore_mem>>
      %dma_start3A_948 = tpu.memref_slice %arg4[%mul3A_29] : memref<320000xi32, #tpu.memory_space<hbm>> -> memref<128xi32, #tpu.memory_space<hbm>>
      %dma_start3A_949 = tpu.memref_slice %arg4[%mul3A_29] : memref<320000xi32, #tpu.memory_space<hbm>> -> memref<128xi32, #tpu.memory_space<hbm>>
      tpu.enqueue_dma source(%dma_start3A_949 : memref<128xi32, #tpu.memory_space<hbm>>) target(%arg7 : memref<128xi32, #tpu.memory_space<vmem>>) target_semaphore(%run_scoped3A : memref<!tpu.dma_semaphore, #tpu.memory_space<semaphore_mem>>)
      %dma_wait3A_950 = tpu.memref_slice %arg4[%mul3A_29] : memref<320000xi32, #tpu.memory_space<hbm>> -> memref<128xi32, #tpu.memory_space<hbm>>
      %dma_wait3A_951 = tpu.memref_slice %arg4[%mul3A_29] : memref<320000xi32, #tpu.memory_space<hbm>> -> memref<128xi32, #tpu.memory_space<hbm>>
      tpu.wait_dma2 semaphore(%run_scoped3A : memref<!tpu.dma_semaphore, #tpu.memory_space<semaphore_mem>>) src(%dma_wait3A_951 : memref<128xi32, #tpu.memory_space<hbm>>) dst(%arg7 : memref<128xi32, #tpu.memory_space<vmem>>)
      tpu.yield
    }) : () -> ()
    %add3A_30 = arith.constant 0 : i32
    %add3A_31 = arith.addi %arg1, %add3A_30 : i32
    %lt3A = arith.constant 2500 : i32
    %lt3A_32 = arith.cmpi slt, %add3A_31, %lt3A : i32
    %convert_element_type3A = arith.extui %lt3A_32 : i1 to i32
    %broadcast_in_dim3A_33 = vector.broadcast %convert_element_type3A : i32 to vector<16xi32>
    %get3A = arith.constant 0 : index
    %get3A_34 = tpu.vector_load %arg6[%get3A] {strides = array<i32>} : memref<128xi32, #tpu.memory_space<vmem>>, vector<16xi32>,
    %get3A_35 = vector.shape_cast %get3A_34 : vector<16xi32> to vector<16xi32>
    %mul3A_36 = arith.constant 2 : i32
    %mul3A_37 = vector.broadcast %mul3A_36 : i32 to vector<16xi32>
    %mul3A_38 = arith.muli %get3A_35, %mul3A_37 : vector<16xi32>
    %add3A_39 = arith.addi %mul3A_38, %broadcast_in_dim3A_1 : vector<16xi32>
    %swap3A = arith.constant 0 : index
    %swap3A_40 = tpu.vector_load %arg6[%swap3A] {strides = array<i32>} : memref<128xi32, #tpu.memory_space<vmem>>, vector<16xi32>,
    %swap3A_41 = vector.shape_cast %swap3A_40 : vector<16xi32> to vector<16xi32>
    %swap3A_42 = vector.shape_cast %add3A_39 : vector<16xi32> to vector<16xi32>
    tpu.vector_store %arg6[%swap3A], %swap3A_42 {strides = array<i32>} : memref<128xi32, #tpu.memory_space<vmem>>, vector<16xi32>,
    %get3A_43 = arith.constant 0 : index
    %get3A_44 = tpu.vector_load %arg7[%get3A_43] {strides = array<i32>} : memref<128xi32, #tpu.memory_space<vmem>>, vector<16xi32>,
    %get3A_45 = vector.shape_cast %get3A_44 : vector<16xi32> to vector<16xi32>
    %mul3A_46 = arith.muli %get3A_45, %broadcast_in_dim3A_33 : vector<16xi32>
    %sub3A = arith.constant 1 : i32
    %sub3A_47 = vector.broadcast %sub3A : i32 to vector<16xi32>
    %sub3A_48 = arith.subi %sub3A_47, %broadcast_in_dim3A_33 : vector<16xi32>
    %mul3A_49 = arith.muli %broadcast_in_dim3A_3, %sub3A_48 : vector<16xi32>
    %add3A_50 = arith.addi %mul3A_46, %mul3A_49 : vector<16xi32>
    %swap3A_51 = arith.constant 0 : index
    %swap3A_52 = tpu.vector_load %arg7[%swap3A_51] {strides = array<i32>} : memref<128xi32, #tpu.memory_space<vmem>>, vector<16xi32>,
    %swap3A_53 = vector.shape_cast %swap3A_52 : vector<16xi32> to vector<16xi32>
    %swap3A_54 = vector.shape_cast %add3A_50 : vector<16xi32> to vector<16xi32>
    tpu.vector_store %arg7[%swap3A_51], %swap3A_54 {strides = array<i32>} : memref<128xi32, #tpu.memory_space<vmem>>, vector<16xi32>,
    %get3A_55 = arith.constant 16 : index
    %get3A_56 = tpu.vector_load %arg6[%get3A_55] {strides = array<i32>} : memref<128xi32, #tpu.memory_space<vmem>>, vector<16xi32>,
    %get3A_57 = vector.shape_cast %get3A_56 : vector<16xi32> to vector<16xi32>
    %mul3A_58 = arith.constant 2 : i32
    %mul3A_59 = vector.broadcast %mul3A_58 : i32 to vector<16xi32>
    %mul3A_60 = arith.muli %get3A_57, %mul3A_59 : vector<16xi32>
    %add3A_61 = arith.addi %mul3A_60, %broadcast_in_dim3A_1 : vector<16xi32>
    %swap3A_62 = arith.constant 16 : index
    %swap3A_63 = tpu.vector_load %arg6[%swap3A_62] {strides = array<i32>} : memref<128xi32, #tpu.memory_space<vmem>>, vector<16xi32>,
    %swap3A_64 = vector.shape_cast %swap3A_63 : vector<16xi32> to vector<16xi32>
    %swap3A_65 = vector.shape_cast %add3A_61 : vector<16xi32> to vector<16xi32>
    tpu.vector_store %arg6[%swap3A_62], %swap3A_65 {strides = array<i32>} : memref<128xi32, #tpu.memory_space<vmem>>, vector<16xi32>,
    %get3A_66 = arith.constant 16 : index
    %get3A_67 = tpu.vector_load %arg7[%get3A_66] {strides = array<i32>} : memref<128xi32, #tpu.memory_space<vmem>>, vector<16xi32>,
    %get3A_68 = vector.shape_cast %get3A_67 : vector<16xi32> to vector<16xi32>
    %mul3A_69 = arith.muli %get3A_68, %broadcast_in_dim3A_33 : vector<16xi32>
    %sub3A_70 = arith.constant 1 : i32
    %sub3A_71 = vector.broadcast %sub3A_70 : i32 to vector<16xi32>
    %sub3A_72 = arith.subi %sub3A_71, %broadcast_in_dim3A_33 : vector<16xi32>
    %mul3A_73 = arith.muli %broadcast_in_dim3A_3, %sub3A_72 : vector<16xi32>
    %add3A_74 = arith.addi %mul3A_69, %mul3A_73 : vector<16xi32>
    %swap3A_75 = arith.constant 16 : index
    %swap3A_76 = tpu.vector_load %arg7[%swap3A_75] {strides = array<i32>} : memref<128xi32, #tpu.memory_space<vmem>>, vector<16xi32>,
    %swap3A_77 = vector.shape_cast %swap3A_76 : vector<16xi32> to vector<16xi32>
    %swap3A_78 = vector.shape_cast %add3A_74 : vector<16xi32> to vector<16xi32>
    tpu.vector_store %arg7[%swap3A_75], %swap3A_78 {strides = array<i32>} : memref<128xi32, #tpu.memory_space<vmem>>, vector<16xi32>,
    %get3A_79 = arith.constant 32 : index
    %get3A_80 = tpu.vector_load %arg6[%get3A_79] {strides = array<i32>} : memref<128xi32, #tpu.memory_space<vmem>>, vector<16xi32>,
    %get3A_81 = vector.shape_cast %get3A_80 : vector<16xi32> to vector<16xi32>
    %mul3A_82 = arith.constant 2 : i32
    %mul3A_83 = vector.broadcast %mul3A_82 : i32 to vector<16xi32>
    %mul3A_84 = arith.muli %get3A_81, %mul3A_83 : vector<16xi32>
    %add3A_85 = arith.addi %mul3A_84, %broadcast_in_dim3A_1 : vector<16xi32>
    %swap3A_86 = arith.constant 32 : index
    %swap3A_87 = tpu.vector_load %arg6[%swap3A_86] {strides = array<i32>} : memref<128xi32, #tpu.memory_space<vmem>>, vector<16xi32>,
    %swap3A_88 = vector.shape_cast %swap3A_87 : vector<16xi32> to vector<16xi32>
    %swap3A_89 = vector.shape_cast %add3A_85 : vector<16xi32> to vector<16xi32>
    tpu.vector_store %arg6[%swap3A_86], %swap3A_89 {strides = array<i32>} : memref<128xi32, #tpu.memory_space<vmem>>, vector<16xi32>,
    %get3A_90 = arith.constant 32 : index
    %get3A_91 = tpu.vector_load %arg7[%get3A_90] {strides = array<i32>} : memref<128xi32, #tpu.memory_space<vmem>>, vector<16xi32>,
    %get3A_92 = vector.shape_cast %get3A_91 : vector<16xi32> to vector<16xi32>
    %mul3A_93 = arith.muli %get3A_92, %broadcast_in_dim3A_33 : vector<16xi32>
    %sub3A_94 = arith.constant 1 : i32
    %sub3A_95 = vector.broadcast %sub3A_94 : i32 to vector<16xi32>
    %sub3A_96 = arith.subi %sub3A_95, %broadcast_in_dim3A_33 : vector<16xi32>
    %mul3A_97 = arith.muli %broadcast_in_dim3A_3, %sub3A_96 : vector<16xi32>
    %add3A_98 = arith.addi %mul3A_93, %mul3A_97 : vector<16xi32>
    %swap3A_99 = arith.constant 32 : index
    %swap3A_100 = tpu.vector_load %arg7[%swap3A_99] {strides = array<i32>} : memref<128xi32, #tpu.memory_space<vmem>>, vector<16xi32>,
    %swap3A_101 = vector.shape_cast %swap3A_100 : vector<16xi32> to vector<16xi32>
    %swap3A_102 = vector.shape_cast %add3A_98 : vector<16xi32> to vector<16xi32>
    tpu.vector_store %arg7[%swap3A_99], %swap3A_102 {strides = array<i32>} : memref<128xi32, #tpu.memory_space<vmem>>, vector<16xi32>,
    %get3A_103 = arith.constant 48 : index
    %get3A_104 = tpu.vector_load %arg6[%get3A_103] {strides = array<i32>} : memref<128xi32, #tpu.memory_space<vmem>>, vector<16xi32>,
    %get3A_105 = vector.shape_cast %get3A_104 : vector<16xi32> to vector<16xi32>
    %mul3A_106 = arith.constant 2 : i32
    %mul3A_107 = vector.broadcast %mul3A_106 : i32 to vector<16xi32>
    %mul3A_108 = arith.muli %get3A_105, %mul3A_107 : vector<16xi32>
    %add3A_109 = arith.addi %mul3A_108, %broadcast_in_dim3A_1 : vector<16xi32>
    %swap3A_110 = arith.constant 48 : index
    %swap3A_111 = tpu.vector_load %arg6[%swap3A_110] {strides = array<i32>} : memref<128xi32, #tpu.memory_space<vmem>>, vector<16xi32>,
    %swap3A_112 = vector.shape_cast %swap3A_111 : vector<16xi32> to vector<16xi32>
    %swap3A_113 = vector.shape_cast %add3A_109 : vector<16xi32> to vector<16xi32>
    tpu.vector_store %arg6[%swap3A_110], %swap3A_113 {strides = array<i32>} : memref<128xi32, #tpu.memory_space<vmem>>, vector<16xi32>,
    %get3A_114 = arith.constant 48 : index
    %get3A_115 = tpu.vector_load %arg7[%get3A_114] {strides = array<i32>} : memref<128xi32, #tpu.memory_space<vmem>>, vector<16xi32>,
    %get3A_116 = vector.shape_cast %get3A_115 : vector<16xi32> to vector<16xi32>
    %mul3A_117 = arith.muli %get3A_116, %broadcast_in_dim3A_33 : vector<16xi32>
    %sub3A_118 = arith.constant 1 : i32
    %sub3A_119 = vector.broadcast %sub3A_118 : i32 to vector<16xi32>
    %sub3A_120 = arith.subi %sub3A_119, %broadcast_in_dim3A_33 : vector<16xi32>
    %mul3A_121 = arith.muli %broadcast_in_dim3A_3, %sub3A_120 : vector<16xi32>
    %add3A_122 = arith.addi %mul3A_117, %mul3A_121 : vector<16xi32>
    %swap3A_123 = arith.constant 48 : index
    %swap3A_124 = tpu.vector_load %arg7[%swap3A_123] {strides = array<i32>} : memref<128xi32, #tpu.memory_space<vmem>>, vector<16xi32>,
    %swap3A_125 = vector.shape_cast %swap3A_124 : vector<16xi32> to vector<16xi32>
    %swap3A_126 = vector.shape_cast %add3A_122 : vector<16xi32> to vector<16xi32>
    tpu.vector_store %arg7[%swap3A_123], %swap3A_126 {strides = array<i32>} : memref<128xi32, #tpu.memory_space<vmem>>, vector<16xi32>,
    %get3A_127 = arith.constant 64 : index
    %get3A_128 = tpu.vector_load %arg6[%get3A_127] {strides = array<i32>} : memref<128xi32, #tpu.memory_space<vmem>>, vector<16xi32>,
    %get3A_129 = vector.shape_cast %get3A_128 : vector<16xi32> to vector<16xi32>
    %mul3A_130 = arith.constant 2 : i32
    %mul3A_131 = vector.broadcast %mul3A_130 : i32 to vector<16xi32>
    %mul3A_132 = arith.muli %get3A_129, %mul3A_131 : vector<16xi32>
    %add3A_133 = arith.addi %mul3A_132, %broadcast_in_dim3A_1 : vector<16xi32>
    %swap3A_134 = arith.constant 64 : index
    %swap3A_135 = tpu.vector_load %arg6[%swap3A_134] {strides = array<i32>} : memref<128xi32, #tpu.memory_space<vmem>>, vector<16xi32>,
    %swap3A_136 = vector.shape_cast %swap3A_135 : vector<16xi32> to vector<16xi32>
    %swap3A_137 = vector.shape_cast %add3A_133 : vector<16xi32> to vector<16xi32>
    tpu.vector_store %arg6[%swap3A_134], %swap3A_137 {strides = array<i32>} : memref<128xi32, #tpu.memory_space<vmem>>, vector<16xi32>,
    %get3A_138 = arith.constant 64 : index
    %get3A_139 = tpu.vector_load %arg7[%get3A_138] {strides = array<i32>} : memref<128xi32, #tpu.memory_space<vmem>>, vector<16xi32>,
    %get3A_140 = vector.shape_cast %get3A_139 : vector<16xi32> to vector<16xi32>
    %mul3A_141 = arith.muli %get3A_140, %broadcast_in_dim3A_33 : vector<16xi32>
    %sub3A_142 = arith.constant 1 : i32
    %sub3A_143 = vector.broadcast %sub3A_142 : i32 to vector<16xi32>
    %sub3A_144 = arith.subi %sub3A_143, %broadcast_in_dim3A_33 : vector<16xi32>
    %mul3A_145 = arith.muli %broadcast_in_dim3A_3, %sub3A_144 : vector<16xi32>
    %add3A_146 = arith.addi %mul3A_141, %mul3A_145 : vector<16xi32>
    %swap3A_147 = arith.constant 64 : index
    %swap3A_148 = tpu.vector_load %arg7[%swap3A_147] {strides = array<i32>} : memref<128xi32, #tpu.memory_space<vmem>>, vector<16xi32>,
    %swap3A_149 = vector.shape_cast %swap3A_148 : vector<16xi32> to vector<16xi32>
    %swap3A_150 = vector.shape_cast %add3A_146 : vector<16xi32> to vector<16xi32>
    tpu.vector_store %arg7[%swap3A_147], %swap3A_150 {strides = array<i32>} : memref<128xi32, #tpu.memory_space<vmem>>, vector<16xi32>,
    %get3A_151 = arith.constant 80 : index
    %get3A_152 = tpu.vector_load %arg6[%get3A_151] {strides = array<i32>} : memref<128xi32, #tpu.memory_space<vmem>>, vector<16xi32>,
    %get3A_153 = vector.shape_cast %get3A_152 : vector<16xi32> to vector<16xi32>
    %mul3A_154 = arith.constant 2 : i32
    %mul3A_155 = vector.broadcast %mul3A_154 : i32 to vector<16xi32>
    %mul3A_156 = arith.muli %get3A_153, %mul3A_155 : vector<16xi32>
    %add3A_157 = arith.addi %mul3A_156, %broadcast_in_dim3A_1 : vector<16xi32>
    %swap3A_158 = arith.constant 80 : index
    %swap3A_159 = tpu.vector_load %arg6[%swap3A_158] {strides = array<i32>} : memref<128xi32, #tpu.memory_space<vmem>>, vector<16xi32>,
    %swap3A_160 = vector.shape_cast %swap3A_159 : vector<16xi32> to vector<16xi32>
    %swap3A_161 = vector.shape_cast %add3A_157 : vector<16xi32> to vector<16xi32>
    tpu.vector_store %arg6[%swap3A_158], %swap3A_161 {strides = array<i32>} : memref<128xi32, #tpu.memory_space<vmem>>, vector<16xi32>,
    %get3A_162 = arith.constant 80 : index
    %get3A_163 = tpu.vector_load %arg7[%get3A_162] {strides = array<i32>} : memref<128xi32, #tpu.memory_space<vmem>>, vector<16xi32>,
    %get3A_164 = vector.shape_cast %get3A_163 : vector<16xi32> to vector<16xi32>
    %mul3A_165 = arith.muli %get3A_164, %broadcast_in_dim3A_33 : vector<16xi32>
    %sub3A_166 = arith.constant 1 : i32
    %sub3A_167 = vector.broadcast %sub3A_166 : i32 to vector<16xi32>
    %sub3A_168 = arith.subi %sub3A_167, %broadcast_in_dim3A_33 : vector<16xi32>
    %mul3A_169 = arith.muli %broadcast_in_dim3A_3, %sub3A_168 : vector<16xi32>
    %add3A_170 = arith.addi %mul3A_165, %mul3A_169 : vector<16xi32>
    %swap3A_171 = arith.constant 80 : index
    %swap3A_172 = tpu.vector_load %arg7[%swap3A_171] {strides = array<i32>} : memref<128xi32, #tpu.memory_space<vmem>>, vector<16xi32>,
    %swap3A_173 = vector.shape_cast %swap3A_172 : vector<16xi32> to vector<16xi32>
    %swap3A_174 = vector.shape_cast %add3A_170 : vector<16xi32> to vector<16xi32>
    tpu.vector_store %arg7[%swap3A_171], %swap3A_174 {strides = array<i32>} : memref<128xi32, #tpu.memory_space<vmem>>, vector<16xi32>,
    %get3A_175 = arith.constant 96 : index
    %get3A_176 = tpu.vector_load %arg6[%get3A_175] {strides = array<i32>} : memref<128xi32, #tpu.memory_space<vmem>>, vector<16xi32>,
    %get3A_177 = vector.shape_cast %get3A_176 : vector<16xi32> to vector<16xi32>
    %mul3A_178 = arith.constant 2 : i32
    %mul3A_179 = vector.broadcast %mul3A_178 : i32 to vector<16xi32>
    %mul3A_180 = arith.muli %get3A_177, %mul3A_179 : vector<16xi32>
    %add3A_181 = arith.addi %mul3A_180, %broadcast_in_dim3A_1 : vector<16xi32>
    %swap3A_182 = arith.constant 96 : index
    %swap3A_183 = tpu.vector_load %arg6[%swap3A_182] {strides = array<i32>} : memref<128xi32, #tpu.memory_space<vmem>>, vector<16xi32>,
    %swap3A_184 = vector.shape_cast %swap3A_183 : vector<16xi32> to vector<16xi32>
    %swap3A_185 = vector.shape_cast %add3A_181 : vector<16xi32> to vector<16xi32>
    tpu.vector_store %arg6[%swap3A_182], %swap3A_185 {strides = array<i32>} : memref<128xi32, #tpu.memory_space<vmem>>, vector<16xi32>,
    %get3A_186 = arith.constant 96 : index
    %get3A_187 = tpu.vector_load %arg7[%get3A_186] {strides = array<i32>} : memref<128xi32, #tpu.memory_space<vmem>>, vector<16xi32>,
    %get3A_188 = vector.shape_cast %get3A_187 : vector<16xi32> to vector<16xi32>
    %mul3A_189 = arith.muli %get3A_188, %broadcast_in_dim3A_33 : vector<16xi32>
    %sub3A_190 = arith.constant 1 : i32
    %sub3A_191 = vector.broadcast %sub3A_190 : i32 to vector<16xi32>
    %sub3A_192 = arith.subi %sub3A_191, %broadcast_in_dim3A_33 : vector<16xi32>
    %mul3A_193 = arith.muli %broadcast_in_dim3A_3, %sub3A_192 : vector<16xi32>
    %add3A_194 = arith.addi %mul3A_189, %mul3A_193 : vector<16xi32>
    %swap3A_195 = arith.constant 96 : index
    %swap3A_196 = tpu.vector_load %arg7[%swap3A_195] {strides = array<i32>} : memref<128xi32, #tpu.memory_space<vmem>>, vector<16xi32>,
    %swap3A_197 = vector.shape_cast %swap3A_196 : vector<16xi32> to vector<16xi32>
    %swap3A_198 = vector.shape_cast %add3A_194 : vector<16xi32> to vector<16xi32>
    tpu.vector_store %arg7[%swap3A_195], %swap3A_198 {strides = array<i32>} : memref<128xi32, #tpu.memory_space<vmem>>, vector<16xi32>,
    %get3A_199 = arith.constant 112 : index
    %get3A_200 = tpu.vector_load %arg6[%get3A_199] {strides = array<i32>} : memref<128xi32, #tpu.memory_space<vmem>>, vector<16xi32>,
    %get3A_201 = vector.shape_cast %get3A_200 : vector<16xi32> to vector<16xi32>
    %mul3A_202 = arith.constant 2 : i32
    %mul3A_203 = vector.broadcast %mul3A_202 : i32 to vector<16xi32>
    %mul3A_204 = arith.muli %get3A_201, %mul3A_203 : vector<16xi32>
    %add3A_205 = arith.addi %mul3A_204, %broadcast_in_dim3A_1 : vector<16xi32>
    %swap3A_206 = arith.constant 112 : index
    %swap3A_207 = tpu.vector_load %arg6[%swap3A_206] {strides = array<i32>} : memref<128xi32, #tpu.memory_space<vmem>>, vector<16xi32>,
    %swap3A_208 = vector.shape_cast %swap3A_207 : vector<16xi32> to vector<16xi32>
    %swap3A_209 = vector.shape_cast %add3A_205 : vector<16xi32> to vector<16xi32>
    tpu.vector_store %arg6[%swap3A_206], %swap3A_209 {strides = array<i32>} : memref<128xi32, #tpu.memory_space<vmem>>, vector<16xi32>,
    %get3A_210 = arith.constant 112 : index
    %get3A_211 = tpu.vector_load %arg7[%get3A_210] {strides = array<i32>} : memref<128xi32, #tpu.memory_space<vmem>>, vector<16xi32>,
    %get3A_212 = vector.shape_cast %get3A_211 : vector<16xi32> to vector<16xi32>
    %mul3A_213 = arith.muli %get3A_212, %broadcast_in_dim3A_33 : vector<16xi32>
    %sub3A_214 = arith.constant 1 : i32
    %sub3A_215 = vector.broadcast %sub3A_214 : i32 to vector<16xi32>
    %sub3A_216 = arith.subi %sub3A_215, %broadcast_in_dim3A_33 : vector<16xi32>
    %mul3A_217 = arith.muli %broadcast_in_dim3A_3, %sub3A_216 : vector<16xi32>
    %add3A_218 = arith.addi %mul3A_213, %mul3A_217 : vector<16xi32>
    %swap3A_219 = arith.constant 112 : index
    %swap3A_220 = tpu.vector_load %arg7[%swap3A_219] {strides = array<i32>} : memref<128xi32, #tpu.memory_space<vmem>>, vector<16xi32>,
    %swap3A_221 = vector.shape_cast %swap3A_220 : vector<16xi32> to vector<16xi32>
    %swap3A_222 = vector.shape_cast %add3A_218 : vector<16xi32> to vector<16xi32>
    tpu.vector_store %arg7[%swap3A_219], %swap3A_222 {strides = array<i32>} : memref<128xi32, #tpu.memory_space<vmem>>, vector<16xi32>,
    %dma_start3A = arith.constant 0 : i32
    %dma_start3A_223 = arith.constant 0 : i32
    %dma_start3A_224 = tpu.memref_slice %arg2[%dma_start3A, %dma_start3A_223] : memref<20000x64xf32, #tpu.memory_space<hbm>> -> memref<20000x64xf32, #tpu.memory_space<hbm>>
    tpu.enqueue_indirect_dma source(%dma_start3A_224 : memref<20000x64xf32, #tpu.memory_space<hbm>>) target(%arg8 : memref<128x64xf32, #tpu.memory_space<vmem>>) offsets(%arg6 : memref<128xi32, #tpu.memory_space<vmem>>) semaphore(%arg24 : memref<!tpu.dma_semaphore, #tpu.memory_space<semaphore_mem>>)
    %add3A_225 = arith.constant 16 : i32
    %add3A_226 = arith.addi %arg1, %add3A_225 : i32
    %min3A_227 = arith.constant 2499 : i32
    %min3A_228 = arith.minsi %add3A_226, %min3A_227 : i32
    %mul3A_229 = arith.constant 128 : i32
    %mul3A_230 = arith.muli %min3A_228, %mul3A_229 : i32
    "tpu.region"() ({
      %run_scoped3A = tpu.sem_alloc : memref<!tpu.dma_semaphore, #tpu.memory_space<semaphore_mem>>
      %dma_start3A_948 = tpu.memref_slice %arg3[%mul3A_230] : memref<320000xi32, #tpu.memory_space<hbm>> -> memref<128xi32, #tpu.memory_space<hbm>>
      %dma_start3A_949 = tpu.memref_slice %arg3[%mul3A_230] : memref<320000xi32, #tpu.memory_space<hbm>> -> memref<128xi32, #tpu.memory_space<hbm>>
      tpu.enqueue_dma source(%dma_start3A_949 : memref<128xi32, #tpu.memory_space<hbm>>) target(%arg9 : memref<128xi32, #tpu.memory_space<vmem>>) target_semaphore(%run_scoped3A : memref<!tpu.dma_semaphore, #tpu.memory_space<semaphore_mem>>)
      %dma_wait3A_950 = tpu.memref_slice %arg3[%mul3A_230] : memref<320000xi32, #tpu.memory_space<hbm>> -> memref<128xi32, #tpu.memory_space<hbm>>
      %dma_wait3A_951 = tpu.memref_slice %arg3[%mul3A_230] : memref<320000xi32, #tpu.memory_space<hbm>> -> memref<128xi32, #tpu.memory_space<hbm>>
      tpu.wait_dma2 semaphore(%run_scoped3A : memref<!tpu.dma_semaphore, #tpu.memory_space<semaphore_mem>>) src(%dma_wait3A_951 : memref<128xi32, #tpu.memory_space<hbm>>) dst(%arg9 : memref<128xi32, #tpu.memory_space<vmem>>)
      tpu.yield
    }) : () -> ()
    %add3A_231 = arith.constant 16 : i32
    %add3A_232 = arith.addi %arg1, %add3A_231 : i32
    %min3A_233 = arith.constant 2499 : i32
    %min3A_234 = arith.minsi %add3A_232, %min3A_233 : i32
    %mul3A_235 = arith.constant 128 : i32
    %mul3A_236 = arith.muli %min3A_234, %mul3A_235 : i32
    "tpu.region"() ({
      %run_scoped3A = tpu.sem_alloc : memref<!tpu.dma_semaphore, #tpu.memory_space<semaphore_mem>>
      %dma_start3A_948 = tpu.memref_slice %arg4[%mul3A_236] : memref<320000xi32, #tpu.memory_space<hbm>> -> memref<128xi32, #tpu.memory_space<hbm>>
      %dma_start3A_949 = tpu.memref_slice %arg4[%mul3A_236] : memref<320000xi32, #tpu.memory_space<hbm>> -> memref<128xi32, #tpu.memory_space<hbm>>
      tpu.enqueue_dma source(%dma_start3A_949 : memref<128xi32, #tpu.memory_space<hbm>>) target(%arg10 : memref<128xi32, #tpu.memory_space<vmem>>) target_semaphore(%run_scoped3A : memref<!tpu.dma_semaphore, #tpu.memory_space<semaphore_mem>>)
      %dma_wait3A_950 = tpu.memref_slice %arg4[%mul3A_236] : memref<320000xi32, #tpu.memory_space<hbm>> -> memref<128xi32, #tpu.memory_space<hbm>>
      %dma_wait3A_951 = tpu.memref_slice %arg4[%mul3A_236] : memref<320000xi32, #tpu.memory_space<hbm>> -> memref<128xi32, #tpu.memory_space<hbm>>
      tpu.wait_dma2 semaphore(%run_scoped3A : memref<!tpu.dma_semaphore, #tpu.memory_space<semaphore_mem>>) src(%dma_wait3A_951 : memref<128xi32, #tpu.memory_space<hbm>>) dst(%arg10 : memref<128xi32, #tpu.memory_space<vmem>>)
      tpu.yield
    }) : () -> ()
    %add3A_237 = arith.constant 16 : i32
    %add3A_238 = arith.addi %arg1, %add3A_237 : i32
    %lt3A_239 = arith.constant 2500 : i32
    %lt3A_240 = arith.cmpi slt, %add3A_238, %lt3A_239 : i32
    %convert_element_type3A_241 = arith.extui %lt3A_240 : i1 to i32
    %broadcast_in_dim3A_242 = vector.broadcast %convert_element_type3A_241 : i32 to vector<16xi32>
    %get3A_243 = arith.constant 0 : index
    %get3A_244 = tpu.vector_load %arg9[%get3A_243] {strides = array<i32>} : memref<128xi32, #tpu.memory_space<vmem>>, vector<16xi32>,
    %get3A_245 = vector.shape_cast %get3A_244 : vector<16xi32> to vector<16xi32>
    %mul3A_246 = arith.constant 2 : i32
    %mul3A_247 = vector.broadcast %mul3A_246 : i32 to vector<16xi32>
    %mul3A_248 = arith.muli %get3A_245, %mul3A_247 : vector<16xi32>
    %add3A_249 = arith.addi %mul3A_248, %broadcast_in_dim3A_1 : vector<16xi32>
    %swap3A_250 = arith.constant 0 : index
    %swap3A_251 = tpu.vector_load %arg9[%swap3A_250] {strides = array<i32>} : memref<128xi32, #tpu.memory_space<vmem>>, vector<16xi32>,
    %swap3A_252 = vector.shape_cast %swap3A_251 : vector<16xi32> to vector<16xi32>
    %swap3A_253 = vector.shape_cast %add3A_249 : vector<16xi32> to vector<16xi32>
    tpu.vector_store %arg9[%swap3A_250], %swap3A_253 {strides = array<i32>} : memref<128xi32, #tpu.memory_space<vmem>>, vector<16xi32>,
    %get3A_254 = arith.constant 0 : index
    %get3A_255 = tpu.vector_load %arg10[%get3A_254] {strides = array<i32>} : memref<128xi32, #tpu.memory_space<vmem>>, vector<16xi32>,
    %get3A_256 = vector.shape_cast %get3A_255 : vector<16xi32> to vector<16xi32>
    %mul3A_257 = arith.muli %get3A_256, %broadcast_in_dim3A_242 : vector<16xi32>
    %sub3A_258 = arith.constant 1 : i32
    %sub3A_259 = vector.broadcast %sub3A_258 : i32 to vector<16xi32>
    %sub3A_260 = arith.subi %sub3A_259, %broadcast_in_dim3A_242 : vector<16xi32>
    %mul3A_261 = arith.muli %broadcast_in_dim3A_3, %sub3A_260 : vector<16xi32>
    %add3A_262 = arith.addi %mul3A_257, %mul3A_261 : vector<16xi32>
    %swap3A_263 = arith.constant 0 : index
    %swap3A_264 = tpu.vector_load %arg10[%swap3A_263] {strides = array<i32>} : memref<128xi32, #tpu.memory_space<vmem>>, vector<16xi32>,
    %swap3A_265 = vector.shape_cast %swap3A_264 : vector<16xi32> to vector<16xi32>
    %swap3A_266 = vector.shape_cast %add3A_262 : vector<16xi32> to vector<16xi32>
    tpu.vector_store %arg10[%swap3A_263], %swap3A_266 {strides = array<i32>} : memref<128xi32, #tpu.memory_space<vmem>>, vector<16xi32>,
    %get3A_267 = arith.constant 16 : index
    %get3A_268 = tpu.vector_load %arg9[%get3A_267] {strides = array<i32>} : memref<128xi32, #tpu.memory_space<vmem>>, vector<16xi32>,
    %get3A_269 = vector.shape_cast %get3A_268 : vector<16xi32> to vector<16xi32>
    %mul3A_270 = arith.constant 2 : i32
    %mul3A_271 = vector.broadcast %mul3A_270 : i32 to vector<16xi32>
    %mul3A_272 = arith.muli %get3A_269, %mul3A_271 : vector<16xi32>
    %add3A_273 = arith.addi %mul3A_272, %broadcast_in_dim3A_1 : vector<16xi32>
    %swap3A_274 = arith.constant 16 : index
    %swap3A_275 = tpu.vector_load %arg9[%swap3A_274] {strides = array<i32>} : memref<128xi32, #tpu.memory_space<vmem>>, vector<16xi32>,
    %swap3A_276 = vector.shape_cast %swap3A_275 : vector<16xi32> to vector<16xi32>
    %swap3A_277 = vector.shape_cast %add3A_273 : vector<16xi32> to vector<16xi32>
    tpu.vector_store %arg9[%swap3A_274], %swap3A_277 {strides = array<i32>} : memref<128xi32, #tpu.memory_space<vmem>>, vector<16xi32>,
    %get3A_278 = arith.constant 16 : index
    %get3A_279 = tpu.vector_load %arg10[%get3A_278] {strides = array<i32>} : memref<128xi32, #tpu.memory_space<vmem>>, vector<16xi32>,
    %get3A_280 = vector.shape_cast %get3A_279 : vector<16xi32> to vector<16xi32>
    %mul3A_281 = arith.muli %get3A_280, %broadcast_in_dim3A_242 : vector<16xi32>
    %sub3A_282 = arith.constant 1 : i32
    %sub3A_283 = vector.broadcast %sub3A_282 : i32 to vector<16xi32>
    %sub3A_284 = arith.subi %sub3A_283, %broadcast_in_dim3A_242 : vector<16xi32>
    %mul3A_285 = arith.muli %broadcast_in_dim3A_3, %sub3A_284 : vector<16xi32>
    %add3A_286 = arith.addi %mul3A_281, %mul3A_285 : vector<16xi32>
    %swap3A_287 = arith.constant 16 : index
    %swap3A_288 = tpu.vector_load %arg10[%swap3A_287] {strides = array<i32>} : memref<128xi32, #tpu.memory_space<vmem>>, vector<16xi32>,
    %swap3A_289 = vector.shape_cast %swap3A_288 : vector<16xi32> to vector<16xi32>
    %swap3A_290 = vector.shape_cast %add3A_286 : vector<16xi32> to vector<16xi32>
    tpu.vector_store %arg10[%swap3A_287], %swap3A_290 {strides = array<i32>} : memref<128xi32, #tpu.memory_space<vmem>>, vector<16xi32>,
    %get3A_291 = arith.constant 32 : index
    %get3A_292 = tpu.vector_load %arg9[%get3A_291] {strides = array<i32>} : memref<128xi32, #tpu.memory_space<vmem>>, vector<16xi32>,
    %get3A_293 = vector.shape_cast %get3A_292 : vector<16xi32> to vector<16xi32>
    %mul3A_294 = arith.constant 2 : i32
    %mul3A_295 = vector.broadcast %mul3A_294 : i32 to vector<16xi32>
    %mul3A_296 = arith.muli %get3A_293, %mul3A_295 : vector<16xi32>
    %add3A_297 = arith.addi %mul3A_296, %broadcast_in_dim3A_1 : vector<16xi32>
    %swap3A_298 = arith.constant 32 : index
    %swap3A_299 = tpu.vector_load %arg9[%swap3A_298] {strides = array<i32>} : memref<128xi32, #tpu.memory_space<vmem>>, vector<16xi32>,
    %swap3A_300 = vector.shape_cast %swap3A_299 : vector<16xi32> to vector<16xi32>
    %swap3A_301 = vector.shape_cast %add3A_297 : vector<16xi32> to vector<16xi32>
    tpu.vector_store %arg9[%swap3A_298], %swap3A_301 {strides = array<i32>} : memref<128xi32, #tpu.memory_space<vmem>>, vector<16xi32>,
    %get3A_302 = arith.constant 32 : index
    %get3A_303 = tpu.vector_load %arg10[%get3A_302] {strides = array<i32>} : memref<128xi32, #tpu.memory_space<vmem>>, vector<16xi32>,
    %get3A_304 = vector.shape_cast %get3A_303 : vector<16xi32> to vector<16xi32>
    %mul3A_305 = arith.muli %get3A_304, %broadcast_in_dim3A_242 : vector<16xi32>
    %sub3A_306 = arith.constant 1 : i32
    %sub3A_307 = vector.broadcast %sub3A_306 : i32 to vector<16xi32>
    %sub3A_308 = arith.subi %sub3A_307, %broadcast_in_dim3A_242 : vector<16xi32>
    %mul3A_309 = arith.muli %broadcast_in_dim3A_3, %sub3A_308 : vector<16xi32>
    %add3A_310 = arith.addi %mul3A_305, %mul3A_309 : vector<16xi32>
    %swap3A_311 = arith.constant 32 : index
    %swap3A_312 = tpu.vector_load %arg10[%swap3A_311] {strides = array<i32>} : memref<128xi32, #tpu.memory_space<vmem>>, vector<16xi32>,
    %swap3A_313 = vector.shape_cast %swap3A_312 : vector<16xi32> to vector<16xi32>
    %swap3A_314 = vector.shape_cast %add3A_310 : vector<16xi32> to vector<16xi32>
    tpu.vector_store %arg10[%swap3A_311], %swap3A_314 {strides = array<i32>} : memref<128xi32, #tpu.memory_space<vmem>>, vector<16xi32>,
    %get3A_315 = arith.constant 48 : index
    %get3A_316 = tpu.vector_load %arg9[%get3A_315] {strides = array<i32>} : memref<128xi32, #tpu.memory_space<vmem>>, vector<16xi32>,
    %get3A_317 = vector.shape_cast %get3A_316 : vector<16xi32> to vector<16xi32>
    %mul3A_318 = arith.constant 2 : i32
    %mul3A_319 = vector.broadcast %mul3A_318 : i32 to vector<16xi32>
    %mul3A_320 = arith.muli %get3A_317, %mul3A_319 : vector<16xi32>
    %add3A_321 = arith.addi %mul3A_320, %broadcast_in_dim3A_1 : vector<16xi32>
    %swap3A_322 = arith.constant 48 : index
    %swap3A_323 = tpu.vector_load %arg9[%swap3A_322] {strides = array<i32>} : memref<128xi32, #tpu.memory_space<vmem>>, vector<16xi32>,
    %swap3A_324 = vector.shape_cast %swap3A_323 : vector<16xi32> to vector<16xi32>
    %swap3A_325 = vector.shape_cast %add3A_321 : vector<16xi32> to vector<16xi32>
    tpu.vector_store %arg9[%swap3A_322], %swap3A_325 {strides = array<i32>} : memref<128xi32, #tpu.memory_space<vmem>>, vector<16xi32>,
    %get3A_326 = arith.constant 48 : index
    %get3A_327 = tpu.vector_load %arg10[%get3A_326] {strides = array<i32>} : memref<128xi32, #tpu.memory_space<vmem>>, vector<16xi32>,
    %get3A_328 = vector.shape_cast %get3A_327 : vector<16xi32> to vector<16xi32>
    %mul3A_329 = arith.muli %get3A_328, %broadcast_in_dim3A_242 : vector<16xi32>
    %sub3A_330 = arith.constant 1 : i32
    %sub3A_331 = vector.broadcast %sub3A_330 : i32 to vector<16xi32>
    %sub3A_332 = arith.subi %sub3A_331, %broadcast_in_dim3A_242 : vector<16xi32>
    %mul3A_333 = arith.muli %broadcast_in_dim3A_3, %sub3A_332 : vector<16xi32>
    %add3A_334 = arith.addi %mul3A_329, %mul3A_333 : vector<16xi32>
    %swap3A_335 = arith.constant 48 : index
    %swap3A_336 = tpu.vector_load %arg10[%swap3A_335] {strides = array<i32>} : memref<128xi32, #tpu.memory_space<vmem>>, vector<16xi32>,
    %swap3A_337 = vector.shape_cast %swap3A_336 : vector<16xi32> to vector<16xi32>
    %swap3A_338 = vector.shape_cast %add3A_334 : vector<16xi32> to vector<16xi32>
    tpu.vector_store %arg10[%swap3A_335], %swap3A_338 {strides = array<i32>} : memref<128xi32, #tpu.memory_space<vmem>>, vector<16xi32>,
    %get3A_339 = arith.constant 64 : index
    %get3A_340 = tpu.vector_load %arg9[%get3A_339] {strides = array<i32>} : memref<128xi32, #tpu.memory_space<vmem>>, vector<16xi32>,
    %get3A_341 = vector.shape_cast %get3A_340 : vector<16xi32> to vector<16xi32>
    %mul3A_342 = arith.constant 2 : i32
    %mul3A_343 = vector.broadcast %mul3A_342 : i32 to vector<16xi32>
    %mul3A_344 = arith.muli %get3A_341, %mul3A_343 : vector<16xi32>
    %add3A_345 = arith.addi %mul3A_344, %broadcast_in_dim3A_1 : vector<16xi32>
    %swap3A_346 = arith.constant 64 : index
    %swap3A_347 = tpu.vector_load %arg9[%swap3A_346] {strides = array<i32>} : memref<128xi32, #tpu.memory_space<vmem>>, vector<16xi32>,
    %swap3A_348 = vector.shape_cast %swap3A_347 : vector<16xi32> to vector<16xi32>
    %swap3A_349 = vector.shape_cast %add3A_345 : vector<16xi32> to vector<16xi32>
    tpu.vector_store %arg9[%swap3A_346], %swap3A_349 {strides = array<i32>} : memref<128xi32, #tpu.memory_space<vmem>>, vector<16xi32>,
    %get3A_350 = arith.constant 64 : index
    %get3A_351 = tpu.vector_load %arg10[%get3A_350] {strides = array<i32>} : memref<128xi32, #tpu.memory_space<vmem>>, vector<16xi32>,
    %get3A_352 = vector.shape_cast %get3A_351 : vector<16xi32> to vector<16xi32>
    %mul3A_353 = arith.muli %get3A_352, %broadcast_in_dim3A_242 : vector<16xi32>
    %sub3A_354 = arith.constant 1 : i32
    %sub3A_355 = vector.broadcast %sub3A_354 : i32 to vector<16xi32>
    %sub3A_356 = arith.subi %sub3A_355, %broadcast_in_dim3A_242 : vector<16xi32>
    %mul3A_357 = arith.muli %broadcast_in_dim3A_3, %sub3A_356 : vector<16xi32>
    %add3A_358 = arith.addi %mul3A_353, %mul3A_357 : vector<16xi32>
    %swap3A_359 = arith.constant 64 : index
    %swap3A_360 = tpu.vector_load %arg10[%swap3A_359] {strides = array<i32>} : memref<128xi32, #tpu.memory_space<vmem>>, vector<16xi32>,
    %swap3A_361 = vector.shape_cast %swap3A_360 : vector<16xi32> to vector<16xi32>
    %swap3A_362 = vector.shape_cast %add3A_358 : vector<16xi32> to vector<16xi32>
    tpu.vector_store %arg10[%swap3A_359], %swap3A_362 {strides = array<i32>} : memref<128xi32, #tpu.memory_space<vmem>>, vector<16xi32>,
    %get3A_363 = arith.constant 80 : index
    %get3A_364 = tpu.vector_load %arg9[%get3A_363] {strides = array<i32>} : memref<128xi32, #tpu.memory_space<vmem>>, vector<16xi32>,
    %get3A_365 = vector.shape_cast %get3A_364 : vector<16xi32> to vector<16xi32>
    %mul3A_366 = arith.constant 2 : i32
    %mul3A_367 = vector.broadcast %mul3A_366 : i32 to vector<16xi32>
    %mul3A_368 = arith.muli %get3A_365, %mul3A_367 : vector<16xi32>
    %add3A_369 = arith.addi %mul3A_368, %broadcast_in_dim3A_1 : vector<16xi32>
    %swap3A_370 = arith.constant 80 : index
    %swap3A_371 = tpu.vector_load %arg9[%swap3A_370] {strides = array<i32>} : memref<128xi32, #tpu.memory_space<vmem>>, vector<16xi32>,
    %swap3A_372 = vector.shape_cast %swap3A_371 : vector<16xi32> to vector<16xi32>
    %swap3A_373 = vector.shape_cast %add3A_369 : vector<16xi32> to vector<16xi32>
    tpu.vector_store %arg9[%swap3A_370], %swap3A_373 {strides = array<i32>} : memref<128xi32, #tpu.memory_space<vmem>>, vector<16xi32>,
    %get3A_374 = arith.constant 80 : index
    %get3A_375 = tpu.vector_load %arg10[%get3A_374] {strides = array<i32>} : memref<128xi32, #tpu.memory_space<vmem>>, vector<16xi32>,
    %get3A_376 = vector.shape_cast %get3A_375 : vector<16xi32> to vector<16xi32>
    %mul3A_377 = arith.muli %get3A_376, %broadcast_in_dim3A_242 : vector<16xi32>
    %sub3A_378 = arith.constant 1 : i32
    %sub3A_379 = vector.broadcast %sub3A_378 : i32 to vector<16xi32>
    %sub3A_380 = arith.subi %sub3A_379, %broadcast_in_dim3A_242 : vector<16xi32>
    %mul3A_381 = arith.muli %broadcast_in_dim3A_3, %sub3A_380 : vector<16xi32>
    %add3A_382 = arith.addi %mul3A_377, %mul3A_381 : vector<16xi32>
    %swap3A_383 = arith.constant 80 : index
    %swap3A_384 = tpu.vector_load %arg10[%swap3A_383] {strides = array<i32>} : memref<128xi32, #tpu.memory_space<vmem>>, vector<16xi32>,
    %swap3A_385 = vector.shape_cast %swap3A_384 : vector<16xi32> to vector<16xi32>
    %swap3A_386 = vector.shape_cast %add3A_382 : vector<16xi32> to vector<16xi32>
    tpu.vector_store %arg10[%swap3A_383], %swap3A_386 {strides = array<i32>} : memref<128xi32, #tpu.memory_space<vmem>>, vector<16xi32>,
    %get3A_387 = arith.constant 96 : index
    %get3A_388 = tpu.vector_load %arg9[%get3A_387] {strides = array<i32>} : memref<128xi32, #tpu.memory_space<vmem>>, vector<16xi32>,
    %get3A_389 = vector.shape_cast %get3A_388 : vector<16xi32> to vector<16xi32>
    %mul3A_390 = arith.constant 2 : i32
    %mul3A_391 = vector.broadcast %mul3A_390 : i32 to vector<16xi32>
    %mul3A_392 = arith.muli %get3A_389, %mul3A_391 : vector<16xi32>
    %add3A_393 = arith.addi %mul3A_392, %broadcast_in_dim3A_1 : vector<16xi32>
    %swap3A_394 = arith.constant 96 : index
    %swap3A_395 = tpu.vector_load %arg9[%swap3A_394] {strides = array<i32>} : memref<128xi32, #tpu.memory_space<vmem>>, vector<16xi32>,
    %swap3A_396 = vector.shape_cast %swap3A_395 : vector<16xi32> to vector<16xi32>
    %swap3A_397 = vector.shape_cast %add3A_393 : vector<16xi32> to vector<16xi32>
    tpu.vector_store %arg9[%swap3A_394], %swap3A_397 {strides = array<i32>} : memref<128xi32, #tpu.memory_space<vmem>>, vector<16xi32>,
    %get3A_398 = arith.constant 96 : index
    %get3A_399 = tpu.vector_load %arg10[%get3A_398] {strides = array<i32>} : memref<128xi32, #tpu.memory_space<vmem>>, vector<16xi32>,
    %get3A_400 = vector.shape_cast %get3A_399 : vector<16xi32> to vector<16xi32>
    %mul3A_401 = arith.muli %get3A_400, %broadcast_in_dim3A_242 : vector<16xi32>
    %sub3A_402 = arith.constant 1 : i32
    %sub3A_403 = vector.broadcast %sub3A_402 : i32 to vector<16xi32>
    %sub3A_404 = arith.subi %sub3A_403, %broadcast_in_dim3A_242 : vector<16xi32>
    %mul3A_405 = arith.muli %broadcast_in_dim3A_3, %sub3A_404 : vector<16xi32>
    %add3A_406 = arith.addi %mul3A_401, %mul3A_405 : vector<16xi32>
    %swap3A_407 = arith.constant 96 : index
    %swap3A_408 = tpu.vector_load %arg10[%swap3A_407] {strides = array<i32>} : memref<128xi32, #tpu.memory_space<vmem>>, vector<16xi32>,
    %swap3A_409 = vector.shape_cast %swap3A_408 : vector<16xi32> to vector<16xi32>
    %swap3A_410 = vector.shape_cast %add3A_406 : vector<16xi32> to vector<16xi32>
    tpu.vector_store %arg10[%swap3A_407], %swap3A_410 {strides = array<i32>} : memref<128xi32, #tpu.memory_space<vmem>>, vector<16xi32>,
    %get3A_411 = arith.constant 112 : index
    %get3A_412 = tpu.vector_load %arg9[%get3A_411] {strides = array<i32>} : memref<128xi32, #tpu.memory_space<vmem>>, vector<16xi32>,
    %get3A_413 = vector.shape_cast %get3A_412 : vector<16xi32> to vector<16xi32>
    %mul3A_414 = arith.constant 2 : i32
    %mul3A_415 = vector.broadcast %mul3A_414 : i32 to vector<16xi32>
    %mul3A_416 = arith.muli %get3A_413, %mul3A_415 : vector<16xi32>
    %add3A_417 = arith.addi %mul3A_416, %broadcast_in_dim3A_1 : vector<16xi32>
    %swap3A_418 = arith.constant 112 : index
    %swap3A_419 = tpu.vector_load %arg9[%swap3A_418] {strides = array<i32>} : memref<128xi32, #tpu.memory_space<vmem>>, vector<16xi32>,
    %swap3A_420 = vector.shape_cast %swap3A_419 : vector<16xi32> to vector<16xi32>
    %swap3A_421 = vector.shape_cast %add3A_417 : vector<16xi32> to vector<16xi32>
    tpu.vector_store %arg9[%swap3A_418], %swap3A_421 {strides = array<i32>} : memref<128xi32, #tpu.memory_space<vmem>>, vector<16xi32>,
    %get3A_422 = arith.constant 112 : index
    %get3A_423 = tpu.vector_load %arg10[%get3A_422] {strides = array<i32>} : memref<128xi32, #tpu.memory_space<vmem>>, vector<16xi32>,
    %get3A_424 = vector.shape_cast %get3A_423 : vector<16xi32> to vector<16xi32>
    %mul3A_425 = arith.muli %get3A_424, %broadcast_in_dim3A_242 : vector<16xi32>
    %sub3A_426 = arith.constant 1 : i32
    %sub3A_427 = vector.broadcast %sub3A_426 : i32 to vector<16xi32>
    %sub3A_428 = arith.subi %sub3A_427, %broadcast_in_dim3A_242 : vector<16xi32>
    %mul3A_429 = arith.muli %broadcast_in_dim3A_3, %sub3A_428 : vector<16xi32>
    %add3A_430 = arith.addi %mul3A_425, %mul3A_429 : vector<16xi32>
    %swap3A_431 = arith.constant 112 : index
    %swap3A_432 = tpu.vector_load %arg10[%swap3A_431] {strides = array<i32>} : memref<128xi32, #tpu.memory_space<vmem>>, vector<16xi32>,
    %swap3A_433 = vector.shape_cast %swap3A_432 : vector<16xi32> to vector<16xi32>
    %swap3A_434 = vector.shape_cast %add3A_430 : vector<16xi32> to vector<16xi32>
    tpu.vector_store %arg10[%swap3A_431], %swap3A_434 {strides = array<i32>} : memref<128xi32, #tpu.memory_space<vmem>>, vector<16xi32>,
    %dma_start3A_435 = arith.constant 0 : i32
    %dma_start3A_436 = arith.constant 0 : i32
    %dma_start3A_437 = tpu.memref_slice %arg2[%dma_start3A_435, %dma_start3A_436] : memref<20000x64xf32, #tpu.memory_space<hbm>> -> memref<20000x64xf32, #tpu.memory_space<hbm>>
    tpu.enqueue_indirect_dma source(%dma_start3A_437 : memref<20000x64xf32, #tpu.memory_space<hbm>>) target(%arg11 : memref<128x64xf32, #tpu.memory_space<vmem>>) offsets(%arg9 : memref<128xi32, #tpu.memory_space<vmem>>) semaphore(%arg28 : memref<!tpu.dma_semaphore, #tpu.memory_space<semaphore_mem>>)
    %add3A_438 = arith.constant 32 : i32
    %add3A_439 = arith.addi %arg1, %add3A_438 : i32
    %min3A_440 = arith.constant 2499 : i32
    %min3A_441 = arith.minsi %add3A_439, %min3A_440 : i32
    %mul3A_442 = arith.constant 128 : i32
    %mul3A_443 = arith.muli %min3A_441, %mul3A_442 : i32
    %dma_start3A_444 = tpu.memref_slice %arg3[%mul3A_443] : memref<320000xi32, #tpu.memory_space<hbm>> -> memref<128xi32, #tpu.memory_space<hbm>>
    %dma_start3A_445 = tpu.memref_slice %arg3[%mul3A_443] : memref<320000xi32, #tpu.memory_space<hbm>> -> memref<128xi32, #tpu.memory_space<hbm>>
    tpu.enqueue_dma source(%dma_start3A_445 : memref<128xi32, #tpu.memory_space<hbm>>) target(%arg12 : memref<128xi32, #tpu.memory_space<vmem>>) target_semaphore(%arg30 : memref<!tpu.dma_semaphore, #tpu.memory_space<semaphore_mem>>)
    %add3A_446 = arith.constant 32 : i32
    %add3A_447 = arith.addi %arg1, %add3A_446 : i32
    %min3A_448 = arith.constant 2499 : i32
    %min3A_449 = arith.minsi %add3A_447, %min3A_448 : i32
    %mul3A_450 = arith.constant 128 : i32
    %mul3A_451 = arith.muli %min3A_449, %mul3A_450 : i32
    %dma_start3A_452 = tpu.memref_slice %arg4[%mul3A_451] : memref<320000xi32, #tpu.memory_space<hbm>> -> memref<128xi32, #tpu.memory_space<hbm>>
    %dma_start3A_453 = tpu.memref_slice %arg4[%mul3A_451] : memref<320000xi32, #tpu.memory_space<hbm>> -> memref<128xi32, #tpu.memory_space<hbm>>
    tpu.enqueue_dma source(%dma_start3A_453 : memref<128xi32, #tpu.memory_space<hbm>>) target(%arg13 : memref<128xi32, #tpu.memory_space<vmem>>) target_semaphore(%arg31 : memref<!tpu.dma_semaphore, #tpu.memory_space<semaphore_mem>>)
    %dma_wait3A = arith.constant 0 : i32
    %dma_wait3A_454 = arith.constant 0 : i32
    %dma_wait3A_455 = tpu.memref_slice %arg2[%dma_wait3A, %dma_wait3A_454] : memref<20000x64xf32, #tpu.memory_space<hbm>> -> memref<20000x64xf32, #tpu.memory_space<hbm>>
    tpu.wait_indirect_dma semaphore(%arg24 : memref<!tpu.dma_semaphore, #tpu.memory_space<semaphore_mem>>) src(%dma_wait3A_455 : memref<20000x64xf32, #tpu.memory_space<hbm>>) dst(%arg8 : memref<128x64xf32, #tpu.memory_space<vmem>>)
    %dma_start3A_456 = arith.constant 0 : i32
    %dma_start3A_457 = arith.constant 0 : i32
    %dma_start3A_458 = tpu.memref_slice %arg21[%dma_start3A_456, %dma_start3A_457] : memref<10112x64xf32, #tpu.memory_space<vmem_shared>> -> memref<10112x64xf32, #tpu.memory_space<vmem_shared>>
    tpu.enqueue_indirect_dma source(%arg8 : memref<128x64xf32, #tpu.memory_space<vmem>>) target(%dma_start3A_458 : memref<10112x64xf32, #tpu.memory_space<vmem_shared>>) offsets(%arg7 : memref<128xi32, #tpu.memory_space<vmem>>) semaphore(%arg25 : memref<!tpu.dma_semaphore, #tpu.memory_space<semaphore_mem>>) {add = true}
    %add3A_459 = arith.constant 48 : i32
    %add3A_460 = arith.addi %arg1, %add3A_459 : i32
    %min3A_461 = arith.constant 2499 : i32
    %min3A_462 = arith.minsi %add3A_460, %min3A_461 : i32
    %mul3A_463 = arith.constant 128 : i32
    %mul3A_464 = arith.muli %min3A_462, %mul3A_463 : i32
    %dma_start3A_465 = tpu.memref_slice %arg3[%mul3A_464] : memref<320000xi32, #tpu.memory_space<hbm>> -> memref<128xi32, #tpu.memory_space<hbm>>
    %dma_start3A_466 = tpu.memref_slice %arg3[%mul3A_464] : memref<320000xi32, #tpu.memory_space<hbm>> -> memref<128xi32, #tpu.memory_space<hbm>>
    tpu.enqueue_dma source(%dma_start3A_466 : memref<128xi32, #tpu.memory_space<hbm>>) target(%arg15 : memref<128xi32, #tpu.memory_space<vmem>>) target_semaphore(%arg34 : memref<!tpu.dma_semaphore, #tpu.memory_space<semaphore_mem>>)
    %add3A_467 = arith.constant 48 : i32
    %add3A_468 = arith.addi %arg1, %add3A_467 : i32
    %min3A_469 = arith.constant 2499 : i32
    %min3A_470 = arith.minsi %add3A_468, %min3A_469 : i32
    %mul3A_471 = arith.constant 128 : i32
    %mul3A_472 = arith.muli %min3A_470, %mul3A_471 : i32
    %dma_start3A_473 = tpu.memref_slice %arg4[%mul3A_472] : memref<320000xi32, #tpu.memory_space<hbm>> -> memref<128xi32, #tpu.memory_space<hbm>>
    %dma_start3A_474 = tpu.memref_slice %arg4[%mul3A_472] : memref<320000xi32, #tpu.memory_space<hbm>> -> memref<128xi32, #tpu.memory_space<hbm>>
    tpu.enqueue_dma source(%dma_start3A_474 : memref<128xi32, #tpu.memory_space<hbm>>) target(%arg16 : memref<128xi32, #tpu.memory_space<vmem>>) target_semaphore(%arg35 : memref<!tpu.dma_semaphore, #tpu.memory_space<semaphore_mem>>)
    %dma_wait3A_475 = arith.constant 0 : i32
    %dma_wait3A_476 = tpu.memref_slice %arg3[%dma_wait3A_475] : memref<320000xi32, #tpu.memory_space<hbm>> -> memref<128xi32, #tpu.memory_space<hbm>>
    %dma_wait3A_477 = arith.constant 0 : i32
    %dma_wait3A_478 = tpu.memref_slice %arg3[%dma_wait3A_477] : memref<320000xi32, #tpu.memory_space<hbm>> -> memref<128xi32, #tpu.memory_space<hbm>>
    tpu.wait_dma2 semaphore(%arg30 : memref<!tpu.dma_semaphore, #tpu.memory_space<semaphore_mem>>) src(%dma_wait3A_478 : memref<128xi32, #tpu.memory_space<hbm>>) dst(%arg12 : memref<128xi32, #tpu.memory_space<vmem>>)
    %dma_wait3A_479 = arith.constant 0 : i32
    %dma_wait3A_480 = tpu.memref_slice %arg4[%dma_wait3A_479] : memref<320000xi32, #tpu.memory_space<hbm>> -> memref<128xi32, #tpu.memory_space<hbm>>
    %dma_wait3A_481 = arith.constant 0 : i32
    %dma_wait3A_482 = tpu.memref_slice %arg4[%dma_wait3A_481] : memref<320000xi32, #tpu.memory_space<hbm>> -> memref<128xi32, #tpu.memory_space<hbm>>
    tpu.wait_dma2 semaphore(%arg31 : memref<!tpu.dma_semaphore, #tpu.memory_space<semaphore_mem>>) src(%dma_wait3A_482 : memref<128xi32, #tpu.memory_space<hbm>>) dst(%arg13 : memref<128xi32, #tpu.memory_space<vmem>>)
    %add3A_483 = arith.constant 32 : i32
    %add3A_484 = arith.addi %arg1, %add3A_483 : i32
    %lt3A_485 = arith.constant 2500 : i32
    %lt3A_486 = arith.cmpi slt, %add3A_484, %lt3A_485 : i32
    %convert_element_type3A_487 = arith.extui %lt3A_486 : i1 to i32
    %broadcast_in_dim3A_488 = vector.broadcast %convert_element_type3A_487 : i32 to vector<16xi32>
    %get3A_489 = arith.constant 0 : index
    %get3A_490 = tpu.vector_load %arg12[%get3A_489] {strides = array<i32>} : memref<128xi32, #tpu.memory_space<vmem>>, vector<16xi32>,
    %get3A_491 = vector.shape_cast %get3A_490 : vector<16xi32> to vector<16xi32>
    %mul3A_492 = arith.constant 2 : i32
    %mul3A_493 = vector.broadcast %mul3A_492 : i32 to vector<16xi32>
    %mul3A_494 = arith.muli %get3A_491, %mul3A_493 : vector<16xi32>
    %add3A_495 = arith.addi %mul3A_494, %broadcast_in_dim3A_1 : vector<16xi32>
    %swap3A_496 = arith.constant 0 : index
    %swap3A_497 = tpu.vector_load %arg12[%swap3A_496] {strides = array<i32>} : memref<128xi32, #tpu.memory_space<vmem>>, vector<16xi32>,
    %swap3A_498 = vector.shape_cast %swap3A_497 : vector<16xi32> to vector<16xi32>
    %swap3A_499 = vector.shape_cast %add3A_495 : vector<16xi32> to vector<16xi32>
    tpu.vector_store %arg12[%swap3A_496], %swap3A_499 {strides = array<i32>} : memref<128xi32, #tpu.memory_space<vmem>>, vector<16xi32>,
    %get3A_500 = arith.constant 0 : index
    %get3A_501 = tpu.vector_load %arg13[%get3A_500] {strides = array<i32>} : memref<128xi32, #tpu.memory_space<vmem>>, vector<16xi32>,
    %get3A_502 = vector.shape_cast %get3A_501 : vector<16xi32> to vector<16xi32>
    %mul3A_503 = arith.muli %get3A_502, %broadcast_in_dim3A_488 : vector<16xi32>
    %sub3A_504 = arith.constant 1 : i32
    %sub3A_505 = vector.broadcast %sub3A_504 : i32 to vector<16xi32>
    %sub3A_506 = arith.subi %sub3A_505, %broadcast_in_dim3A_488 : vector<16xi32>
    %mul3A_507 = arith.muli %broadcast_in_dim3A_3, %sub3A_506 : vector<16xi32>
    %add3A_508 = arith.addi %mul3A_503, %mul3A_507 : vector<16xi32>
    %swap3A_509 = arith.constant 0 : index
    %swap3A_510 = tpu.vector_load %arg13[%swap3A_509] {strides = array<i32>} : memref<128xi32, #tpu.memory_space<vmem>>, vector<16xi32>,
    %swap3A_511 = vector.shape_cast %swap3A_510 : vector<16xi32> to vector<16xi32>
    %swap3A_512 = vector.shape_cast %add3A_508 : vector<16xi32> to vector<16xi32>
    tpu.vector_store %arg13[%swap3A_509], %swap3A_512 {strides = array<i32>} : memref<128xi32, #tpu.memory_space<vmem>>, vector<16xi32>,
    %get3A_513 = arith.constant 16 : index
    %get3A_514 = tpu.vector_load %arg12[%get3A_513] {strides = array<i32>} : memref<128xi32, #tpu.memory_space<vmem>>, vector<16xi32>,
    %get3A_515 = vector.shape_cast %get3A_514 : vector<16xi32> to vector<16xi32>
    %mul3A_516 = arith.constant 2 : i32
    %mul3A_517 = vector.broadcast %mul3A_516 : i32 to vector<16xi32>
    %mul3A_518 = arith.muli %get3A_515, %mul3A_517 : vector<16xi32>
    %add3A_519 = arith.addi %mul3A_518, %broadcast_in_dim3A_1 : vector<16xi32>
    %swap3A_520 = arith.constant 16 : index
    %swap3A_521 = tpu.vector_load %arg12[%swap3A_520] {strides = array<i32>} : memref<128xi32, #tpu.memory_space<vmem>>, vector<16xi32>,
    %swap3A_522 = vector.shape_cast %swap3A_521 : vector<16xi32> to vector<16xi32>
    %swap3A_523 = vector.shape_cast %add3A_519 : vector<16xi32> to vector<16xi32>
    tpu.vector_store %arg12[%swap3A_520], %swap3A_523 {strides = array<i32>} : memref<128xi32, #tpu.memory_space<vmem>>, vector<16xi32>,
    %get3A_524 = arith.constant 16 : index
    %get3A_525 = tpu.vector_load %arg13[%get3A_524] {strides = array<i32>} : memref<128xi32, #tpu.memory_space<vmem>>, vector<16xi32>,
    %get3A_526 = vector.shape_cast %get3A_525 : vector<16xi32> to vector<16xi32>
    %mul3A_527 = arith.muli %get3A_526, %broadcast_in_dim3A_488 : vector<16xi32>
    %sub3A_528 = arith.constant 1 : i32
    %sub3A_529 = vector.broadcast %sub3A_528 : i32 to vector<16xi32>
    %sub3A_530 = arith.subi %sub3A_529, %broadcast_in_dim3A_488 : vector<16xi32>
    %mul3A_531 = arith.muli %broadcast_in_dim3A_3, %sub3A_530 : vector<16xi32>
    %add3A_532 = arith.addi %mul3A_527, %mul3A_531 : vector<16xi32>
    %swap3A_533 = arith.constant 16 : index
    %swap3A_534 = tpu.vector_load %arg13[%swap3A_533] {strides = array<i32>} : memref<128xi32, #tpu.memory_space<vmem>>, vector<16xi32>,
    %swap3A_535 = vector.shape_cast %swap3A_534 : vector<16xi32> to vector<16xi32>
    %swap3A_536 = vector.shape_cast %add3A_532 : vector<16xi32> to vector<16xi32>
    tpu.vector_store %arg13[%swap3A_533], %swap3A_536 {strides = array<i32>} : memref<128xi32, #tpu.memory_space<vmem>>, vector<16xi32>,
    %get3A_537 = arith.constant 32 : index
    %get3A_538 = tpu.vector_load %arg12[%get3A_537] {strides = array<i32>} : memref<128xi32, #tpu.memory_space<vmem>>, vector<16xi32>,
    %get3A_539 = vector.shape_cast %get3A_538 : vector<16xi32> to vector<16xi32>
    %mul3A_540 = arith.constant 2 : i32
    %mul3A_541 = vector.broadcast %mul3A_540 : i32 to vector<16xi32>
    %mul3A_542 = arith.muli %get3A_539, %mul3A_541 : vector<16xi32>
    %add3A_543 = arith.addi %mul3A_542, %broadcast_in_dim3A_1 : vector<16xi32>
    %swap3A_544 = arith.constant 32 : index
    %swap3A_545 = tpu.vector_load %arg12[%swap3A_544] {strides = array<i32>} : memref<128xi32, #tpu.memory_space<vmem>>, vector<16xi32>,
    %swap3A_546 = vector.shape_cast %swap3A_545 : vector<16xi32> to vector<16xi32>
    %swap3A_547 = vector.shape_cast %add3A_543 : vector<16xi32> to vector<16xi32>
    tpu.vector_store %arg12[%swap3A_544], %swap3A_547 {strides = array<i32>} : memref<128xi32, #tpu.memory_space<vmem>>, vector<16xi32>,
    %get3A_548 = arith.constant 32 : index
    %get3A_549 = tpu.vector_load %arg13[%get3A_548] {strides = array<i32>} : memref<128xi32, #tpu.memory_space<vmem>>, vector<16xi32>,
    %get3A_550 = vector.shape_cast %get3A_549 : vector<16xi32> to vector<16xi32>
    %mul3A_551 = arith.muli %get3A_550, %broadcast_in_dim3A_488 : vector<16xi32>
    %sub3A_552 = arith.constant 1 : i32
    %sub3A_553 = vector.broadcast %sub3A_552 : i32 to vector<16xi32>
    %sub3A_554 = arith.subi %sub3A_553, %broadcast_in_dim3A_488 : vector<16xi32>
    %mul3A_555 = arith.muli %broadcast_in_dim3A_3, %sub3A_554 : vector<16xi32>
    %add3A_556 = arith.addi %mul3A_551, %mul3A_555 : vector<16xi32>
    %swap3A_557 = arith.constant 32 : index
    %swap3A_558 = tpu.vector_load %arg13[%swap3A_557] {strides = array<i32>} : memref<128xi32, #tpu.memory_space<vmem>>, vector<16xi32>,
    %swap3A_559 = vector.shape_cast %swap3A_558 : vector<16xi32> to vector<16xi32>
    %swap3A_560 = vector.shape_cast %add3A_556 : vector<16xi32> to vector<16xi32>
    tpu.vector_store %arg13[%swap3A_557], %swap3A_560 {strides = array<i32>} : memref<128xi32, #tpu.memory_space<vmem>>, vector<16xi32>,
    %get3A_561 = arith.constant 48 : index
    %get3A_562 = tpu.vector_load %arg12[%get3A_561] {strides = array<i32>} : memref<128xi32, #tpu.memory_space<vmem>>, vector<16xi32>,
    %get3A_563 = vector.shape_cast %get3A_562 : vector<16xi32> to vector<16xi32>
    %mul3A_564 = arith.constant 2 : i32
    %mul3A_565 = vector.broadcast %mul3A_564 : i32 to vector<16xi32>
    %mul3A_566 = arith.muli %get3A_563, %mul3A_565 : vector<16xi32>
    %add3A_567 = arith.addi %mul3A_566, %broadcast_in_dim3A_1 : vector<16xi32>
    %swap3A_568 = arith.constant 48 : index
    %swap3A_569 = tpu.vector_load %arg12[%swap3A_568] {strides = array<i32>} : memref<128xi32, #tpu.memory_space<vmem>>, vector<16xi32>,
    %swap3A_570 = vector.shape_cast %swap3A_569 : vector<16xi32> to vector<16xi32>
    %swap3A_571 = vector.shape_cast %add3A_567 : vector<16xi32> to vector<16xi32>
    tpu.vector_store %arg12[%swap3A_568], %swap3A_571 {strides = array<i32>} : memref<128xi32, #tpu.memory_space<vmem>>, vector<16xi32>,
    %get3A_572 = arith.constant 48 : index
    %get3A_573 = tpu.vector_load %arg13[%get3A_572] {strides = array<i32>} : memref<128xi32, #tpu.memory_space<vmem>>, vector<16xi32>,
    %get3A_574 = vector.shape_cast %get3A_573 : vector<16xi32> to vector<16xi32>
    %mul3A_575 = arith.muli %get3A_574, %broadcast_in_dim3A_488 : vector<16xi32>
    %sub3A_576 = arith.constant 1 : i32
    %sub3A_577 = vector.broadcast %sub3A_576 : i32 to vector<16xi32>
    %sub3A_578 = arith.subi %sub3A_577, %broadcast_in_dim3A_488 : vector<16xi32>
    %mul3A_579 = arith.muli %broadcast_in_dim3A_3, %sub3A_578 : vector<16xi32>
    %add3A_580 = arith.addi %mul3A_575, %mul3A_579 : vector<16xi32>
    %swap3A_581 = arith.constant 48 : index
    %swap3A_582 = tpu.vector_load %arg13[%swap3A_581] {strides = array<i32>} : memref<128xi32, #tpu.memory_space<vmem>>, vector<16xi32>,
    %swap3A_583 = vector.shape_cast %swap3A_582 : vector<16xi32> to vector<16xi32>
    %swap3A_584 = vector.shape_cast %add3A_580 : vector<16xi32> to vector<16xi32>
    tpu.vector_store %arg13[%swap3A_581], %swap3A_584 {strides = array<i32>} : memref<128xi32, #tpu.memory_space<vmem>>, vector<16xi32>,
    %get3A_585 = arith.constant 64 : index
    %get3A_586 = tpu.vector_load %arg12[%get3A_585] {strides = array<i32>} : memref<128xi32, #tpu.memory_space<vmem>>, vector<16xi32>,
    %get3A_587 = vector.shape_cast %get3A_586 : vector<16xi32> to vector<16xi32>
    %mul3A_588 = arith.constant 2 : i32
    %mul3A_589 = vector.broadcast %mul3A_588 : i32 to vector<16xi32>
    %mul3A_590 = arith.muli %get3A_587, %mul3A_589 : vector<16xi32>
    %add3A_591 = arith.addi %mul3A_590, %broadcast_in_dim3A_1 : vector<16xi32>
    %swap3A_592 = arith.constant 64 : index
    %swap3A_593 = tpu.vector_load %arg12[%swap3A_592] {strides = array<i32>} : memref<128xi32, #tpu.memory_space<vmem>>, vector<16xi32>,
    %swap3A_594 = vector.shape_cast %swap3A_593 : vector<16xi32> to vector<16xi32>
    %swap3A_595 = vector.shape_cast %add3A_591 : vector<16xi32> to vector<16xi32>
    tpu.vector_store %arg12[%swap3A_592], %swap3A_595 {strides = array<i32>} : memref<128xi32, #tpu.memory_space<vmem>>, vector<16xi32>,
    %get3A_596 = arith.constant 64 : index
    %get3A_597 = tpu.vector_load %arg13[%get3A_596] {strides = array<i32>} : memref<128xi32, #tpu.memory_space<vmem>>, vector<16xi32>,
    %get3A_598 = vector.shape_cast %get3A_597 : vector<16xi32> to vector<16xi32>
    %mul3A_599 = arith.muli %get3A_598, %broadcast_in_dim3A_488 : vector<16xi32>
    %sub3A_600 = arith.constant 1 : i32
    %sub3A_601 = vector.broadcast %sub3A_600 : i32 to vector<16xi32>
    %sub3A_602 = arith.subi %sub3A_601, %broadcast_in_dim3A_488 : vector<16xi32>
    %mul3A_603 = arith.muli %broadcast_in_dim3A_3, %sub3A_602 : vector<16xi32>
    %add3A_604 = arith.addi %mul3A_599, %mul3A_603 : vector<16xi32>
    %swap3A_605 = arith.constant 64 : index
    %swap3A_606 = tpu.vector_load %arg13[%swap3A_605] {strides = array<i32>} : memref<128xi32, #tpu.memory_space<vmem>>, vector<16xi32>,
    %swap3A_607 = vector.shape_cast %swap3A_606 : vector<16xi32> to vector<16xi32>
    %swap3A_608 = vector.shape_cast %add3A_604 : vector<16xi32> to vector<16xi32>
    tpu.vector_store %arg13[%swap3A_605], %swap3A_608 {strides = array<i32>} : memref<128xi32, #tpu.memory_space<vmem>>, vector<16xi32>,
    %get3A_609 = arith.constant 80 : index
    %get3A_610 = tpu.vector_load %arg12[%get3A_609] {strides = array<i32>} : memref<128xi32, #tpu.memory_space<vmem>>, vector<16xi32>,
    %get3A_611 = vector.shape_cast %get3A_610 : vector<16xi32> to vector<16xi32>
    %mul3A_612 = arith.constant 2 : i32
    %mul3A_613 = vector.broadcast %mul3A_612 : i32 to vector<16xi32>
    %mul3A_614 = arith.muli %get3A_611, %mul3A_613 : vector<16xi32>
    %add3A_615 = arith.addi %mul3A_614, %broadcast_in_dim3A_1 : vector<16xi32>
    %swap3A_616 = arith.constant 80 : index
    %swap3A_617 = tpu.vector_load %arg12[%swap3A_616] {strides = array<i32>} : memref<128xi32, #tpu.memory_space<vmem>>, vector<16xi32>,
    %swap3A_618 = vector.shape_cast %swap3A_617 : vector<16xi32> to vector<16xi32>
    %swap3A_619 = vector.shape_cast %add3A_615 : vector<16xi32> to vector<16xi32>
    tpu.vector_store %arg12[%swap3A_616], %swap3A_619 {strides = array<i32>} : memref<128xi32, #tpu.memory_space<vmem>>, vector<16xi32>,
    %get3A_620 = arith.constant 80 : index
    %get3A_621 = tpu.vector_load %arg13[%get3A_620] {strides = array<i32>} : memref<128xi32, #tpu.memory_space<vmem>>, vector<16xi32>,
    %get3A_622 = vector.shape_cast %get3A_621 : vector<16xi32> to vector<16xi32>
    %mul3A_623 = arith.muli %get3A_622, %broadcast_in_dim3A_488 : vector<16xi32>
    %sub3A_624 = arith.constant 1 : i32
    %sub3A_625 = vector.broadcast %sub3A_624 : i32 to vector<16xi32>
    %sub3A_626 = arith.subi %sub3A_625, %broadcast_in_dim3A_488 : vector<16xi32>
    %mul3A_627 = arith.muli %broadcast_in_dim3A_3, %sub3A_626 : vector<16xi32>
    %add3A_628 = arith.addi %mul3A_623, %mul3A_627 : vector<16xi32>
    %swap3A_629 = arith.constant 80 : index
    %swap3A_630 = tpu.vector_load %arg13[%swap3A_629] {strides = array<i32>} : memref<128xi32, #tpu.memory_space<vmem>>, vector<16xi32>,
    %swap3A_631 = vector.shape_cast %swap3A_630 : vector<16xi32> to vector<16xi32>
    %swap3A_632 = vector.shape_cast %add3A_628 : vector<16xi32> to vector<16xi32>
    tpu.vector_store %arg13[%swap3A_629], %swap3A_632 {strides = array<i32>} : memref<128xi32, #tpu.memory_space<vmem>>, vector<16xi32>,
    %get3A_633 = arith.constant 96 : index
    %get3A_634 = tpu.vector_load %arg12[%get3A_633] {strides = array<i32>} : memref<128xi32, #tpu.memory_space<vmem>>, vector<16xi32>,
    %get3A_635 = vector.shape_cast %get3A_634 : vector<16xi32> to vector<16xi32>
    %mul3A_636 = arith.constant 2 : i32
    %mul3A_637 = vector.broadcast %mul3A_636 : i32 to vector<16xi32>
    %mul3A_638 = arith.muli %get3A_635, %mul3A_637 : vector<16xi32>
    %add3A_639 = arith.addi %mul3A_638, %broadcast_in_dim3A_1 : vector<16xi32>
    %swap3A_640 = arith.constant 96 : index
    %swap3A_641 = tpu.vector_load %arg12[%swap3A_640] {strides = array<i32>} : memref<128xi32, #tpu.memory_space<vmem>>, vector<16xi32>,
    %swap3A_642 = vector.shape_cast %swap3A_641 : vector<16xi32> to vector<16xi32>
    %swap3A_643 = vector.shape_cast %add3A_639 : vector<16xi32> to vector<16xi32>
    tpu.vector_store %arg12[%swap3A_640], %swap3A_643 {strides = array<i32>} : memref<128xi32, #tpu.memory_space<vmem>>, vector<16xi32>,
    %get3A_644 = arith.constant 96 : index
    %get3A_645 = tpu.vector_load %arg13[%get3A_644] {strides = array<i32>} : memref<128xi32, #tpu.memory_space<vmem>>, vector<16xi32>,
    %get3A_646 = vector.shape_cast %get3A_645 : vector<16xi32> to vector<16xi32>
    %mul3A_647 = arith.muli %get3A_646, %broadcast_in_dim3A_488 : vector<16xi32>
    %sub3A_648 = arith.constant 1 : i32
    %sub3A_649 = vector.broadcast %sub3A_648 : i32 to vector<16xi32>
    %sub3A_650 = arith.subi %sub3A_649, %broadcast_in_dim3A_488 : vector<16xi32>
    %mul3A_651 = arith.muli %broadcast_in_dim3A_3, %sub3A_650 : vector<16xi32>
    %add3A_652 = arith.addi %mul3A_647, %mul3A_651 : vector<16xi32>
    %swap3A_653 = arith.constant 96 : index
    %swap3A_654 = tpu.vector_load %arg13[%swap3A_653] {strides = array<i32>} : memref<128xi32, #tpu.memory_space<vmem>>, vector<16xi32>,
    %swap3A_655 = vector.shape_cast %swap3A_654 : vector<16xi32> to vector<16xi32>
    %swap3A_656 = vector.shape_cast %add3A_652 : vector<16xi32> to vector<16xi32>
    tpu.vector_store %arg13[%swap3A_653], %swap3A_656 {strides = array<i32>} : memref<128xi32, #tpu.memory_space<vmem>>, vector<16xi32>,
    %get3A_657 = arith.constant 112 : index
    %get3A_658 = tpu.vector_load %arg12[%get3A_657] {strides = array<i32>} : memref<128xi32, #tpu.memory_space<vmem>>, vector<16xi32>,
    %get3A_659 = vector.shape_cast %get3A_658 : vector<16xi32> to vector<16xi32>
    %mul3A_660 = arith.constant 2 : i32
    %mul3A_661 = vector.broadcast %mul3A_660 : i32 to vector<16xi32>
    %mul3A_662 = arith.muli %get3A_659, %mul3A_661 : vector<16xi32>
    %add3A_663 = arith.addi %mul3A_662, %broadcast_in_dim3A_1 : vector<16xi32>
    %swap3A_664 = arith.constant 112 : index
    %swap3A_665 = tpu.vector_load %arg12[%swap3A_664] {strides = array<i32>} : memref<128xi32, #tpu.memory_space<vmem>>, vector<16xi32>,
    %swap3A_666 = vector.shape_cast %swap3A_665 : vector<16xi32> to vector<16xi32>
    %swap3A_667 = vector.shape_cast %add3A_663 : vector<16xi32> to vector<16xi32>
    tpu.vector_store %arg12[%swap3A_664], %swap3A_667 {strides = array<i32>} : memref<128xi32, #tpu.memory_space<vmem>>, vector<16xi32>,
    %get3A_668 = arith.constant 112 : index
    %get3A_669 = tpu.vector_load %arg13[%get3A_668] {strides = array<i32>} : memref<128xi32, #tpu.memory_space<vmem>>, vector<16xi32>,
    %get3A_670 = vector.shape_cast %get3A_669 : vector<16xi32> to vector<16xi32>
    %mul3A_671 = arith.muli %get3A_670, %broadcast_in_dim3A_488 : vector<16xi32>
    %sub3A_672 = arith.constant 1 : i32
    %sub3A_673 = vector.broadcast %sub3A_672 : i32 to vector<16xi32>
    %sub3A_674 = arith.subi %sub3A_673, %broadcast_in_dim3A_488 : vector<16xi32>
    %mul3A_675 = arith.muli %broadcast_in_dim3A_3, %sub3A_674 : vector<16xi32>
    %add3A_676 = arith.addi %mul3A_671, %mul3A_675 : vector<16xi32>
    %swap3A_677 = arith.constant 112 : index
    %swap3A_678 = tpu.vector_load %arg13[%swap3A_677] {strides = array<i32>} : memref<128xi32, #tpu.memory_space<vmem>>, vector<16xi32>,
    %swap3A_679 = vector.shape_cast %swap3A_678 : vector<16xi32> to vector<16xi32>
    %swap3A_680 = vector.shape_cast %add3A_676 : vector<16xi32> to vector<16xi32>
    tpu.vector_store %arg13[%swap3A_677], %swap3A_680 {strides = array<i32>} : memref<128xi32, #tpu.memory_space<vmem>>, vector<16xi32>,
    %dma_start3A_681 = arith.constant 0 : i32
    %dma_start3A_682 = arith.constant 0 : i32
    %dma_start3A_683 = tpu.memref_slice %arg2[%dma_start3A_681, %dma_start3A_682] : memref<20000x64xf32, #tpu.memory_space<hbm>> -> memref<20000x64xf32, #tpu.memory_space<hbm>>
    tpu.enqueue_indirect_dma source(%dma_start3A_683 : memref<20000x64xf32, #tpu.memory_space<hbm>>) target(%arg14 : memref<128x64xf32, #tpu.memory_space<vmem>>) offsets(%arg12 : memref<128xi32, #tpu.memory_space<vmem>>) semaphore(%arg32 : memref<!tpu.dma_semaphore, #tpu.memory_space<semaphore_mem>>)
    %dma_wait3A_684 = arith.constant 0 : i32
    %dma_wait3A_685 = arith.constant 0 : i32
    %dma_wait3A_686 = tpu.memref_slice %arg2[%dma_wait3A_684, %dma_wait3A_685] : memref<20000x64xf32, #tpu.memory_space<hbm>> -> memref<20000x64xf32, #tpu.memory_space<hbm>>
    tpu.wait_indirect_dma semaphore(%arg28 : memref<!tpu.dma_semaphore, #tpu.memory_space<semaphore_mem>>) src(%dma_wait3A_686 : memref<20000x64xf32, #tpu.memory_space<hbm>>) dst(%arg11 : memref<128x64xf32, #tpu.memory_space<vmem>>)
    %dma_start3A_687 = arith.constant 0 : i32
    %dma_start3A_688 = arith.constant 0 : i32
    %dma_start3A_689 = tpu.memref_slice %arg21[%dma_start3A_687, %dma_start3A_688] : memref<10112x64xf32, #tpu.memory_space<vmem_shared>> -> memref<10112x64xf32, #tpu.memory_space<vmem_shared>>
    tpu.enqueue_indirect_dma source(%arg11 : memref<128x64xf32, #tpu.memory_space<vmem>>) target(%dma_start3A_689 : memref<10112x64xf32, #tpu.memory_space<vmem_shared>>) offsets(%arg10 : memref<128xi32, #tpu.memory_space<vmem>>) semaphore(%arg29 : memref<!tpu.dma_semaphore, #tpu.memory_space<semaphore_mem>>) {add = true}
    %add3A_690 = arith.constant 64 : i32
    %add3A_691 = arith.addi %arg1, %add3A_690 : i32
    %min3A_692 = arith.constant 2499 : i32
    %min3A_693 = arith.minsi %add3A_691, %min3A_692 : i32
    %mul3A_694 = arith.constant 128 : i32
    %mul3A_695 = arith.muli %min3A_693, %mul3A_694 : i32
    %dma_start3A_696 = tpu.memref_slice %arg3[%mul3A_695] : memref<320000xi32, #tpu.memory_space<hbm>> -> memref<128xi32, #tpu.memory_space<hbm>>
    %dma_start3A_697 = tpu.memref_slice %arg3[%mul3A_695] : memref<320000xi32, #tpu.memory_space<hbm>> -> memref<128xi32, #tpu.memory_space<hbm>>
    tpu.enqueue_dma source(%dma_start3A_697 : memref<128xi32, #tpu.memory_space<hbm>>) target(%arg18 : memref<128xi32, #tpu.memory_space<vmem>>) target_semaphore(%arg38 : memref<!tpu.dma_semaphore, #tpu.memory_space<semaphore_mem>>)
    %add3A_698 = arith.constant 64 : i32
    %add3A_699 = arith.addi %arg1, %add3A_698 : i32
    %min3A_700 = arith.constant 2499 : i32
    %min3A_701 = arith.minsi %add3A_699, %min3A_700 : i32
    %mul3A_702 = arith.constant 128 : i32
    %mul3A_703 = arith.muli %min3A_701, %mul3A_702 : i32
    %dma_start3A_704 = tpu.memref_slice %arg4[%mul3A_703] : memref<320000xi32, #tpu.memory_space<hbm>> -> memref<128xi32, #tpu.memory_space<hbm>>
    %dma_start3A_705 = tpu.memref_slice %arg4[%mul3A_703] : memref<320000xi32, #tpu.memory_space<hbm>> -> memref<128xi32, #tpu.memory_space<hbm>>
    tpu.enqueue_dma source(%dma_start3A_705 : memref<128xi32, #tpu.memory_space<hbm>>) target(%arg19 : memref<128xi32, #tpu.memory_space<vmem>>) target_semaphore(%arg39 : memref<!tpu.dma_semaphore, #tpu.memory_space<semaphore_mem>>)
    %dma_wait3A_706 = arith.constant 0 : i32
    %dma_wait3A_707 = tpu.memref_slice %arg3[%dma_wait3A_706] : memref<320000xi32, #tpu.memory_space<hbm>> -> memref<128xi32, #tpu.memory_space<hbm>>
    %dma_wait3A_708 = arith.constant 0 : i32
    %dma_wait3A_709 = tpu.memref_slice %arg3[%dma_wait3A_708] : memref<320000xi32, #tpu.memory_space<hbm>> -> memref<128xi32, #tpu.memory_space<hbm>>
    tpu.wait_dma2 semaphore(%arg34 : memref<!tpu.dma_semaphore, #tpu.memory_space<semaphore_mem>>) src(%dma_wait3A_709 : memref<128xi32, #tpu.memory_space<hbm>>) dst(%arg15 : memref<128xi32, #tpu.memory_space<vmem>>)
    %dma_wait3A_710 = arith.constant 0 : i32
    %dma_wait3A_711 = tpu.memref_slice %arg4[%dma_wait3A_710] : memref<320000xi32, #tpu.memory_space<hbm>> -> memref<128xi32, #tpu.memory_space<hbm>>
    %dma_wait3A_712 = arith.constant 0 : i32
    %dma_wait3A_713 = tpu.memref_slice %arg4[%dma_wait3A_712] : memref<320000xi32, #tpu.memory_space<hbm>> -> memref<128xi32, #tpu.memory_space<hbm>>
    tpu.wait_dma2 semaphore(%arg35 : memref<!tpu.dma_semaphore, #tpu.memory_space<semaphore_mem>>) src(%dma_wait3A_713 : memref<128xi32, #tpu.memory_space<hbm>>) dst(%arg16 : memref<128xi32, #tpu.memory_space<vmem>>)
    %add3A_714 = arith.constant 48 : i32
    %add3A_715 = arith.addi %arg1, %add3A_714 : i32
    %lt3A_716 = arith.constant 2500 : i32
    %lt3A_717 = arith.cmpi slt, %add3A_715, %lt3A_716 : i32
    %convert_element_type3A_718 = arith.extui %lt3A_717 : i1 to i32
    %broadcast_in_dim3A_719 = vector.broadcast %convert_element_type3A_718 : i32 to vector<16xi32>
    %get3A_720 = arith.constant 0 : index
    %get3A_721 = tpu.vector_load %arg15[%get3A_720] {strides = array<i32>} : memref<128xi32, #tpu.memory_space<vmem>>, vector<16xi32>,
    %get3A_722 = vector.shape_cast %get3A_721 : vector<16xi32> to vector<16xi32>
    %mul3A_723 = arith.constant 2 : i32
    %mul3A_724 = vector.broadcast %mul3A_723 : i32 to vector<16xi32>
    %mul3A_725 = arith.muli %get3A_722, %mul3A_724 : vector<16xi32>
    %add3A_726 = arith.addi %mul3A_725, %broadcast_in_dim3A_1 : vector<16xi32>
    %swap3A_727 = arith.constant 0 : index
    %swap3A_728 = tpu.vector_load %arg15[%swap3A_727] {strides = array<i32>} : memref<128xi32, #tpu.memory_space<vmem>>, vector<16xi32>,
    %swap3A_729 = vector.shape_cast %swap3A_728 : vector<16xi32> to vector<16xi32>
    %swap3A_730 = vector.shape_cast %add3A_726 : vector<16xi32> to vector<16xi32>
    tpu.vector_store %arg15[%swap3A_727], %swap3A_730 {strides = array<i32>} : memref<128xi32, #tpu.memory_space<vmem>>, vector<16xi32>,
    %get3A_731 = arith.constant 0 : index
    %get3A_732 = tpu.vector_load %arg16[%get3A_731] {strides = array<i32>} : memref<128xi32, #tpu.memory_space<vmem>>, vector<16xi32>,
    %get3A_733 = vector.shape_cast %get3A_732 : vector<16xi32> to vector<16xi32>
    %mul3A_734 = arith.muli %get3A_733, %broadcast_in_dim3A_719 : vector<16xi32>
    %sub3A_735 = arith.constant 1 : i32
    %sub3A_736 = vector.broadcast %sub3A_735 : i32 to vector<16xi32>
    %sub3A_737 = arith.subi %sub3A_736, %broadcast_in_dim3A_719 : vector<16xi32>
    %mul3A_738 = arith.muli %broadcast_in_dim3A_3, %sub3A_737 : vector<16xi32>
    %add3A_739 = arith.addi %mul3A_734, %mul3A_738 : vector<16xi32>
    %swap3A_740 = arith.constant 0 : index
    %swap3A_741 = tpu.vector_load %arg16[%swap3A_740] {strides = array<i32>} : memref<128xi32, #tpu.memory_space<vmem>>, vector<16xi32>,
    %swap3A_742 = vector.shape_cast %swap3A_741 : vector<16xi32> to vector<16xi32>
    %swap3A_743 = vector.shape_cast %add3A_739 : vector<16xi32> to vector<16xi32>
    tpu.vector_store %arg16[%swap3A_740], %swap3A_743 {strides = array<i32>} : memref<128xi32, #tpu.memory_space<vmem>>, vector<16xi32>,
    %get3A_744 = arith.constant 16 : index
    %get3A_745 = tpu.vector_load %arg15[%get3A_744] {strides = array<i32>} : memref<128xi32, #tpu.memory_space<vmem>>, vector<16xi32>,
    %get3A_746 = vector.shape_cast %get3A_745 : vector<16xi32> to vector<16xi32>
    %mul3A_747 = arith.constant 2 : i32
    %mul3A_748 = vector.broadcast %mul3A_747 : i32 to vector<16xi32>
    %mul3A_749 = arith.muli %get3A_746, %mul3A_748 : vector<16xi32>
    %add3A_750 = arith.addi %mul3A_749, %broadcast_in_dim3A_1 : vector<16xi32>
    %swap3A_751 = arith.constant 16 : index
    %swap3A_752 = tpu.vector_load %arg15[%swap3A_751] {strides = array<i32>} : memref<128xi32, #tpu.memory_space<vmem>>, vector<16xi32>,
    %swap3A_753 = vector.shape_cast %swap3A_752 : vector<16xi32> to vector<16xi32>
    %swap3A_754 = vector.shape_cast %add3A_750 : vector<16xi32> to vector<16xi32>
    tpu.vector_store %arg15[%swap3A_751], %swap3A_754 {strides = array<i32>} : memref<128xi32, #tpu.memory_space<vmem>>, vector<16xi32>,
    %get3A_755 = arith.constant 16 : index
    %get3A_756 = tpu.vector_load %arg16[%get3A_755] {strides = array<i32>} : memref<128xi32, #tpu.memory_space<vmem>>, vector<16xi32>,
    %get3A_757 = vector.shape_cast %get3A_756 : vector<16xi32> to vector<16xi32>
    %mul3A_758 = arith.muli %get3A_757, %broadcast_in_dim3A_719 : vector<16xi32>
    %sub3A_759 = arith.constant 1 : i32
    %sub3A_760 = vector.broadcast %sub3A_759 : i32 to vector<16xi32>
    %sub3A_761 = arith.subi %sub3A_760, %broadcast_in_dim3A_719 : vector<16xi32>
    %mul3A_762 = arith.muli %broadcast_in_dim3A_3, %sub3A_761 : vector<16xi32>
    %add3A_763 = arith.addi %mul3A_758, %mul3A_762 : vector<16xi32>
    %swap3A_764 = arith.constant 16 : index
    %swap3A_765 = tpu.vector_load %arg16[%swap3A_764] {strides = array<i32>} : memref<128xi32, #tpu.memory_space<vmem>>, vector<16xi32>,
    %swap3A_766 = vector.shape_cast %swap3A_765 : vector<16xi32> to vector<16xi32>
    %swap3A_767 = vector.shape_cast %add3A_763 : vector<16xi32> to vector<16xi32>
    tpu.vector_store %arg16[%swap3A_764], %swap3A_767 {strides = array<i32>} : memref<128xi32, #tpu.memory_space<vmem>>, vector<16xi32>,
    %get3A_768 = arith.constant 32 : index
    %get3A_769 = tpu.vector_load %arg15[%get3A_768] {strides = array<i32>} : memref<128xi32, #tpu.memory_space<vmem>>, vector<16xi32>,
    %get3A_770 = vector.shape_cast %get3A_769 : vector<16xi32> to vector<16xi32>
    %mul3A_771 = arith.constant 2 : i32
    %mul3A_772 = vector.broadcast %mul3A_771 : i32 to vector<16xi32>
    %mul3A_773 = arith.muli %get3A_770, %mul3A_772 : vector<16xi32>
    %add3A_774 = arith.addi %mul3A_773, %broadcast_in_dim3A_1 : vector<16xi32>
    %swap3A_775 = arith.constant 32 : index
    %swap3A_776 = tpu.vector_load %arg15[%swap3A_775] {strides = array<i32>} : memref<128xi32, #tpu.memory_space<vmem>>, vector<16xi32>,
    %swap3A_777 = vector.shape_cast %swap3A_776 : vector<16xi32> to vector<16xi32>
    %swap3A_778 = vector.shape_cast %add3A_774 : vector<16xi32> to vector<16xi32>
    tpu.vector_store %arg15[%swap3A_775], %swap3A_778 {strides = array<i32>} : memref<128xi32, #tpu.memory_space<vmem>>, vector<16xi32>,
    %get3A_779 = arith.constant 32 : index
    %get3A_780 = tpu.vector_load %arg16[%get3A_779] {strides = array<i32>} : memref<128xi32, #tpu.memory_space<vmem>>, vector<16xi32>,
    %get3A_781 = vector.shape_cast %get3A_780 : vector<16xi32> to vector<16xi32>
    %mul3A_782 = arith.muli %get3A_781, %broadcast_in_dim3A_719 : vector<16xi32>
    %sub3A_783 = arith.constant 1 : i32
    %sub3A_784 = vector.broadcast %sub3A_783 : i32 to vector<16xi32>
    %sub3A_785 = arith.subi %sub3A_784, %broadcast_in_dim3A_719 : vector<16xi32>
    %mul3A_786 = arith.muli %broadcast_in_dim3A_3, %sub3A_785 : vector<16xi32>
    %add3A_787 = arith.addi %mul3A_782, %mul3A_786 : vector<16xi32>
    %swap3A_788 = arith.constant 32 : index
    %swap3A_789 = tpu.vector_load %arg16[%swap3A_788] {strides = array<i32>} : memref<128xi32, #tpu.memory_space<vmem>>, vector<16xi32>,
    %swap3A_790 = vector.shape_cast %swap3A_789 : vector<16xi32> to vector<16xi32>
    %swap3A_791 = vector.shape_cast %add3A_787 : vector<16xi32> to vector<16xi32>
    tpu.vector_store %arg16[%swap3A_788], %swap3A_791 {strides = array<i32>} : memref<128xi32, #tpu.memory_space<vmem>>, vector<16xi32>,
    %get3A_792 = arith.constant 48 : index
    %get3A_793 = tpu.vector_load %arg15[%get3A_792] {strides = array<i32>} : memref<128xi32, #tpu.memory_space<vmem>>, vector<16xi32>,
    %get3A_794 = vector.shape_cast %get3A_793 : vector<16xi32> to vector<16xi32>
    %mul3A_795 = arith.constant 2 : i32
    %mul3A_796 = vector.broadcast %mul3A_795 : i32 to vector<16xi32>
    %mul3A_797 = arith.muli %get3A_794, %mul3A_796 : vector<16xi32>
    %add3A_798 = arith.addi %mul3A_797, %broadcast_in_dim3A_1 : vector<16xi32>
    %swap3A_799 = arith.constant 48 : index
    %swap3A_800 = tpu.vector_load %arg15[%swap3A_799] {strides = array<i32>} : memref<128xi32, #tpu.memory_space<vmem>>, vector<16xi32>,
    %swap3A_801 = vector.shape_cast %swap3A_800 : vector<16xi32> to vector<16xi32>
    %swap3A_802 = vector.shape_cast %add3A_798 : vector<16xi32> to vector<16xi32>
    tpu.vector_store %arg15[%swap3A_799], %swap3A_802 {strides = array<i32>} : memref<128xi32, #tpu.memory_space<vmem>>, vector<16xi32>,
    %get3A_803 = arith.constant 48 : index
    %get3A_804 = tpu.vector_load %arg16[%get3A_803] {strides = array<i32>} : memref<128xi32, #tpu.memory_space<vmem>>, vector<16xi32>,
    %get3A_805 = vector.shape_cast %get3A_804 : vector<16xi32> to vector<16xi32>
    %mul3A_806 = arith.muli %get3A_805, %broadcast_in_dim3A_719 : vector<16xi32>
    %sub3A_807 = arith.constant 1 : i32
    %sub3A_808 = vector.broadcast %sub3A_807 : i32 to vector<16xi32>
    %sub3A_809 = arith.subi %sub3A_808, %broadcast_in_dim3A_719 : vector<16xi32>
    %mul3A_810 = arith.muli %broadcast_in_dim3A_3, %sub3A_809 : vector<16xi32>
    %add3A_811 = arith.addi %mul3A_806, %mul3A_810 : vector<16xi32>
    %swap3A_812 = arith.constant 48 : index
    %swap3A_813 = tpu.vector_load %arg16[%swap3A_812] {strides = array<i32>} : memref<128xi32, #tpu.memory_space<vmem>>, vector<16xi32>,
    %swap3A_814 = vector.shape_cast %swap3A_813 : vector<16xi32> to vector<16xi32>
    %swap3A_815 = vector.shape_cast %add3A_811 : vector<16xi32> to vector<16xi32>
    tpu.vector_store %arg16[%swap3A_812], %swap3A_815 {strides = array<i32>} : memref<128xi32, #tpu.memory_space<vmem>>, vector<16xi32>,
    %get3A_816 = arith.constant 64 : index
    %get3A_817 = tpu.vector_load %arg15[%get3A_816] {strides = array<i32>} : memref<128xi32, #tpu.memory_space<vmem>>, vector<16xi32>,
    %get3A_818 = vector.shape_cast %get3A_817 : vector<16xi32> to vector<16xi32>
    %mul3A_819 = arith.constant 2 : i32
    %mul3A_820 = vector.broadcast %mul3A_819 : i32 to vector<16xi32>
    %mul3A_821 = arith.muli %get3A_818, %mul3A_820 : vector<16xi32>
    %add3A_822 = arith.addi %mul3A_821, %broadcast_in_dim3A_1 : vector<16xi32>
    %swap3A_823 = arith.constant 64 : index
    %swap3A_824 = tpu.vector_load %arg15[%swap3A_823] {strides = array<i32>} : memref<128xi32, #tpu.memory_space<vmem>>, vector<16xi32>,
    %swap3A_825 = vector.shape_cast %swap3A_824 : vector<16xi32> to vector<16xi32>
    %swap3A_826 = vector.shape_cast %add3A_822 : vector<16xi32> to vector<16xi32>
    tpu.vector_store %arg15[%swap3A_823], %swap3A_826 {strides = array<i32>} : memref<128xi32, #tpu.memory_space<vmem>>, vector<16xi32>,
    %get3A_827 = arith.constant 64 : index
    %get3A_828 = tpu.vector_load %arg16[%get3A_827] {strides = array<i32>} : memref<128xi32, #tpu.memory_space<vmem>>, vector<16xi32>,
    %get3A_829 = vector.shape_cast %get3A_828 : vector<16xi32> to vector<16xi32>
    %mul3A_830 = arith.muli %get3A_829, %broadcast_in_dim3A_719 : vector<16xi32>
    %sub3A_831 = arith.constant 1 : i32
    %sub3A_832 = vector.broadcast %sub3A_831 : i32 to vector<16xi32>
    %sub3A_833 = arith.subi %sub3A_832, %broadcast_in_dim3A_719 : vector<16xi32>
    %mul3A_834 = arith.muli %broadcast_in_dim3A_3, %sub3A_833 : vector<16xi32>
    %add3A_835 = arith.addi %mul3A_830, %mul3A_834 : vector<16xi32>
    %swap3A_836 = arith.constant 64 : index
    %swap3A_837 = tpu.vector_load %arg16[%swap3A_836] {strides = array<i32>} : memref<128xi32, #tpu.memory_space<vmem>>, vector<16xi32>,
    %swap3A_838 = vector.shape_cast %swap3A_837 : vector<16xi32> to vector<16xi32>
    %swap3A_839 = vector.shape_cast %add3A_835 : vector<16xi32> to vector<16xi32>
    tpu.vector_store %arg16[%swap3A_836], %swap3A_839 {strides = array<i32>} : memref<128xi32, #tpu.memory_space<vmem>>, vector<16xi32>,
    %get3A_840 = arith.constant 80 : index
    %get3A_841 = tpu.vector_load %arg15[%get3A_840] {strides = array<i32>} : memref<128xi32, #tpu.memory_space<vmem>>, vector<16xi32>,
    %get3A_842 = vector.shape_cast %get3A_841 : vector<16xi32> to vector<16xi32>
    %mul3A_843 = arith.constant 2 : i32
    %mul3A_844 = vector.broadcast %mul3A_843 : i32 to vector<16xi32>
    %mul3A_845 = arith.muli %get3A_842, %mul3A_844 : vector<16xi32>
    %add3A_846 = arith.addi %mul3A_845, %broadcast_in_dim3A_1 : vector<16xi32>
    %swap3A_847 = arith.constant 80 : index
    %swap3A_848 = tpu.vector_load %arg15[%swap3A_847] {strides = array<i32>} : memref<128xi32, #tpu.memory_space<vmem>>, vector<16xi32>,
    %swap3A_849 = vector.shape_cast %swap3A_848 : vector<16xi32> to vector<16xi32>
    %swap3A_850 = vector.shape_cast %add3A_846 : vector<16xi32> to vector<16xi32>
    tpu.vector_store %arg15[%swap3A_847], %swap3A_850 {strides = array<i32>} : memref<128xi32, #tpu.memory_space<vmem>>, vector<16xi32>,
    %get3A_851 = arith.constant 80 : index
    %get3A_852 = tpu.vector_load %arg16[%get3A_851] {strides = array<i32>} : memref<128xi32, #tpu.memory_space<vmem>>, vector<16xi32>,
    %get3A_853 = vector.shape_cast %get3A_852 : vector<16xi32> to vector<16xi32>
    %mul3A_854 = arith.muli %get3A_853, %broadcast_in_dim3A_719 : vector<16xi32>
    %sub3A_855 = arith.constant 1 : i32
    %sub3A_856 = vector.broadcast %sub3A_855 : i32 to vector<16xi32>
    %sub3A_857 = arith.subi %sub3A_856, %broadcast_in_dim3A_719 : vector<16xi32>
    %mul3A_858 = arith.muli %broadcast_in_dim3A_3, %sub3A_857 : vector<16xi32>
    %add3A_859 = arith.addi %mul3A_854, %mul3A_858 : vector<16xi32>
    %swap3A_860 = arith.constant 80 : index
    %swap3A_861 = tpu.vector_load %arg16[%swap3A_860] {strides = array<i32>} : memref<128xi32, #tpu.memory_space<vmem>>, vector<16xi32>,
    %swap3A_862 = vector.shape_cast %swap3A_861 : vector<16xi32> to vector<16xi32>
    %swap3A_863 = vector.shape_cast %add3A_859 : vector<16xi32> to vector<16xi32>
    tpu.vector_store %arg16[%swap3A_860], %swap3A_863 {strides = array<i32>} : memref<128xi32, #tpu.memory_space<vmem>>, vector<16xi32>,
    %get3A_864 = arith.constant 96 : index
    %get3A_865 = tpu.vector_load %arg15[%get3A_864] {strides = array<i32>} : memref<128xi32, #tpu.memory_space<vmem>>, vector<16xi32>,
    %get3A_866 = vector.shape_cast %get3A_865 : vector<16xi32> to vector<16xi32>
    %mul3A_867 = arith.constant 2 : i32
    %mul3A_868 = vector.broadcast %mul3A_867 : i32 to vector<16xi32>
    %mul3A_869 = arith.muli %get3A_866, %mul3A_868 : vector<16xi32>
    %add3A_870 = arith.addi %mul3A_869, %broadcast_in_dim3A_1 : vector<16xi32>
    %swap3A_871 = arith.constant 96 : index
    %swap3A_872 = tpu.vector_load %arg15[%swap3A_871] {strides = array<i32>} : memref<128xi32, #tpu.memory_space<vmem>>, vector<16xi32>,
    %swap3A_873 = vector.shape_cast %swap3A_872 : vector<16xi32> to vector<16xi32>
    %swap3A_874 = vector.shape_cast %add3A_870 : vector<16xi32> to vector<16xi32>
    tpu.vector_store %arg15[%swap3A_871], %swap3A_874 {strides = array<i32>} : memref<128xi32, #tpu.memory_space<vmem>>, vector<16xi32>,
    %get3A_875 = arith.constant 96 : index
    %get3A_876 = tpu.vector_load %arg16[%get3A_875] {strides = array<i32>} : memref<128xi32, #tpu.memory_space<vmem>>, vector<16xi32>,
    %get3A_877 = vector.shape_cast %get3A_876 : vector<16xi32> to vector<16xi32>
    %mul3A_878 = arith.muli %get3A_877, %broadcast_in_dim3A_719 : vector<16xi32>
    %sub3A_879 = arith.constant 1 : i32
    %sub3A_880 = vector.broadcast %sub3A_879 : i32 to vector<16xi32>
    %sub3A_881 = arith.subi %sub3A_880, %broadcast_in_dim3A_719 : vector<16xi32>
    %mul3A_882 = arith.muli %broadcast_in_dim3A_3, %sub3A_881 : vector<16xi32>
    %add3A_883 = arith.addi %mul3A_878, %mul3A_882 : vector<16xi32>
    %swap3A_884 = arith.constant 96 : index
    %swap3A_885 = tpu.vector_load %arg16[%swap3A_884] {strides = array<i32>} : memref<128xi32, #tpu.memory_space<vmem>>, vector<16xi32>,
    %swap3A_886 = vector.shape_cast %swap3A_885 : vector<16xi32> to vector<16xi32>
    %swap3A_887 = vector.shape_cast %add3A_883 : vector<16xi32> to vector<16xi32>
    tpu.vector_store %arg16[%swap3A_884], %swap3A_887 {strides = array<i32>} : memref<128xi32, #tpu.memory_space<vmem>>, vector<16xi32>,
    %get3A_888 = arith.constant 112 : index
    %get3A_889 = tpu.vector_load %arg15[%get3A_888] {strides = array<i32>} : memref<128xi32, #tpu.memory_space<vmem>>, vector<16xi32>,
    %get3A_890 = vector.shape_cast %get3A_889 : vector<16xi32> to vector<16xi32>
    %mul3A_891 = arith.constant 2 : i32
    %mul3A_892 = vector.broadcast %mul3A_891 : i32 to vector<16xi32>
    %mul3A_893 = arith.muli %get3A_890, %mul3A_892 : vector<16xi32>
    %add3A_894 = arith.addi %mul3A_893, %broadcast_in_dim3A_1 : vector<16xi32>
    %swap3A_895 = arith.constant 112 : index
    %swap3A_896 = tpu.vector_load %arg15[%swap3A_895] {strides = array<i32>} : memref<128xi32, #tpu.memory_space<vmem>>, vector<16xi32>,
    %swap3A_897 = vector.shape_cast %swap3A_896 : vector<16xi32> to vector<16xi32>
    %swap3A_898 = vector.shape_cast %add3A_894 : vector<16xi32> to vector<16xi32>
    tpu.vector_store %arg15[%swap3A_895], %swap3A_898 {strides = array<i32>} : memref<128xi32, #tpu.memory_space<vmem>>, vector<16xi32>,
    %get3A_899 = arith.constant 112 : index
    %get3A_900 = tpu.vector_load %arg16[%get3A_899] {strides = array<i32>} : memref<128xi32, #tpu.memory_space<vmem>>, vector<16xi32>,
    %get3A_901 = vector.shape_cast %get3A_900 : vector<16xi32> to vector<16xi32>
    %mul3A_902 = arith.muli %get3A_901, %broadcast_in_dim3A_719 : vector<16xi32>
    %sub3A_903 = arith.constant 1 : i32
    %sub3A_904 = vector.broadcast %sub3A_903 : i32 to vector<16xi32>
    %sub3A_905 = arith.subi %sub3A_904, %broadcast_in_dim3A_719 : vector<16xi32>
    %mul3A_906 = arith.muli %broadcast_in_dim3A_3, %sub3A_905 : vector<16xi32>
    %add3A_907 = arith.addi %mul3A_902, %mul3A_906 : vector<16xi32>
    %swap3A_908 = arith.constant 112 : index
    %swap3A_909 = tpu.vector_load %arg16[%swap3A_908] {strides = array<i32>} : memref<128xi32, #tpu.memory_space<vmem>>, vector<16xi32>,
    %swap3A_910 = vector.shape_cast %swap3A_909 : vector<16xi32> to vector<16xi32>
    %swap3A_911 = vector.shape_cast %add3A_907 : vector<16xi32> to vector<16xi32>
    tpu.vector_store %arg16[%swap3A_908], %swap3A_911 {strides = array<i32>} : memref<128xi32, #tpu.memory_space<vmem>>, vector<16xi32>,
    %dma_start3A_912 = arith.constant 0 : i32
    %dma_start3A_913 = arith.constant 0 : i32
    %dma_start3A_914 = tpu.memref_slice %arg2[%dma_start3A_912, %dma_start3A_913] : memref<20000x64xf32, #tpu.memory_space<hbm>> -> memref<20000x64xf32, #tpu.memory_space<hbm>>
    tpu.enqueue_indirect_dma source(%dma_start3A_914 : memref<20000x64xf32, #tpu.memory_space<hbm>>) target(%arg17 : memref<128x64xf32, #tpu.memory_space<vmem>>) offsets(%arg15 : memref<128xi32, #tpu.memory_space<vmem>>) semaphore(%arg36 : memref<!tpu.dma_semaphore, #tpu.memory_space<semaphore_mem>>)
    %scan3A_915 = arith.constant 0 : i32
    %scan3A_916 = arith.constant 0 : i32
    %scan3A_917 = arith.constant 31 : i32
    %scan3A_918 = arith.addi %scan3A_916, %scan3A_917 : i32
    %scan3A_919 = arith.constant 1 : i32
    scf.for %scan3A_948 = %scan3A_916 to %scan3A_918 step %scan3A_919  : i32 {
      %mul3A_949 = arith.constant 5 : i32
      %mul3A_950 = arith.muli %mul3A_949, %scan3A_948 : i32
      %add3A_951 = arith.constant 2 : i32
      %add3A_952 = arith.addi %add3A_951, %mul3A_950 : i32
      %add3A_953 = arith.constant 0 : i32
      %add3A_954 = arith.addi %add3A_952, %add3A_953 : i32
      %dma_wait3A_955 = arith.constant 0 : i32
      %dma_wait3A_956 = arith.constant 0 : i32
      %dma_wait3A_957 = tpu.memref_slice %arg2[%dma_wait3A_955, %dma_wait3A_956] : memref<20000x64xf32, #tpu.memory_space<hbm>> -> memref<20000x64xf32, #tpu.memory_space<hbm>>
      tpu.wait_indirect_dma semaphore(%arg32 : memref<!tpu.dma_semaphore, #tpu.memory_space<semaphore_mem>>) src(%dma_wait3A_957 : memref<20000x64xf32, #tpu.memory_space<hbm>>) dst(%arg14 : memref<128x64xf32, #tpu.memory_space<vmem>>)
      %dma_start3A_958 = arith.constant 0 : i32
      %dma_start3A_959 = arith.constant 0 : i32
      %dma_start3A_960 = tpu.memref_slice %arg21[%dma_start3A_958, %dma_start3A_959] : memref<10112x64xf32, #tpu.memory_space<vmem_shared>> -> memref<10112x64xf32, #tpu.memory_space<vmem_shared>>
      tpu.enqueue_indirect_dma source(%arg14 : memref<128x64xf32, #tpu.memory_space<vmem>>) target(%dma_start3A_960 : memref<10112x64xf32, #tpu.memory_space<vmem_shared>>) offsets(%arg13 : memref<128xi32, #tpu.memory_space<vmem>>) semaphore(%arg33 : memref<!tpu.dma_semaphore, #tpu.memory_space<semaphore_mem>>) {add = true}
      %dma_wait3A_961 = arith.constant 0 : i32
      %dma_wait3A_962 = arith.constant 0 : i32
      %dma_wait3A_963 = tpu.memref_slice %arg21[%dma_wait3A_961, %dma_wait3A_962] : memref<10112x64xf32, #tpu.memory_space<vmem_shared>> -> memref<10112x64xf32, #tpu.memory_space<vmem_shared>>
      tpu.wait_indirect_dma semaphore(%arg25 : memref<!tpu.dma_semaphore, #tpu.memory_space<semaphore_mem>>) src(%arg8 : memref<128x64xf32, #tpu.memory_space<vmem>>) dst(%dma_wait3A_963 : memref<10112x64xf32, #tpu.memory_space<vmem_shared>>)
      %add3A_964 = arith.constant 3 : i32
      %add3A_965 = arith.addi %add3A_954, %add3A_964 : i32
      %mul3A_966 = arith.constant 16 : i32
      %mul3A_967 = arith.muli %mul3A_966, %add3A_965 : i32
      %add3A_968 = arith.addi %arg1, %mul3A_967 : i32
      %min3A_969 = arith.constant 2499 : i32
      %min3A_970 = arith.minsi %add3A_968, %min3A_969 : i32
      %mul3A_971 = arith.constant 128 : i32
      %mul3A_972 = arith.muli %min3A_970, %mul3A_971 : i32
      %dma_start3A_973 = tpu.memref_slice %arg3[%mul3A_972] : memref<320000xi32, #tpu.memory_space<hbm>> -> memref<128xi32, #tpu.memory_space<hbm>>
      %dma_start3A_974 = tpu.memref_slice %arg3[%mul3A_972] : memref<320000xi32, #tpu.memory_space<hbm>> -> memref<128xi32, #tpu.memory_space<hbm>>
      tpu.enqueue_dma source(%dma_start3A_974 : memref<128xi32, #tpu.memory_space<hbm>>) target(%arg6 : memref<128xi32, #tpu.memory_space<vmem>>) target_semaphore(%arg22 : memref<!tpu.dma_semaphore, #tpu.memory_space<semaphore_mem>>)
      %mul3A_975 = arith.constant 16 : i32
      %mul3A_976 = arith.muli %mul3A_975, %add3A_965 : i32
      %add3A_977 = arith.addi %arg1, %mul3A_976 : i32
      %min3A_978 = arith.constant 2499 : i32
      %min3A_979 = arith.minsi %add3A_977, %min3A_978 : i32
      %mul3A_980 = arith.constant 128 : i32
      %mul3A_981 = arith.muli %min3A_979, %mul3A_980 : i32
      %dma_start3A_982 = tpu.memref_slice %arg4[%mul3A_981] : memref<320000xi32, #tpu.memory_space<hbm>> -> memref<128xi32, #tpu.memory_space<hbm>>
      %dma_start3A_983 = tpu.memref_slice %arg4[%mul3A_981] : memref<320000xi32, #tpu.memory_space<hbm>> -> memref<128xi32, #tpu.memory_space<hbm>>
      tpu.enqueue_dma source(%dma_start3A_983 : memref<128xi32, #tpu.memory_space<hbm>>) target(%arg7 : memref<128xi32, #tpu.memory_space<vmem>>) target_semaphore(%arg23 : memref<!tpu.dma_semaphore, #tpu.memory_space<semaphore_mem>>)
      %dma_wait3A_984 = arith.constant 0 : i32
      %dma_wait3A_985 = tpu.memref_slice %arg3[%dma_wait3A_984] : memref<320000xi32, #tpu.memory_space<hbm>> -> memref<128xi32, #tpu.memory_space<hbm>>
      %dma_wait3A_986 = arith.constant 0 : i32
      %dma_wait3A_987 = tpu.memref_slice %arg3[%dma_wait3A_986] : memref<320000xi32, #tpu.memory_space<hbm>> -> memref<128xi32, #tpu.memory_space<hbm>>
      tpu.wait_dma2 semaphore(%arg38 : memref<!tpu.dma_semaphore, #tpu.memory_space<semaphore_mem>>) src(%dma_wait3A_987 : memref<128xi32, #tpu.memory_space<hbm>>) dst(%arg18 : memref<128xi32, #tpu.memory_space<vmem>>)
      %dma_wait3A_988 = arith.constant 0 : i32
      %dma_wait3A_989 = tpu.memref_slice %arg4[%dma_wait3A_988] : memref<320000xi32, #tpu.memory_space<hbm>> -> memref<128xi32, #tpu.memory_space<hbm>>
      %dma_wait3A_990 = arith.constant 0 : i32
      %dma_wait3A_991 = tpu.memref_slice %arg4[%dma_wait3A_990] : memref<320000xi32, #tpu.memory_space<hbm>> -> memref<128xi32, #tpu.memory_space<hbm>>
      tpu.wait_dma2 semaphore(%arg39 : memref<!tpu.dma_semaphore, #tpu.memory_space<semaphore_mem>>) src(%dma_wait3A_991 : memref<128xi32, #tpu.memory_space<hbm>>) dst(%arg19 : memref<128xi32, #tpu.memory_space<vmem>>)
      %add3A_992 = arith.constant 2 : i32
      %add3A_993 = arith.addi %add3A_954, %add3A_992 : i32
      %mul3A_994 = arith.constant 16 : i32
      %mul3A_995 = arith.muli %mul3A_994, %add3A_993 : i32
      %add3A_996 = arith.addi %arg1, %mul3A_995 : i32
      %lt3A_997 = arith.constant 2500 : i32
      %lt3A_998 = arith.cmpi slt, %add3A_996, %lt3A_997 : i32
      %convert_element_type3A_999 = arith.extui %lt3A_998 : i1 to i32
      %broadcast_in_dim3A_1000 = vector.broadcast %convert_element_type3A_999 : i32 to vector<16xi32>
      %get3A_1001 = arith.constant 0 : index
      %get3A_1002 = tpu.vector_load %arg18[%get3A_1001] {strides = array<i32>} : memref<128xi32, #tpu.memory_space<vmem>>, vector<16xi32>,
      %get3A_1003 = vector.shape_cast %get3A_1002 : vector<16xi32> to vector<16xi32>
      %mul3A_1004 = arith.constant 2 : i32
      %mul3A_1005 = vector.broadcast %mul3A_1004 : i32 to vector<16xi32>
      %mul3A_1006 = arith.muli %get3A_1003, %mul3A_1005 : vector<16xi32>
      %add3A_1007 = arith.addi %mul3A_1006, %broadcast_in_dim3A_1 : vector<16xi32>
      %swap3A_1008 = arith.constant 0 : index
      %swap3A_1009 = tpu.vector_load %arg18[%swap3A_1008] {strides = array<i32>} : memref<128xi32, #tpu.memory_space<vmem>>, vector<16xi32>,
      %swap3A_1010 = vector.shape_cast %swap3A_1009 : vector<16xi32> to vector<16xi32>
      %swap3A_1011 = vector.shape_cast %add3A_1007 : vector<16xi32> to vector<16xi32>
      tpu.vector_store %arg18[%swap3A_1008], %swap3A_1011 {strides = array<i32>} : memref<128xi32, #tpu.memory_space<vmem>>, vector<16xi32>,
      %get3A_1012 = arith.constant 0 : index
      %get3A_1013 = tpu.vector_load %arg19[%get3A_1012] {strides = array<i32>} : memref<128xi32, #tpu.memory_space<vmem>>, vector<16xi32>,
      %get3A_1014 = vector.shape_cast %get3A_1013 : vector<16xi32> to vector<16xi32>
      %mul3A_1015 = arith.muli %get3A_1014, %broadcast_in_dim3A_1000 : vector<16xi32>
      %sub3A_1016 = arith.constant 1 : i32
      %sub3A_1017 = vector.broadcast %sub3A_1016 : i32 to vector<16xi32>
      %sub3A_1018 = arith.subi %sub3A_1017, %broadcast_in_dim3A_1000 : vector<16xi32>
      %mul3A_1019 = arith.muli %broadcast_in_dim3A_3, %sub3A_1018 : vector<16xi32>
      %add3A_1020 = arith.addi %mul3A_1015, %mul3A_1019 : vector<16xi32>
      %swap3A_1021 = arith.constant 0 : index
      %swap3A_1022 = tpu.vector_load %arg19[%swap3A_1021] {strides = array<i32>} : memref<128xi32, #tpu.memory_space<vmem>>, vector<16xi32>,
      %swap3A_1023 = vector.shape_cast %swap3A_1022 : vector<16xi32> to vector<16xi32>
      %swap3A_1024 = vector.shape_cast %add3A_1020 : vector<16xi32> to vector<16xi32>
      tpu.vector_store %arg19[%swap3A_1021], %swap3A_1024 {strides = array<i32>} : memref<128xi32, #tpu.memory_space<vmem>>, vector<16xi32>,
      %get3A_1025 = arith.constant 16 : index
      %get3A_1026 = tpu.vector_load %arg18[%get3A_1025] {strides = array<i32>} : memref<128xi32, #tpu.memory_space<vmem>>, vector<16xi32>,
      %get3A_1027 = vector.shape_cast %get3A_1026 : vector<16xi32> to vector<16xi32>
      %mul3A_1028 = arith.constant 2 : i32
      %mul3A_1029 = vector.broadcast %mul3A_1028 : i32 to vector<16xi32>
      %mul3A_1030 = arith.muli %get3A_1027, %mul3A_1029 : vector<16xi32>
      %add3A_1031 = arith.addi %mul3A_1030, %broadcast_in_dim3A_1 : vector<16xi32>
      %swap3A_1032 = arith.constant 16 : index
      %swap3A_1033 = tpu.vector_load %arg18[%swap3A_1032] {strides = array<i32>} : memref<128xi32, #tpu.memory_space<vmem>>, vector<16xi32>,
      %swap3A_1034 = vector.shape_cast %swap3A_1033 : vector<16xi32> to vector<16xi32>
      %swap3A_1035 = vector.shape_cast %add3A_1031 : vector<16xi32> to vector<16xi32>
      tpu.vector_store %arg18[%swap3A_1032], %swap3A_1035 {strides = array<i32>} : memref<128xi32, #tpu.memory_space<vmem>>, vector<16xi32>,
      %get3A_1036 = arith.constant 16 : index
      %get3A_1037 = tpu.vector_load %arg19[%get3A_1036] {strides = array<i32>} : memref<128xi32, #tpu.memory_space<vmem>>, vector<16xi32>,
      %get3A_1038 = vector.shape_cast %get3A_1037 : vector<16xi32> to vector<16xi32>
      %mul3A_1039 = arith.muli %get3A_1038, %broadcast_in_dim3A_1000 : vector<16xi32>
      %sub3A_1040 = arith.constant 1 : i32
      %sub3A_1041 = vector.broadcast %sub3A_1040 : i32 to vector<16xi32>
      %sub3A_1042 = arith.subi %sub3A_1041, %broadcast_in_dim3A_1000 : vector<16xi32>
      %mul3A_1043 = arith.muli %broadcast_in_dim3A_3, %sub3A_1042 : vector<16xi32>
      %add3A_1044 = arith.addi %mul3A_1039, %mul3A_1043 : vector<16xi32>
      %swap3A_1045 = arith.constant 16 : index
      %swap3A_1046 = tpu.vector_load %arg19[%swap3A_1045] {strides = array<i32>} : memref<128xi32, #tpu.memory_space<vmem>>, vector<16xi32>,
      %swap3A_1047 = vector.shape_cast %swap3A_1046 : vector<16xi32> to vector<16xi32>
      %swap3A_1048 = vector.shape_cast %add3A_1044 : vector<16xi32> to vector<16xi32>
      tpu.vector_store %arg19[%swap3A_1045], %swap3A_1048 {strides = array<i32>} : memref<128xi32, #tpu.memory_space<vmem>>, vector<16xi32>,
      %get3A_1049 = arith.constant 32 : index
      %get3A_1050 = tpu.vector_load %arg18[%get3A_1049] {strides = array<i32>} : memref<128xi32, #tpu.memory_space<vmem>>, vector<16xi32>,
      %get3A_1051 = vector.shape_cast %get3A_1050 : vector<16xi32> to vector<16xi32>
      %mul3A_1052 = arith.constant 2 : i32
      %mul3A_1053 = vector.broadcast %mul3A_1052 : i32 to vector<16xi32>
      %mul3A_1054 = arith.muli %get3A_1051, %mul3A_1053 : vector<16xi32>
      %add3A_1055 = arith.addi %mul3A_1054, %broadcast_in_dim3A_1 : vector<16xi32>
      %swap3A_1056 = arith.constant 32 : index
      %swap3A_1057 = tpu.vector_load %arg18[%swap3A_1056] {strides = array<i32>} : memref<128xi32, #tpu.memory_space<vmem>>, vector<16xi32>,
      %swap3A_1058 = vector.shape_cast %swap3A_1057 : vector<16xi32> to vector<16xi32>
      %swap3A_1059 = vector.shape_cast %add3A_1055 : vector<16xi32> to vector<16xi32>
      tpu.vector_store %arg18[%swap3A_1056], %swap3A_1059 {strides = array<i32>} : memref<128xi32, #tpu.memory_space<vmem>>, vector<16xi32>,
      %get3A_1060 = arith.constant 32 : index
      %get3A_1061 = tpu.vector_load %arg19[%get3A_1060] {strides = array<i32>} : memref<128xi32, #tpu.memory_space<vmem>>, vector<16xi32>,
      %get3A_1062 = vector.shape_cast %get3A_1061 : vector<16xi32> to vector<16xi32>
      %mul3A_1063 = arith.muli %get3A_1062, %broadcast_in_dim3A_1000 : vector<16xi32>
      %sub3A_1064 = arith.constant 1 : i32
      %sub3A_1065 = vector.broadcast %sub3A_1064 : i32 to vector<16xi32>
      %sub3A_1066 = arith.subi %sub3A_1065, %broadcast_in_dim3A_1000 : vector<16xi32>
      %mul3A_1067 = arith.muli %broadcast_in_dim3A_3, %sub3A_1066 : vector<16xi32>
      %add3A_1068 = arith.addi %mul3A_1063, %mul3A_1067 : vector<16xi32>
      %swap3A_1069 = arith.constant 32 : index
      %swap3A_1070 = tpu.vector_load %arg19[%swap3A_1069] {strides = array<i32>} : memref<128xi32, #tpu.memory_space<vmem>>, vector<16xi32>,
      %swap3A_1071 = vector.shape_cast %swap3A_1070 : vector<16xi32> to vector<16xi32>
      %swap3A_1072 = vector.shape_cast %add3A_1068 : vector<16xi32> to vector<16xi32>
      tpu.vector_store %arg19[%swap3A_1069], %swap3A_1072 {strides = array<i32>} : memref<128xi32, #tpu.memory_space<vmem>>, vector<16xi32>,
      %get3A_1073 = arith.constant 48 : index
      %get3A_1074 = tpu.vector_load %arg18[%get3A_1073] {strides = array<i32>} : memref<128xi32, #tpu.memory_space<vmem>>, vector<16xi32>,
      %get3A_1075 = vector.shape_cast %get3A_1074 : vector<16xi32> to vector<16xi32>
      %mul3A_1076 = arith.constant 2 : i32
      %mul3A_1077 = vector.broadcast %mul3A_1076 : i32 to vector<16xi32>
      %mul3A_1078 = arith.muli %get3A_1075, %mul3A_1077 : vector<16xi32>
      %add3A_1079 = arith.addi %mul3A_1078, %broadcast_in_dim3A_1 : vector<16xi32>
      %swap3A_1080 = arith.constant 48 : index
      %swap3A_1081 = tpu.vector_load %arg18[%swap3A_1080] {strides = array<i32>} : memref<128xi32, #tpu.memory_space<vmem>>, vector<16xi32>,
      %swap3A_1082 = vector.shape_cast %swap3A_1081 : vector<16xi32> to vector<16xi32>
      %swap3A_1083 = vector.shape_cast %add3A_1079 : vector<16xi32> to vector<16xi32>
      tpu.vector_store %arg18[%swap3A_1080], %swap3A_1083 {strides = array<i32>} : memref<128xi32, #tpu.memory_space<vmem>>, vector<16xi32>,
      %get3A_1084 = arith.constant 48 : index
      %get3A_1085 = tpu.vector_load %arg19[%get3A_1084] {strides = array<i32>} : memref<128xi32, #tpu.memory_space<vmem>>, vector<16xi32>,
      %get3A_1086 = vector.shape_cast %get3A_1085 : vector<16xi32> to vector<16xi32>
      %mul3A_1087 = arith.muli %get3A_1086, %broadcast_in_dim3A_1000 : vector<16xi32>
      %sub3A_1088 = arith.constant 1 : i32
      %sub3A_1089 = vector.broadcast %sub3A_1088 : i32 to vector<16xi32>
      %sub3A_1090 = arith.subi %sub3A_1089, %broadcast_in_dim3A_1000 : vector<16xi32>
      %mul3A_1091 = arith.muli %broadcast_in_dim3A_3, %sub3A_1090 : vector<16xi32>
      %add3A_1092 = arith.addi %mul3A_1087, %mul3A_1091 : vector<16xi32>
      %swap3A_1093 = arith.constant 48 : index
      %swap3A_1094 = tpu.vector_load %arg19[%swap3A_1093] {strides = array<i32>} : memref<128xi32, #tpu.memory_space<vmem>>, vector<16xi32>,
      %swap3A_1095 = vector.shape_cast %swap3A_1094 : vector<16xi32> to vector<16xi32>
      %swap3A_1096 = vector.shape_cast %add3A_1092 : vector<16xi32> to vector<16xi32>
      tpu.vector_store %arg19[%swap3A_1093], %swap3A_1096 {strides = array<i32>} : memref<128xi32, #tpu.memory_space<vmem>>, vector<16xi32>,
      %get3A_1097 = arith.constant 64 : index
      %get3A_1098 = tpu.vector_load %arg18[%get3A_1097] {strides = array<i32>} : memref<128xi32, #tpu.memory_space<vmem>>, vector<16xi32>,
      %get3A_1099 = vector.shape_cast %get3A_1098 : vector<16xi32> to vector<16xi32>
      %mul3A_1100 = arith.constant 2 : i32
      %mul3A_1101 = vector.broadcast %mul3A_1100 : i32 to vector<16xi32>
      %mul3A_1102 = arith.muli %get3A_1099, %mul3A_1101 : vector<16xi32>
      %add3A_1103 = arith.addi %mul3A_1102, %broadcast_in_dim3A_1 : vector<16xi32>
      %swap3A_1104 = arith.constant 64 : index
      %swap3A_1105 = tpu.vector_load %arg18[%swap3A_1104] {strides = array<i32>} : memref<128xi32, #tpu.memory_space<vmem>>, vector<16xi32>,
      %swap3A_1106 = vector.shape_cast %swap3A_1105 : vector<16xi32> to vector<16xi32>
      %swap3A_1107 = vector.shape_cast %add3A_1103 : vector<16xi32> to vector<16xi32>
      tpu.vector_store %arg18[%swap3A_1104], %swap3A_1107 {strides = array<i32>} : memref<128xi32, #tpu.memory_space<vmem>>, vector<16xi32>,
      %get3A_1108 = arith.constant 64 : index
      %get3A_1109 = tpu.vector_load %arg19[%get3A_1108] {strides = array<i32>} : memref<128xi32, #tpu.memory_space<vmem>>, vector<16xi32>,
      %get3A_1110 = vector.shape_cast %get3A_1109 : vector<16xi32> to vector<16xi32>
      %mul3A_1111 = arith.muli %get3A_1110, %broadcast_in_dim3A_1000 : vector<16xi32>
      %sub3A_1112 = arith.constant 1 : i32
      %sub3A_1113 = vector.broadcast %sub3A_1112 : i32 to vector<16xi32>
      %sub3A_1114 = arith.subi %sub3A_1113, %broadcast_in_dim3A_1000 : vector<16xi32>
      %mul3A_1115 = arith.muli %broadcast_in_dim3A_3, %sub3A_1114 : vector<16xi32>
      %add3A_1116 = arith.addi %mul3A_1111, %mul3A_1115 : vector<16xi32>
      %swap3A_1117 = arith.constant 64 : index
      %swap3A_1118 = tpu.vector_load %arg19[%swap3A_1117] {strides = array<i32>} : memref<128xi32, #tpu.memory_space<vmem>>, vector<16xi32>,
      %swap3A_1119 = vector.shape_cast %swap3A_1118 : vector<16xi32> to vector<16xi32>
      %swap3A_1120 = vector.shape_cast %add3A_1116 : vector<16xi32> to vector<16xi32>
      tpu.vector_store %arg19[%swap3A_1117], %swap3A_1120 {strides = array<i32>} : memref<128xi32, #tpu.memory_space<vmem>>, vector<16xi32>,
      %get3A_1121 = arith.constant 80 : index
      %get3A_1122 = tpu.vector_load %arg18[%get3A_1121] {strides = array<i32>} : memref<128xi32, #tpu.memory_space<vmem>>, vector<16xi32>,
      %get3A_1123 = vector.shape_cast %get3A_1122 : vector<16xi32> to vector<16xi32>
      %mul3A_1124 = arith.constant 2 : i32
      %mul3A_1125 = vector.broadcast %mul3A_1124 : i32 to vector<16xi32>
      %mul3A_1126 = arith.muli %get3A_1123, %mul3A_1125 : vector<16xi32>
      %add3A_1127 = arith.addi %mul3A_1126, %broadcast_in_dim3A_1 : vector<16xi32>
      %swap3A_1128 = arith.constant 80 : index
      %swap3A_1129 = tpu.vector_load %arg18[%swap3A_1128] {strides = array<i32>} : memref<128xi32, #tpu.memory_space<vmem>>, vector<16xi32>,
      %swap3A_1130 = vector.shape_cast %swap3A_1129 : vector<16xi32> to vector<16xi32>
      %swap3A_1131 = vector.shape_cast %add3A_1127 : vector<16xi32> to vector<16xi32>
      tpu.vector_store %arg18[%swap3A_1128], %swap3A_1131 {strides = array<i32>} : memref<128xi32, #tpu.memory_space<vmem>>, vector<16xi32>,
      %get3A_1132 = arith.constant 80 : index
      %get3A_1133 = tpu.vector_load %arg19[%get3A_1132] {strides = array<i32>} : memref<128xi32, #tpu.memory_space<vmem>>, vector<16xi32>,
      %get3A_1134 = vector.shape_cast %get3A_1133 : vector<16xi32> to vector<16xi32>
      %mul3A_1135 = arith.muli %get3A_1134, %broadcast_in_dim3A_1000 : vector<16xi32>
      %sub3A_1136 = arith.constant 1 : i32
      %sub3A_1137 = vector.broadcast %sub3A_1136 : i32 to vector<16xi32>
      %sub3A_1138 = arith.subi %sub3A_1137, %broadcast_in_dim3A_1000 : vector<16xi32>
      %mul3A_1139 = arith.muli %broadcast_in_dim3A_3, %sub3A_1138 : vector<16xi32>
      %add3A_1140 = arith.addi %mul3A_1135, %mul3A_1139 : vector<16xi32>
      %swap3A_1141 = arith.constant 80 : index
      %swap3A_1142 = tpu.vector_load %arg19[%swap3A_1141] {strides = array<i32>} : memref<128xi32, #tpu.memory_space<vmem>>, vector<16xi32>,
      %swap3A_1143 = vector.shape_cast %swap3A_1142 : vector<16xi32> to vector<16xi32>
      %swap3A_1144 = vector.shape_cast %add3A_1140 : vector<16xi32> to vector<16xi32>
      tpu.vector_store %arg19[%swap3A_1141], %swap3A_1144 {strides = array<i32>} : memref<128xi32, #tpu.memory_space<vmem>>, vector<16xi32>,
      %get3A_1145 = arith.constant 96 : index
      %get3A_1146 = tpu.vector_load %arg18[%get3A_1145] {strides = array<i32>} : memref<128xi32, #tpu.memory_space<vmem>>, vector<16xi32>,
      %get3A_1147 = vector.shape_cast %get3A_1146 : vector<16xi32> to vector<16xi32>
      %mul3A_1148 = arith.constant 2 : i32
      %mul3A_1149 = vector.broadcast %mul3A_1148 : i32 to vector<16xi32>
      %mul3A_1150 = arith.muli %get3A_1147, %mul3A_1149 : vector<16xi32>
      %add3A_1151 = arith.addi %mul3A_1150, %broadcast_in_dim3A_1 : vector<16xi32>
      %swap3A_1152 = arith.constant 96 : index
      %swap3A_1153 = tpu.vector_load %arg18[%swap3A_1152] {strides = array<i32>} : memref<128xi32, #tpu.memory_space<vmem>>, vector<16xi32>,
      %swap3A_1154 = vector.shape_cast %swap3A_1153 : vector<16xi32> to vector<16xi32>
      %swap3A_1155 = vector.shape_cast %add3A_1151 : vector<16xi32> to vector<16xi32>
      tpu.vector_store %arg18[%swap3A_1152], %swap3A_1155 {strides = array<i32>} : memref<128xi32, #tpu.memory_space<vmem>>, vector<16xi32>,
      %get3A_1156 = arith.constant 96 : index
      %get3A_1157 = tpu.vector_load %arg19[%get3A_1156] {strides = array<i32>} : memref<128xi32, #tpu.memory_space<vmem>>, vector<16xi32>,
      %get3A_1158 = vector.shape_cast %get3A_1157 : vector<16xi32> to vector<16xi32>
      %mul3A_1159 = arith.muli %get3A_1158, %broadcast_in_dim3A_1000 : vector<16xi32>
      %sub3A_1160 = arith.constant 1 : i32
      %sub3A_1161 = vector.broadcast %sub3A_1160 : i32 to vector<16xi32>
      %sub3A_1162 = arith.subi %sub3A_1161, %broadcast_in_dim3A_1000 : vector<16xi32>
      %mul3A_1163 = arith.muli %broadcast_in_dim3A_3, %sub3A_1162 : vector<16xi32>
      %add3A_1164 = arith.addi %mul3A_1159, %mul3A_1163 : vector<16xi32>
      %swap3A_1165 = arith.constant 96 : index
      %swap3A_1166 = tpu.vector_load %arg19[%swap3A_1165] {strides = array<i32>} : memref<128xi32, #tpu.memory_space<vmem>>, vector<16xi32>,
      %swap3A_1167 = vector.shape_cast %swap3A_1166 : vector<16xi32> to vector<16xi32>
      %swap3A_1168 = vector.shape_cast %add3A_1164 : vector<16xi32> to vector<16xi32>
      tpu.vector_store %arg19[%swap3A_1165], %swap3A_1168 {strides = array<i32>} : memref<128xi32, #tpu.memory_space<vmem>>, vector<16xi32>,
      %get3A_1169 = arith.constant 112 : index
      %get3A_1170 = tpu.vector_load %arg18[%get3A_1169] {strides = array<i32>} : memref<128xi32, #tpu.memory_space<vmem>>, vector<16xi32>,
      %get3A_1171 = vector.shape_cast %get3A_1170 : vector<16xi32> to vector<16xi32>
      %mul3A_1172 = arith.constant 2 : i32
      %mul3A_1173 = vector.broadcast %mul3A_1172 : i32 to vector<16xi32>
      %mul3A_1174 = arith.muli %get3A_1171, %mul3A_1173 : vector<16xi32>
      %add3A_1175 = arith.addi %mul3A_1174, %broadcast_in_dim3A_1 : vector<16xi32>
      %swap3A_1176 = arith.constant 112 : index
      %swap3A_1177 = tpu.vector_load %arg18[%swap3A_1176] {strides = array<i32>} : memref<128xi32, #tpu.memory_space<vmem>>, vector<16xi32>,
      %swap3A_1178 = vector.shape_cast %swap3A_1177 : vector<16xi32> to vector<16xi32>
      %swap3A_1179 = vector.shape_cast %add3A_1175 : vector<16xi32> to vector<16xi32>
      tpu.vector_store %arg18[%swap3A_1176], %swap3A_1179 {strides = array<i32>} : memref<128xi32, #tpu.memory_space<vmem>>, vector<16xi32>,
      %get3A_1180 = arith.constant 112 : index
      %get3A_1181 = tpu.vector_load %arg19[%get3A_1180] {strides = array<i32>} : memref<128xi32, #tpu.memory_space<vmem>>, vector<16xi32>,
      %get3A_1182 = vector.shape_cast %get3A_1181 : vector<16xi32> to vector<16xi32>
      %mul3A_1183 = arith.muli %get3A_1182, %broadcast_in_dim3A_1000 : vector<16xi32>
      %sub3A_1184 = arith.constant 1 : i32
      %sub3A_1185 = vector.broadcast %sub3A_1184 : i32 to vector<16xi32>
      %sub3A_1186 = arith.subi %sub3A_1185, %broadcast_in_dim3A_1000 : vector<16xi32>
      %mul3A_1187 = arith.muli %broadcast_in_dim3A_3, %sub3A_1186 : vector<16xi32>
      %add3A_1188 = arith.addi %mul3A_1183, %mul3A_1187 : vector<16xi32>
      %swap3A_1189 = arith.constant 112 : index
      %swap3A_1190 = tpu.vector_load %arg19[%swap3A_1189] {strides = array<i32>} : memref<128xi32, #tpu.memory_space<vmem>>, vector<16xi32>,
      %swap3A_1191 = vector.shape_cast %swap3A_1190 : vector<16xi32> to vector<16xi32>
      %swap3A_1192 = vector.shape_cast %add3A_1188 : vector<16xi32> to vector<16xi32>
      tpu.vector_store %arg19[%swap3A_1189], %swap3A_1192 {strides = array<i32>} : memref<128xi32, #tpu.memory_space<vmem>>, vector<16xi32>,
      %dma_start3A_1193 = arith.constant 0 : i32
      %dma_start3A_1194 = arith.constant 0 : i32
      %dma_start3A_1195 = tpu.memref_slice %arg2[%dma_start3A_1193, %dma_start3A_1194] : memref<20000x64xf32, #tpu.memory_space<hbm>> -> memref<20000x64xf32, #tpu.memory_space<hbm>>
      tpu.enqueue_indirect_dma source(%dma_start3A_1195 : memref<20000x64xf32, #tpu.memory_space<hbm>>) target(%arg20 : memref<128x64xf32, #tpu.memory_space<vmem>>) offsets(%arg18 : memref<128xi32, #tpu.memory_space<vmem>>) semaphore(%arg40 : memref<!tpu.dma_semaphore, #tpu.memory_space<semaphore_mem>>)
      %add3A_1196 = arith.constant 1 : i32
      %add3A_1197 = arith.addi %add3A_952, %add3A_1196 : i32
      %dma_wait3A_1198 = arith.constant 0 : i32
      %dma_wait3A_1199 = arith.constant 0 : i32
      %dma_wait3A_1200 = tpu.memref_slice %arg2[%dma_wait3A_1198, %dma_wait3A_1199] : memref<20000x64xf32, #tpu.memory_space<hbm>> -> memref<20000x64xf32, #tpu.memory_space<hbm>>
      tpu.wait_indirect_dma semaphore(%arg36 : memref<!tpu.dma_semaphore, #tpu.memory_space<semaphore_mem>>) src(%dma_wait3A_1200 : memref<20000x64xf32, #tpu.memory_space<hbm>>) dst(%arg17 : memref<128x64xf32, #tpu.memory_space<vmem>>)
      %dma_start3A_1201 = arith.constant 0 : i32
      %dma_start3A_1202 = arith.constant 0 : i32
      %dma_start3A_1203 = tpu.memref_slice %arg21[%dma_start3A_1201, %dma_start3A_1202] : memref<10112x64xf32, #tpu.memory_space<vmem_shared>> -> memref<10112x64xf32, #tpu.memory_space<vmem_shared>>
      tpu.enqueue_indirect_dma source(%arg17 : memref<128x64xf32, #tpu.memory_space<vmem>>) target(%dma_start3A_1203 : memref<10112x64xf32, #tpu.memory_space<vmem_shared>>) offsets(%arg16 : memref<128xi32, #tpu.memory_space<vmem>>) semaphore(%arg37 : memref<!tpu.dma_semaphore, #tpu.memory_space<semaphore_mem>>) {add = true}
      %dma_wait3A_1204 = arith.constant 0 : i32
      %dma_wait3A_1205 = arith.constant 0 : i32
      %dma_wait3A_1206 = tpu.memref_slice %arg21[%dma_wait3A_1204, %dma_wait3A_1205] : memref<10112x64xf32, #tpu.memory_space<vmem_shared>> -> memref<10112x64xf32, #tpu.memory_space<vmem_shared>>
      tpu.wait_indirect_dma semaphore(%arg29 : memref<!tpu.dma_semaphore, #tpu.memory_space<semaphore_mem>>) src(%arg11 : memref<128x64xf32, #tpu.memory_space<vmem>>) dst(%dma_wait3A_1206 : memref<10112x64xf32, #tpu.memory_space<vmem_shared>>)
      %add3A_1207 = arith.constant 3 : i32
      %add3A_1208 = arith.addi %add3A_1197, %add3A_1207 : i32
      %mul3A_1209 = arith.constant 16 : i32
      %mul3A_1210 = arith.muli %mul3A_1209, %add3A_1208 : i32
      %add3A_1211 = arith.addi %arg1, %mul3A_1210 : i32
      %min3A_1212 = arith.constant 2499 : i32
      %min3A_1213 = arith.minsi %add3A_1211, %min3A_1212 : i32
      %mul3A_1214 = arith.constant 128 : i32
      %mul3A_1215 = arith.muli %min3A_1213, %mul3A_1214 : i32
      %dma_start3A_1216 = tpu.memref_slice %arg3[%mul3A_1215] : memref<320000xi32, #tpu.memory_space<hbm>> -> memref<128xi32, #tpu.memory_space<hbm>>
      %dma_start3A_1217 = tpu.memref_slice %arg3[%mul3A_1215] : memref<320000xi32, #tpu.memory_space<hbm>> -> memref<128xi32, #tpu.memory_space<hbm>>
      tpu.enqueue_dma source(%dma_start3A_1217 : memref<128xi32, #tpu.memory_space<hbm>>) target(%arg9 : memref<128xi32, #tpu.memory_space<vmem>>) target_semaphore(%arg26 : memref<!tpu.dma_semaphore, #tpu.memory_space<semaphore_mem>>)
      %mul3A_1218 = arith.constant 16 : i32
      %mul3A_1219 = arith.muli %mul3A_1218, %add3A_1208 : i32
      %add3A_1220 = arith.addi %arg1, %mul3A_1219 : i32
      %min3A_1221 = arith.constant 2499 : i32
      %min3A_1222 = arith.minsi %add3A_1220, %min3A_1221 : i32
      %mul3A_1223 = arith.constant 128 : i32
      %mul3A_1224 = arith.muli %min3A_1222, %mul3A_1223 : i32
      %dma_start3A_1225 = tpu.memref_slice %arg4[%mul3A_1224] : memref<320000xi32, #tpu.memory_space<hbm>> -> memref<128xi32, #tpu.memory_space<hbm>>
      %dma_start3A_1226 = tpu.memref_slice %arg4[%mul3A_1224] : memref<320000xi32, #tpu.memory_space<hbm>> -> memref<128xi32, #tpu.memory_space<hbm>>
      tpu.enqueue_dma source(%dma_start3A_1226 : memref<128xi32, #tpu.memory_space<hbm>>) target(%arg10 : memref<128xi32, #tpu.memory_space<vmem>>) target_semaphore(%arg27 : memref<!tpu.dma_semaphore, #tpu.memory_space<semaphore_mem>>)
      %dma_wait3A_1227 = arith.constant 0 : i32
      %dma_wait3A_1228 = tpu.memref_slice %arg3[%dma_wait3A_1227] : memref<320000xi32, #tpu.memory_space<hbm>> -> memref<128xi32, #tpu.memory_space<hbm>>
      %dma_wait3A_1229 = arith.constant 0 : i32
      %dma_wait3A_1230 = tpu.memref_slice %arg3[%dma_wait3A_1229] : memref<320000xi32, #tpu.memory_space<hbm>> -> memref<128xi32, #tpu.memory_space<hbm>>
      tpu.wait_dma2 semaphore(%arg22 : memref<!tpu.dma_semaphore, #tpu.memory_space<semaphore_mem>>) src(%dma_wait3A_1230 : memref<128xi32, #tpu.memory_space<hbm>>) dst(%arg6 : memref<128xi32, #tpu.memory_space<vmem>>)
      %dma_wait3A_1231 = arith.constant 0 : i32
      %dma_wait3A_1232 = tpu.memref_slice %arg4[%dma_wait3A_1231] : memref<320000xi32, #tpu.memory_space<hbm>> -> memref<128xi32, #tpu.memory_space<hbm>>
      %dma_wait3A_1233 = arith.constant 0 : i32
      %dma_wait3A_1234 = tpu.memref_slice %arg4[%dma_wait3A_1233] : memref<320000xi32, #tpu.memory_space<hbm>> -> memref<128xi32, #tpu.memory_space<hbm>>
      tpu.wait_dma2 semaphore(%arg23 : memref<!tpu.dma_semaphore, #tpu.memory_space<semaphore_mem>>) src(%dma_wait3A_1234 : memref<128xi32, #tpu.memory_space<hbm>>) dst(%arg7 : memref<128xi32, #tpu.memory_space<vmem>>)
      %add3A_1235 = arith.constant 2 : i32
      %add3A_1236 = arith.addi %add3A_1197, %add3A_1235 : i32
      %mul3A_1237 = arith.constant 16 : i32
      %mul3A_1238 = arith.muli %mul3A_1237, %add3A_1236 : i32
      %add3A_1239 = arith.addi %arg1, %mul3A_1238 : i32
      %lt3A_1240 = arith.constant 2500 : i32
      %lt3A_1241 = arith.cmpi slt, %add3A_1239, %lt3A_1240 : i32
      %convert_element_type3A_1242 = arith.extui %lt3A_1241 : i1 to i32
      %broadcast_in_dim3A_1243 = vector.broadcast %convert_element_type3A_1242 : i32 to vector<16xi32>
      %get3A_1244 = arith.constant 0 : index
      %get3A_1245 = tpu.vector_load %arg6[%get3A_1244] {strides = array<i32>} : memref<128xi32, #tpu.memory_space<vmem>>, vector<16xi32>,
      %get3A_1246 = vector.shape_cast %get3A_1245 : vector<16xi32> to vector<16xi32>
      %mul3A_1247 = arith.constant 2 : i32
      %mul3A_1248 = vector.broadcast %mul3A_1247 : i32 to vector<16xi32>
      %mul3A_1249 = arith.muli %get3A_1246, %mul3A_1248 : vector<16xi32>
      %add3A_1250 = arith.addi %mul3A_1249, %broadcast_in_dim3A_1 : vector<16xi32>
      %swap3A_1251 = arith.constant 0 : index
      %swap3A_1252 = tpu.vector_load %arg6[%swap3A_1251] {strides = array<i32>} : memref<128xi32, #tpu.memory_space<vmem>>, vector<16xi32>,
      %swap3A_1253 = vector.shape_cast %swap3A_1252 : vector<16xi32> to vector<16xi32>
      %swap3A_1254 = vector.shape_cast %add3A_1250 : vector<16xi32> to vector<16xi32>
      tpu.vector_store %arg6[%swap3A_1251], %swap3A_1254 {strides = array<i32>} : memref<128xi32, #tpu.memory_space<vmem>>, vector<16xi32>,
      %get3A_1255 = arith.constant 0 : index
      %get3A_1256 = tpu.vector_load %arg7[%get3A_1255] {strides = array<i32>} : memref<128xi32, #tpu.memory_space<vmem>>, vector<16xi32>,
      %get3A_1257 = vector.shape_cast %get3A_1256 : vector<16xi32> to vector<16xi32>
      %mul3A_1258 = arith.muli %get3A_1257, %broadcast_in_dim3A_1243 : vector<16xi32>
      %sub3A_1259 = arith.constant 1 : i32
      %sub3A_1260 = vector.broadcast %sub3A_1259 : i32 to vector<16xi32>
      %sub3A_1261 = arith.subi %sub3A_1260, %broadcast_in_dim3A_1243 : vector<16xi32>
      %mul3A_1262 = arith.muli %broadcast_in_dim3A_3, %sub3A_1261 : vector<16xi32>
      %add3A_1263 = arith.addi %mul3A_1258, %mul3A_1262 : vector<16xi32>
      %swap3A_1264 = arith.constant 0 : index
      %swap3A_1265 = tpu.vector_load %arg7[%swap3A_1264] {strides = array<i32>} : memref<128xi32, #tpu.memory_space<vmem>>, vector<16xi32>,
      %swap3A_1266 = vector.shape_cast %swap3A_1265 : vector<16xi32> to vector<16xi32>
      %swap3A_1267 = vector.shape_cast %add3A_1263 : vector<16xi32> to vector<16xi32>
      tpu.vector_store %arg7[%swap3A_1264], %swap3A_1267 {strides = array<i32>} : memref<128xi32, #tpu.memory_space<vmem>>, vector<16xi32>,
      %get3A_1268 = arith.constant 16 : index
      %get3A_1269 = tpu.vector_load %arg6[%get3A_1268] {strides = array<i32>} : memref<128xi32, #tpu.memory_space<vmem>>, vector<16xi32>,
      %get3A_1270 = vector.shape_cast %get3A_1269 : vector<16xi32> to vector<16xi32>
      %mul3A_1271 = arith.constant 2 : i32
      %mul3A_1272 = vector.broadcast %mul3A_1271 : i32 to vector<16xi32>
      %mul3A_1273 = arith.muli %get3A_1270, %mul3A_1272 : vector<16xi32>
      %add3A_1274 = arith.addi %mul3A_1273, %broadcast_in_dim3A_1 : vector<16xi32>
      %swap3A_1275 = arith.constant 16 : index
      %swap3A_1276 = tpu.vector_load %arg6[%swap3A_1275] {strides = array<i32>} : memref<128xi32, #tpu.memory_space<vmem>>, vector<16xi32>,
      %swap3A_1277 = vector.shape_cast %swap3A_1276 : vector<16xi32> to vector<16xi32>
      %swap3A_1278 = vector.shape_cast %add3A_1274 : vector<16xi32> to vector<16xi32>
      tpu.vector_store %arg6[%swap3A_1275], %swap3A_1278 {strides = array<i32>} : memref<128xi32, #tpu.memory_space<vmem>>, vector<16xi32>,
      %get3A_1279 = arith.constant 16 : index
      %get3A_1280 = tpu.vector_load %arg7[%get3A_1279] {strides = array<i32>} : memref<128xi32, #tpu.memory_space<vmem>>, vector<16xi32>,
      %get3A_1281 = vector.shape_cast %get3A_1280 : vector<16xi32> to vector<16xi32>
      %mul3A_1282 = arith.muli %get3A_1281, %broadcast_in_dim3A_1243 : vector<16xi32>
      %sub3A_1283 = arith.constant 1 : i32
      %sub3A_1284 = vector.broadcast %sub3A_1283 : i32 to vector<16xi32>
      %sub3A_1285 = arith.subi %sub3A_1284, %broadcast_in_dim3A_1243 : vector<16xi32>
      %mul3A_1286 = arith.muli %broadcast_in_dim3A_3, %sub3A_1285 : vector<16xi32>
      %add3A_1287 = arith.addi %mul3A_1282, %mul3A_1286 : vector<16xi32>
      %swap3A_1288 = arith.constant 16 : index
      %swap3A_1289 = tpu.vector_load %arg7[%swap3A_1288] {strides = array<i32>} : memref<128xi32, #tpu.memory_space<vmem>>, vector<16xi32>,
      %swap3A_1290 = vector.shape_cast %swap3A_1289 : vector<16xi32> to vector<16xi32>
      %swap3A_1291 = vector.shape_cast %add3A_1287 : vector<16xi32> to vector<16xi32>
      tpu.vector_store %arg7[%swap3A_1288], %swap3A_1291 {strides = array<i32>} : memref<128xi32, #tpu.memory_space<vmem>>, vector<16xi32>,
      %get3A_1292 = arith.constant 32 : index
      %get3A_1293 = tpu.vector_load %arg6[%get3A_1292] {strides = array<i32>} : memref<128xi32, #tpu.memory_space<vmem>>, vector<16xi32>,
      %get3A_1294 = vector.shape_cast %get3A_1293 : vector<16xi32> to vector<16xi32>
      %mul3A_1295 = arith.constant 2 : i32
      %mul3A_1296 = vector.broadcast %mul3A_1295 : i32 to vector<16xi32>
      %mul3A_1297 = arith.muli %get3A_1294, %mul3A_1296 : vector<16xi32>
      %add3A_1298 = arith.addi %mul3A_1297, %broadcast_in_dim3A_1 : vector<16xi32>
      %swap3A_1299 = arith.constant 32 : index
      %swap3A_1300 = tpu.vector_load %arg6[%swap3A_1299] {strides = array<i32>} : memref<128xi32, #tpu.memory_space<vmem>>, vector<16xi32>,
      %swap3A_1301 = vector.shape_cast %swap3A_1300 : vector<16xi32> to vector<16xi32>
      %swap3A_1302 = vector.shape_cast %add3A_1298 : vector<16xi32> to vector<16xi32>
      tpu.vector_store %arg6[%swap3A_1299], %swap3A_1302 {strides = array<i32>} : memref<128xi32, #tpu.memory_space<vmem>>, vector<16xi32>,
      %get3A_1303 = arith.constant 32 : index
      %get3A_1304 = tpu.vector_load %arg7[%get3A_1303] {strides = array<i32>} : memref<128xi32, #tpu.memory_space<vmem>>, vector<16xi32>,
      %get3A_1305 = vector.shape_cast %get3A_1304 : vector<16xi32> to vector<16xi32>
      %mul3A_1306 = arith.muli %get3A_1305, %broadcast_in_dim3A_1243 : vector<16xi32>
      %sub3A_1307 = arith.constant 1 : i32
      %sub3A_1308 = vector.broadcast %sub3A_1307 : i32 to vector<16xi32>
      %sub3A_1309 = arith.subi %sub3A_1308, %broadcast_in_dim3A_1243 : vector<16xi32>
      %mul3A_1310 = arith.muli %broadcast_in_dim3A_3, %sub3A_1309 : vector<16xi32>
      %add3A_1311 = arith.addi %mul3A_1306, %mul3A_1310 : vector<16xi32>
      %swap3A_1312 = arith.constant 32 : index
      %swap3A_1313 = tpu.vector_load %arg7[%swap3A_1312] {strides = array<i32>} : memref<128xi32, #tpu.memory_space<vmem>>, vector<16xi32>,
      %swap3A_1314 = vector.shape_cast %swap3A_1313 : vector<16xi32> to vector<16xi32>
      %swap3A_1315 = vector.shape_cast %add3A_1311 : vector<16xi32> to vector<16xi32>
      tpu.vector_store %arg7[%swap3A_1312], %swap3A_1315 {strides = array<i32>} : memref<128xi32, #tpu.memory_space<vmem>>, vector<16xi32>,
      %get3A_1316 = arith.constant 48 : index
      %get3A_1317 = tpu.vector_load %arg6[%get3A_1316] {strides = array<i32>} : memref<128xi32, #tpu.memory_space<vmem>>, vector<16xi32>,
      %get3A_1318 = vector.shape_cast %get3A_1317 : vector<16xi32> to vector<16xi32>
      %mul3A_1319 = arith.constant 2 : i32
      %mul3A_1320 = vector.broadcast %mul3A_1319 : i32 to vector<16xi32>
      %mul3A_1321 = arith.muli %get3A_1318, %mul3A_1320 : vector<16xi32>
      %add3A_1322 = arith.addi %mul3A_1321, %broadcast_in_dim3A_1 : vector<16xi32>
      %swap3A_1323 = arith.constant 48 : index
      %swap3A_1324 = tpu.vector_load %arg6[%swap3A_1323] {strides = array<i32>} : memref<128xi32, #tpu.memory_space<vmem>>, vector<16xi32>,
      %swap3A_1325 = vector.shape_cast %swap3A_1324 : vector<16xi32> to vector<16xi32>
      %swap3A_1326 = vector.shape_cast %add3A_1322 : vector<16xi32> to vector<16xi32>
      tpu.vector_store %arg6[%swap3A_1323], %swap3A_1326 {strides = array<i32>} : memref<128xi32, #tpu.memory_space<vmem>>, vector<16xi32>,
      %get3A_1327 = arith.constant 48 : index
      %get3A_1328 = tpu.vector_load %arg7[%get3A_1327] {strides = array<i32>} : memref<128xi32, #tpu.memory_space<vmem>>, vector<16xi32>,
      %get3A_1329 = vector.shape_cast %get3A_1328 : vector<16xi32> to vector<16xi32>
      %mul3A_1330 = arith.muli %get3A_1329, %broadcast_in_dim3A_1243 : vector<16xi32>
      %sub3A_1331 = arith.constant 1 : i32
      %sub3A_1332 = vector.broadcast %sub3A_1331 : i32 to vector<16xi32>
      %sub3A_1333 = arith.subi %sub3A_1332, %broadcast_in_dim3A_1243 : vector<16xi32>
      %mul3A_1334 = arith.muli %broadcast_in_dim3A_3, %sub3A_1333 : vector<16xi32>
      %add3A_1335 = arith.addi %mul3A_1330, %mul3A_1334 : vector<16xi32>
      %swap3A_1336 = arith.constant 48 : index
      %swap3A_1337 = tpu.vector_load %arg7[%swap3A_1336] {strides = array<i32>} : memref<128xi32, #tpu.memory_space<vmem>>, vector<16xi32>,
      %swap3A_1338 = vector.shape_cast %swap3A_1337 : vector<16xi32> to vector<16xi32>
      %swap3A_1339 = vector.shape_cast %add3A_1335 : vector<16xi32> to vector<16xi32>
      tpu.vector_store %arg7[%swap3A_1336], %swap3A_1339 {strides = array<i32>} : memref<128xi32, #tpu.memory_space<vmem>>, vector<16xi32>,
      %get3A_1340 = arith.constant 64 : index
      %get3A_1341 = tpu.vector_load %arg6[%get3A_1340] {strides = array<i32>} : memref<128xi32, #tpu.memory_space<vmem>>, vector<16xi32>,
      %get3A_1342 = vector.shape_cast %get3A_1341 : vector<16xi32> to vector<16xi32>
      %mul3A_1343 = arith.constant 2 : i32
      %mul3A_1344 = vector.broadcast %mul3A_1343 : i32 to vector<16xi32>
      %mul3A_1345 = arith.muli %get3A_1342, %mul3A_1344 : vector<16xi32>
      %add3A_1346 = arith.addi %mul3A_1345, %broadcast_in_dim3A_1 : vector<16xi32>
      %swap3A_1347 = arith.constant 64 : index
      %swap3A_1348 = tpu.vector_load %arg6[%swap3A_1347] {strides = array<i32>} : memref<128xi32, #tpu.memory_space<vmem>>, vector<16xi32>,
      %swap3A_1349 = vector.shape_cast %swap3A_1348 : vector<16xi32> to vector<16xi32>
      %swap3A_1350 = vector.shape_cast %add3A_1346 : vector<16xi32> to vector<16xi32>
      tpu.vector_store %arg6[%swap3A_1347], %swap3A_1350 {strides = array<i32>} : memref<128xi32, #tpu.memory_space<vmem>>, vector<16xi32>,
      %get3A_1351 = arith.constant 64 : index
      %get3A_1352 = tpu.vector_load %arg7[%get3A_1351] {strides = array<i32>} : memref<128xi32, #tpu.memory_space<vmem>>, vector<16xi32>,
      %get3A_1353 = vector.shape_cast %get3A_1352 : vector<16xi32> to vector<16xi32>
      %mul3A_1354 = arith.muli %get3A_1353, %broadcast_in_dim3A_1243 : vector<16xi32>
      %sub3A_1355 = arith.constant 1 : i32
      %sub3A_1356 = vector.broadcast %sub3A_1355 : i32 to vector<16xi32>
      %sub3A_1357 = arith.subi %sub3A_1356, %broadcast_in_dim3A_1243 : vector<16xi32>
      %mul3A_1358 = arith.muli %broadcast_in_dim3A_3, %sub3A_1357 : vector<16xi32>
      %add3A_1359 = arith.addi %mul3A_1354, %mul3A_1358 : vector<16xi32>
      %swap3A_1360 = arith.constant 64 : index
      %swap3A_1361 = tpu.vector_load %arg7[%swap3A_1360] {strides = array<i32>} : memref<128xi32, #tpu.memory_space<vmem>>, vector<16xi32>,
      %swap3A_1362 = vector.shape_cast %swap3A_1361 : vector<16xi32> to vector<16xi32>
      %swap3A_1363 = vector.shape_cast %add3A_1359 : vector<16xi32> to vector<16xi32>
      tpu.vector_store %arg7[%swap3A_1360], %swap3A_1363 {strides = array<i32>} : memref<128xi32, #tpu.memory_space<vmem>>, vector<16xi32>,
      %get3A_1364 = arith.constant 80 : index
      %get3A_1365 = tpu.vector_load %arg6[%get3A_1364] {strides = array<i32>} : memref<128xi32, #tpu.memory_space<vmem>>, vector<16xi32>,
      %get3A_1366 = vector.shape_cast %get3A_1365 : vector<16xi32> to vector<16xi32>
      %mul3A_1367 = arith.constant 2 : i32
      %mul3A_1368 = vector.broadcast %mul3A_1367 : i32 to vector<16xi32>
      %mul3A_1369 = arith.muli %get3A_1366, %mul3A_1368 : vector<16xi32>
      %add3A_1370 = arith.addi %mul3A_1369, %broadcast_in_dim3A_1 : vector<16xi32>
      %swap3A_1371 = arith.constant 80 : index
      %swap3A_1372 = tpu.vector_load %arg6[%swap3A_1371] {strides = array<i32>} : memref<128xi32, #tpu.memory_space<vmem>>, vector<16xi32>,
      %swap3A_1373 = vector.shape_cast %swap3A_1372 : vector<16xi32> to vector<16xi32>
      %swap3A_1374 = vector.shape_cast %add3A_1370 : vector<16xi32> to vector<16xi32>
      tpu.vector_store %arg6[%swap3A_1371], %swap3A_1374 {strides = array<i32>} : memref<128xi32, #tpu.memory_space<vmem>>, vector<16xi32>,
      %get3A_1375 = arith.constant 80 : index
      %get3A_1376 = tpu.vector_load %arg7[%get3A_1375] {strides = array<i32>} : memref<128xi32, #tpu.memory_space<vmem>>, vector<16xi32>,
      %get3A_1377 = vector.shape_cast %get3A_1376 : vector<16xi32> to vector<16xi32>
      %mul3A_1378 = arith.muli %get3A_1377, %broadcast_in_dim3A_1243 : vector<16xi32>
      %sub3A_1379 = arith.constant 1 : i32
      %sub3A_1380 = vector.broadcast %sub3A_1379 : i32 to vector<16xi32>
      %sub3A_1381 = arith.subi %sub3A_1380, %broadcast_in_dim3A_1243 : vector<16xi32>
      %mul3A_1382 = arith.muli %broadcast_in_dim3A_3, %sub3A_1381 : vector<16xi32>
      %add3A_1383 = arith.addi %mul3A_1378, %mul3A_1382 : vector<16xi32>
      %swap3A_1384 = arith.constant 80 : index
      %swap3A_1385 = tpu.vector_load %arg7[%swap3A_1384] {strides = array<i32>} : memref<128xi32, #tpu.memory_space<vmem>>, vector<16xi32>,
      %swap3A_1386 = vector.shape_cast %swap3A_1385 : vector<16xi32> to vector<16xi32>
      %swap3A_1387 = vector.shape_cast %add3A_1383 : vector<16xi32> to vector<16xi32>
      tpu.vector_store %arg7[%swap3A_1384], %swap3A_1387 {strides = array<i32>} : memref<128xi32, #tpu.memory_space<vmem>>, vector<16xi32>,
      %get3A_1388 = arith.constant 96 : index
      %get3A_1389 = tpu.vector_load %arg6[%get3A_1388] {strides = array<i32>} : memref<128xi32, #tpu.memory_space<vmem>>, vector<16xi32>,
      %get3A_1390 = vector.shape_cast %get3A_1389 : vector<16xi32> to vector<16xi32>
      %mul3A_1391 = arith.constant 2 : i32
      %mul3A_1392 = vector.broadcast %mul3A_1391 : i32 to vector<16xi32>
      %mul3A_1393 = arith.muli %get3A_1390, %mul3A_1392 : vector<16xi32>
      %add3A_1394 = arith.addi %mul3A_1393, %broadcast_in_dim3A_1 : vector<16xi32>
      %swap3A_1395 = arith.constant 96 : index
      %swap3A_1396 = tpu.vector_load %arg6[%swap3A_1395] {strides = array<i32>} : memref<128xi32, #tpu.memory_space<vmem>>, vector<16xi32>,
      %swap3A_1397 = vector.shape_cast %swap3A_1396 : vector<16xi32> to vector<16xi32>
      %swap3A_1398 = vector.shape_cast %add3A_1394 : vector<16xi32> to vector<16xi32>
      tpu.vector_store %arg6[%swap3A_1395], %swap3A_1398 {strides = array<i32>} : memref<128xi32, #tpu.memory_space<vmem>>, vector<16xi32>,
      %get3A_1399 = arith.constant 96 : index
      %get3A_1400 = tpu.vector_load %arg7[%get3A_1399] {strides = array<i32>} : memref<128xi32, #tpu.memory_space<vmem>>, vector<16xi32>,
      %get3A_1401 = vector.shape_cast %get3A_1400 : vector<16xi32> to vector<16xi32>
      %mul3A_1402 = arith.muli %get3A_1401, %broadcast_in_dim3A_1243 : vector<16xi32>
      %sub3A_1403 = arith.constant 1 : i32
      %sub3A_1404 = vector.broadcast %sub3A_1403 : i32 to vector<16xi32>
      %sub3A_1405 = arith.subi %sub3A_1404, %broadcast_in_dim3A_1243 : vector<16xi32>
      %mul3A_1406 = arith.muli %broadcast_in_dim3A_3, %sub3A_1405 : vector<16xi32>
      %add3A_1407 = arith.addi %mul3A_1402, %mul3A_1406 : vector<16xi32>
      %swap3A_1408 = arith.constant 96 : index
      %swap3A_1409 = tpu.vector_load %arg7[%swap3A_1408] {strides = array<i32>} : memref<128xi32, #tpu.memory_space<vmem>>, vector<16xi32>,
      %swap3A_1410 = vector.shape_cast %swap3A_1409 : vector<16xi32> to vector<16xi32>
      %swap3A_1411 = vector.shape_cast %add3A_1407 : vector<16xi32> to vector<16xi32>
      tpu.vector_store %arg7[%swap3A_1408], %swap3A_1411 {strides = array<i32>} : memref<128xi32, #tpu.memory_space<vmem>>, vector<16xi32>,
      %get3A_1412 = arith.constant 112 : index
      %get3A_1413 = tpu.vector_load %arg6[%get3A_1412] {strides = array<i32>} : memref<128xi32, #tpu.memory_space<vmem>>, vector<16xi32>,
      %get3A_1414 = vector.shape_cast %get3A_1413 : vector<16xi32> to vector<16xi32>
      %mul3A_1415 = arith.constant 2 : i32
      %mul3A_1416 = vector.broadcast %mul3A_1415 : i32 to vector<16xi32>
      %mul3A_1417 = arith.muli %get3A_1414, %mul3A_1416 : vector<16xi32>
      %add3A_1418 = arith.addi %mul3A_1417, %broadcast_in_dim3A_1 : vector<16xi32>
      %swap3A_1419 = arith.constant 112 : index
      %swap3A_1420 = tpu.vector_load %arg6[%swap3A_1419] {strides = array<i32>} : memref<128xi32, #tpu.memory_space<vmem>>, vector<16xi32>,
      %swap3A_1421 = vector.shape_cast %swap3A_1420 : vector<16xi32> to vector<16xi32>
      %swap3A_1422 = vector.shape_cast %add3A_1418 : vector<16xi32> to vector<16xi32>
      tpu.vector_store %arg6[%swap3A_1419], %swap3A_1422 {strides = array<i32>} : memref<128xi32, #tpu.memory_space<vmem>>, vector<16xi32>,
      %get3A_1423 = arith.constant 112 : index
      %get3A_1424 = tpu.vector_load %arg7[%get3A_1423] {strides = array<i32>} : memref<128xi32, #tpu.memory_space<vmem>>, vector<16xi32>,
      %get3A_1425 = vector.shape_cast %get3A_1424 : vector<16xi32> to vector<16xi32>
      %mul3A_1426 = arith.muli %get3A_1425, %broadcast_in_dim3A_1243 : vector<16xi32>
      %sub3A_1427 = arith.constant 1 : i32
      %sub3A_1428 = vector.broadcast %sub3A_1427 : i32 to vector<16xi32>
      %sub3A_1429 = arith.subi %sub3A_1428, %broadcast_in_dim3A_1243 : vector<16xi32>
      %mul3A_1430 = arith.muli %broadcast_in_dim3A_3, %sub3A_1429 : vector<16xi32>
      %add3A_1431 = arith.addi %mul3A_1426, %mul3A_1430 : vector<16xi32>
      %swap3A_1432 = arith.constant 112 : index
      %swap3A_1433 = tpu.vector_load %arg7[%swap3A_1432] {strides = array<i32>} : memref<128xi32, #tpu.memory_space<vmem>>, vector<16xi32>,
      %swap3A_1434 = vector.shape_cast %swap3A_1433 : vector<16xi32> to vector<16xi32>
      %swap3A_1435 = vector.shape_cast %add3A_1431 : vector<16xi32> to vector<16xi32>
      tpu.vector_store %arg7[%swap3A_1432], %swap3A_1435 {strides = array<i32>} : memref<128xi32, #tpu.memory_space<vmem>>, vector<16xi32>,
      %dma_start3A_1436 = arith.constant 0 : i32
      %dma_start3A_1437 = arith.constant 0 : i32
      %dma_start3A_1438 = tpu.memref_slice %arg2[%dma_start3A_1436, %dma_start3A_1437] : memref<20000x64xf32, #tpu.memory_space<hbm>> -> memref<20000x64xf32, #tpu.memory_space<hbm>>
      tpu.enqueue_indirect_dma source(%dma_start3A_1438 : memref<20000x64xf32, #tpu.memory_space<hbm>>) target(%arg8 : memref<128x64xf32, #tpu.memory_space<vmem>>) offsets(%arg6 : memref<128xi32, #tpu.memory_space<vmem>>) semaphore(%arg24 : memref<!tpu.dma_semaphore, #tpu.memory_space<semaphore_mem>>)
      %add3A_1439 = arith.constant 2 : i32
      %add3A_1440 = arith.addi %add3A_952, %add3A_1439 : i32
      %dma_wait3A_1441 = arith.constant 0 : i32
      %dma_wait3A_1442 = arith.constant 0 : i32
      %dma_wait3A_1443 = tpu.memref_slice %arg2[%dma_wait3A_1441, %dma_wait3A_1442] : memref<20000x64xf32, #tpu.memory_space<hbm>> -> memref<20000x64xf32, #tpu.memory_space<hbm>>
      tpu.wait_indirect_dma semaphore(%arg40 : memref<!tpu.dma_semaphore, #tpu.memory_space<semaphore_mem>>) src(%dma_wait3A_1443 : memref<20000x64xf32, #tpu.memory_space<hbm>>) dst(%arg20 : memref<128x64xf32, #tpu.memory_space<vmem>>)
      %dma_start3A_1444 = arith.constant 0 : i32
      %dma_start3A_1445 = arith.constant 0 : i32
      %dma_start3A_1446 = tpu.memref_slice %arg21[%dma_start3A_1444, %dma_start3A_1445] : memref<10112x64xf32, #tpu.memory_space<vmem_shared>> -> memref<10112x64xf32, #tpu.memory_space<vmem_shared>>
      tpu.enqueue_indirect_dma source(%arg20 : memref<128x64xf32, #tpu.memory_space<vmem>>) target(%dma_start3A_1446 : memref<10112x64xf32, #tpu.memory_space<vmem_shared>>) offsets(%arg19 : memref<128xi32, #tpu.memory_space<vmem>>) semaphore(%arg41 : memref<!tpu.dma_semaphore, #tpu.memory_space<semaphore_mem>>) {add = true}
      %dma_wait3A_1447 = arith.constant 0 : i32
      %dma_wait3A_1448 = arith.constant 0 : i32
      %dma_wait3A_1449 = tpu.memref_slice %arg21[%dma_wait3A_1447, %dma_wait3A_1448] : memref<10112x64xf32, #tpu.memory_space<vmem_shared>> -> memref<10112x64xf32, #tpu.memory_space<vmem_shared>>
      tpu.wait_indirect_dma semaphore(%arg33 : memref<!tpu.dma_semaphore, #tpu.memory_space<semaphore_mem>>) src(%arg14 : memref<128x64xf32, #tpu.memory_space<vmem>>) dst(%dma_wait3A_1449 : memref<10112x64xf32, #tpu.memory_space<vmem_shared>>)
      %add3A_1450 = arith.constant 3 : i32
      %add3A_1451 = arith.addi %add3A_1440, %add3A_1450 : i32
      %mul3A_1452 = arith.constant 16 : i32
      %mul3A_1453 = arith.muli %mul3A_1452, %add3A_1451 : i32
      %add3A_1454 = arith.addi %arg1, %mul3A_1453 : i32
      %min3A_1455 = arith.constant 2499 : i32
      %min3A_1456 = arith.minsi %add3A_1454, %min3A_1455 : i32
      %mul3A_1457 = arith.constant 128 : i32
      %mul3A_1458 = arith.muli %min3A_1456, %mul3A_1457 : i32
      %dma_start3A_1459 = tpu.memref_slice %arg3[%mul3A_1458] : memref<320000xi32, #tpu.memory_space<hbm>> -> memref<128xi32, #tpu.memory_space<hbm>>
      %dma_start3A_1460 = tpu.memref_slice %arg3[%mul3A_1458] : memref<320000xi32, #tpu.memory_space<hbm>> -> memref<128xi32, #tpu.memory_space<hbm>>
      tpu.enqueue_dma source(%dma_start3A_1460 : memref<128xi32, #tpu.memory_space<hbm>>) target(%arg12 : memref<128xi32, #tpu.memory_space<vmem>>) target_semaphore(%arg30 : memref<!tpu.dma_semaphore, #tpu.memory_space<semaphore_mem>>)
      %mul3A_1461 = arith.constant 16 : i32
      %mul3A_1462 = arith.muli %mul3A_1461, %add3A_1451 : i32
      %add3A_1463 = arith.addi %arg1, %mul3A_1462 : i32
      %min3A_1464 = arith.constant 2499 : i32
      %min3A_1465 = arith.minsi %add3A_1463, %min3A_1464 : i32
      %mul3A_1466 = arith.constant 128 : i32
      %mul3A_1467 = arith.muli %min3A_1465, %mul3A_1466 : i32
      %dma_start3A_1468 = tpu.memref_slice %arg4[%mul3A_1467] : memref<320000xi32, #tpu.memory_space<hbm>> -> memref<128xi32, #tpu.memory_space<hbm>>
      %dma_start3A_1469 = tpu.memref_slice %arg4[%mul3A_1467] : memref<320000xi32, #tpu.memory_space<hbm>> -> memref<128xi32, #tpu.memory_space<hbm>>
      tpu.enqueue_dma source(%dma_start3A_1469 : memref<128xi32, #tpu.memory_space<hbm>>) target(%arg13 : memref<128xi32, #tpu.memory_space<vmem>>) target_semaphore(%arg31 : memref<!tpu.dma_semaphore, #tpu.memory_space<semaphore_mem>>)
      %dma_wait3A_1470 = arith.constant 0 : i32
      %dma_wait3A_1471 = tpu.memref_slice %arg3[%dma_wait3A_1470] : memref<320000xi32, #tpu.memory_space<hbm>> -> memref<128xi32, #tpu.memory_space<hbm>>
      %dma_wait3A_1472 = arith.constant 0 : i32
      %dma_wait3A_1473 = tpu.memref_slice %arg3[%dma_wait3A_1472] : memref<320000xi32, #tpu.memory_space<hbm>> -> memref<128xi32, #tpu.memory_space<hbm>>
      tpu.wait_dma2 semaphore(%arg26 : memref<!tpu.dma_semaphore, #tpu.memory_space<semaphore_mem>>) src(%dma_wait3A_1473 : memref<128xi32, #tpu.memory_space<hbm>>) dst(%arg9 : memref<128xi32, #tpu.memory_space<vmem>>)
      %dma_wait3A_1474 = arith.constant 0 : i32
      %dma_wait3A_1475 = tpu.memref_slice %arg4[%dma_wait3A_1474] : memref<320000xi32, #tpu.memory_space<hbm>> -> memref<128xi32, #tpu.memory_space<hbm>>
      %dma_wait3A_1476 = arith.constant 0 : i32
      %dma_wait3A_1477 = tpu.memref_slice %arg4[%dma_wait3A_1476] : memref<320000xi32, #tpu.memory_space<hbm>> -> memref<128xi32, #tpu.memory_space<hbm>>
      tpu.wait_dma2 semaphore(%arg27 : memref<!tpu.dma_semaphore, #tpu.memory_space<semaphore_mem>>) src(%dma_wait3A_1477 : memref<128xi32, #tpu.memory_space<hbm>>) dst(%arg10 : memref<128xi32, #tpu.memory_space<vmem>>)
      %add3A_1478 = arith.constant 2 : i32
      %add3A_1479 = arith.addi %add3A_1440, %add3A_1478 : i32
      %mul3A_1480 = arith.constant 16 : i32
      %mul3A_1481 = arith.muli %mul3A_1480, %add3A_1479 : i32
      %add3A_1482 = arith.addi %arg1, %mul3A_1481 : i32
      %lt3A_1483 = arith.constant 2500 : i32
      %lt3A_1484 = arith.cmpi slt, %add3A_1482, %lt3A_1483 : i32
      %convert_element_type3A_1485 = arith.extui %lt3A_1484 : i1 to i32
      %broadcast_in_dim3A_1486 = vector.broadcast %convert_element_type3A_1485 : i32 to vector<16xi32>
      %get3A_1487 = arith.constant 0 : index
      %get3A_1488 = tpu.vector_load %arg9[%get3A_1487] {strides = array<i32>} : memref<128xi32, #tpu.memory_space<vmem>>, vector<16xi32>,
      %get3A_1489 = vector.shape_cast %get3A_1488 : vector<16xi32> to vector<16xi32>
      %mul3A_1490 = arith.constant 2 : i32
      %mul3A_1491 = vector.broadcast %mul3A_1490 : i32 to vector<16xi32>
      %mul3A_1492 = arith.muli %get3A_1489, %mul3A_1491 : vector<16xi32>
      %add3A_1493 = arith.addi %mul3A_1492, %broadcast_in_dim3A_1 : vector<16xi32>
      %swap3A_1494 = arith.constant 0 : index
      %swap3A_1495 = tpu.vector_load %arg9[%swap3A_1494] {strides = array<i32>} : memref<128xi32, #tpu.memory_space<vmem>>, vector<16xi32>,
      %swap3A_1496 = vector.shape_cast %swap3A_1495 : vector<16xi32> to vector<16xi32>
      %swap3A_1497 = vector.shape_cast %add3A_1493 : vector<16xi32> to vector<16xi32>
      tpu.vector_store %arg9[%swap3A_1494], %swap3A_1497 {strides = array<i32>} : memref<128xi32, #tpu.memory_space<vmem>>, vector<16xi32>,
      %get3A_1498 = arith.constant 0 : index
      %get3A_1499 = tpu.vector_load %arg10[%get3A_1498] {strides = array<i32>} : memref<128xi32, #tpu.memory_space<vmem>>, vector<16xi32>,
      %get3A_1500 = vector.shape_cast %get3A_1499 : vector<16xi32> to vector<16xi32>
      %mul3A_1501 = arith.muli %get3A_1500, %broadcast_in_dim3A_1486 : vector<16xi32>
      %sub3A_1502 = arith.constant 1 : i32
      %sub3A_1503 = vector.broadcast %sub3A_1502 : i32 to vector<16xi32>
      %sub3A_1504 = arith.subi %sub3A_1503, %broadcast_in_dim3A_1486 : vector<16xi32>
      %mul3A_1505 = arith.muli %broadcast_in_dim3A_3, %sub3A_1504 : vector<16xi32>
      %add3A_1506 = arith.addi %mul3A_1501, %mul3A_1505 : vector<16xi32>
      %swap3A_1507 = arith.constant 0 : index
      %swap3A_1508 = tpu.vector_load %arg10[%swap3A_1507] {strides = array<i32>} : memref<128xi32, #tpu.memory_space<vmem>>, vector<16xi32>,
      %swap3A_1509 = vector.shape_cast %swap3A_1508 : vector<16xi32> to vector<16xi32>
      %swap3A_1510 = vector.shape_cast %add3A_1506 : vector<16xi32> to vector<16xi32>
      tpu.vector_store %arg10[%swap3A_1507], %swap3A_1510 {strides = array<i32>} : memref<128xi32, #tpu.memory_space<vmem>>, vector<16xi32>,
      %get3A_1511 = arith.constant 16 : index
      %get3A_1512 = tpu.vector_load %arg9[%get3A_1511] {strides = array<i32>} : memref<128xi32, #tpu.memory_space<vmem>>, vector<16xi32>,
      %get3A_1513 = vector.shape_cast %get3A_1512 : vector<16xi32> to vector<16xi32>
      %mul3A_1514 = arith.constant 2 : i32
      %mul3A_1515 = vector.broadcast %mul3A_1514 : i32 to vector<16xi32>
      %mul3A_1516 = arith.muli %get3A_1513, %mul3A_1515 : vector<16xi32>
      %add3A_1517 = arith.addi %mul3A_1516, %broadcast_in_dim3A_1 : vector<16xi32>
      %swap3A_1518 = arith.constant 16 : index
      %swap3A_1519 = tpu.vector_load %arg9[%swap3A_1518] {strides = array<i32>} : memref<128xi32, #tpu.memory_space<vmem>>, vector<16xi32>,
      %swap3A_1520 = vector.shape_cast %swap3A_1519 : vector<16xi32> to vector<16xi32>
      %swap3A_1521 = vector.shape_cast %add3A_1517 : vector<16xi32> to vector<16xi32>
      tpu.vector_store %arg9[%swap3A_1518], %swap3A_1521 {strides = array<i32>} : memref<128xi32, #tpu.memory_space<vmem>>, vector<16xi32>,
      %get3A_1522 = arith.constant 16 : index
      %get3A_1523 = tpu.vector_load %arg10[%get3A_1522] {strides = array<i32>} : memref<128xi32, #tpu.memory_space<vmem>>, vector<16xi32>,
      %get3A_1524 = vector.shape_cast %get3A_1523 : vector<16xi32> to vector<16xi32>
      %mul3A_1525 = arith.muli %get3A_1524, %broadcast_in_dim3A_1486 : vector<16xi32>
      %sub3A_1526 = arith.constant 1 : i32
      %sub3A_1527 = vector.broadcast %sub3A_1526 : i32 to vector<16xi32>
      %sub3A_1528 = arith.subi %sub3A_1527, %broadcast_in_dim3A_1486 : vector<16xi32>
      %mul3A_1529 = arith.muli %broadcast_in_dim3A_3, %sub3A_1528 : vector<16xi32>
      %add3A_1530 = arith.addi %mul3A_1525, %mul3A_1529 : vector<16xi32>
      %swap3A_1531 = arith.constant 16 : index
      %swap3A_1532 = tpu.vector_load %arg10[%swap3A_1531] {strides = array<i32>} : memref<128xi32, #tpu.memory_space<vmem>>, vector<16xi32>,
      %swap3A_1533 = vector.shape_cast %swap3A_1532 : vector<16xi32> to vector<16xi32>
      %swap3A_1534 = vector.shape_cast %add3A_1530 : vector<16xi32> to vector<16xi32>
      tpu.vector_store %arg10[%swap3A_1531], %swap3A_1534 {strides = array<i32>} : memref<128xi32, #tpu.memory_space<vmem>>, vector<16xi32>,
      %get3A_1535 = arith.constant 32 : index
      %get3A_1536 = tpu.vector_load %arg9[%get3A_1535] {strides = array<i32>} : memref<128xi32, #tpu.memory_space<vmem>>, vector<16xi32>,
      %get3A_1537 = vector.shape_cast %get3A_1536 : vector<16xi32> to vector<16xi32>
      %mul3A_1538 = arith.constant 2 : i32
      %mul3A_1539 = vector.broadcast %mul3A_1538 : i32 to vector<16xi32>
      %mul3A_1540 = arith.muli %get3A_1537, %mul3A_1539 : vector<16xi32>
      %add3A_1541 = arith.addi %mul3A_1540, %broadcast_in_dim3A_1 : vector<16xi32>
      %swap3A_1542 = arith.constant 32 : index
      %swap3A_1543 = tpu.vector_load %arg9[%swap3A_1542] {strides = array<i32>} : memref<128xi32, #tpu.memory_space<vmem>>, vector<16xi32>,
      %swap3A_1544 = vector.shape_cast %swap3A_1543 : vector<16xi32> to vector<16xi32>
      %swap3A_1545 = vector.shape_cast %add3A_1541 : vector<16xi32> to vector<16xi32>
      tpu.vector_store %arg9[%swap3A_1542], %swap3A_1545 {strides = array<i32>} : memref<128xi32, #tpu.memory_space<vmem>>, vector<16xi32>,
      %get3A_1546 = arith.constant 32 : index
      %get3A_1547 = tpu.vector_load %arg10[%get3A_1546] {strides = array<i32>} : memref<128xi32, #tpu.memory_space<vmem>>, vector<16xi32>,
      %get3A_1548 = vector.shape_cast %get3A_1547 : vector<16xi32> to vector<16xi32>
      %mul3A_1549 = arith.muli %get3A_1548, %broadcast_in_dim3A_1486 : vector<16xi32>
      %sub3A_1550 = arith.constant 1 : i32
      %sub3A_1551 = vector.broadcast %sub3A_1550 : i32 to vector<16xi32>
      %sub3A_1552 = arith.subi %sub3A_1551, %broadcast_in_dim3A_1486 : vector<16xi32>
      %mul3A_1553 = arith.muli %broadcast_in_dim3A_3, %sub3A_1552 : vector<16xi32>
      %add3A_1554 = arith.addi %mul3A_1549, %mul3A_1553 : vector<16xi32>
      %swap3A_1555 = arith.constant 32 : index
      %swap3A_1556 = tpu.vector_load %arg10[%swap3A_1555] {strides = array<i32>} : memref<128xi32, #tpu.memory_space<vmem>>, vector<16xi32>,
      %swap3A_1557 = vector.shape_cast %swap3A_1556 : vector<16xi32> to vector<16xi32>
      %swap3A_1558 = vector.shape_cast %add3A_1554 : vector<16xi32> to vector<16xi32>
      tpu.vector_store %arg10[%swap3A_1555], %swap3A_1558 {strides = array<i32>} : memref<128xi32, #tpu.memory_space<vmem>>, vector<16xi32>,
      %get3A_1559 = arith.constant 48 : index
      %get3A_1560 = tpu.vector_load %arg9[%get3A_1559] {strides = array<i32>} : memref<128xi32, #tpu.memory_space<vmem>>, vector<16xi32>,
      %get3A_1561 = vector.shape_cast %get3A_1560 : vector<16xi32> to vector<16xi32>
      %mul3A_1562 = arith.constant 2 : i32
      %mul3A_1563 = vector.broadcast %mul3A_1562 : i32 to vector<16xi32>
      %mul3A_1564 = arith.muli %get3A_1561, %mul3A_1563 : vector<16xi32>
      %add3A_1565 = arith.addi %mul3A_1564, %broadcast_in_dim3A_1 : vector<16xi32>
      %swap3A_1566 = arith.constant 48 : index
      %swap3A_1567 = tpu.vector_load %arg9[%swap3A_1566] {strides = array<i32>} : memref<128xi32, #tpu.memory_space<vmem>>, vector<16xi32>,
      %swap3A_1568 = vector.shape_cast %swap3A_1567 : vector<16xi32> to vector<16xi32>
      %swap3A_1569 = vector.shape_cast %add3A_1565 : vector<16xi32> to vector<16xi32>
      tpu.vector_store %arg9[%swap3A_1566], %swap3A_1569 {strides = array<i32>} : memref<128xi32, #tpu.memory_space<vmem>>, vector<16xi32>,
      %get3A_1570 = arith.constant 48 : index
      %get3A_1571 = tpu.vector_load %arg10[%get3A_1570] {strides = array<i32>} : memref<128xi32, #tpu.memory_space<vmem>>, vector<16xi32>,
      %get3A_1572 = vector.shape_cast %get3A_1571 : vector<16xi32> to vector<16xi32>
      %mul3A_1573 = arith.muli %get3A_1572, %broadcast_in_dim3A_1486 : vector<16xi32>
      %sub3A_1574 = arith.constant 1 : i32
      %sub3A_1575 = vector.broadcast %sub3A_1574 : i32 to vector<16xi32>
      %sub3A_1576 = arith.subi %sub3A_1575, %broadcast_in_dim3A_1486 : vector<16xi32>
      %mul3A_1577 = arith.muli %broadcast_in_dim3A_3, %sub3A_1576 : vector<16xi32>
      %add3A_1578 = arith.addi %mul3A_1573, %mul3A_1577 : vector<16xi32>
      %swap3A_1579 = arith.constant 48 : index
      %swap3A_1580 = tpu.vector_load %arg10[%swap3A_1579] {strides = array<i32>} : memref<128xi32, #tpu.memory_space<vmem>>, vector<16xi32>,
      %swap3A_1581 = vector.shape_cast %swap3A_1580 : vector<16xi32> to vector<16xi32>
      %swap3A_1582 = vector.shape_cast %add3A_1578 : vector<16xi32> to vector<16xi32>
      tpu.vector_store %arg10[%swap3A_1579], %swap3A_1582 {strides = array<i32>} : memref<128xi32, #tpu.memory_space<vmem>>, vector<16xi32>,
      %get3A_1583 = arith.constant 64 : index
      %get3A_1584 = tpu.vector_load %arg9[%get3A_1583] {strides = array<i32>} : memref<128xi32, #tpu.memory_space<vmem>>, vector<16xi32>,
      %get3A_1585 = vector.shape_cast %get3A_1584 : vector<16xi32> to vector<16xi32>
      %mul3A_1586 = arith.constant 2 : i32
      %mul3A_1587 = vector.broadcast %mul3A_1586 : i32 to vector<16xi32>
      %mul3A_1588 = arith.muli %get3A_1585, %mul3A_1587 : vector<16xi32>
      %add3A_1589 = arith.addi %mul3A_1588, %broadcast_in_dim3A_1 : vector<16xi32>
      %swap3A_1590 = arith.constant 64 : index
      %swap3A_1591 = tpu.vector_load %arg9[%swap3A_1590] {strides = array<i32>} : memref<128xi32, #tpu.memory_space<vmem>>, vector<16xi32>,
      %swap3A_1592 = vector.shape_cast %swap3A_1591 : vector<16xi32> to vector<16xi32>
      %swap3A_1593 = vector.shape_cast %add3A_1589 : vector<16xi32> to vector<16xi32>
      tpu.vector_store %arg9[%swap3A_1590], %swap3A_1593 {strides = array<i32>} : memref<128xi32, #tpu.memory_space<vmem>>, vector<16xi32>,
      %get3A_1594 = arith.constant 64 : index
      %get3A_1595 = tpu.vector_load %arg10[%get3A_1594] {strides = array<i32>} : memref<128xi32, #tpu.memory_space<vmem>>, vector<16xi32>,
      %get3A_1596 = vector.shape_cast %get3A_1595 : vector<16xi32> to vector<16xi32>
      %mul3A_1597 = arith.muli %get3A_1596, %broadcast_in_dim3A_1486 : vector<16xi32>
      %sub3A_1598 = arith.constant 1 : i32
      %sub3A_1599 = vector.broadcast %sub3A_1598 : i32 to vector<16xi32>
      %sub3A_1600 = arith.subi %sub3A_1599, %broadcast_in_dim3A_1486 : vector<16xi32>
      %mul3A_1601 = arith.muli %broadcast_in_dim3A_3, %sub3A_1600 : vector<16xi32>
      %add3A_1602 = arith.addi %mul3A_1597, %mul3A_1601 : vector<16xi32>
      %swap3A_1603 = arith.constant 64 : index
      %swap3A_1604 = tpu.vector_load %arg10[%swap3A_1603] {strides = array<i32>} : memref<128xi32, #tpu.memory_space<vmem>>, vector<16xi32>,
      %swap3A_1605 = vector.shape_cast %swap3A_1604 : vector<16xi32> to vector<16xi32>
      %swap3A_1606 = vector.shape_cast %add3A_1602 : vector<16xi32> to vector<16xi32>
      tpu.vector_store %arg10[%swap3A_1603], %swap3A_1606 {strides = array<i32>} : memref<128xi32, #tpu.memory_space<vmem>>, vector<16xi32>,
      %get3A_1607 = arith.constant 80 : index
      %get3A_1608 = tpu.vector_load %arg9[%get3A_1607] {strides = array<i32>} : memref<128xi32, #tpu.memory_space<vmem>>, vector<16xi32>,
      %get3A_1609 = vector.shape_cast %get3A_1608 : vector<16xi32> to vector<16xi32>
      %mul3A_1610 = arith.constant 2 : i32
      %mul3A_1611 = vector.broadcast %mul3A_1610 : i32 to vector<16xi32>
      %mul3A_1612 = arith.muli %get3A_1609, %mul3A_1611 : vector<16xi32>
      %add3A_1613 = arith.addi %mul3A_1612, %broadcast_in_dim3A_1 : vector<16xi32>
      %swap3A_1614 = arith.constant 80 : index
      %swap3A_1615 = tpu.vector_load %arg9[%swap3A_1614] {strides = array<i32>} : memref<128xi32, #tpu.memory_space<vmem>>, vector<16xi32>,
      %swap3A_1616 = vector.shape_cast %swap3A_1615 : vector<16xi32> to vector<16xi32>
      %swap3A_1617 = vector.shape_cast %add3A_1613 : vector<16xi32> to vector<16xi32>
      tpu.vector_store %arg9[%swap3A_1614], %swap3A_1617 {strides = array<i32>} : memref<128xi32, #tpu.memory_space<vmem>>, vector<16xi32>,
      %get3A_1618 = arith.constant 80 : index
      %get3A_1619 = tpu.vector_load %arg10[%get3A_1618] {strides = array<i32>} : memref<128xi32, #tpu.memory_space<vmem>>, vector<16xi32>,
      %get3A_1620 = vector.shape_cast %get3A_1619 : vector<16xi32> to vector<16xi32>
      %mul3A_1621 = arith.muli %get3A_1620, %broadcast_in_dim3A_1486 : vector<16xi32>
      %sub3A_1622 = arith.constant 1 : i32
      %sub3A_1623 = vector.broadcast %sub3A_1622 : i32 to vector<16xi32>
      %sub3A_1624 = arith.subi %sub3A_1623, %broadcast_in_dim3A_1486 : vector<16xi32>
      %mul3A_1625 = arith.muli %broadcast_in_dim3A_3, %sub3A_1624 : vector<16xi32>
      %add3A_1626 = arith.addi %mul3A_1621, %mul3A_1625 : vector<16xi32>
      %swap3A_1627 = arith.constant 80 : index
      %swap3A_1628 = tpu.vector_load %arg10[%swap3A_1627] {strides = array<i32>} : memref<128xi32, #tpu.memory_space<vmem>>, vector<16xi32>,
      %swap3A_1629 = vector.shape_cast %swap3A_1628 : vector<16xi32> to vector<16xi32>
      %swap3A_1630 = vector.shape_cast %add3A_1626 : vector<16xi32> to vector<16xi32>
      tpu.vector_store %arg10[%swap3A_1627], %swap3A_1630 {strides = array<i32>} : memref<128xi32, #tpu.memory_space<vmem>>, vector<16xi32>,
      %get3A_1631 = arith.constant 96 : index
      %get3A_1632 = tpu.vector_load %arg9[%get3A_1631] {strides = array<i32>} : memref<128xi32, #tpu.memory_space<vmem>>, vector<16xi32>,
      %get3A_1633 = vector.shape_cast %get3A_1632 : vector<16xi32> to vector<16xi32>
      %mul3A_1634 = arith.constant 2 : i32
      %mul3A_1635 = vector.broadcast %mul3A_1634 : i32 to vector<16xi32>
      %mul3A_1636 = arith.muli %get3A_1633, %mul3A_1635 : vector<16xi32>
      %add3A_1637 = arith.addi %mul3A_1636, %broadcast_in_dim3A_1 : vector<16xi32>
      %swap3A_1638 = arith.constant 96 : index
      %swap3A_1639 = tpu.vector_load %arg9[%swap3A_1638] {strides = array<i32>} : memref<128xi32, #tpu.memory_space<vmem>>, vector<16xi32>,
      %swap3A_1640 = vector.shape_cast %swap3A_1639 : vector<16xi32> to vector<16xi32>
      %swap3A_1641 = vector.shape_cast %add3A_1637 : vector<16xi32> to vector<16xi32>
      tpu.vector_store %arg9[%swap3A_1638], %swap3A_1641 {strides = array<i32>} : memref<128xi32, #tpu.memory_space<vmem>>, vector<16xi32>,
      %get3A_1642 = arith.constant 96 : index
      %get3A_1643 = tpu.vector_load %arg10[%get3A_1642] {strides = array<i32>} : memref<128xi32, #tpu.memory_space<vmem>>, vector<16xi32>,
      %get3A_1644 = vector.shape_cast %get3A_1643 : vector<16xi32> to vector<16xi32>
      %mul3A_1645 = arith.muli %get3A_1644, %broadcast_in_dim3A_1486 : vector<16xi32>
      %sub3A_1646 = arith.constant 1 : i32
      %sub3A_1647 = vector.broadcast %sub3A_1646 : i32 to vector<16xi32>
      %sub3A_1648 = arith.subi %sub3A_1647, %broadcast_in_dim3A_1486 : vector<16xi32>
      %mul3A_1649 = arith.muli %broadcast_in_dim3A_3, %sub3A_1648 : vector<16xi32>
      %add3A_1650 = arith.addi %mul3A_1645, %mul3A_1649 : vector<16xi32>
      %swap3A_1651 = arith.constant 96 : index
      %swap3A_1652 = tpu.vector_load %arg10[%swap3A_1651] {strides = array<i32>} : memref<128xi32, #tpu.memory_space<vmem>>, vector<16xi32>,
      %swap3A_1653 = vector.shape_cast %swap3A_1652 : vector<16xi32> to vector<16xi32>
      %swap3A_1654 = vector.shape_cast %add3A_1650 : vector<16xi32> to vector<16xi32>
      tpu.vector_store %arg10[%swap3A_1651], %swap3A_1654 {strides = array<i32>} : memref<128xi32, #tpu.memory_space<vmem>>, vector<16xi32>,
      %get3A_1655 = arith.constant 112 : index
      %get3A_1656 = tpu.vector_load %arg9[%get3A_1655] {strides = array<i32>} : memref<128xi32, #tpu.memory_space<vmem>>, vector<16xi32>,
      %get3A_1657 = vector.shape_cast %get3A_1656 : vector<16xi32> to vector<16xi32>
      %mul3A_1658 = arith.constant 2 : i32
      %mul3A_1659 = vector.broadcast %mul3A_1658 : i32 to vector<16xi32>
      %mul3A_1660 = arith.muli %get3A_1657, %mul3A_1659 : vector<16xi32>
      %add3A_1661 = arith.addi %mul3A_1660, %broadcast_in_dim3A_1 : vector<16xi32>
      %swap3A_1662 = arith.constant 112 : index
      %swap3A_1663 = tpu.vector_load %arg9[%swap3A_1662] {strides = array<i32>} : memref<128xi32, #tpu.memory_space<vmem>>, vector<16xi32>,
      %swap3A_1664 = vector.shape_cast %swap3A_1663 : vector<16xi32> to vector<16xi32>
      %swap3A_1665 = vector.shape_cast %add3A_1661 : vector<16xi32> to vector<16xi32>
      tpu.vector_store %arg9[%swap3A_1662], %swap3A_1665 {strides = array<i32>} : memref<128xi32, #tpu.memory_space<vmem>>, vector<16xi32>,
      %get3A_1666 = arith.constant 112 : index
      %get3A_1667 = tpu.vector_load %arg10[%get3A_1666] {strides = array<i32>} : memref<128xi32, #tpu.memory_space<vmem>>, vector<16xi32>,
      %get3A_1668 = vector.shape_cast %get3A_1667 : vector<16xi32> to vector<16xi32>
      %mul3A_1669 = arith.muli %get3A_1668, %broadcast_in_dim3A_1486 : vector<16xi32>
      %sub3A_1670 = arith.constant 1 : i32
      %sub3A_1671 = vector.broadcast %sub3A_1670 : i32 to vector<16xi32>
      %sub3A_1672 = arith.subi %sub3A_1671, %broadcast_in_dim3A_1486 : vector<16xi32>
      %mul3A_1673 = arith.muli %broadcast_in_dim3A_3, %sub3A_1672 : vector<16xi32>
      %add3A_1674 = arith.addi %mul3A_1669, %mul3A_1673 : vector<16xi32>
      %swap3A_1675 = arith.constant 112 : index
      %swap3A_1676 = tpu.vector_load %arg10[%swap3A_1675] {strides = array<i32>} : memref<128xi32, #tpu.memory_space<vmem>>, vector<16xi32>,
      %swap3A_1677 = vector.shape_cast %swap3A_1676 : vector<16xi32> to vector<16xi32>
      %swap3A_1678 = vector.shape_cast %add3A_1674 : vector<16xi32> to vector<16xi32>
      tpu.vector_store %arg10[%swap3A_1675], %swap3A_1678 {strides = array<i32>} : memref<128xi32, #tpu.memory_space<vmem>>, vector<16xi32>,
      %dma_start3A_1679 = arith.constant 0 : i32
      %dma_start3A_1680 = arith.constant 0 : i32
      %dma_start3A_1681 = tpu.memref_slice %arg2[%dma_start3A_1679, %dma_start3A_1680] : memref<20000x64xf32, #tpu.memory_space<hbm>> -> memref<20000x64xf32, #tpu.memory_space<hbm>>
      tpu.enqueue_indirect_dma source(%dma_start3A_1681 : memref<20000x64xf32, #tpu.memory_space<hbm>>) target(%arg11 : memref<128x64xf32, #tpu.memory_space<vmem>>) offsets(%arg9 : memref<128xi32, #tpu.memory_space<vmem>>) semaphore(%arg28 : memref<!tpu.dma_semaphore, #tpu.memory_space<semaphore_mem>>)
      %add3A_1682 = arith.constant 3 : i32
      %add3A_1683 = arith.addi %add3A_952, %add3A_1682 : i32
      %dma_wait3A_1684 = arith.constant 0 : i32
      %dma_wait3A_1685 = arith.constant 0 : i32
      %dma_wait3A_1686 = tpu.memref_slice %arg2[%dma_wait3A_1684, %dma_wait3A_1685] : memref<20000x64xf32, #tpu.memory_space<hbm>> -> memref<20000x64xf32, #tpu.memory_space<hbm>>
      tpu.wait_indirect_dma semaphore(%arg24 : memref<!tpu.dma_semaphore, #tpu.memory_space<semaphore_mem>>) src(%dma_wait3A_1686 : memref<20000x64xf32, #tpu.memory_space<hbm>>) dst(%arg8 : memref<128x64xf32, #tpu.memory_space<vmem>>)
      %dma_start3A_1687 = arith.constant 0 : i32
      %dma_start3A_1688 = arith.constant 0 : i32
      %dma_start3A_1689 = tpu.memref_slice %arg21[%dma_start3A_1687, %dma_start3A_1688] : memref<10112x64xf32, #tpu.memory_space<vmem_shared>> -> memref<10112x64xf32, #tpu.memory_space<vmem_shared>>
      tpu.enqueue_indirect_dma source(%arg8 : memref<128x64xf32, #tpu.memory_space<vmem>>) target(%dma_start3A_1689 : memref<10112x64xf32, #tpu.memory_space<vmem_shared>>) offsets(%arg7 : memref<128xi32, #tpu.memory_space<vmem>>) semaphore(%arg25 : memref<!tpu.dma_semaphore, #tpu.memory_space<semaphore_mem>>) {add = true}
      %dma_wait3A_1690 = arith.constant 0 : i32
      %dma_wait3A_1691 = arith.constant 0 : i32
      %dma_wait3A_1692 = tpu.memref_slice %arg21[%dma_wait3A_1690, %dma_wait3A_1691] : memref<10112x64xf32, #tpu.memory_space<vmem_shared>> -> memref<10112x64xf32, #tpu.memory_space<vmem_shared>>
      tpu.wait_indirect_dma semaphore(%arg37 : memref<!tpu.dma_semaphore, #tpu.memory_space<semaphore_mem>>) src(%arg17 : memref<128x64xf32, #tpu.memory_space<vmem>>) dst(%dma_wait3A_1692 : memref<10112x64xf32, #tpu.memory_space<vmem_shared>>)
      %add3A_1693 = arith.constant 3 : i32
      %add3A_1694 = arith.addi %add3A_1683, %add3A_1693 : i32
      %mul3A_1695 = arith.constant 16 : i32
      %mul3A_1696 = arith.muli %mul3A_1695, %add3A_1694 : i32
      %add3A_1697 = arith.addi %arg1, %mul3A_1696 : i32
      %min3A_1698 = arith.constant 2499 : i32
      %min3A_1699 = arith.minsi %add3A_1697, %min3A_1698 : i32
      %mul3A_1700 = arith.constant 128 : i32
      %mul3A_1701 = arith.muli %min3A_1699, %mul3A_1700 : i32
      %dma_start3A_1702 = tpu.memref_slice %arg3[%mul3A_1701] : memref<320000xi32, #tpu.memory_space<hbm>> -> memref<128xi32, #tpu.memory_space<hbm>>
      %dma_start3A_1703 = tpu.memref_slice %arg3[%mul3A_1701] : memref<320000xi32, #tpu.memory_space<hbm>> -> memref<128xi32, #tpu.memory_space<hbm>>
      tpu.enqueue_dma source(%dma_start3A_1703 : memref<128xi32, #tpu.memory_space<hbm>>) target(%arg15 : memref<128xi32, #tpu.memory_space<vmem>>) target_semaphore(%arg34 : memref<!tpu.dma_semaphore, #tpu.memory_space<semaphore_mem>>)
      %mul3A_1704 = arith.constant 16 : i32
      %mul3A_1705 = arith.muli %mul3A_1704, %add3A_1694 : i32
      %add3A_1706 = arith.addi %arg1, %mul3A_1705 : i32
      %min3A_1707 = arith.constant 2499 : i32
      %min3A_1708 = arith.minsi %add3A_1706, %min3A_1707 : i32
      %mul3A_1709 = arith.constant 128 : i32
      %mul3A_1710 = arith.muli %min3A_1708, %mul3A_1709 : i32
      %dma_start3A_1711 = tpu.memref_slice %arg4[%mul3A_1710] : memref<320000xi32, #tpu.memory_space<hbm>> -> memref<128xi32, #tpu.memory_space<hbm>>
      %dma_start3A_1712 = tpu.memref_slice %arg4[%mul3A_1710] : memref<320000xi32, #tpu.memory_space<hbm>> -> memref<128xi32, #tpu.memory_space<hbm>>
      tpu.enqueue_dma source(%dma_start3A_1712 : memref<128xi32, #tpu.memory_space<hbm>>) target(%arg16 : memref<128xi32, #tpu.memory_space<vmem>>) target_semaphore(%arg35 : memref<!tpu.dma_semaphore, #tpu.memory_space<semaphore_mem>>)
      %dma_wait3A_1713 = arith.constant 0 : i32
      %dma_wait3A_1714 = tpu.memref_slice %arg3[%dma_wait3A_1713] : memref<320000xi32, #tpu.memory_space<hbm>> -> memref<128xi32, #tpu.memory_space<hbm>>
      %dma_wait3A_1715 = arith.constant 0 : i32
      %dma_wait3A_1716 = tpu.memref_slice %arg3[%dma_wait3A_1715] : memref<320000xi32, #tpu.memory_space<hbm>> -> memref<128xi32, #tpu.memory_space<hbm>>
      tpu.wait_dma2 semaphore(%arg30 : memref<!tpu.dma_semaphore, #tpu.memory_space<semaphore_mem>>) src(%dma_wait3A_1716 : memref<128xi32, #tpu.memory_space<hbm>>) dst(%arg12 : memref<128xi32, #tpu.memory_space<vmem>>)
      %dma_wait3A_1717 = arith.constant 0 : i32
      %dma_wait3A_1718 = tpu.memref_slice %arg4[%dma_wait3A_1717] : memref<320000xi32, #tpu.memory_space<hbm>> -> memref<128xi32, #tpu.memory_space<hbm>>
      %dma_wait3A_1719 = arith.constant 0 : i32
      %dma_wait3A_1720 = tpu.memref_slice %arg4[%dma_wait3A_1719] : memref<320000xi32, #tpu.memory_space<hbm>> -> memref<128xi32, #tpu.memory_space<hbm>>
      tpu.wait_dma2 semaphore(%arg31 : memref<!tpu.dma_semaphore, #tpu.memory_space<semaphore_mem>>) src(%dma_wait3A_1720 : memref<128xi32, #tpu.memory_space<hbm>>) dst(%arg13 : memref<128xi32, #tpu.memory_space<vmem>>)
      %add3A_1721 = arith.constant 2 : i32
      %add3A_1722 = arith.addi %add3A_1683, %add3A_1721 : i32
      %mul3A_1723 = arith.constant 16 : i32
      %mul3A_1724 = arith.muli %mul3A_1723, %add3A_1722 : i32
      %add3A_1725 = arith.addi %arg1, %mul3A_1724 : i32
      %lt3A_1726 = arith.constant 2500 : i32
      %lt3A_1727 = arith.cmpi slt, %add3A_1725, %lt3A_1726 : i32
      %convert_element_type3A_1728 = arith.extui %lt3A_1727 : i1 to i32
      %broadcast_in_dim3A_1729 = vector.broadcast %convert_element_type3A_1728 : i32 to vector<16xi32>
      %get3A_1730 = arith.constant 0 : index
      %get3A_1731 = tpu.vector_load %arg12[%get3A_1730] {strides = array<i32>} : memref<128xi32, #tpu.memory_space<vmem>>, vector<16xi32>,
      %get3A_1732 = vector.shape_cast %get3A_1731 : vector<16xi32> to vector<16xi32>
      %mul3A_1733 = arith.constant 2 : i32
      %mul3A_1734 = vector.broadcast %mul3A_1733 : i32 to vector<16xi32>
      %mul3A_1735 = arith.muli %get3A_1732, %mul3A_1734 : vector<16xi32>
      %add3A_1736 = arith.addi %mul3A_1735, %broadcast_in_dim3A_1 : vector<16xi32>
      %swap3A_1737 = arith.constant 0 : index
      %swap3A_1738 = tpu.vector_load %arg12[%swap3A_1737] {strides = array<i32>} : memref<128xi32, #tpu.memory_space<vmem>>, vector<16xi32>,
      %swap3A_1739 = vector.shape_cast %swap3A_1738 : vector<16xi32> to vector<16xi32>
      %swap3A_1740 = vector.shape_cast %add3A_1736 : vector<16xi32> to vector<16xi32>
      tpu.vector_store %arg12[%swap3A_1737], %swap3A_1740 {strides = array<i32>} : memref<128xi32, #tpu.memory_space<vmem>>, vector<16xi32>,
      %get3A_1741 = arith.constant 0 : index
      %get3A_1742 = tpu.vector_load %arg13[%get3A_1741] {strides = array<i32>} : memref<128xi32, #tpu.memory_space<vmem>>, vector<16xi32>,
      %get3A_1743 = vector.shape_cast %get3A_1742 : vector<16xi32> to vector<16xi32>
      %mul3A_1744 = arith.muli %get3A_1743, %broadcast_in_dim3A_1729 : vector<16xi32>
      %sub3A_1745 = arith.constant 1 : i32
      %sub3A_1746 = vector.broadcast %sub3A_1745 : i32 to vector<16xi32>
      %sub3A_1747 = arith.subi %sub3A_1746, %broadcast_in_dim3A_1729 : vector<16xi32>
      %mul3A_1748 = arith.muli %broadcast_in_dim3A_3, %sub3A_1747 : vector<16xi32>
      %add3A_1749 = arith.addi %mul3A_1744, %mul3A_1748 : vector<16xi32>
      %swap3A_1750 = arith.constant 0 : index
      %swap3A_1751 = tpu.vector_load %arg13[%swap3A_1750] {strides = array<i32>} : memref<128xi32, #tpu.memory_space<vmem>>, vector<16xi32>,
      %swap3A_1752 = vector.shape_cast %swap3A_1751 : vector<16xi32> to vector<16xi32>
      %swap3A_1753 = vector.shape_cast %add3A_1749 : vector<16xi32> to vector<16xi32>
      tpu.vector_store %arg13[%swap3A_1750], %swap3A_1753 {strides = array<i32>} : memref<128xi32, #tpu.memory_space<vmem>>, vector<16xi32>,
      %get3A_1754 = arith.constant 16 : index
      %get3A_1755 = tpu.vector_load %arg12[%get3A_1754] {strides = array<i32>} : memref<128xi32, #tpu.memory_space<vmem>>, vector<16xi32>,
      %get3A_1756 = vector.shape_cast %get3A_1755 : vector<16xi32> to vector<16xi32>
      %mul3A_1757 = arith.constant 2 : i32
      %mul3A_1758 = vector.broadcast %mul3A_1757 : i32 to vector<16xi32>
      %mul3A_1759 = arith.muli %get3A_1756, %mul3A_1758 : vector<16xi32>
      %add3A_1760 = arith.addi %mul3A_1759, %broadcast_in_dim3A_1 : vector<16xi32>
      %swap3A_1761 = arith.constant 16 : index
      %swap3A_1762 = tpu.vector_load %arg12[%swap3A_1761] {strides = array<i32>} : memref<128xi32, #tpu.memory_space<vmem>>, vector<16xi32>,
      %swap3A_1763 = vector.shape_cast %swap3A_1762 : vector<16xi32> to vector<16xi32>
      %swap3A_1764 = vector.shape_cast %add3A_1760 : vector<16xi32> to vector<16xi32>
      tpu.vector_store %arg12[%swap3A_1761], %swap3A_1764 {strides = array<i32>} : memref<128xi32, #tpu.memory_space<vmem>>, vector<16xi32>,
      %get3A_1765 = arith.constant 16 : index
      %get3A_1766 = tpu.vector_load %arg13[%get3A_1765] {strides = array<i32>} : memref<128xi32, #tpu.memory_space<vmem>>, vector<16xi32>,
      %get3A_1767 = vector.shape_cast %get3A_1766 : vector<16xi32> to vector<16xi32>
      %mul3A_1768 = arith.muli %get3A_1767, %broadcast_in_dim3A_1729 : vector<16xi32>
      %sub3A_1769 = arith.constant 1 : i32
      %sub3A_1770 = vector.broadcast %sub3A_1769 : i32 to vector<16xi32>
      %sub3A_1771 = arith.subi %sub3A_1770, %broadcast_in_dim3A_1729 : vector<16xi32>
      %mul3A_1772 = arith.muli %broadcast_in_dim3A_3, %sub3A_1771 : vector<16xi32>
      %add3A_1773 = arith.addi %mul3A_1768, %mul3A_1772 : vector<16xi32>
      %swap3A_1774 = arith.constant 16 : index
      %swap3A_1775 = tpu.vector_load %arg13[%swap3A_1774] {strides = array<i32>} : memref<128xi32, #tpu.memory_space<vmem>>, vector<16xi32>,
      %swap3A_1776 = vector.shape_cast %swap3A_1775 : vector<16xi32> to vector<16xi32>
      %swap3A_1777 = vector.shape_cast %add3A_1773 : vector<16xi32> to vector<16xi32>
      tpu.vector_store %arg13[%swap3A_1774], %swap3A_1777 {strides = array<i32>} : memref<128xi32, #tpu.memory_space<vmem>>, vector<16xi32>,
      %get3A_1778 = arith.constant 32 : index
      %get3A_1779 = tpu.vector_load %arg12[%get3A_1778] {strides = array<i32>} : memref<128xi32, #tpu.memory_space<vmem>>, vector<16xi32>,
      %get3A_1780 = vector.shape_cast %get3A_1779 : vector<16xi32> to vector<16xi32>
      %mul3A_1781 = arith.constant 2 : i32
      %mul3A_1782 = vector.broadcast %mul3A_1781 : i32 to vector<16xi32>
      %mul3A_1783 = arith.muli %get3A_1780, %mul3A_1782 : vector<16xi32>
      %add3A_1784 = arith.addi %mul3A_1783, %broadcast_in_dim3A_1 : vector<16xi32>
      %swap3A_1785 = arith.constant 32 : index
      %swap3A_1786 = tpu.vector_load %arg12[%swap3A_1785] {strides = array<i32>} : memref<128xi32, #tpu.memory_space<vmem>>, vector<16xi32>,
      %swap3A_1787 = vector.shape_cast %swap3A_1786 : vector<16xi32> to vector<16xi32>
      %swap3A_1788 = vector.shape_cast %add3A_1784 : vector<16xi32> to vector<16xi32>
      tpu.vector_store %arg12[%swap3A_1785], %swap3A_1788 {strides = array<i32>} : memref<128xi32, #tpu.memory_space<vmem>>, vector<16xi32>,
      %get3A_1789 = arith.constant 32 : index
      %get3A_1790 = tpu.vector_load %arg13[%get3A_1789] {strides = array<i32>} : memref<128xi32, #tpu.memory_space<vmem>>, vector<16xi32>,
      %get3A_1791 = vector.shape_cast %get3A_1790 : vector<16xi32> to vector<16xi32>
      %mul3A_1792 = arith.muli %get3A_1791, %broadcast_in_dim3A_1729 : vector<16xi32>
      %sub3A_1793 = arith.constant 1 : i32
      %sub3A_1794 = vector.broadcast %sub3A_1793 : i32 to vector<16xi32>
      %sub3A_1795 = arith.subi %sub3A_1794, %broadcast_in_dim3A_1729 : vector<16xi32>
      %mul3A_1796 = arith.muli %broadcast_in_dim3A_3, %sub3A_1795 : vector<16xi32>
      %add3A_1797 = arith.addi %mul3A_1792, %mul3A_1796 : vector<16xi32>
      %swap3A_1798 = arith.constant 32 : index
      %swap3A_1799 = tpu.vector_load %arg13[%swap3A_1798] {strides = array<i32>} : memref<128xi32, #tpu.memory_space<vmem>>, vector<16xi32>,
      %swap3A_1800 = vector.shape_cast %swap3A_1799 : vector<16xi32> to vector<16xi32>
      %swap3A_1801 = vector.shape_cast %add3A_1797 : vector<16xi32> to vector<16xi32>
      tpu.vector_store %arg13[%swap3A_1798], %swap3A_1801 {strides = array<i32>} : memref<128xi32, #tpu.memory_space<vmem>>, vector<16xi32>,
      %get3A_1802 = arith.constant 48 : index
      %get3A_1803 = tpu.vector_load %arg12[%get3A_1802] {strides = array<i32>} : memref<128xi32, #tpu.memory_space<vmem>>, vector<16xi32>,
      %get3A_1804 = vector.shape_cast %get3A_1803 : vector<16xi32> to vector<16xi32>
      %mul3A_1805 = arith.constant 2 : i32
      %mul3A_1806 = vector.broadcast %mul3A_1805 : i32 to vector<16xi32>
      %mul3A_1807 = arith.muli %get3A_1804, %mul3A_1806 : vector<16xi32>
      %add3A_1808 = arith.addi %mul3A_1807, %broadcast_in_dim3A_1 : vector<16xi32>
      %swap3A_1809 = arith.constant 48 : index
      %swap3A_1810 = tpu.vector_load %arg12[%swap3A_1809] {strides = array<i32>} : memref<128xi32, #tpu.memory_space<vmem>>, vector<16xi32>,
      %swap3A_1811 = vector.shape_cast %swap3A_1810 : vector<16xi32> to vector<16xi32>
      %swap3A_1812 = vector.shape_cast %add3A_1808 : vector<16xi32> to vector<16xi32>
      tpu.vector_store %arg12[%swap3A_1809], %swap3A_1812 {strides = array<i32>} : memref<128xi32, #tpu.memory_space<vmem>>, vector<16xi32>,
      %get3A_1813 = arith.constant 48 : index
      %get3A_1814 = tpu.vector_load %arg13[%get3A_1813] {strides = array<i32>} : memref<128xi32, #tpu.memory_space<vmem>>, vector<16xi32>,
      %get3A_1815 = vector.shape_cast %get3A_1814 : vector<16xi32> to vector<16xi32>
      %mul3A_1816 = arith.muli %get3A_1815, %broadcast_in_dim3A_1729 : vector<16xi32>
      %sub3A_1817 = arith.constant 1 : i32
      %sub3A_1818 = vector.broadcast %sub3A_1817 : i32 to vector<16xi32>
      %sub3A_1819 = arith.subi %sub3A_1818, %broadcast_in_dim3A_1729 : vector<16xi32>
      %mul3A_1820 = arith.muli %broadcast_in_dim3A_3, %sub3A_1819 : vector<16xi32>
      %add3A_1821 = arith.addi %mul3A_1816, %mul3A_1820 : vector<16xi32>
      %swap3A_1822 = arith.constant 48 : index
      %swap3A_1823 = tpu.vector_load %arg13[%swap3A_1822] {strides = array<i32>} : memref<128xi32, #tpu.memory_space<vmem>>, vector<16xi32>,
      %swap3A_1824 = vector.shape_cast %swap3A_1823 : vector<16xi32> to vector<16xi32>
      %swap3A_1825 = vector.shape_cast %add3A_1821 : vector<16xi32> to vector<16xi32>
      tpu.vector_store %arg13[%swap3A_1822], %swap3A_1825 {strides = array<i32>} : memref<128xi32, #tpu.memory_space<vmem>>, vector<16xi32>,
      %get3A_1826 = arith.constant 64 : index
      %get3A_1827 = tpu.vector_load %arg12[%get3A_1826] {strides = array<i32>} : memref<128xi32, #tpu.memory_space<vmem>>, vector<16xi32>,
      %get3A_1828 = vector.shape_cast %get3A_1827 : vector<16xi32> to vector<16xi32>
      %mul3A_1829 = arith.constant 2 : i32
      %mul3A_1830 = vector.broadcast %mul3A_1829 : i32 to vector<16xi32>
      %mul3A_1831 = arith.muli %get3A_1828, %mul3A_1830 : vector<16xi32>
      %add3A_1832 = arith.addi %mul3A_1831, %broadcast_in_dim3A_1 : vector<16xi32>
      %swap3A_1833 = arith.constant 64 : index
      %swap3A_1834 = tpu.vector_load %arg12[%swap3A_1833] {strides = array<i32>} : memref<128xi32, #tpu.memory_space<vmem>>, vector<16xi32>,
      %swap3A_1835 = vector.shape_cast %swap3A_1834 : vector<16xi32> to vector<16xi32>
      %swap3A_1836 = vector.shape_cast %add3A_1832 : vector<16xi32> to vector<16xi32>
      tpu.vector_store %arg12[%swap3A_1833], %swap3A_1836 {strides = array<i32>} : memref<128xi32, #tpu.memory_space<vmem>>, vector<16xi32>,
      %get3A_1837 = arith.constant 64 : index
      %get3A_1838 = tpu.vector_load %arg13[%get3A_1837] {strides = array<i32>} : memref<128xi32, #tpu.memory_space<vmem>>, vector<16xi32>,
      %get3A_1839 = vector.shape_cast %get3A_1838 : vector<16xi32> to vector<16xi32>
      %mul3A_1840 = arith.muli %get3A_1839, %broadcast_in_dim3A_1729 : vector<16xi32>
      %sub3A_1841 = arith.constant 1 : i32
      %sub3A_1842 = vector.broadcast %sub3A_1841 : i32 to vector<16xi32>
      %sub3A_1843 = arith.subi %sub3A_1842, %broadcast_in_dim3A_1729 : vector<16xi32>
      %mul3A_1844 = arith.muli %broadcast_in_dim3A_3, %sub3A_1843 : vector<16xi32>
      %add3A_1845 = arith.addi %mul3A_1840, %mul3A_1844 : vector<16xi32>
      %swap3A_1846 = arith.constant 64 : index
      %swap3A_1847 = tpu.vector_load %arg13[%swap3A_1846] {strides = array<i32>} : memref<128xi32, #tpu.memory_space<vmem>>, vector<16xi32>,
      %swap3A_1848 = vector.shape_cast %swap3A_1847 : vector<16xi32> to vector<16xi32>
      %swap3A_1849 = vector.shape_cast %add3A_1845 : vector<16xi32> to vector<16xi32>
      tpu.vector_store %arg13[%swap3A_1846], %swap3A_1849 {strides = array<i32>} : memref<128xi32, #tpu.memory_space<vmem>>, vector<16xi32>,
      %get3A_1850 = arith.constant 80 : index
      %get3A_1851 = tpu.vector_load %arg12[%get3A_1850] {strides = array<i32>} : memref<128xi32, #tpu.memory_space<vmem>>, vector<16xi32>,
      %get3A_1852 = vector.shape_cast %get3A_1851 : vector<16xi32> to vector<16xi32>
      %mul3A_1853 = arith.constant 2 : i32
      %mul3A_1854 = vector.broadcast %mul3A_1853 : i32 to vector<16xi32>
      %mul3A_1855 = arith.muli %get3A_1852, %mul3A_1854 : vector<16xi32>
      %add3A_1856 = arith.addi %mul3A_1855, %broadcast_in_dim3A_1 : vector<16xi32>
      %swap3A_1857 = arith.constant 80 : index
      %swap3A_1858 = tpu.vector_load %arg12[%swap3A_1857] {strides = array<i32>} : memref<128xi32, #tpu.memory_space<vmem>>, vector<16xi32>,
      %swap3A_1859 = vector.shape_cast %swap3A_1858 : vector<16xi32> to vector<16xi32>
      %swap3A_1860 = vector.shape_cast %add3A_1856 : vector<16xi32> to vector<16xi32>
      tpu.vector_store %arg12[%swap3A_1857], %swap3A_1860 {strides = array<i32>} : memref<128xi32, #tpu.memory_space<vmem>>, vector<16xi32>,
      %get3A_1861 = arith.constant 80 : index
      %get3A_1862 = tpu.vector_load %arg13[%get3A_1861] {strides = array<i32>} : memref<128xi32, #tpu.memory_space<vmem>>, vector<16xi32>,
      %get3A_1863 = vector.shape_cast %get3A_1862 : vector<16xi32> to vector<16xi32>
      %mul3A_1864 = arith.muli %get3A_1863, %broadcast_in_dim3A_1729 : vector<16xi32>
      %sub3A_1865 = arith.constant 1 : i32
      %sub3A_1866 = vector.broadcast %sub3A_1865 : i32 to vector<16xi32>
      %sub3A_1867 = arith.subi %sub3A_1866, %broadcast_in_dim3A_1729 : vector<16xi32>
      %mul3A_1868 = arith.muli %broadcast_in_dim3A_3, %sub3A_1867 : vector<16xi32>
      %add3A_1869 = arith.addi %mul3A_1864, %mul3A_1868 : vector<16xi32>
      %swap3A_1870 = arith.constant 80 : index
      %swap3A_1871 = tpu.vector_load %arg13[%swap3A_1870] {strides = array<i32>} : memref<128xi32, #tpu.memory_space<vmem>>, vector<16xi32>,
      %swap3A_1872 = vector.shape_cast %swap3A_1871 : vector<16xi32> to vector<16xi32>
      %swap3A_1873 = vector.shape_cast %add3A_1869 : vector<16xi32> to vector<16xi32>
      tpu.vector_store %arg13[%swap3A_1870], %swap3A_1873 {strides = array<i32>} : memref<128xi32, #tpu.memory_space<vmem>>, vector<16xi32>,
      %get3A_1874 = arith.constant 96 : index
      %get3A_1875 = tpu.vector_load %arg12[%get3A_1874] {strides = array<i32>} : memref<128xi32, #tpu.memory_space<vmem>>, vector<16xi32>,
      %get3A_1876 = vector.shape_cast %get3A_1875 : vector<16xi32> to vector<16xi32>
      %mul3A_1877 = arith.constant 2 : i32
      %mul3A_1878 = vector.broadcast %mul3A_1877 : i32 to vector<16xi32>
      %mul3A_1879 = arith.muli %get3A_1876, %mul3A_1878 : vector<16xi32>
      %add3A_1880 = arith.addi %mul3A_1879, %broadcast_in_dim3A_1 : vector<16xi32>
      %swap3A_1881 = arith.constant 96 : index
      %swap3A_1882 = tpu.vector_load %arg12[%swap3A_1881] {strides = array<i32>} : memref<128xi32, #tpu.memory_space<vmem>>, vector<16xi32>,
      %swap3A_1883 = vector.shape_cast %swap3A_1882 : vector<16xi32> to vector<16xi32>
      %swap3A_1884 = vector.shape_cast %add3A_1880 : vector<16xi32> to vector<16xi32>
      tpu.vector_store %arg12[%swap3A_1881], %swap3A_1884 {strides = array<i32>} : memref<128xi32, #tpu.memory_space<vmem>>, vector<16xi32>,
      %get3A_1885 = arith.constant 96 : index
      %get3A_1886 = tpu.vector_load %arg13[%get3A_1885] {strides = array<i32>} : memref<128xi32, #tpu.memory_space<vmem>>, vector<16xi32>,
      %get3A_1887 = vector.shape_cast %get3A_1886 : vector<16xi32> to vector<16xi32>
      %mul3A_1888 = arith.muli %get3A_1887, %broadcast_in_dim3A_1729 : vector<16xi32>
      %sub3A_1889 = arith.constant 1 : i32
      %sub3A_1890 = vector.broadcast %sub3A_1889 : i32 to vector<16xi32>
      %sub3A_1891 = arith.subi %sub3A_1890, %broadcast_in_dim3A_1729 : vector<16xi32>
      %mul3A_1892 = arith.muli %broadcast_in_dim3A_3, %sub3A_1891 : vector<16xi32>
      %add3A_1893 = arith.addi %mul3A_1888, %mul3A_1892 : vector<16xi32>
      %swap3A_1894 = arith.constant 96 : index
      %swap3A_1895 = tpu.vector_load %arg13[%swap3A_1894] {strides = array<i32>} : memref<128xi32, #tpu.memory_space<vmem>>, vector<16xi32>,
      %swap3A_1896 = vector.shape_cast %swap3A_1895 : vector<16xi32> to vector<16xi32>
      %swap3A_1897 = vector.shape_cast %add3A_1893 : vector<16xi32> to vector<16xi32>
      tpu.vector_store %arg13[%swap3A_1894], %swap3A_1897 {strides = array<i32>} : memref<128xi32, #tpu.memory_space<vmem>>, vector<16xi32>,
      %get3A_1898 = arith.constant 112 : index
      %get3A_1899 = tpu.vector_load %arg12[%get3A_1898] {strides = array<i32>} : memref<128xi32, #tpu.memory_space<vmem>>, vector<16xi32>,
      %get3A_1900 = vector.shape_cast %get3A_1899 : vector<16xi32> to vector<16xi32>
      %mul3A_1901 = arith.constant 2 : i32
      %mul3A_1902 = vector.broadcast %mul3A_1901 : i32 to vector<16xi32>
      %mul3A_1903 = arith.muli %get3A_1900, %mul3A_1902 : vector<16xi32>
      %add3A_1904 = arith.addi %mul3A_1903, %broadcast_in_dim3A_1 : vector<16xi32>
      %swap3A_1905 = arith.constant 112 : index
      %swap3A_1906 = tpu.vector_load %arg12[%swap3A_1905] {strides = array<i32>} : memref<128xi32, #tpu.memory_space<vmem>>, vector<16xi32>,
      %swap3A_1907 = vector.shape_cast %swap3A_1906 : vector<16xi32> to vector<16xi32>
      %swap3A_1908 = vector.shape_cast %add3A_1904 : vector<16xi32> to vector<16xi32>
      tpu.vector_store %arg12[%swap3A_1905], %swap3A_1908 {strides = array<i32>} : memref<128xi32, #tpu.memory_space<vmem>>, vector<16xi32>,
      %get3A_1909 = arith.constant 112 : index
      %get3A_1910 = tpu.vector_load %arg13[%get3A_1909] {strides = array<i32>} : memref<128xi32, #tpu.memory_space<vmem>>, vector<16xi32>,
      %get3A_1911 = vector.shape_cast %get3A_1910 : vector<16xi32> to vector<16xi32>
      %mul3A_1912 = arith.muli %get3A_1911, %broadcast_in_dim3A_1729 : vector<16xi32>
      %sub3A_1913 = arith.constant 1 : i32
      %sub3A_1914 = vector.broadcast %sub3A_1913 : i32 to vector<16xi32>
      %sub3A_1915 = arith.subi %sub3A_1914, %broadcast_in_dim3A_1729 : vector<16xi32>
      %mul3A_1916 = arith.muli %broadcast_in_dim3A_3, %sub3A_1915 : vector<16xi32>
      %add3A_1917 = arith.addi %mul3A_1912, %mul3A_1916 : vector<16xi32>
      %swap3A_1918 = arith.constant 112 : index
      %swap3A_1919 = tpu.vector_load %arg13[%swap3A_1918] {strides = array<i32>} : memref<128xi32, #tpu.memory_space<vmem>>, vector<16xi32>,
      %swap3A_1920 = vector.shape_cast %swap3A_1919 : vector<16xi32> to vector<16xi32>
      %swap3A_1921 = vector.shape_cast %add3A_1917 : vector<16xi32> to vector<16xi32>
      tpu.vector_store %arg13[%swap3A_1918], %swap3A_1921 {strides = array<i32>} : memref<128xi32, #tpu.memory_space<vmem>>, vector<16xi32>,
      %dma_start3A_1922 = arith.constant 0 : i32
      %dma_start3A_1923 = arith.constant 0 : i32
      %dma_start3A_1924 = tpu.memref_slice %arg2[%dma_start3A_1922, %dma_start3A_1923] : memref<20000x64xf32, #tpu.memory_space<hbm>> -> memref<20000x64xf32, #tpu.memory_space<hbm>>
      tpu.enqueue_indirect_dma source(%dma_start3A_1924 : memref<20000x64xf32, #tpu.memory_space<hbm>>) target(%arg14 : memref<128x64xf32, #tpu.memory_space<vmem>>) offsets(%arg12 : memref<128xi32, #tpu.memory_space<vmem>>) semaphore(%arg32 : memref<!tpu.dma_semaphore, #tpu.memory_space<semaphore_mem>>)
      %add3A_1925 = arith.constant 4 : i32
      %add3A_1926 = arith.addi %add3A_952, %add3A_1925 : i32
      %dma_wait3A_1927 = arith.constant 0 : i32
      %dma_wait3A_1928 = arith.constant 0 : i32
      %dma_wait3A_1929 = tpu.memref_slice %arg2[%dma_wait3A_1927, %dma_wait3A_1928] : memref<20000x64xf32, #tpu.memory_space<hbm>> -> memref<20000x64xf32, #tpu.memory_space<hbm>>
      tpu.wait_indirect_dma semaphore(%arg28 : memref<!tpu.dma_semaphore, #tpu.memory_space<semaphore_mem>>) src(%dma_wait3A_1929 : memref<20000x64xf32, #tpu.memory_space<hbm>>) dst(%arg11 : memref<128x64xf32, #tpu.memory_space<vmem>>)
      %dma_start3A_1930 = arith.constant 0 : i32
      %dma_start3A_1931 = arith.constant 0 : i32
      %dma_start3A_1932 = tpu.memref_slice %arg21[%dma_start3A_1930, %dma_start3A_1931] : memref<10112x64xf32, #tpu.memory_space<vmem_shared>> -> memref<10112x64xf32, #tpu.memory_space<vmem_shared>>
      tpu.enqueue_indirect_dma source(%arg11 : memref<128x64xf32, #tpu.memory_space<vmem>>) target(%dma_start3A_1932 : memref<10112x64xf32, #tpu.memory_space<vmem_shared>>) offsets(%arg10 : memref<128xi32, #tpu.memory_space<vmem>>) semaphore(%arg29 : memref<!tpu.dma_semaphore, #tpu.memory_space<semaphore_mem>>) {add = true}
      %dma_wait3A_1933 = arith.constant 0 : i32
      %dma_wait3A_1934 = arith.constant 0 : i32
      %dma_wait3A_1935 = tpu.memref_slice %arg21[%dma_wait3A_1933, %dma_wait3A_1934] : memref<10112x64xf32, #tpu.memory_space<vmem_shared>> -> memref<10112x64xf32, #tpu.memory_space<vmem_shared>>
      tpu.wait_indirect_dma semaphore(%arg41 : memref<!tpu.dma_semaphore, #tpu.memory_space<semaphore_mem>>) src(%arg20 : memref<128x64xf32, #tpu.memory_space<vmem>>) dst(%dma_wait3A_1935 : memref<10112x64xf32, #tpu.memory_space<vmem_shared>>)
      %add3A_1936 = arith.constant 3 : i32
      %add3A_1937 = arith.addi %add3A_1926, %add3A_1936 : i32
      %mul3A_1938 = arith.constant 16 : i32
      %mul3A_1939 = arith.muli %mul3A_1938, %add3A_1937 : i32
      %add3A_1940 = arith.addi %arg1, %mul3A_1939 : i32
      %min3A_1941 = arith.constant 2499 : i32
      %min3A_1942 = arith.minsi %add3A_1940, %min3A_1941 : i32
      %mul3A_1943 = arith.constant 128 : i32
      %mul3A_1944 = arith.muli %min3A_1942, %mul3A_1943 : i32
      %dma_start3A_1945 = tpu.memref_slice %arg3[%mul3A_1944] : memref<320000xi32, #tpu.memory_space<hbm>> -> memref<128xi32, #tpu.memory_space<hbm>>
      %dma_start3A_1946 = tpu.memref_slice %arg3[%mul3A_1944] : memref<320000xi32, #tpu.memory_space<hbm>> -> memref<128xi32, #tpu.memory_space<hbm>>
      tpu.enqueue_dma source(%dma_start3A_1946 : memref<128xi32, #tpu.memory_space<hbm>>) target(%arg18 : memref<128xi32, #tpu.memory_space<vmem>>) target_semaphore(%arg38 : memref<!tpu.dma_semaphore, #tpu.memory_space<semaphore_mem>>)
      %mul3A_1947 = arith.constant 16 : i32
      %mul3A_1948 = arith.muli %mul3A_1947, %add3A_1937 : i32
      %add3A_1949 = arith.addi %arg1, %mul3A_1948 : i32
      %min3A_1950 = arith.constant 2499 : i32
      %min3A_1951 = arith.minsi %add3A_1949, %min3A_1950 : i32
      %mul3A_1952 = arith.constant 128 : i32
      %mul3A_1953 = arith.muli %min3A_1951, %mul3A_1952 : i32
      %dma_start3A_1954 = tpu.memref_slice %arg4[%mul3A_1953] : memref<320000xi32, #tpu.memory_space<hbm>> -> memref<128xi32, #tpu.memory_space<hbm>>
      %dma_start3A_1955 = tpu.memref_slice %arg4[%mul3A_1953] : memref<320000xi32, #tpu.memory_space<hbm>> -> memref<128xi32, #tpu.memory_space<hbm>>
      tpu.enqueue_dma source(%dma_start3A_1955 : memref<128xi32, #tpu.memory_space<hbm>>) target(%arg19 : memref<128xi32, #tpu.memory_space<vmem>>) target_semaphore(%arg39 : memref<!tpu.dma_semaphore, #tpu.memory_space<semaphore_mem>>)
      %dma_wait3A_1956 = arith.constant 0 : i32
      %dma_wait3A_1957 = tpu.memref_slice %arg3[%dma_wait3A_1956] : memref<320000xi32, #tpu.memory_space<hbm>> -> memref<128xi32, #tpu.memory_space<hbm>>
      %dma_wait3A_1958 = arith.constant 0 : i32
      %dma_wait3A_1959 = tpu.memref_slice %arg3[%dma_wait3A_1958] : memref<320000xi32, #tpu.memory_space<hbm>> -> memref<128xi32, #tpu.memory_space<hbm>>
      tpu.wait_dma2 semaphore(%arg34 : memref<!tpu.dma_semaphore, #tpu.memory_space<semaphore_mem>>) src(%dma_wait3A_1959 : memref<128xi32, #tpu.memory_space<hbm>>) dst(%arg15 : memref<128xi32, #tpu.memory_space<vmem>>)
      %dma_wait3A_1960 = arith.constant 0 : i32
      %dma_wait3A_1961 = tpu.memref_slice %arg4[%dma_wait3A_1960] : memref<320000xi32, #tpu.memory_space<hbm>> -> memref<128xi32, #tpu.memory_space<hbm>>
      %dma_wait3A_1962 = arith.constant 0 : i32
      %dma_wait3A_1963 = tpu.memref_slice %arg4[%dma_wait3A_1962] : memref<320000xi32, #tpu.memory_space<hbm>> -> memref<128xi32, #tpu.memory_space<hbm>>
      tpu.wait_dma2 semaphore(%arg35 : memref<!tpu.dma_semaphore, #tpu.memory_space<semaphore_mem>>) src(%dma_wait3A_1963 : memref<128xi32, #tpu.memory_space<hbm>>) dst(%arg16 : memref<128xi32, #tpu.memory_space<vmem>>)
      %add3A_1964 = arith.constant 2 : i32
      %add3A_1965 = arith.addi %add3A_1926, %add3A_1964 : i32
      %mul3A_1966 = arith.constant 16 : i32
      %mul3A_1967 = arith.muli %mul3A_1966, %add3A_1965 : i32
      %add3A_1968 = arith.addi %arg1, %mul3A_1967 : i32
      %lt3A_1969 = arith.constant 2500 : i32
      %lt3A_1970 = arith.cmpi slt, %add3A_1968, %lt3A_1969 : i32
      %convert_element_type3A_1971 = arith.extui %lt3A_1970 : i1 to i32
      %broadcast_in_dim3A_1972 = vector.broadcast %convert_element_type3A_1971 : i32 to vector<16xi32>
      %get3A_1973 = arith.constant 0 : index
      %get3A_1974 = tpu.vector_load %arg15[%get3A_1973] {strides = array<i32>} : memref<128xi32, #tpu.memory_space<vmem>>, vector<16xi32>,
      %get3A_1975 = vector.shape_cast %get3A_1974 : vector<16xi32> to vector<16xi32>
      %mul3A_1976 = arith.constant 2 : i32
      %mul3A_1977 = vector.broadcast %mul3A_1976 : i32 to vector<16xi32>
      %mul3A_1978 = arith.muli %get3A_1975, %mul3A_1977 : vector<16xi32>
      %add3A_1979 = arith.addi %mul3A_1978, %broadcast_in_dim3A_1 : vector<16xi32>
      %swap3A_1980 = arith.constant 0 : index
      %swap3A_1981 = tpu.vector_load %arg15[%swap3A_1980] {strides = array<i32>} : memref<128xi32, #tpu.memory_space<vmem>>, vector<16xi32>,
      %swap3A_1982 = vector.shape_cast %swap3A_1981 : vector<16xi32> to vector<16xi32>
      %swap3A_1983 = vector.shape_cast %add3A_1979 : vector<16xi32> to vector<16xi32>
      tpu.vector_store %arg15[%swap3A_1980], %swap3A_1983 {strides = array<i32>} : memref<128xi32, #tpu.memory_space<vmem>>, vector<16xi32>,
      %get3A_1984 = arith.constant 0 : index
      %get3A_1985 = tpu.vector_load %arg16[%get3A_1984] {strides = array<i32>} : memref<128xi32, #tpu.memory_space<vmem>>, vector<16xi32>,
      %get3A_1986 = vector.shape_cast %get3A_1985 : vector<16xi32> to vector<16xi32>
      %mul3A_1987 = arith.muli %get3A_1986, %broadcast_in_dim3A_1972 : vector<16xi32>
      %sub3A_1988 = arith.constant 1 : i32
      %sub3A_1989 = vector.broadcast %sub3A_1988 : i32 to vector<16xi32>
      %sub3A_1990 = arith.subi %sub3A_1989, %broadcast_in_dim3A_1972 : vector<16xi32>
      %mul3A_1991 = arith.muli %broadcast_in_dim3A_3, %sub3A_1990 : vector<16xi32>
      %add3A_1992 = arith.addi %mul3A_1987, %mul3A_1991 : vector<16xi32>
      %swap3A_1993 = arith.constant 0 : index
      %swap3A_1994 = tpu.vector_load %arg16[%swap3A_1993] {strides = array<i32>} : memref<128xi32, #tpu.memory_space<vmem>>, vector<16xi32>,
      %swap3A_1995 = vector.shape_cast %swap3A_1994 : vector<16xi32> to vector<16xi32>
      %swap3A_1996 = vector.shape_cast %add3A_1992 : vector<16xi32> to vector<16xi32>
      tpu.vector_store %arg16[%swap3A_1993], %swap3A_1996 {strides = array<i32>} : memref<128xi32, #tpu.memory_space<vmem>>, vector<16xi32>,
      %get3A_1997 = arith.constant 16 : index
      %get3A_1998 = tpu.vector_load %arg15[%get3A_1997] {strides = array<i32>} : memref<128xi32, #tpu.memory_space<vmem>>, vector<16xi32>,
      %get3A_1999 = vector.shape_cast %get3A_1998 : vector<16xi32> to vector<16xi32>
      %mul3A_2000 = arith.constant 2 : i32
      %mul3A_2001 = vector.broadcast %mul3A_2000 : i32 to vector<16xi32>
      %mul3A_2002 = arith.muli %get3A_1999, %mul3A_2001 : vector<16xi32>
      %add3A_2003 = arith.addi %mul3A_2002, %broadcast_in_dim3A_1 : vector<16xi32>
      %swap3A_2004 = arith.constant 16 : index
      %swap3A_2005 = tpu.vector_load %arg15[%swap3A_2004] {strides = array<i32>} : memref<128xi32, #tpu.memory_space<vmem>>, vector<16xi32>,
      %swap3A_2006 = vector.shape_cast %swap3A_2005 : vector<16xi32> to vector<16xi32>
      %swap3A_2007 = vector.shape_cast %add3A_2003 : vector<16xi32> to vector<16xi32>
      tpu.vector_store %arg15[%swap3A_2004], %swap3A_2007 {strides = array<i32>} : memref<128xi32, #tpu.memory_space<vmem>>, vector<16xi32>,
      %get3A_2008 = arith.constant 16 : index
      %get3A_2009 = tpu.vector_load %arg16[%get3A_2008] {strides = array<i32>} : memref<128xi32, #tpu.memory_space<vmem>>, vector<16xi32>,
      %get3A_2010 = vector.shape_cast %get3A_2009 : vector<16xi32> to vector<16xi32>
      %mul3A_2011 = arith.muli %get3A_2010, %broadcast_in_dim3A_1972 : vector<16xi32>
      %sub3A_2012 = arith.constant 1 : i32
      %sub3A_2013 = vector.broadcast %sub3A_2012 : i32 to vector<16xi32>
      %sub3A_2014 = arith.subi %sub3A_2013, %broadcast_in_dim3A_1972 : vector<16xi32>
      %mul3A_2015 = arith.muli %broadcast_in_dim3A_3, %sub3A_2014 : vector<16xi32>
      %add3A_2016 = arith.addi %mul3A_2011, %mul3A_2015 : vector<16xi32>
      %swap3A_2017 = arith.constant 16 : index
      %swap3A_2018 = tpu.vector_load %arg16[%swap3A_2017] {strides = array<i32>} : memref<128xi32, #tpu.memory_space<vmem>>, vector<16xi32>,
      %swap3A_2019 = vector.shape_cast %swap3A_2018 : vector<16xi32> to vector<16xi32>
      %swap3A_2020 = vector.shape_cast %add3A_2016 : vector<16xi32> to vector<16xi32>
      tpu.vector_store %arg16[%swap3A_2017], %swap3A_2020 {strides = array<i32>} : memref<128xi32, #tpu.memory_space<vmem>>, vector<16xi32>,
      %get3A_2021 = arith.constant 32 : index
      %get3A_2022 = tpu.vector_load %arg15[%get3A_2021] {strides = array<i32>} : memref<128xi32, #tpu.memory_space<vmem>>, vector<16xi32>,
      %get3A_2023 = vector.shape_cast %get3A_2022 : vector<16xi32> to vector<16xi32>
      %mul3A_2024 = arith.constant 2 : i32
      %mul3A_2025 = vector.broadcast %mul3A_2024 : i32 to vector<16xi32>
      %mul3A_2026 = arith.muli %get3A_2023, %mul3A_2025 : vector<16xi32>
      %add3A_2027 = arith.addi %mul3A_2026, %broadcast_in_dim3A_1 : vector<16xi32>
      %swap3A_2028 = arith.constant 32 : index
      %swap3A_2029 = tpu.vector_load %arg15[%swap3A_2028] {strides = array<i32>} : memref<128xi32, #tpu.memory_space<vmem>>, vector<16xi32>,
      %swap3A_2030 = vector.shape_cast %swap3A_2029 : vector<16xi32> to vector<16xi32>
      %swap3A_2031 = vector.shape_cast %add3A_2027 : vector<16xi32> to vector<16xi32>
      tpu.vector_store %arg15[%swap3A_2028], %swap3A_2031 {strides = array<i32>} : memref<128xi32, #tpu.memory_space<vmem>>, vector<16xi32>,
      %get3A_2032 = arith.constant 32 : index
      %get3A_2033 = tpu.vector_load %arg16[%get3A_2032] {strides = array<i32>} : memref<128xi32, #tpu.memory_space<vmem>>, vector<16xi32>,
      %get3A_2034 = vector.shape_cast %get3A_2033 : vector<16xi32> to vector<16xi32>
      %mul3A_2035 = arith.muli %get3A_2034, %broadcast_in_dim3A_1972 : vector<16xi32>
      %sub3A_2036 = arith.constant 1 : i32
      %sub3A_2037 = vector.broadcast %sub3A_2036 : i32 to vector<16xi32>
      %sub3A_2038 = arith.subi %sub3A_2037, %broadcast_in_dim3A_1972 : vector<16xi32>
      %mul3A_2039 = arith.muli %broadcast_in_dim3A_3, %sub3A_2038 : vector<16xi32>
      %add3A_2040 = arith.addi %mul3A_2035, %mul3A_2039 : vector<16xi32>
      %swap3A_2041 = arith.constant 32 : index
      %swap3A_2042 = tpu.vector_load %arg16[%swap3A_2041] {strides = array<i32>} : memref<128xi32, #tpu.memory_space<vmem>>, vector<16xi32>,
      %swap3A_2043 = vector.shape_cast %swap3A_2042 : vector<16xi32> to vector<16xi32>
      %swap3A_2044 = vector.shape_cast %add3A_2040 : vector<16xi32> to vector<16xi32>
      tpu.vector_store %arg16[%swap3A_2041], %swap3A_2044 {strides = array<i32>} : memref<128xi32, #tpu.memory_space<vmem>>, vector<16xi32>,
      %get3A_2045 = arith.constant 48 : index
      %get3A_2046 = tpu.vector_load %arg15[%get3A_2045] {strides = array<i32>} : memref<128xi32, #tpu.memory_space<vmem>>, vector<16xi32>,
      %get3A_2047 = vector.shape_cast %get3A_2046 : vector<16xi32> to vector<16xi32>
      %mul3A_2048 = arith.constant 2 : i32
      %mul3A_2049 = vector.broadcast %mul3A_2048 : i32 to vector<16xi32>
      %mul3A_2050 = arith.muli %get3A_2047, %mul3A_2049 : vector<16xi32>
      %add3A_2051 = arith.addi %mul3A_2050, %broadcast_in_dim3A_1 : vector<16xi32>
      %swap3A_2052 = arith.constant 48 : index
      %swap3A_2053 = tpu.vector_load %arg15[%swap3A_2052] {strides = array<i32>} : memref<128xi32, #tpu.memory_space<vmem>>, vector<16xi32>,
      %swap3A_2054 = vector.shape_cast %swap3A_2053 : vector<16xi32> to vector<16xi32>
      %swap3A_2055 = vector.shape_cast %add3A_2051 : vector<16xi32> to vector<16xi32>
      tpu.vector_store %arg15[%swap3A_2052], %swap3A_2055 {strides = array<i32>} : memref<128xi32, #tpu.memory_space<vmem>>, vector<16xi32>,
      %get3A_2056 = arith.constant 48 : index
      %get3A_2057 = tpu.vector_load %arg16[%get3A_2056] {strides = array<i32>} : memref<128xi32, #tpu.memory_space<vmem>>, vector<16xi32>,
      %get3A_2058 = vector.shape_cast %get3A_2057 : vector<16xi32> to vector<16xi32>
      %mul3A_2059 = arith.muli %get3A_2058, %broadcast_in_dim3A_1972 : vector<16xi32>
      %sub3A_2060 = arith.constant 1 : i32
      %sub3A_2061 = vector.broadcast %sub3A_2060 : i32 to vector<16xi32>
      %sub3A_2062 = arith.subi %sub3A_2061, %broadcast_in_dim3A_1972 : vector<16xi32>
      %mul3A_2063 = arith.muli %broadcast_in_dim3A_3, %sub3A_2062 : vector<16xi32>
      %add3A_2064 = arith.addi %mul3A_2059, %mul3A_2063 : vector<16xi32>
      %swap3A_2065 = arith.constant 48 : index
      %swap3A_2066 = tpu.vector_load %arg16[%swap3A_2065] {strides = array<i32>} : memref<128xi32, #tpu.memory_space<vmem>>, vector<16xi32>,
      %swap3A_2067 = vector.shape_cast %swap3A_2066 : vector<16xi32> to vector<16xi32>
      %swap3A_2068 = vector.shape_cast %add3A_2064 : vector<16xi32> to vector<16xi32>
      tpu.vector_store %arg16[%swap3A_2065], %swap3A_2068 {strides = array<i32>} : memref<128xi32, #tpu.memory_space<vmem>>, vector<16xi32>,
      %get3A_2069 = arith.constant 64 : index
      %get3A_2070 = tpu.vector_load %arg15[%get3A_2069] {strides = array<i32>} : memref<128xi32, #tpu.memory_space<vmem>>, vector<16xi32>,
      %get3A_2071 = vector.shape_cast %get3A_2070 : vector<16xi32> to vector<16xi32>
      %mul3A_2072 = arith.constant 2 : i32
      %mul3A_2073 = vector.broadcast %mul3A_2072 : i32 to vector<16xi32>
      %mul3A_2074 = arith.muli %get3A_2071, %mul3A_2073 : vector<16xi32>
      %add3A_2075 = arith.addi %mul3A_2074, %broadcast_in_dim3A_1 : vector<16xi32>
      %swap3A_2076 = arith.constant 64 : index
      %swap3A_2077 = tpu.vector_load %arg15[%swap3A_2076] {strides = array<i32>} : memref<128xi32, #tpu.memory_space<vmem>>, vector<16xi32>,
      %swap3A_2078 = vector.shape_cast %swap3A_2077 : vector<16xi32> to vector<16xi32>
      %swap3A_2079 = vector.shape_cast %add3A_2075 : vector<16xi32> to vector<16xi32>
      tpu.vector_store %arg15[%swap3A_2076], %swap3A_2079 {strides = array<i32>} : memref<128xi32, #tpu.memory_space<vmem>>, vector<16xi32>,
      %get3A_2080 = arith.constant 64 : index
      %get3A_2081 = tpu.vector_load %arg16[%get3A_2080] {strides = array<i32>} : memref<128xi32, #tpu.memory_space<vmem>>, vector<16xi32>,
      %get3A_2082 = vector.shape_cast %get3A_2081 : vector<16xi32> to vector<16xi32>
      %mul3A_2083 = arith.muli %get3A_2082, %broadcast_in_dim3A_1972 : vector<16xi32>
      %sub3A_2084 = arith.constant 1 : i32
      %sub3A_2085 = vector.broadcast %sub3A_2084 : i32 to vector<16xi32>
      %sub3A_2086 = arith.subi %sub3A_2085, %broadcast_in_dim3A_1972 : vector<16xi32>
      %mul3A_2087 = arith.muli %broadcast_in_dim3A_3, %sub3A_2086 : vector<16xi32>
      %add3A_2088 = arith.addi %mul3A_2083, %mul3A_2087 : vector<16xi32>
      %swap3A_2089 = arith.constant 64 : index
      %swap3A_2090 = tpu.vector_load %arg16[%swap3A_2089] {strides = array<i32>} : memref<128xi32, #tpu.memory_space<vmem>>, vector<16xi32>,
      %swap3A_2091 = vector.shape_cast %swap3A_2090 : vector<16xi32> to vector<16xi32>
      %swap3A_2092 = vector.shape_cast %add3A_2088 : vector<16xi32> to vector<16xi32>
      tpu.vector_store %arg16[%swap3A_2089], %swap3A_2092 {strides = array<i32>} : memref<128xi32, #tpu.memory_space<vmem>>, vector<16xi32>,
      %get3A_2093 = arith.constant 80 : index
      %get3A_2094 = tpu.vector_load %arg15[%get3A_2093] {strides = array<i32>} : memref<128xi32, #tpu.memory_space<vmem>>, vector<16xi32>,
      %get3A_2095 = vector.shape_cast %get3A_2094 : vector<16xi32> to vector<16xi32>
      %mul3A_2096 = arith.constant 2 : i32
      %mul3A_2097 = vector.broadcast %mul3A_2096 : i32 to vector<16xi32>
      %mul3A_2098 = arith.muli %get3A_2095, %mul3A_2097 : vector<16xi32>
      %add3A_2099 = arith.addi %mul3A_2098, %broadcast_in_dim3A_1 : vector<16xi32>
      %swap3A_2100 = arith.constant 80 : index
      %swap3A_2101 = tpu.vector_load %arg15[%swap3A_2100] {strides = array<i32>} : memref<128xi32, #tpu.memory_space<vmem>>, vector<16xi32>,
      %swap3A_2102 = vector.shape_cast %swap3A_2101 : vector<16xi32> to vector<16xi32>
      %swap3A_2103 = vector.shape_cast %add3A_2099 : vector<16xi32> to vector<16xi32>
      tpu.vector_store %arg15[%swap3A_2100], %swap3A_2103 {strides = array<i32>} : memref<128xi32, #tpu.memory_space<vmem>>, vector<16xi32>,
      %get3A_2104 = arith.constant 80 : index
      %get3A_2105 = tpu.vector_load %arg16[%get3A_2104] {strides = array<i32>} : memref<128xi32, #tpu.memory_space<vmem>>, vector<16xi32>,
      %get3A_2106 = vector.shape_cast %get3A_2105 : vector<16xi32> to vector<16xi32>
      %mul3A_2107 = arith.muli %get3A_2106, %broadcast_in_dim3A_1972 : vector<16xi32>
      %sub3A_2108 = arith.constant 1 : i32
      %sub3A_2109 = vector.broadcast %sub3A_2108 : i32 to vector<16xi32>
      %sub3A_2110 = arith.subi %sub3A_2109, %broadcast_in_dim3A_1972 : vector<16xi32>
      %mul3A_2111 = arith.muli %broadcast_in_dim3A_3, %sub3A_2110 : vector<16xi32>
      %add3A_2112 = arith.addi %mul3A_2107, %mul3A_2111 : vector<16xi32>
      %swap3A_2113 = arith.constant 80 : index
      %swap3A_2114 = tpu.vector_load %arg16[%swap3A_2113] {strides = array<i32>} : memref<128xi32, #tpu.memory_space<vmem>>, vector<16xi32>,
      %swap3A_2115 = vector.shape_cast %swap3A_2114 : vector<16xi32> to vector<16xi32>
      %swap3A_2116 = vector.shape_cast %add3A_2112 : vector<16xi32> to vector<16xi32>
      tpu.vector_store %arg16[%swap3A_2113], %swap3A_2116 {strides = array<i32>} : memref<128xi32, #tpu.memory_space<vmem>>, vector<16xi32>,
      %get3A_2117 = arith.constant 96 : index
      %get3A_2118 = tpu.vector_load %arg15[%get3A_2117] {strides = array<i32>} : memref<128xi32, #tpu.memory_space<vmem>>, vector<16xi32>,
      %get3A_2119 = vector.shape_cast %get3A_2118 : vector<16xi32> to vector<16xi32>
      %mul3A_2120 = arith.constant 2 : i32
      %mul3A_2121 = vector.broadcast %mul3A_2120 : i32 to vector<16xi32>
      %mul3A_2122 = arith.muli %get3A_2119, %mul3A_2121 : vector<16xi32>
      %add3A_2123 = arith.addi %mul3A_2122, %broadcast_in_dim3A_1 : vector<16xi32>
      %swap3A_2124 = arith.constant 96 : index
      %swap3A_2125 = tpu.vector_load %arg15[%swap3A_2124] {strides = array<i32>} : memref<128xi32, #tpu.memory_space<vmem>>, vector<16xi32>,
      %swap3A_2126 = vector.shape_cast %swap3A_2125 : vector<16xi32> to vector<16xi32>
      %swap3A_2127 = vector.shape_cast %add3A_2123 : vector<16xi32> to vector<16xi32>
      tpu.vector_store %arg15[%swap3A_2124], %swap3A_2127 {strides = array<i32>} : memref<128xi32, #tpu.memory_space<vmem>>, vector<16xi32>,
      %get3A_2128 = arith.constant 96 : index
      %get3A_2129 = tpu.vector_load %arg16[%get3A_2128] {strides = array<i32>} : memref<128xi32, #tpu.memory_space<vmem>>, vector<16xi32>,
      %get3A_2130 = vector.shape_cast %get3A_2129 : vector<16xi32> to vector<16xi32>
      %mul3A_2131 = arith.muli %get3A_2130, %broadcast_in_dim3A_1972 : vector<16xi32>
      %sub3A_2132 = arith.constant 1 : i32
      %sub3A_2133 = vector.broadcast %sub3A_2132 : i32 to vector<16xi32>
      %sub3A_2134 = arith.subi %sub3A_2133, %broadcast_in_dim3A_1972 : vector<16xi32>
      %mul3A_2135 = arith.muli %broadcast_in_dim3A_3, %sub3A_2134 : vector<16xi32>
      %add3A_2136 = arith.addi %mul3A_2131, %mul3A_2135 : vector<16xi32>
      %swap3A_2137 = arith.constant 96 : index
      %swap3A_2138 = tpu.vector_load %arg16[%swap3A_2137] {strides = array<i32>} : memref<128xi32, #tpu.memory_space<vmem>>, vector<16xi32>,
      %swap3A_2139 = vector.shape_cast %swap3A_2138 : vector<16xi32> to vector<16xi32>
      %swap3A_2140 = vector.shape_cast %add3A_2136 : vector<16xi32> to vector<16xi32>
      tpu.vector_store %arg16[%swap3A_2137], %swap3A_2140 {strides = array<i32>} : memref<128xi32, #tpu.memory_space<vmem>>, vector<16xi32>,
      %get3A_2141 = arith.constant 112 : index
      %get3A_2142 = tpu.vector_load %arg15[%get3A_2141] {strides = array<i32>} : memref<128xi32, #tpu.memory_space<vmem>>, vector<16xi32>,
      %get3A_2143 = vector.shape_cast %get3A_2142 : vector<16xi32> to vector<16xi32>
      %mul3A_2144 = arith.constant 2 : i32
      %mul3A_2145 = vector.broadcast %mul3A_2144 : i32 to vector<16xi32>
      %mul3A_2146 = arith.muli %get3A_2143, %mul3A_2145 : vector<16xi32>
      %add3A_2147 = arith.addi %mul3A_2146, %broadcast_in_dim3A_1 : vector<16xi32>
      %swap3A_2148 = arith.constant 112 : index
      %swap3A_2149 = tpu.vector_load %arg15[%swap3A_2148] {strides = array<i32>} : memref<128xi32, #tpu.memory_space<vmem>>, vector<16xi32>,
      %swap3A_2150 = vector.shape_cast %swap3A_2149 : vector<16xi32> to vector<16xi32>
      %swap3A_2151 = vector.shape_cast %add3A_2147 : vector<16xi32> to vector<16xi32>
      tpu.vector_store %arg15[%swap3A_2148], %swap3A_2151 {strides = array<i32>} : memref<128xi32, #tpu.memory_space<vmem>>, vector<16xi32>,
      %get3A_2152 = arith.constant 112 : index
      %get3A_2153 = tpu.vector_load %arg16[%get3A_2152] {strides = array<i32>} : memref<128xi32, #tpu.memory_space<vmem>>, vector<16xi32>,
      %get3A_2154 = vector.shape_cast %get3A_2153 : vector<16xi32> to vector<16xi32>
      %mul3A_2155 = arith.muli %get3A_2154, %broadcast_in_dim3A_1972 : vector<16xi32>
      %sub3A_2156 = arith.constant 1 : i32
      %sub3A_2157 = vector.broadcast %sub3A_2156 : i32 to vector<16xi32>
      %sub3A_2158 = arith.subi %sub3A_2157, %broadcast_in_dim3A_1972 : vector<16xi32>
      %mul3A_2159 = arith.muli %broadcast_in_dim3A_3, %sub3A_2158 : vector<16xi32>
      %add3A_2160 = arith.addi %mul3A_2155, %mul3A_2159 : vector<16xi32>
      %swap3A_2161 = arith.constant 112 : index
      %swap3A_2162 = tpu.vector_load %arg16[%swap3A_2161] {strides = array<i32>} : memref<128xi32, #tpu.memory_space<vmem>>, vector<16xi32>,
      %swap3A_2163 = vector.shape_cast %swap3A_2162 : vector<16xi32> to vector<16xi32>
      %swap3A_2164 = vector.shape_cast %add3A_2160 : vector<16xi32> to vector<16xi32>
      tpu.vector_store %arg16[%swap3A_2161], %swap3A_2164 {strides = array<i32>} : memref<128xi32, #tpu.memory_space<vmem>>, vector<16xi32>,
      %dma_start3A_2165 = arith.constant 0 : i32
      %dma_start3A_2166 = arith.constant 0 : i32
      %dma_start3A_2167 = tpu.memref_slice %arg2[%dma_start3A_2165, %dma_start3A_2166] : memref<20000x64xf32, #tpu.memory_space<hbm>> -> memref<20000x64xf32, #tpu.memory_space<hbm>>
      tpu.enqueue_indirect_dma source(%dma_start3A_2167 : memref<20000x64xf32, #tpu.memory_space<hbm>>) target(%arg17 : memref<128x64xf32, #tpu.memory_space<vmem>>) offsets(%arg15 : memref<128xi32, #tpu.memory_space<vmem>>) semaphore(%arg36 : memref<!tpu.dma_semaphore, #tpu.memory_space<semaphore_mem>>)
    }
    %scan3A_920 = arith.constant 31 : i32
    %dma_wait3A_921 = arith.constant 0 : i32
    %dma_wait3A_922 = arith.constant 0 : i32
    %dma_wait3A_923 = tpu.memref_slice %arg2[%dma_wait3A_921, %dma_wait3A_922] : memref<20000x64xf32, #tpu.memory_space<hbm>> -> memref<20000x64xf32, #tpu.memory_space<hbm>>
    tpu.wait_indirect_dma semaphore(%arg32 : memref<!tpu.dma_semaphore, #tpu.memory_space<semaphore_mem>>) src(%dma_wait3A_923 : memref<20000x64xf32, #tpu.memory_space<hbm>>) dst(%arg14 : memref<128x64xf32, #tpu.memory_space<vmem>>)
    %dma_start3A_924 = arith.constant 0 : i32
    %dma_start3A_925 = arith.constant 0 : i32
    %dma_start3A_926 = tpu.memref_slice %arg21[%dma_start3A_924, %dma_start3A_925] : memref<10112x64xf32, #tpu.memory_space<vmem_shared>> -> memref<10112x64xf32, #tpu.memory_space<vmem_shared>>
    tpu.enqueue_indirect_dma source(%arg14 : memref<128x64xf32, #tpu.memory_space<vmem>>) target(%dma_start3A_926 : memref<10112x64xf32, #tpu.memory_space<vmem_shared>>) offsets(%arg13 : memref<128xi32, #tpu.memory_space<vmem>>) semaphore(%arg33 : memref<!tpu.dma_semaphore, #tpu.memory_space<semaphore_mem>>) {add = true}
    %dma_wait3A_927 = arith.constant 0 : i32
    %dma_wait3A_928 = arith.constant 0 : i32
    %dma_wait3A_929 = tpu.memref_slice %arg21[%dma_wait3A_927, %dma_wait3A_928] : memref<10112x64xf32, #tpu.memory_space<vmem_shared>> -> memref<10112x64xf32, #tpu.memory_space<vmem_shared>>
    tpu.wait_indirect_dma semaphore(%arg25 : memref<!tpu.dma_semaphore, #tpu.memory_space<semaphore_mem>>) src(%arg8 : memref<128x64xf32, #tpu.memory_space<vmem>>) dst(%dma_wait3A_929 : memref<10112x64xf32, #tpu.memory_space<vmem_shared>>)
    %dma_wait3A_930 = arith.constant 0 : i32
    %dma_wait3A_931 = arith.constant 0 : i32
    %dma_wait3A_932 = tpu.memref_slice %arg21[%dma_wait3A_930, %dma_wait3A_931] : memref<10112x64xf32, #tpu.memory_space<vmem_shared>> -> memref<10112x64xf32, #tpu.memory_space<vmem_shared>>
    tpu.wait_indirect_dma semaphore(%arg29 : memref<!tpu.dma_semaphore, #tpu.memory_space<semaphore_mem>>) src(%arg11 : memref<128x64xf32, #tpu.memory_space<vmem>>) dst(%dma_wait3A_932 : memref<10112x64xf32, #tpu.memory_space<vmem_shared>>)
    %dma_wait3A_933 = arith.constant 0 : i32
    %dma_wait3A_934 = arith.constant 0 : i32
    %dma_wait3A_935 = tpu.memref_slice %arg21[%dma_wait3A_933, %dma_wait3A_934] : memref<10112x64xf32, #tpu.memory_space<vmem_shared>> -> memref<10112x64xf32, #tpu.memory_space<vmem_shared>>
    tpu.wait_indirect_dma semaphore(%arg33 : memref<!tpu.dma_semaphore, #tpu.memory_space<semaphore_mem>>) src(%arg14 : memref<128x64xf32, #tpu.memory_space<vmem>>) dst(%dma_wait3A_935 : memref<10112x64xf32, #tpu.memory_space<vmem_shared>>)
    %dma_wait3A_936 = arith.constant 0 : i32
    %dma_wait3A_937 = arith.constant 0 : i32
    %dma_wait3A_938 = tpu.memref_slice %arg2[%dma_wait3A_936, %dma_wait3A_937] : memref<20000x64xf32, #tpu.memory_space<hbm>> -> memref<20000x64xf32, #tpu.memory_space<hbm>>
    tpu.wait_indirect_dma semaphore(%arg36 : memref<!tpu.dma_semaphore, #tpu.memory_space<semaphore_mem>>) src(%dma_wait3A_938 : memref<20000x64xf32, #tpu.memory_space<hbm>>) dst(%arg17 : memref<128x64xf32, #tpu.memory_space<vmem>>)
    %dma_wait3A_939 = arith.constant 0 : i32
    %dma_wait3A_940 = tpu.memref_slice %arg3[%dma_wait3A_939] : memref<320000xi32, #tpu.memory_space<hbm>> -> memref<128xi32, #tpu.memory_space<hbm>>
    %dma_wait3A_941 = arith.constant 0 : i32
    %dma_wait3A_942 = tpu.memref_slice %arg3[%dma_wait3A_941] : memref<320000xi32, #tpu.memory_space<hbm>> -> memref<128xi32, #tpu.memory_space<hbm>>
    tpu.wait_dma2 semaphore(%arg38 : memref<!tpu.dma_semaphore, #tpu.memory_space<semaphore_mem>>) src(%dma_wait3A_942 : memref<128xi32, #tpu.memory_space<hbm>>) dst(%arg18 : memref<128xi32, #tpu.memory_space<vmem>>)
    %dma_wait3A_943 = arith.constant 0 : i32
    %dma_wait3A_944 = tpu.memref_slice %arg4[%dma_wait3A_943] : memref<320000xi32, #tpu.memory_space<hbm>> -> memref<128xi32, #tpu.memory_space<hbm>>
    %dma_wait3A_945 = arith.constant 0 : i32
    %dma_wait3A_946 = tpu.memref_slice %arg4[%dma_wait3A_945] : memref<320000xi32, #tpu.memory_space<hbm>> -> memref<128xi32, #tpu.memory_space<hbm>>
    tpu.wait_dma2 semaphore(%arg39 : memref<!tpu.dma_semaphore, #tpu.memory_space<semaphore_mem>>) src(%dma_wait3A_946 : memref<128xi32, #tpu.memory_space<hbm>>) dst(%arg19 : memref<128xi32, #tpu.memory_space<vmem>>)
    %barrier3A_947 = arith.constant 0 : index
    tpu.barrier barrier_id(%barrier3A_947)
    "tpu.region"() ({
      %run_scoped3A = tpu.sem_alloc : memref<!tpu.dma_semaphore, #tpu.memory_space<semaphore_mem>>
      %dma_start3A_948 = arith.constant 0 : i32
      %dma_start3A_949 = tpu.memref_slice %arg5[%arg0, %mul3A_9, %dma_start3A_948] : memref<2x10112x64xf32, #tpu.memory_space<hbm>> -> memref<1x632x64xf32, #tpu.memory_space<hbm>>
      %dma_start3A_950 = tpu.memref_squeeze %dma_start3A_949 : memref<1x632x64xf32, #tpu.memory_space<hbm>> -> memref<632x64xf32, #tpu.memory_space<hbm>>
      %dma_start3A_951 = arith.constant 0 : i32
      %dma_start3A_952 = tpu.memref_slice %arg21[%mul3A_9, %dma_start3A_951] : memref<10112x64xf32, #tpu.memory_space<vmem_shared>> -> memref<632x64xf32, #tpu.memory_space<vmem_shared>>
      tpu.enqueue_dma source(%dma_start3A_952 : memref<632x64xf32, #tpu.memory_space<vmem_shared>>) target(%dma_start3A_950 : memref<632x64xf32, #tpu.memory_space<hbm>>) target_semaphore(%run_scoped3A : memref<!tpu.dma_semaphore, #tpu.memory_space<semaphore_mem>>)
      %dma_wait3A_953 = arith.constant 0 : i32
      %dma_wait3A_954 = tpu.memref_slice %arg5[%arg0, %mul3A_9, %dma_wait3A_953] : memref<2x10112x64xf32, #tpu.memory_space<hbm>> -> memref<1x632x64xf32, #tpu.memory_space<hbm>>
      %dma_wait3A_955 = tpu.memref_squeeze %dma_wait3A_954 : memref<1x632x64xf32, #tpu.memory_space<hbm>> -> memref<632x64xf32, #tpu.memory_space<hbm>>
      %dma_wait3A_956 = arith.constant 0 : i32
      %dma_wait3A_957 = tpu.memref_slice %arg21[%mul3A_9, %dma_wait3A_956] : memref<10112x64xf32, #tpu.memory_space<vmem_shared>> -> memref<632x64xf32, #tpu.memory_space<vmem_shared>>
      tpu.wait_dma2 semaphore(%run_scoped3A : memref<!tpu.dma_semaphore, #tpu.memory_space<semaphore_mem>>) src(%dma_wait3A_957 : memref<632x64xf32, #tpu.memory_space<vmem_shared>>) dst(%dma_wait3A_955 : memref<632x64xf32, #tpu.memory_space<hbm>>)
      tpu.yield
    }) : () -> ()
    return
  }
}

#map = affine_map<(d0, d1) -> (0)>
#map1 = affine_map<(d0, d1) -> (0, 0)>
#map2 = affine_map<(d0, d1) -> (0, 0, 0)>
module attributes {stable_mosaic.version = 14 : i64} {
  func.func @_sc_attr_body(%arg0: i32, %arg1: i32, %arg2: memref<320000xi32, #tpu.memory_space<hbm>>, %arg3: memref<320000x16xf32, #tpu.memory_space<hbm>>, %arg4: memref<128x8xf32, #tpu.memory_space<hbm>>, %arg5: memref<128x8xf32, #tpu.memory_space<hbm>>, %arg6: memref<2x10112x16xf32, #tpu.memory_space<hbm>>, %arg7: memref<2x10112x8xf32, #tpu.memory_space<hbm>>, %arg8: memref<128xi32, #tpu.memory_space<vmem>>, %arg9: memref<128x16xf32, #tpu.memory_space<vmem>>, %arg10: memref<128xi32, #tpu.memory_space<vmem>>, %arg11: memref<128x16xf32, #tpu.memory_space<vmem>>, %arg12: memref<128xi32, #tpu.memory_space<vmem>>, %arg13: memref<128x16xf32, #tpu.memory_space<vmem>>, %arg14: memref<128xi32, #tpu.memory_space<vmem>>, %arg15: memref<128x16xf32, #tpu.memory_space<vmem>>, %arg16: memref<128x8xf32, #tpu.memory_space<vmem>>, %arg17: memref<10112x16xf32, #tpu.memory_space<vmem_shared>>, %arg18: memref<10112x8xf32, #tpu.memory_space<vmem_shared>>, %arg19: memref<!tpu.dma_semaphore, #tpu.memory_space<semaphore_mem>>, %arg20: memref<!tpu.dma_semaphore, #tpu.memory_space<semaphore_mem>>, %arg21: memref<!tpu.dma_semaphore, #tpu.memory_space<semaphore_mem>>, %arg22: memref<!tpu.dma_semaphore, #tpu.memory_space<semaphore_mem>>, %arg23: memref<!tpu.dma_semaphore, #tpu.memory_space<semaphore_mem>>, %arg24: memref<!tpu.dma_semaphore, #tpu.memory_space<semaphore_mem>>, %arg25: memref<!tpu.dma_semaphore, #tpu.memory_space<semaphore_mem>>, %arg26: memref<!tpu.dma_semaphore, #tpu.memory_space<semaphore_mem>>, %arg27: memref<!tpu.dma_semaphore, #tpu.memory_space<semaphore_mem>>, %arg28: memref<!tpu.dma_semaphore, #tpu.memory_space<semaphore_mem>>, %arg29: memref<!tpu.dma_semaphore, #tpu.memory_space<semaphore_mem>>, %arg30: memref<!tpu.dma_semaphore, #tpu.memory_space<semaphore_mem>>, %arg31: memref<!tpu.dma_semaphore, #tpu.memory_space<semaphore_mem>>, %arg32: memref<!tpu.dma_semaphore, #tpu.memory_space<semaphore_mem>>, %arg33: memref<!tpu.dma_semaphore, #tpu.memory_space<semaphore_mem>>, %arg34: memref<!tpu.dma_semaphore, #tpu.memory_space<semaphore_mem>>) attributes {dimension_semantics = [#tpu.dimension_semantics<core_parallel>, #tpu.dimension_semantics<subcore_parallel>], iteration_bounds = array<i64: 2, 16>, scalar_prefetch = 0 : i64, scratch_operands = 27 : i64, tpu.core_type = #tpu.core_type<sc_vector_subcore>, window_params = [{transform_indices = #map}, {transform_indices = #map1}, {transform_indices = #map1}, {transform_indices = #map1}, {transform_indices = #map2}, {transform_indices = #map2}]} {
    %mul3A = arith.constant 2 : i32
    %mul3A_0 = arith.muli %arg1, %mul3A : i32
    %add3A = arith.addi %mul3A_0, %arg0 : i32
    %broadcast_in_dim3A = arith.constant 0.000000e+00 : f32
    %broadcast_in_dim3A_1 = vector.broadcast %broadcast_in_dim3A : f32 to vector<16xf32>
    %broadcast_in_dim3A_2 = arith.constant 10000 : i32
    %broadcast_in_dim3A_3 = vector.broadcast %broadcast_in_dim3A_2 : i32 to vector<16xi32>
    %scan3A = arith.constant 0 : i32
    %scan3A_4 = arith.constant 0 : i32
    %scan3A_5 = arith.constant 128 : i32
    %scan3A_6 = arith.addi %scan3A_4, %scan3A_5 : i32
    %scan3A_7 = arith.constant 1 : i32
    scf.for %scan3A_480 = %scan3A_4 to %scan3A_6 step %scan3A_7  : i32 {
      %swap3A_481 = arith.index_cast %scan3A_480 : i32 to index
      %swap3A_482 = arith.constant 0 : index
      %swap3A_483 = tpu.vector_load %arg9[%swap3A_481, %swap3A_482] {strides = array<i32>} : memref<128x16xf32, #tpu.memory_space<vmem>>, vector<1x16xf32>,
      %swap3A_484 = vector.shape_cast %swap3A_483 : vector<1x16xf32> to vector<16xf32>
      %swap3A_485 = vector.shape_cast %broadcast_in_dim3A_1 : vector<16xf32> to vector<1x16xf32>
      tpu.vector_store %arg9[%swap3A_481, %swap3A_482], %swap3A_485 {strides = array<i32>} : memref<128x16xf32, #tpu.memory_space<vmem>>, vector<1x16xf32>,
    }
    %scan3A_8 = arith.constant 128 : i32
    "tpu.region"() ({
      %run_scoped3A = tpu.sem_alloc : memref<!tpu.dma_semaphore, #tpu.memory_space<semaphore_mem>>
      tpu.enqueue_dma source(%arg4 : memref<128x8xf32, #tpu.memory_space<hbm>>) target(%arg16 : memref<128x8xf32, #tpu.memory_space<vmem>>) target_semaphore(%run_scoped3A : memref<!tpu.dma_semaphore, #tpu.memory_space<semaphore_mem>>)
      tpu.wait_dma2 semaphore(%run_scoped3A : memref<!tpu.dma_semaphore, #tpu.memory_space<semaphore_mem>>) src(%arg4 : memref<128x8xf32, #tpu.memory_space<hbm>>) dst(%arg16 : memref<128x8xf32, #tpu.memory_space<vmem>>)
      tpu.yield
    }) : () -> ()
    %mul3A_9 = arith.constant 632 : i32
    %mul3A_10 = arith.muli %arg1, %mul3A_9 : i32
    %add3A_11 = arith.constant 0 : i32
    %add3A_12 = arith.addi %mul3A_10, %add3A_11 : i32
    "tpu.region"() ({
      %run_scoped3A = tpu.sem_alloc : memref<!tpu.dma_semaphore, #tpu.memory_space<semaphore_mem>>
      %dma_start3A_480 = arith.constant 0 : i32
      %dma_start3A_481 = arith.constant 0 : i32
      %dma_start3A_482 = tpu.memref_slice %arg9[%dma_start3A_480, %dma_start3A_481] : memref<128x16xf32, #tpu.memory_space<vmem>> -> memref<128x16xf32, #tpu.memory_space<vmem>>
      %dma_start3A_483 = arith.constant 0 : i32
      %dma_start3A_484 = tpu.memref_slice %arg17[%add3A_12, %dma_start3A_483] : memref<10112x16xf32, #tpu.memory_space<vmem_shared>> -> memref<128x16xf32, #tpu.memory_space<vmem_shared>>
      %dma_start3A_485 = arith.constant 0 : i32
      %dma_start3A_486 = tpu.memref_slice %arg17[%add3A_12, %dma_start3A_485] : memref<10112x16xf32, #tpu.memory_space<vmem_shared>> -> memref<128x16xf32, #tpu.memory_space<vmem_shared>>
      %dma_start3A_487 = arith.constant 0 : i32
      %dma_start3A_488 = arith.constant 0 : i32
      %dma_start3A_489 = tpu.memref_slice %arg9[%dma_start3A_487, %dma_start3A_488] : memref<128x16xf32, #tpu.memory_space<vmem>> -> memref<128x16xf32, #tpu.memory_space<vmem>>
      tpu.enqueue_dma source(%dma_start3A_489 : memref<128x16xf32, #tpu.memory_space<vmem>>) target(%dma_start3A_486 : memref<128x16xf32, #tpu.memory_space<vmem_shared>>) target_semaphore(%run_scoped3A : memref<!tpu.dma_semaphore, #tpu.memory_space<semaphore_mem>>)
      %dma_wait3A_490 = arith.constant 0 : i32
      %dma_wait3A_491 = arith.constant 0 : i32
      %dma_wait3A_492 = tpu.memref_slice %arg9[%dma_wait3A_490, %dma_wait3A_491] : memref<128x16xf32, #tpu.memory_space<vmem>> -> memref<128x16xf32, #tpu.memory_space<vmem>>
      %dma_wait3A_493 = arith.constant 0 : i32
      %dma_wait3A_494 = tpu.memref_slice %arg17[%add3A_12, %dma_wait3A_493] : memref<10112x16xf32, #tpu.memory_space<vmem_shared>> -> memref<128x16xf32, #tpu.memory_space<vmem_shared>>
      %dma_wait3A_495 = arith.constant 0 : i32
      %dma_wait3A_496 = tpu.memref_slice %arg17[%add3A_12, %dma_wait3A_495] : memref<10112x16xf32, #tpu.memory_space<vmem_shared>> -> memref<128x16xf32, #tpu.memory_space<vmem_shared>>
      %dma_wait3A_497 = arith.constant 0 : i32
      %dma_wait3A_498 = arith.constant 0 : i32
      %dma_wait3A_499 = tpu.memref_slice %arg9[%dma_wait3A_497, %dma_wait3A_498] : memref<128x16xf32, #tpu.memory_space<vmem>> -> memref<128x16xf32, #tpu.memory_space<vmem>>
      tpu.wait_dma2 semaphore(%run_scoped3A : memref<!tpu.dma_semaphore, #tpu.memory_space<semaphore_mem>>) src(%dma_wait3A_499 : memref<128x16xf32, #tpu.memory_space<vmem>>) dst(%dma_wait3A_496 : memref<128x16xf32, #tpu.memory_space<vmem_shared>>)
      tpu.yield
    }) : () -> ()
    %add3A_13 = arith.constant 0 : i32
    %add3A_14 = arith.addi %mul3A_10, %add3A_13 : i32
    "tpu.region"() ({
      %run_scoped3A = tpu.sem_alloc : memref<!tpu.dma_semaphore, #tpu.memory_space<semaphore_mem>>
      %dma_start3A_480 = arith.constant 0 : i32
      %dma_start3A_481 = tpu.memref_slice %arg18[%add3A_14, %dma_start3A_480] : memref<10112x8xf32, #tpu.memory_space<vmem_shared>> -> memref<128x8xf32, #tpu.memory_space<vmem_shared>>
      %dma_start3A_482 = arith.constant 0 : i32
      %dma_start3A_483 = arith.constant 0 : i32
      %dma_start3A_484 = tpu.memref_slice %arg5[%dma_start3A_482, %dma_start3A_483] : memref<128x8xf32, #tpu.memory_space<hbm>> -> memref<128x8xf32, #tpu.memory_space<hbm>>
      tpu.enqueue_dma source(%dma_start3A_484 : memref<128x8xf32, #tpu.memory_space<hbm>>) target(%dma_start3A_481 : memref<128x8xf32, #tpu.memory_space<vmem_shared>>) target_semaphore(%run_scoped3A : memref<!tpu.dma_semaphore, #tpu.memory_space<semaphore_mem>>)
      %dma_wait3A_485 = arith.constant 0 : i32
      %dma_wait3A_486 = tpu.memref_slice %arg18[%add3A_14, %dma_wait3A_485] : memref<10112x8xf32, #tpu.memory_space<vmem_shared>> -> memref<128x8xf32, #tpu.memory_space<vmem_shared>>
      %dma_wait3A_487 = arith.constant 0 : i32
      %dma_wait3A_488 = arith.constant 0 : i32
      %dma_wait3A_489 = tpu.memref_slice %arg5[%dma_wait3A_487, %dma_wait3A_488] : memref<128x8xf32, #tpu.memory_space<hbm>> -> memref<128x8xf32, #tpu.memory_space<hbm>>
      tpu.wait_dma2 semaphore(%run_scoped3A : memref<!tpu.dma_semaphore, #tpu.memory_space<semaphore_mem>>) src(%dma_wait3A_489 : memref<128x8xf32, #tpu.memory_space<hbm>>) dst(%dma_wait3A_486 : memref<128x8xf32, #tpu.memory_space<vmem_shared>>)
      tpu.yield
    }) : () -> ()
    %add3A_15 = arith.constant 128 : i32
    %add3A_16 = arith.addi %mul3A_10, %add3A_15 : i32
    "tpu.region"() ({
      %run_scoped3A = tpu.sem_alloc : memref<!tpu.dma_semaphore, #tpu.memory_space<semaphore_mem>>
      %dma_start3A_480 = arith.constant 0 : i32
      %dma_start3A_481 = arith.constant 0 : i32
      %dma_start3A_482 = tpu.memref_slice %arg9[%dma_start3A_480, %dma_start3A_481] : memref<128x16xf32, #tpu.memory_space<vmem>> -> memref<128x16xf32, #tpu.memory_space<vmem>>
      %dma_start3A_483 = arith.constant 0 : i32
      %dma_start3A_484 = tpu.memref_slice %arg17[%add3A_16, %dma_start3A_483] : memref<10112x16xf32, #tpu.memory_space<vmem_shared>> -> memref<128x16xf32, #tpu.memory_space<vmem_shared>>
      %dma_start3A_485 = arith.constant 0 : i32
      %dma_start3A_486 = tpu.memref_slice %arg17[%add3A_16, %dma_start3A_485] : memref<10112x16xf32, #tpu.memory_space<vmem_shared>> -> memref<128x16xf32, #tpu.memory_space<vmem_shared>>
      %dma_start3A_487 = arith.constant 0 : i32
      %dma_start3A_488 = arith.constant 0 : i32
      %dma_start3A_489 = tpu.memref_slice %arg9[%dma_start3A_487, %dma_start3A_488] : memref<128x16xf32, #tpu.memory_space<vmem>> -> memref<128x16xf32, #tpu.memory_space<vmem>>
      tpu.enqueue_dma source(%dma_start3A_489 : memref<128x16xf32, #tpu.memory_space<vmem>>) target(%dma_start3A_486 : memref<128x16xf32, #tpu.memory_space<vmem_shared>>) target_semaphore(%run_scoped3A : memref<!tpu.dma_semaphore, #tpu.memory_space<semaphore_mem>>)
      %dma_wait3A_490 = arith.constant 0 : i32
      %dma_wait3A_491 = arith.constant 0 : i32
      %dma_wait3A_492 = tpu.memref_slice %arg9[%dma_wait3A_490, %dma_wait3A_491] : memref<128x16xf32, #tpu.memory_space<vmem>> -> memref<128x16xf32, #tpu.memory_space<vmem>>
      %dma_wait3A_493 = arith.constant 0 : i32
      %dma_wait3A_494 = tpu.memref_slice %arg17[%add3A_16, %dma_wait3A_493] : memref<10112x16xf32, #tpu.memory_space<vmem_shared>> -> memref<128x16xf32, #tpu.memory_space<vmem_shared>>
      %dma_wait3A_495 = arith.constant 0 : i32
      %dma_wait3A_496 = tpu.memref_slice %arg17[%add3A_16, %dma_wait3A_495] : memref<10112x16xf32, #tpu.memory_space<vmem_shared>> -> memref<128x16xf32, #tpu.memory_space<vmem_shared>>
      %dma_wait3A_497 = arith.constant 0 : i32
      %dma_wait3A_498 = arith.constant 0 : i32
      %dma_wait3A_499 = tpu.memref_slice %arg9[%dma_wait3A_497, %dma_wait3A_498] : memref<128x16xf32, #tpu.memory_space<vmem>> -> memref<128x16xf32, #tpu.memory_space<vmem>>
      tpu.wait_dma2 semaphore(%run_scoped3A : memref<!tpu.dma_semaphore, #tpu.memory_space<semaphore_mem>>) src(%dma_wait3A_499 : memref<128x16xf32, #tpu.memory_space<vmem>>) dst(%dma_wait3A_496 : memref<128x16xf32, #tpu.memory_space<vmem_shared>>)
      tpu.yield
    }) : () -> ()
    %add3A_17 = arith.constant 128 : i32
    %add3A_18 = arith.addi %mul3A_10, %add3A_17 : i32
    "tpu.region"() ({
      %run_scoped3A = tpu.sem_alloc : memref<!tpu.dma_semaphore, #tpu.memory_space<semaphore_mem>>
      %dma_start3A_480 = arith.constant 0 : i32
      %dma_start3A_481 = tpu.memref_slice %arg18[%add3A_18, %dma_start3A_480] : memref<10112x8xf32, #tpu.memory_space<vmem_shared>> -> memref<128x8xf32, #tpu.memory_space<vmem_shared>>
      %dma_start3A_482 = arith.constant 0 : i32
      %dma_start3A_483 = arith.constant 0 : i32
      %dma_start3A_484 = tpu.memref_slice %arg5[%dma_start3A_482, %dma_start3A_483] : memref<128x8xf32, #tpu.memory_space<hbm>> -> memref<128x8xf32, #tpu.memory_space<hbm>>
      tpu.enqueue_dma source(%dma_start3A_484 : memref<128x8xf32, #tpu.memory_space<hbm>>) target(%dma_start3A_481 : memref<128x8xf32, #tpu.memory_space<vmem_shared>>) target_semaphore(%run_scoped3A : memref<!tpu.dma_semaphore, #tpu.memory_space<semaphore_mem>>)
      %dma_wait3A_485 = arith.constant 0 : i32
      %dma_wait3A_486 = tpu.memref_slice %arg18[%add3A_18, %dma_wait3A_485] : memref<10112x8xf32, #tpu.memory_space<vmem_shared>> -> memref<128x8xf32, #tpu.memory_space<vmem_shared>>
      %dma_wait3A_487 = arith.constant 0 : i32
      %dma_wait3A_488 = arith.constant 0 : i32
      %dma_wait3A_489 = tpu.memref_slice %arg5[%dma_wait3A_487, %dma_wait3A_488] : memref<128x8xf32, #tpu.memory_space<hbm>> -> memref<128x8xf32, #tpu.memory_space<hbm>>
      tpu.wait_dma2 semaphore(%run_scoped3A : memref<!tpu.dma_semaphore, #tpu.memory_space<semaphore_mem>>) src(%dma_wait3A_489 : memref<128x8xf32, #tpu.memory_space<hbm>>) dst(%dma_wait3A_486 : memref<128x8xf32, #tpu.memory_space<vmem_shared>>)
      tpu.yield
    }) : () -> ()
    %add3A_19 = arith.constant 256 : i32
    %add3A_20 = arith.addi %mul3A_10, %add3A_19 : i32
    "tpu.region"() ({
      %run_scoped3A = tpu.sem_alloc : memref<!tpu.dma_semaphore, #tpu.memory_space<semaphore_mem>>
      %dma_start3A_480 = arith.constant 0 : i32
      %dma_start3A_481 = arith.constant 0 : i32
      %dma_start3A_482 = tpu.memref_slice %arg9[%dma_start3A_480, %dma_start3A_481] : memref<128x16xf32, #tpu.memory_space<vmem>> -> memref<128x16xf32, #tpu.memory_space<vmem>>
      %dma_start3A_483 = arith.constant 0 : i32
      %dma_start3A_484 = tpu.memref_slice %arg17[%add3A_20, %dma_start3A_483] : memref<10112x16xf32, #tpu.memory_space<vmem_shared>> -> memref<128x16xf32, #tpu.memory_space<vmem_shared>>
      %dma_start3A_485 = arith.constant 0 : i32
      %dma_start3A_486 = tpu.memref_slice %arg17[%add3A_20, %dma_start3A_485] : memref<10112x16xf32, #tpu.memory_space<vmem_shared>> -> memref<128x16xf32, #tpu.memory_space<vmem_shared>>
      %dma_start3A_487 = arith.constant 0 : i32
      %dma_start3A_488 = arith.constant 0 : i32
      %dma_start3A_489 = tpu.memref_slice %arg9[%dma_start3A_487, %dma_start3A_488] : memref<128x16xf32, #tpu.memory_space<vmem>> -> memref<128x16xf32, #tpu.memory_space<vmem>>
      tpu.enqueue_dma source(%dma_start3A_489 : memref<128x16xf32, #tpu.memory_space<vmem>>) target(%dma_start3A_486 : memref<128x16xf32, #tpu.memory_space<vmem_shared>>) target_semaphore(%run_scoped3A : memref<!tpu.dma_semaphore, #tpu.memory_space<semaphore_mem>>)
      %dma_wait3A_490 = arith.constant 0 : i32
      %dma_wait3A_491 = arith.constant 0 : i32
      %dma_wait3A_492 = tpu.memref_slice %arg9[%dma_wait3A_490, %dma_wait3A_491] : memref<128x16xf32, #tpu.memory_space<vmem>> -> memref<128x16xf32, #tpu.memory_space<vmem>>
      %dma_wait3A_493 = arith.constant 0 : i32
      %dma_wait3A_494 = tpu.memref_slice %arg17[%add3A_20, %dma_wait3A_493] : memref<10112x16xf32, #tpu.memory_space<vmem_shared>> -> memref<128x16xf32, #tpu.memory_space<vmem_shared>>
      %dma_wait3A_495 = arith.constant 0 : i32
      %dma_wait3A_496 = tpu.memref_slice %arg17[%add3A_20, %dma_wait3A_495] : memref<10112x16xf32, #tpu.memory_space<vmem_shared>> -> memref<128x16xf32, #tpu.memory_space<vmem_shared>>
      %dma_wait3A_497 = arith.constant 0 : i32
      %dma_wait3A_498 = arith.constant 0 : i32
      %dma_wait3A_499 = tpu.memref_slice %arg9[%dma_wait3A_497, %dma_wait3A_498] : memref<128x16xf32, #tpu.memory_space<vmem>> -> memref<128x16xf32, #tpu.memory_space<vmem>>
      tpu.wait_dma2 semaphore(%run_scoped3A : memref<!tpu.dma_semaphore, #tpu.memory_space<semaphore_mem>>) src(%dma_wait3A_499 : memref<128x16xf32, #tpu.memory_space<vmem>>) dst(%dma_wait3A_496 : memref<128x16xf32, #tpu.memory_space<vmem_shared>>)
      tpu.yield
    }) : () -> ()
    %add3A_21 = arith.constant 256 : i32
    %add3A_22 = arith.addi %mul3A_10, %add3A_21 : i32
    "tpu.region"() ({
      %run_scoped3A = tpu.sem_alloc : memref<!tpu.dma_semaphore, #tpu.memory_space<semaphore_mem>>
      %dma_start3A_480 = arith.constant 0 : i32
      %dma_start3A_481 = tpu.memref_slice %arg18[%add3A_22, %dma_start3A_480] : memref<10112x8xf32, #tpu.memory_space<vmem_shared>> -> memref<128x8xf32, #tpu.memory_space<vmem_shared>>
      %dma_start3A_482 = arith.constant 0 : i32
      %dma_start3A_483 = arith.constant 0 : i32
      %dma_start3A_484 = tpu.memref_slice %arg5[%dma_start3A_482, %dma_start3A_483] : memref<128x8xf32, #tpu.memory_space<hbm>> -> memref<128x8xf32, #tpu.memory_space<hbm>>
      tpu.enqueue_dma source(%dma_start3A_484 : memref<128x8xf32, #tpu.memory_space<hbm>>) target(%dma_start3A_481 : memref<128x8xf32, #tpu.memory_space<vmem_shared>>) target_semaphore(%run_scoped3A : memref<!tpu.dma_semaphore, #tpu.memory_space<semaphore_mem>>)
      %dma_wait3A_485 = arith.constant 0 : i32
      %dma_wait3A_486 = tpu.memref_slice %arg18[%add3A_22, %dma_wait3A_485] : memref<10112x8xf32, #tpu.memory_space<vmem_shared>> -> memref<128x8xf32, #tpu.memory_space<vmem_shared>>
      %dma_wait3A_487 = arith.constant 0 : i32
      %dma_wait3A_488 = arith.constant 0 : i32
      %dma_wait3A_489 = tpu.memref_slice %arg5[%dma_wait3A_487, %dma_wait3A_488] : memref<128x8xf32, #tpu.memory_space<hbm>> -> memref<128x8xf32, #tpu.memory_space<hbm>>
      tpu.wait_dma2 semaphore(%run_scoped3A : memref<!tpu.dma_semaphore, #tpu.memory_space<semaphore_mem>>) src(%dma_wait3A_489 : memref<128x8xf32, #tpu.memory_space<hbm>>) dst(%dma_wait3A_486 : memref<128x8xf32, #tpu.memory_space<vmem_shared>>)
      tpu.yield
    }) : () -> ()
    %add3A_23 = arith.constant 384 : i32
    %add3A_24 = arith.addi %mul3A_10, %add3A_23 : i32
    "tpu.region"() ({
      %run_scoped3A = tpu.sem_alloc : memref<!tpu.dma_semaphore, #tpu.memory_space<semaphore_mem>>
      %dma_start3A_480 = arith.constant 0 : i32
      %dma_start3A_481 = arith.constant 0 : i32
      %dma_start3A_482 = tpu.memref_slice %arg9[%dma_start3A_480, %dma_start3A_481] : memref<128x16xf32, #tpu.memory_space<vmem>> -> memref<128x16xf32, #tpu.memory_space<vmem>>
      %dma_start3A_483 = arith.constant 0 : i32
      %dma_start3A_484 = tpu.memref_slice %arg17[%add3A_24, %dma_start3A_483] : memref<10112x16xf32, #tpu.memory_space<vmem_shared>> -> memref<128x16xf32, #tpu.memory_space<vmem_shared>>
      %dma_start3A_485 = arith.constant 0 : i32
      %dma_start3A_486 = tpu.memref_slice %arg17[%add3A_24, %dma_start3A_485] : memref<10112x16xf32, #tpu.memory_space<vmem_shared>> -> memref<128x16xf32, #tpu.memory_space<vmem_shared>>
      %dma_start3A_487 = arith.constant 0 : i32
      %dma_start3A_488 = arith.constant 0 : i32
      %dma_start3A_489 = tpu.memref_slice %arg9[%dma_start3A_487, %dma_start3A_488] : memref<128x16xf32, #tpu.memory_space<vmem>> -> memref<128x16xf32, #tpu.memory_space<vmem>>
      tpu.enqueue_dma source(%dma_start3A_489 : memref<128x16xf32, #tpu.memory_space<vmem>>) target(%dma_start3A_486 : memref<128x16xf32, #tpu.memory_space<vmem_shared>>) target_semaphore(%run_scoped3A : memref<!tpu.dma_semaphore, #tpu.memory_space<semaphore_mem>>)
      %dma_wait3A_490 = arith.constant 0 : i32
      %dma_wait3A_491 = arith.constant 0 : i32
      %dma_wait3A_492 = tpu.memref_slice %arg9[%dma_wait3A_490, %dma_wait3A_491] : memref<128x16xf32, #tpu.memory_space<vmem>> -> memref<128x16xf32, #tpu.memory_space<vmem>>
      %dma_wait3A_493 = arith.constant 0 : i32
      %dma_wait3A_494 = tpu.memref_slice %arg17[%add3A_24, %dma_wait3A_493] : memref<10112x16xf32, #tpu.memory_space<vmem_shared>> -> memref<128x16xf32, #tpu.memory_space<vmem_shared>>
      %dma_wait3A_495 = arith.constant 0 : i32
      %dma_wait3A_496 = tpu.memref_slice %arg17[%add3A_24, %dma_wait3A_495] : memref<10112x16xf32, #tpu.memory_space<vmem_shared>> -> memref<128x16xf32, #tpu.memory_space<vmem_shared>>
      %dma_wait3A_497 = arith.constant 0 : i32
      %dma_wait3A_498 = arith.constant 0 : i32
      %dma_wait3A_499 = tpu.memref_slice %arg9[%dma_wait3A_497, %dma_wait3A_498] : memref<128x16xf32, #tpu.memory_space<vmem>> -> memref<128x16xf32, #tpu.memory_space<vmem>>
      tpu.wait_dma2 semaphore(%run_scoped3A : memref<!tpu.dma_semaphore, #tpu.memory_space<semaphore_mem>>) src(%dma_wait3A_499 : memref<128x16xf32, #tpu.memory_space<vmem>>) dst(%dma_wait3A_496 : memref<128x16xf32, #tpu.memory_space<vmem_shared>>)
      tpu.yield
    }) : () -> ()
    %add3A_25 = arith.constant 384 : i32
    %add3A_26 = arith.addi %mul3A_10, %add3A_25 : i32
    "tpu.region"() ({
      %run_scoped3A = tpu.sem_alloc : memref<!tpu.dma_semaphore, #tpu.memory_space<semaphore_mem>>
      %dma_start3A_480 = arith.constant 0 : i32
      %dma_start3A_481 = tpu.memref_slice %arg18[%add3A_26, %dma_start3A_480] : memref<10112x8xf32, #tpu.memory_space<vmem_shared>> -> memref<128x8xf32, #tpu.memory_space<vmem_shared>>
      %dma_start3A_482 = arith.constant 0 : i32
      %dma_start3A_483 = arith.constant 0 : i32
      %dma_start3A_484 = tpu.memref_slice %arg5[%dma_start3A_482, %dma_start3A_483] : memref<128x8xf32, #tpu.memory_space<hbm>> -> memref<128x8xf32, #tpu.memory_space<hbm>>
      tpu.enqueue_dma source(%dma_start3A_484 : memref<128x8xf32, #tpu.memory_space<hbm>>) target(%dma_start3A_481 : memref<128x8xf32, #tpu.memory_space<vmem_shared>>) target_semaphore(%run_scoped3A : memref<!tpu.dma_semaphore, #tpu.memory_space<semaphore_mem>>)
      %dma_wait3A_485 = arith.constant 0 : i32
      %dma_wait3A_486 = tpu.memref_slice %arg18[%add3A_26, %dma_wait3A_485] : memref<10112x8xf32, #tpu.memory_space<vmem_shared>> -> memref<128x8xf32, #tpu.memory_space<vmem_shared>>
      %dma_wait3A_487 = arith.constant 0 : i32
      %dma_wait3A_488 = arith.constant 0 : i32
      %dma_wait3A_489 = tpu.memref_slice %arg5[%dma_wait3A_487, %dma_wait3A_488] : memref<128x8xf32, #tpu.memory_space<hbm>> -> memref<128x8xf32, #tpu.memory_space<hbm>>
      tpu.wait_dma2 semaphore(%run_scoped3A : memref<!tpu.dma_semaphore, #tpu.memory_space<semaphore_mem>>) src(%dma_wait3A_489 : memref<128x8xf32, #tpu.memory_space<hbm>>) dst(%dma_wait3A_486 : memref<128x8xf32, #tpu.memory_space<vmem_shared>>)
      tpu.yield
    }) : () -> ()
    %add3A_27 = arith.constant 512 : i32
    %add3A_28 = arith.addi %mul3A_10, %add3A_27 : i32
    "tpu.region"() ({
      %run_scoped3A = tpu.sem_alloc : memref<!tpu.dma_semaphore, #tpu.memory_space<semaphore_mem>>
      %dma_start3A_480 = arith.constant 0 : i32
      %dma_start3A_481 = arith.constant 0 : i32
      %dma_start3A_482 = tpu.memref_slice %arg9[%dma_start3A_480, %dma_start3A_481] : memref<128x16xf32, #tpu.memory_space<vmem>> -> memref<120x16xf32, #tpu.memory_space<vmem>>
      %dma_start3A_483 = arith.constant 0 : i32
      %dma_start3A_484 = tpu.memref_slice %arg17[%add3A_28, %dma_start3A_483] : memref<10112x16xf32, #tpu.memory_space<vmem_shared>> -> memref<120x16xf32, #tpu.memory_space<vmem_shared>>
      %dma_start3A_485 = arith.constant 0 : i32
      %dma_start3A_486 = tpu.memref_slice %arg17[%add3A_28, %dma_start3A_485] : memref<10112x16xf32, #tpu.memory_space<vmem_shared>> -> memref<120x16xf32, #tpu.memory_space<vmem_shared>>
      %dma_start3A_487 = arith.constant 0 : i32
      %dma_start3A_488 = arith.constant 0 : i32
      %dma_start3A_489 = tpu.memref_slice %arg9[%dma_start3A_487, %dma_start3A_488] : memref<128x16xf32, #tpu.memory_space<vmem>> -> memref<120x16xf32, #tpu.memory_space<vmem>>
      tpu.enqueue_dma source(%dma_start3A_489 : memref<120x16xf32, #tpu.memory_space<vmem>>) target(%dma_start3A_486 : memref<120x16xf32, #tpu.memory_space<vmem_shared>>) target_semaphore(%run_scoped3A : memref<!tpu.dma_semaphore, #tpu.memory_space<semaphore_mem>>)
      %dma_wait3A_490 = arith.constant 0 : i32
      %dma_wait3A_491 = arith.constant 0 : i32
      %dma_wait3A_492 = tpu.memref_slice %arg9[%dma_wait3A_490, %dma_wait3A_491] : memref<128x16xf32, #tpu.memory_space<vmem>> -> memref<120x16xf32, #tpu.memory_space<vmem>>
      %dma_wait3A_493 = arith.constant 0 : i32
      %dma_wait3A_494 = tpu.memref_slice %arg17[%add3A_28, %dma_wait3A_493] : memref<10112x16xf32, #tpu.memory_space<vmem_shared>> -> memref<120x16xf32, #tpu.memory_space<vmem_shared>>
      %dma_wait3A_495 = arith.constant 0 : i32
      %dma_wait3A_496 = tpu.memref_slice %arg17[%add3A_28, %dma_wait3A_495] : memref<10112x16xf32, #tpu.memory_space<vmem_shared>> -> memref<120x16xf32, #tpu.memory_space<vmem_shared>>
      %dma_wait3A_497 = arith.constant 0 : i32
      %dma_wait3A_498 = arith.constant 0 : i32
      %dma_wait3A_499 = tpu.memref_slice %arg9[%dma_wait3A_497, %dma_wait3A_498] : memref<128x16xf32, #tpu.memory_space<vmem>> -> memref<120x16xf32, #tpu.memory_space<vmem>>
      tpu.wait_dma2 semaphore(%run_scoped3A : memref<!tpu.dma_semaphore, #tpu.memory_space<semaphore_mem>>) src(%dma_wait3A_499 : memref<120x16xf32, #tpu.memory_space<vmem>>) dst(%dma_wait3A_496 : memref<120x16xf32, #tpu.memory_space<vmem_shared>>)
      tpu.yield
    }) : () -> ()
    %add3A_29 = arith.constant 512 : i32
    %add3A_30 = arith.addi %mul3A_10, %add3A_29 : i32
    "tpu.region"() ({
      %run_scoped3A = tpu.sem_alloc : memref<!tpu.dma_semaphore, #tpu.memory_space<semaphore_mem>>
      %dma_start3A_480 = arith.constant 0 : i32
      %dma_start3A_481 = tpu.memref_slice %arg18[%add3A_30, %dma_start3A_480] : memref<10112x8xf32, #tpu.memory_space<vmem_shared>> -> memref<120x8xf32, #tpu.memory_space<vmem_shared>>
      %dma_start3A_482 = arith.constant 0 : i32
      %dma_start3A_483 = arith.constant 0 : i32
      %dma_start3A_484 = tpu.memref_slice %arg5[%dma_start3A_482, %dma_start3A_483] : memref<128x8xf32, #tpu.memory_space<hbm>> -> memref<120x8xf32, #tpu.memory_space<hbm>>
      tpu.enqueue_dma source(%dma_start3A_484 : memref<120x8xf32, #tpu.memory_space<hbm>>) target(%dma_start3A_481 : memref<120x8xf32, #tpu.memory_space<vmem_shared>>) target_semaphore(%run_scoped3A : memref<!tpu.dma_semaphore, #tpu.memory_space<semaphore_mem>>)
      %dma_wait3A_485 = arith.constant 0 : i32
      %dma_wait3A_486 = tpu.memref_slice %arg18[%add3A_30, %dma_wait3A_485] : memref<10112x8xf32, #tpu.memory_space<vmem_shared>> -> memref<120x8xf32, #tpu.memory_space<vmem_shared>>
      %dma_wait3A_487 = arith.constant 0 : i32
      %dma_wait3A_488 = arith.constant 0 : i32
      %dma_wait3A_489 = tpu.memref_slice %arg5[%dma_wait3A_487, %dma_wait3A_488] : memref<128x8xf32, #tpu.memory_space<hbm>> -> memref<120x8xf32, #tpu.memory_space<hbm>>
      tpu.wait_dma2 semaphore(%run_scoped3A : memref<!tpu.dma_semaphore, #tpu.memory_space<semaphore_mem>>) src(%dma_wait3A_489 : memref<120x8xf32, #tpu.memory_space<hbm>>) dst(%dma_wait3A_486 : memref<120x8xf32, #tpu.memory_space<vmem_shared>>)
      tpu.yield
    }) : () -> ()
    %barrier3A = arith.constant 0 : index
    tpu.barrier barrier_id(%barrier3A)
    %add3A_31 = arith.constant 0 : i32
    %add3A_32 = arith.addi %add3A, %add3A_31 : i32
    %min3A = arith.constant 2499 : i32
    %min3A_33 = arith.minsi %add3A_32, %min3A : i32
    %mul3A_34 = arith.constant 128 : i32
    %mul3A_35 = arith.muli %min3A_33, %mul3A_34 : i32
    "tpu.region"() ({
      %run_scoped3A = tpu.sem_alloc : memref<!tpu.dma_semaphore, #tpu.memory_space<semaphore_mem>>
      %dma_start3A_480 = tpu.memref_slice %arg2[%mul3A_35] : memref<320000xi32, #tpu.memory_space<hbm>> -> memref<128xi32, #tpu.memory_space<hbm>>
      %dma_start3A_481 = tpu.memref_slice %arg2[%mul3A_35] : memref<320000xi32, #tpu.memory_space<hbm>> -> memref<128xi32, #tpu.memory_space<hbm>>
      tpu.enqueue_dma source(%dma_start3A_481 : memref<128xi32, #tpu.memory_space<hbm>>) target(%arg8 : memref<128xi32, #tpu.memory_space<vmem>>) target_semaphore(%run_scoped3A : memref<!tpu.dma_semaphore, #tpu.memory_space<semaphore_mem>>)
      %dma_wait3A_482 = tpu.memref_slice %arg2[%mul3A_35] : memref<320000xi32, #tpu.memory_space<hbm>> -> memref<128xi32, #tpu.memory_space<hbm>>
      %dma_wait3A_483 = tpu.memref_slice %arg2[%mul3A_35] : memref<320000xi32, #tpu.memory_space<hbm>> -> memref<128xi32, #tpu.memory_space<hbm>>
      tpu.wait_dma2 semaphore(%run_scoped3A : memref<!tpu.dma_semaphore, #tpu.memory_space<semaphore_mem>>) src(%dma_wait3A_483 : memref<128xi32, #tpu.memory_space<hbm>>) dst(%arg8 : memref<128xi32, #tpu.memory_space<vmem>>)
      tpu.yield
    }) : () -> ()
    %add3A_36 = arith.constant 0 : i32
    %add3A_37 = arith.addi %add3A, %add3A_36 : i32
    %min3A_38 = arith.constant 2499 : i32
    %min3A_39 = arith.minsi %add3A_37, %min3A_38 : i32
    %mul3A_40 = arith.constant 128 : i32
    %mul3A_41 = arith.muli %min3A_39, %mul3A_40 : i32
    "tpu.region"() ({
      %run_scoped3A = tpu.sem_alloc : memref<!tpu.dma_semaphore, #tpu.memory_space<semaphore_mem>>
      %dma_start3A_480 = arith.constant 0 : i32
      %dma_start3A_481 = tpu.memref_slice %arg3[%mul3A_41, %dma_start3A_480] : memref<320000x16xf32, #tpu.memory_space<hbm>> -> memref<128x16xf32, #tpu.memory_space<hbm>>
      %dma_start3A_482 = arith.constant 0 : i32
      %dma_start3A_483 = tpu.memref_slice %arg3[%mul3A_41, %dma_start3A_482] : memref<320000x16xf32, #tpu.memory_space<hbm>> -> memref<128x16xf32, #tpu.memory_space<hbm>>
      tpu.enqueue_dma source(%dma_start3A_483 : memref<128x16xf32, #tpu.memory_space<hbm>>) target(%arg9 : memref<128x16xf32, #tpu.memory_space<vmem>>) target_semaphore(%run_scoped3A : memref<!tpu.dma_semaphore, #tpu.memory_space<semaphore_mem>>)
      %dma_wait3A_484 = arith.constant 0 : i32
      %dma_wait3A_485 = tpu.memref_slice %arg3[%mul3A_41, %dma_wait3A_484] : memref<320000x16xf32, #tpu.memory_space<hbm>> -> memref<128x16xf32, #tpu.memory_space<hbm>>
      %dma_wait3A_486 = arith.constant 0 : i32
      %dma_wait3A_487 = tpu.memref_slice %arg3[%mul3A_41, %dma_wait3A_486] : memref<320000x16xf32, #tpu.memory_space<hbm>> -> memref<128x16xf32, #tpu.memory_space<hbm>>
      tpu.wait_dma2 semaphore(%run_scoped3A : memref<!tpu.dma_semaphore, #tpu.memory_space<semaphore_mem>>) src(%dma_wait3A_487 : memref<128x16xf32, #tpu.memory_space<hbm>>) dst(%arg9 : memref<128x16xf32, #tpu.memory_space<vmem>>)
      tpu.yield
    }) : () -> ()
    %add3A_42 = arith.constant 0 : i32
    %add3A_43 = arith.addi %add3A, %add3A_42 : i32
    %lt3A = arith.constant 2500 : i32
    %lt3A_44 = arith.cmpi slt, %add3A_43, %lt3A : i32
    %convert_element_type3A = arith.extui %lt3A_44 : i1 to i32
    %broadcast_in_dim3A_45 = vector.broadcast %convert_element_type3A : i32 to vector<16xi32>
    %get3A = arith.constant 0 : index
    %get3A_46 = tpu.vector_load %arg8[%get3A] {strides = array<i32>} : memref<128xi32, #tpu.memory_space<vmem>>, vector<16xi32>,
    %get3A_47 = vector.shape_cast %get3A_46 : vector<16xi32> to vector<16xi32>
    %mul3A_48 = arith.muli %get3A_47, %broadcast_in_dim3A_45 : vector<16xi32>
    %sub3A = arith.constant 1 : i32
    %sub3A_49 = vector.broadcast %sub3A : i32 to vector<16xi32>
    %sub3A_50 = arith.subi %sub3A_49, %broadcast_in_dim3A_45 : vector<16xi32>
    %mul3A_51 = arith.muli %broadcast_in_dim3A_3, %sub3A_50 : vector<16xi32>
    %add3A_52 = arith.addi %mul3A_48, %mul3A_51 : vector<16xi32>
    %swap3A = arith.constant 0 : index
    %swap3A_53 = tpu.vector_load %arg8[%swap3A] {strides = array<i32>} : memref<128xi32, #tpu.memory_space<vmem>>, vector<16xi32>,
    %swap3A_54 = vector.shape_cast %swap3A_53 : vector<16xi32> to vector<16xi32>
    %swap3A_55 = vector.shape_cast %add3A_52 : vector<16xi32> to vector<16xi32>
    tpu.vector_store %arg8[%swap3A], %swap3A_55 {strides = array<i32>} : memref<128xi32, #tpu.memory_space<vmem>>, vector<16xi32>,
    %get3A_56 = arith.constant 16 : index
    %get3A_57 = tpu.vector_load %arg8[%get3A_56] {strides = array<i32>} : memref<128xi32, #tpu.memory_space<vmem>>, vector<16xi32>,
    %get3A_58 = vector.shape_cast %get3A_57 : vector<16xi32> to vector<16xi32>
    %mul3A_59 = arith.muli %get3A_58, %broadcast_in_dim3A_45 : vector<16xi32>
    %sub3A_60 = arith.constant 1 : i32
    %sub3A_61 = vector.broadcast %sub3A_60 : i32 to vector<16xi32>
    %sub3A_62 = arith.subi %sub3A_61, %broadcast_in_dim3A_45 : vector<16xi32>
    %mul3A_63 = arith.muli %broadcast_in_dim3A_3, %sub3A_62 : vector<16xi32>
    %add3A_64 = arith.addi %mul3A_59, %mul3A_63 : vector<16xi32>
    %swap3A_65 = arith.constant 16 : index
    %swap3A_66 = tpu.vector_load %arg8[%swap3A_65] {strides = array<i32>} : memref<128xi32, #tpu.memory_space<vmem>>, vector<16xi32>,
    %swap3A_67 = vector.shape_cast %swap3A_66 : vector<16xi32> to vector<16xi32>
    %swap3A_68 = vector.shape_cast %add3A_64 : vector<16xi32> to vector<16xi32>
    tpu.vector_store %arg8[%swap3A_65], %swap3A_68 {strides = array<i32>} : memref<128xi32, #tpu.memory_space<vmem>>, vector<16xi32>,
    %get3A_69 = arith.constant 32 : index
    %get3A_70 = tpu.vector_load %arg8[%get3A_69] {strides = array<i32>} : memref<128xi32, #tpu.memory_space<vmem>>, vector<16xi32>,
    %get3A_71 = vector.shape_cast %get3A_70 : vector<16xi32> to vector<16xi32>
    %mul3A_72 = arith.muli %get3A_71, %broadcast_in_dim3A_45 : vector<16xi32>
    %sub3A_73 = arith.constant 1 : i32
    %sub3A_74 = vector.broadcast %sub3A_73 : i32 to vector<16xi32>
    %sub3A_75 = arith.subi %sub3A_74, %broadcast_in_dim3A_45 : vector<16xi32>
    %mul3A_76 = arith.muli %broadcast_in_dim3A_3, %sub3A_75 : vector<16xi32>
    %add3A_77 = arith.addi %mul3A_72, %mul3A_76 : vector<16xi32>
    %swap3A_78 = arith.constant 32 : index
    %swap3A_79 = tpu.vector_load %arg8[%swap3A_78] {strides = array<i32>} : memref<128xi32, #tpu.memory_space<vmem>>, vector<16xi32>,
    %swap3A_80 = vector.shape_cast %swap3A_79 : vector<16xi32> to vector<16xi32>
    %swap3A_81 = vector.shape_cast %add3A_77 : vector<16xi32> to vector<16xi32>
    tpu.vector_store %arg8[%swap3A_78], %swap3A_81 {strides = array<i32>} : memref<128xi32, #tpu.memory_space<vmem>>, vector<16xi32>,
    %get3A_82 = arith.constant 48 : index
    %get3A_83 = tpu.vector_load %arg8[%get3A_82] {strides = array<i32>} : memref<128xi32, #tpu.memory_space<vmem>>, vector<16xi32>,
    %get3A_84 = vector.shape_cast %get3A_83 : vector<16xi32> to vector<16xi32>
    %mul3A_85 = arith.muli %get3A_84, %broadcast_in_dim3A_45 : vector<16xi32>
    %sub3A_86 = arith.constant 1 : i32
    %sub3A_87 = vector.broadcast %sub3A_86 : i32 to vector<16xi32>
    %sub3A_88 = arith.subi %sub3A_87, %broadcast_in_dim3A_45 : vector<16xi32>
    %mul3A_89 = arith.muli %broadcast_in_dim3A_3, %sub3A_88 : vector<16xi32>
    %add3A_90 = arith.addi %mul3A_85, %mul3A_89 : vector<16xi32>
    %swap3A_91 = arith.constant 48 : index
    %swap3A_92 = tpu.vector_load %arg8[%swap3A_91] {strides = array<i32>} : memref<128xi32, #tpu.memory_space<vmem>>, vector<16xi32>,
    %swap3A_93 = vector.shape_cast %swap3A_92 : vector<16xi32> to vector<16xi32>
    %swap3A_94 = vector.shape_cast %add3A_90 : vector<16xi32> to vector<16xi32>
    tpu.vector_store %arg8[%swap3A_91], %swap3A_94 {strides = array<i32>} : memref<128xi32, #tpu.memory_space<vmem>>, vector<16xi32>,
    %get3A_95 = arith.constant 64 : index
    %get3A_96 = tpu.vector_load %arg8[%get3A_95] {strides = array<i32>} : memref<128xi32, #tpu.memory_space<vmem>>, vector<16xi32>,
    %get3A_97 = vector.shape_cast %get3A_96 : vector<16xi32> to vector<16xi32>
    %mul3A_98 = arith.muli %get3A_97, %broadcast_in_dim3A_45 : vector<16xi32>
    %sub3A_99 = arith.constant 1 : i32
    %sub3A_100 = vector.broadcast %sub3A_99 : i32 to vector<16xi32>
    %sub3A_101 = arith.subi %sub3A_100, %broadcast_in_dim3A_45 : vector<16xi32>
    %mul3A_102 = arith.muli %broadcast_in_dim3A_3, %sub3A_101 : vector<16xi32>
    %add3A_103 = arith.addi %mul3A_98, %mul3A_102 : vector<16xi32>
    %swap3A_104 = arith.constant 64 : index
    %swap3A_105 = tpu.vector_load %arg8[%swap3A_104] {strides = array<i32>} : memref<128xi32, #tpu.memory_space<vmem>>, vector<16xi32>,
    %swap3A_106 = vector.shape_cast %swap3A_105 : vector<16xi32> to vector<16xi32>
    %swap3A_107 = vector.shape_cast %add3A_103 : vector<16xi32> to vector<16xi32>
    tpu.vector_store %arg8[%swap3A_104], %swap3A_107 {strides = array<i32>} : memref<128xi32, #tpu.memory_space<vmem>>, vector<16xi32>,
    %get3A_108 = arith.constant 80 : index
    %get3A_109 = tpu.vector_load %arg8[%get3A_108] {strides = array<i32>} : memref<128xi32, #tpu.memory_space<vmem>>, vector<16xi32>,
    %get3A_110 = vector.shape_cast %get3A_109 : vector<16xi32> to vector<16xi32>
    %mul3A_111 = arith.muli %get3A_110, %broadcast_in_dim3A_45 : vector<16xi32>
    %sub3A_112 = arith.constant 1 : i32
    %sub3A_113 = vector.broadcast %sub3A_112 : i32 to vector<16xi32>
    %sub3A_114 = arith.subi %sub3A_113, %broadcast_in_dim3A_45 : vector<16xi32>
    %mul3A_115 = arith.muli %broadcast_in_dim3A_3, %sub3A_114 : vector<16xi32>
    %add3A_116 = arith.addi %mul3A_111, %mul3A_115 : vector<16xi32>
    %swap3A_117 = arith.constant 80 : index
    %swap3A_118 = tpu.vector_load %arg8[%swap3A_117] {strides = array<i32>} : memref<128xi32, #tpu.memory_space<vmem>>, vector<16xi32>,
    %swap3A_119 = vector.shape_cast %swap3A_118 : vector<16xi32> to vector<16xi32>
    %swap3A_120 = vector.shape_cast %add3A_116 : vector<16xi32> to vector<16xi32>
    tpu.vector_store %arg8[%swap3A_117], %swap3A_120 {strides = array<i32>} : memref<128xi32, #tpu.memory_space<vmem>>, vector<16xi32>,
    %get3A_121 = arith.constant 96 : index
    %get3A_122 = tpu.vector_load %arg8[%get3A_121] {strides = array<i32>} : memref<128xi32, #tpu.memory_space<vmem>>, vector<16xi32>,
    %get3A_123 = vector.shape_cast %get3A_122 : vector<16xi32> to vector<16xi32>
    %mul3A_124 = arith.muli %get3A_123, %broadcast_in_dim3A_45 : vector<16xi32>
    %sub3A_125 = arith.constant 1 : i32
    %sub3A_126 = vector.broadcast %sub3A_125 : i32 to vector<16xi32>
    %sub3A_127 = arith.subi %sub3A_126, %broadcast_in_dim3A_45 : vector<16xi32>
    %mul3A_128 = arith.muli %broadcast_in_dim3A_3, %sub3A_127 : vector<16xi32>
    %add3A_129 = arith.addi %mul3A_124, %mul3A_128 : vector<16xi32>
    %swap3A_130 = arith.constant 96 : index
    %swap3A_131 = tpu.vector_load %arg8[%swap3A_130] {strides = array<i32>} : memref<128xi32, #tpu.memory_space<vmem>>, vector<16xi32>,
    %swap3A_132 = vector.shape_cast %swap3A_131 : vector<16xi32> to vector<16xi32>
    %swap3A_133 = vector.shape_cast %add3A_129 : vector<16xi32> to vector<16xi32>
    tpu.vector_store %arg8[%swap3A_130], %swap3A_133 {strides = array<i32>} : memref<128xi32, #tpu.memory_space<vmem>>, vector<16xi32>,
    %get3A_134 = arith.constant 112 : index
    %get3A_135 = tpu.vector_load %arg8[%get3A_134] {strides = array<i32>} : memref<128xi32, #tpu.memory_space<vmem>>, vector<16xi32>,
    %get3A_136 = vector.shape_cast %get3A_135 : vector<16xi32> to vector<16xi32>
    %mul3A_137 = arith.muli %get3A_136, %broadcast_in_dim3A_45 : vector<16xi32>
    %sub3A_138 = arith.constant 1 : i32
    %sub3A_139 = vector.broadcast %sub3A_138 : i32 to vector<16xi32>
    %sub3A_140 = arith.subi %sub3A_139, %broadcast_in_dim3A_45 : vector<16xi32>
    %mul3A_141 = arith.muli %broadcast_in_dim3A_3, %sub3A_140 : vector<16xi32>
    %add3A_142 = arith.addi %mul3A_137, %mul3A_141 : vector<16xi32>
    %swap3A_143 = arith.constant 112 : index
    %swap3A_144 = tpu.vector_load %arg8[%swap3A_143] {strides = array<i32>} : memref<128xi32, #tpu.memory_space<vmem>>, vector<16xi32>,
    %swap3A_145 = vector.shape_cast %swap3A_144 : vector<16xi32> to vector<16xi32>
    %swap3A_146 = vector.shape_cast %add3A_142 : vector<16xi32> to vector<16xi32>
    tpu.vector_store %arg8[%swap3A_143], %swap3A_146 {strides = array<i32>} : memref<128xi32, #tpu.memory_space<vmem>>, vector<16xi32>,
    %add3A_147 = arith.constant 32 : i32
    %add3A_148 = arith.addi %add3A, %add3A_147 : i32
    %min3A_149 = arith.constant 2499 : i32
    %min3A_150 = arith.minsi %add3A_148, %min3A_149 : i32
    %mul3A_151 = arith.constant 128 : i32
    %mul3A_152 = arith.muli %min3A_150, %mul3A_151 : i32
    %dma_start3A = tpu.memref_slice %arg2[%mul3A_152] : memref<320000xi32, #tpu.memory_space<hbm>> -> memref<128xi32, #tpu.memory_space<hbm>>
    %dma_start3A_153 = tpu.memref_slice %arg2[%mul3A_152] : memref<320000xi32, #tpu.memory_space<hbm>> -> memref<128xi32, #tpu.memory_space<hbm>>
    tpu.enqueue_dma source(%dma_start3A_153 : memref<128xi32, #tpu.memory_space<hbm>>) target(%arg10 : memref<128xi32, #tpu.memory_space<vmem>>) target_semaphore(%arg23 : memref<!tpu.dma_semaphore, #tpu.memory_space<semaphore_mem>>)
    %add3A_154 = arith.constant 32 : i32
    %add3A_155 = arith.addi %add3A, %add3A_154 : i32
    %min3A_156 = arith.constant 2499 : i32
    %min3A_157 = arith.minsi %add3A_155, %min3A_156 : i32
    %mul3A_158 = arith.constant 128 : i32
    %mul3A_159 = arith.muli %min3A_157, %mul3A_158 : i32
    %dma_start3A_160 = arith.constant 0 : i32
    %dma_start3A_161 = tpu.memref_slice %arg3[%mul3A_159, %dma_start3A_160] : memref<320000x16xf32, #tpu.memory_space<hbm>> -> memref<128x16xf32, #tpu.memory_space<hbm>>
    %dma_start3A_162 = arith.constant 0 : i32
    %dma_start3A_163 = tpu.memref_slice %arg3[%mul3A_159, %dma_start3A_162] : memref<320000x16xf32, #tpu.memory_space<hbm>> -> memref<128x16xf32, #tpu.memory_space<hbm>>
    tpu.enqueue_dma source(%dma_start3A_163 : memref<128x16xf32, #tpu.memory_space<hbm>>) target(%arg11 : memref<128x16xf32, #tpu.memory_space<vmem>>) target_semaphore(%arg24 : memref<!tpu.dma_semaphore, #tpu.memory_space<semaphore_mem>>)
    %add3A_164 = arith.constant 64 : i32
    %add3A_165 = arith.addi %add3A, %add3A_164 : i32
    %min3A_166 = arith.constant 2499 : i32
    %min3A_167 = arith.minsi %add3A_165, %min3A_166 : i32
    %mul3A_168 = arith.constant 128 : i32
    %mul3A_169 = arith.muli %min3A_167, %mul3A_168 : i32
    %dma_start3A_170 = tpu.memref_slice %arg2[%mul3A_169] : memref<320000xi32, #tpu.memory_space<hbm>> -> memref<128xi32, #tpu.memory_space<hbm>>
    %dma_start3A_171 = tpu.memref_slice %arg2[%mul3A_169] : memref<320000xi32, #tpu.memory_space<hbm>> -> memref<128xi32, #tpu.memory_space<hbm>>
    tpu.enqueue_dma source(%dma_start3A_171 : memref<128xi32, #tpu.memory_space<hbm>>) target(%arg12 : memref<128xi32, #tpu.memory_space<vmem>>) target_semaphore(%arg27 : memref<!tpu.dma_semaphore, #tpu.memory_space<semaphore_mem>>)
    %add3A_172 = arith.constant 64 : i32
    %add3A_173 = arith.addi %add3A, %add3A_172 : i32
    %min3A_174 = arith.constant 2499 : i32
    %min3A_175 = arith.minsi %add3A_173, %min3A_174 : i32
    %mul3A_176 = arith.constant 128 : i32
    %mul3A_177 = arith.muli %min3A_175, %mul3A_176 : i32
    %dma_start3A_178 = arith.constant 0 : i32
    %dma_start3A_179 = tpu.memref_slice %arg3[%mul3A_177, %dma_start3A_178] : memref<320000x16xf32, #tpu.memory_space<hbm>> -> memref<128x16xf32, #tpu.memory_space<hbm>>
    %dma_start3A_180 = arith.constant 0 : i32
    %dma_start3A_181 = tpu.memref_slice %arg3[%mul3A_177, %dma_start3A_180] : memref<320000x16xf32, #tpu.memory_space<hbm>> -> memref<128x16xf32, #tpu.memory_space<hbm>>
    tpu.enqueue_dma source(%dma_start3A_181 : memref<128x16xf32, #tpu.memory_space<hbm>>) target(%arg13 : memref<128x16xf32, #tpu.memory_space<vmem>>) target_semaphore(%arg28 : memref<!tpu.dma_semaphore, #tpu.memory_space<semaphore_mem>>)
    %dma_start3A_182 = arith.constant 0 : i32
    %dma_start3A_183 = arith.constant 0 : i32
    %dma_start3A_184 = tpu.memref_slice %arg17[%dma_start3A_182, %dma_start3A_183] : memref<10112x16xf32, #tpu.memory_space<vmem_shared>> -> memref<10112x16xf32, #tpu.memory_space<vmem_shared>>
    tpu.enqueue_indirect_dma source(%arg9 : memref<128x16xf32, #tpu.memory_space<vmem>>) target(%dma_start3A_184 : memref<10112x16xf32, #tpu.memory_space<vmem_shared>>) offsets(%arg8 : memref<128xi32, #tpu.memory_space<vmem>>) semaphore(%arg21 : memref<!tpu.dma_semaphore, #tpu.memory_space<semaphore_mem>>) {add = true}
    %dma_start3A_185 = arith.constant 0 : i32
    %dma_start3A_186 = arith.constant 0 : i32
    %dma_start3A_187 = tpu.memref_slice %arg18[%dma_start3A_185, %dma_start3A_186] : memref<10112x8xf32, #tpu.memory_space<vmem_shared>> -> memref<10112x8xf32, #tpu.memory_space<vmem_shared>>
    tpu.enqueue_indirect_dma source(%arg16 : memref<128x8xf32, #tpu.memory_space<vmem>>) target(%dma_start3A_187 : memref<10112x8xf32, #tpu.memory_space<vmem_shared>>) offsets(%arg8 : memref<128xi32, #tpu.memory_space<vmem>>) semaphore(%arg22 : memref<!tpu.dma_semaphore, #tpu.memory_space<semaphore_mem>>) {add = true}
    %dma_wait3A = arith.constant 0 : i32
    %dma_wait3A_188 = tpu.memref_slice %arg2[%dma_wait3A] : memref<320000xi32, #tpu.memory_space<hbm>> -> memref<128xi32, #tpu.memory_space<hbm>>
    %dma_wait3A_189 = arith.constant 0 : i32
    %dma_wait3A_190 = tpu.memref_slice %arg2[%dma_wait3A_189] : memref<320000xi32, #tpu.memory_space<hbm>> -> memref<128xi32, #tpu.memory_space<hbm>>
    tpu.wait_dma2 semaphore(%arg23 : memref<!tpu.dma_semaphore, #tpu.memory_space<semaphore_mem>>) src(%dma_wait3A_190 : memref<128xi32, #tpu.memory_space<hbm>>) dst(%arg10 : memref<128xi32, #tpu.memory_space<vmem>>)
    %dma_wait3A_191 = arith.constant 0 : i32
    %dma_wait3A_192 = arith.constant 0 : i32
    %dma_wait3A_193 = tpu.memref_slice %arg3[%dma_wait3A_191, %dma_wait3A_192] : memref<320000x16xf32, #tpu.memory_space<hbm>> -> memref<128x16xf32, #tpu.memory_space<hbm>>
    %dma_wait3A_194 = arith.constant 0 : i32
    %dma_wait3A_195 = arith.constant 0 : i32
    %dma_wait3A_196 = tpu.memref_slice %arg3[%dma_wait3A_194, %dma_wait3A_195] : memref<320000x16xf32, #tpu.memory_space<hbm>> -> memref<128x16xf32, #tpu.memory_space<hbm>>
    tpu.wait_dma2 semaphore(%arg24 : memref<!tpu.dma_semaphore, #tpu.memory_space<semaphore_mem>>) src(%dma_wait3A_196 : memref<128x16xf32, #tpu.memory_space<hbm>>) dst(%arg11 : memref<128x16xf32, #tpu.memory_space<vmem>>)
    %add3A_197 = arith.constant 32 : i32
    %add3A_198 = arith.addi %add3A, %add3A_197 : i32
    %lt3A_199 = arith.constant 2500 : i32
    %lt3A_200 = arith.cmpi slt, %add3A_198, %lt3A_199 : i32
    %convert_element_type3A_201 = arith.extui %lt3A_200 : i1 to i32
    %broadcast_in_dim3A_202 = vector.broadcast %convert_element_type3A_201 : i32 to vector<16xi32>
    %get3A_203 = arith.constant 0 : index
    %get3A_204 = tpu.vector_load %arg10[%get3A_203] {strides = array<i32>} : memref<128xi32, #tpu.memory_space<vmem>>, vector<16xi32>,
    %get3A_205 = vector.shape_cast %get3A_204 : vector<16xi32> to vector<16xi32>
    %mul3A_206 = arith.muli %get3A_205, %broadcast_in_dim3A_202 : vector<16xi32>
    %sub3A_207 = arith.constant 1 : i32
    %sub3A_208 = vector.broadcast %sub3A_207 : i32 to vector<16xi32>
    %sub3A_209 = arith.subi %sub3A_208, %broadcast_in_dim3A_202 : vector<16xi32>
    %mul3A_210 = arith.muli %broadcast_in_dim3A_3, %sub3A_209 : vector<16xi32>
    %add3A_211 = arith.addi %mul3A_206, %mul3A_210 : vector<16xi32>
    %swap3A_212 = arith.constant 0 : index
    %swap3A_213 = tpu.vector_load %arg10[%swap3A_212] {strides = array<i32>} : memref<128xi32, #tpu.memory_space<vmem>>, vector<16xi32>,
    %swap3A_214 = vector.shape_cast %swap3A_213 : vector<16xi32> to vector<16xi32>
    %swap3A_215 = vector.shape_cast %add3A_211 : vector<16xi32> to vector<16xi32>
    tpu.vector_store %arg10[%swap3A_212], %swap3A_215 {strides = array<i32>} : memref<128xi32, #tpu.memory_space<vmem>>, vector<16xi32>,
    %get3A_216 = arith.constant 16 : index
    %get3A_217 = tpu.vector_load %arg10[%get3A_216] {strides = array<i32>} : memref<128xi32, #tpu.memory_space<vmem>>, vector<16xi32>,
    %get3A_218 = vector.shape_cast %get3A_217 : vector<16xi32> to vector<16xi32>
    %mul3A_219 = arith.muli %get3A_218, %broadcast_in_dim3A_202 : vector<16xi32>
    %sub3A_220 = arith.constant 1 : i32
    %sub3A_221 = vector.broadcast %sub3A_220 : i32 to vector<16xi32>
    %sub3A_222 = arith.subi %sub3A_221, %broadcast_in_dim3A_202 : vector<16xi32>
    %mul3A_223 = arith.muli %broadcast_in_dim3A_3, %sub3A_222 : vector<16xi32>
    %add3A_224 = arith.addi %mul3A_219, %mul3A_223 : vector<16xi32>
    %swap3A_225 = arith.constant 16 : index
    %swap3A_226 = tpu.vector_load %arg10[%swap3A_225] {strides = array<i32>} : memref<128xi32, #tpu.memory_space<vmem>>, vector<16xi32>,
    %swap3A_227 = vector.shape_cast %swap3A_226 : vector<16xi32> to vector<16xi32>
    %swap3A_228 = vector.shape_cast %add3A_224 : vector<16xi32> to vector<16xi32>
    tpu.vector_store %arg10[%swap3A_225], %swap3A_228 {strides = array<i32>} : memref<128xi32, #tpu.memory_space<vmem>>, vector<16xi32>,
    %get3A_229 = arith.constant 32 : index
    %get3A_230 = tpu.vector_load %arg10[%get3A_229] {strides = array<i32>} : memref<128xi32, #tpu.memory_space<vmem>>, vector<16xi32>,
    %get3A_231 = vector.shape_cast %get3A_230 : vector<16xi32> to vector<16xi32>
    %mul3A_232 = arith.muli %get3A_231, %broadcast_in_dim3A_202 : vector<16xi32>
    %sub3A_233 = arith.constant 1 : i32
    %sub3A_234 = vector.broadcast %sub3A_233 : i32 to vector<16xi32>
    %sub3A_235 = arith.subi %sub3A_234, %broadcast_in_dim3A_202 : vector<16xi32>
    %mul3A_236 = arith.muli %broadcast_in_dim3A_3, %sub3A_235 : vector<16xi32>
    %add3A_237 = arith.addi %mul3A_232, %mul3A_236 : vector<16xi32>
    %swap3A_238 = arith.constant 32 : index
    %swap3A_239 = tpu.vector_load %arg10[%swap3A_238] {strides = array<i32>} : memref<128xi32, #tpu.memory_space<vmem>>, vector<16xi32>,
    %swap3A_240 = vector.shape_cast %swap3A_239 : vector<16xi32> to vector<16xi32>
    %swap3A_241 = vector.shape_cast %add3A_237 : vector<16xi32> to vector<16xi32>
    tpu.vector_store %arg10[%swap3A_238], %swap3A_241 {strides = array<i32>} : memref<128xi32, #tpu.memory_space<vmem>>, vector<16xi32>,
    %get3A_242 = arith.constant 48 : index
    %get3A_243 = tpu.vector_load %arg10[%get3A_242] {strides = array<i32>} : memref<128xi32, #tpu.memory_space<vmem>>, vector<16xi32>,
    %get3A_244 = vector.shape_cast %get3A_243 : vector<16xi32> to vector<16xi32>
    %mul3A_245 = arith.muli %get3A_244, %broadcast_in_dim3A_202 : vector<16xi32>
    %sub3A_246 = arith.constant 1 : i32
    %sub3A_247 = vector.broadcast %sub3A_246 : i32 to vector<16xi32>
    %sub3A_248 = arith.subi %sub3A_247, %broadcast_in_dim3A_202 : vector<16xi32>
    %mul3A_249 = arith.muli %broadcast_in_dim3A_3, %sub3A_248 : vector<16xi32>
    %add3A_250 = arith.addi %mul3A_245, %mul3A_249 : vector<16xi32>
    %swap3A_251 = arith.constant 48 : index
    %swap3A_252 = tpu.vector_load %arg10[%swap3A_251] {strides = array<i32>} : memref<128xi32, #tpu.memory_space<vmem>>, vector<16xi32>,
    %swap3A_253 = vector.shape_cast %swap3A_252 : vector<16xi32> to vector<16xi32>
    %swap3A_254 = vector.shape_cast %add3A_250 : vector<16xi32> to vector<16xi32>
    tpu.vector_store %arg10[%swap3A_251], %swap3A_254 {strides = array<i32>} : memref<128xi32, #tpu.memory_space<vmem>>, vector<16xi32>,
    %get3A_255 = arith.constant 64 : index
    %get3A_256 = tpu.vector_load %arg10[%get3A_255] {strides = array<i32>} : memref<128xi32, #tpu.memory_space<vmem>>, vector<16xi32>,
    %get3A_257 = vector.shape_cast %get3A_256 : vector<16xi32> to vector<16xi32>
    %mul3A_258 = arith.muli %get3A_257, %broadcast_in_dim3A_202 : vector<16xi32>
    %sub3A_259 = arith.constant 1 : i32
    %sub3A_260 = vector.broadcast %sub3A_259 : i32 to vector<16xi32>
    %sub3A_261 = arith.subi %sub3A_260, %broadcast_in_dim3A_202 : vector<16xi32>
    %mul3A_262 = arith.muli %broadcast_in_dim3A_3, %sub3A_261 : vector<16xi32>
    %add3A_263 = arith.addi %mul3A_258, %mul3A_262 : vector<16xi32>
    %swap3A_264 = arith.constant 64 : index
    %swap3A_265 = tpu.vector_load %arg10[%swap3A_264] {strides = array<i32>} : memref<128xi32, #tpu.memory_space<vmem>>, vector<16xi32>,
    %swap3A_266 = vector.shape_cast %swap3A_265 : vector<16xi32> to vector<16xi32>
    %swap3A_267 = vector.shape_cast %add3A_263 : vector<16xi32> to vector<16xi32>
    tpu.vector_store %arg10[%swap3A_264], %swap3A_267 {strides = array<i32>} : memref<128xi32, #tpu.memory_space<vmem>>, vector<16xi32>,
    %get3A_268 = arith.constant 80 : index
    %get3A_269 = tpu.vector_load %arg10[%get3A_268] {strides = array<i32>} : memref<128xi32, #tpu.memory_space<vmem>>, vector<16xi32>,
    %get3A_270 = vector.shape_cast %get3A_269 : vector<16xi32> to vector<16xi32>
    %mul3A_271 = arith.muli %get3A_270, %broadcast_in_dim3A_202 : vector<16xi32>
    %sub3A_272 = arith.constant 1 : i32
    %sub3A_273 = vector.broadcast %sub3A_272 : i32 to vector<16xi32>
    %sub3A_274 = arith.subi %sub3A_273, %broadcast_in_dim3A_202 : vector<16xi32>
    %mul3A_275 = arith.muli %broadcast_in_dim3A_3, %sub3A_274 : vector<16xi32>
    %add3A_276 = arith.addi %mul3A_271, %mul3A_275 : vector<16xi32>
    %swap3A_277 = arith.constant 80 : index
    %swap3A_278 = tpu.vector_load %arg10[%swap3A_277] {strides = array<i32>} : memref<128xi32, #tpu.memory_space<vmem>>, vector<16xi32>,
    %swap3A_279 = vector.shape_cast %swap3A_278 : vector<16xi32> to vector<16xi32>
    %swap3A_280 = vector.shape_cast %add3A_276 : vector<16xi32> to vector<16xi32>
    tpu.vector_store %arg10[%swap3A_277], %swap3A_280 {strides = array<i32>} : memref<128xi32, #tpu.memory_space<vmem>>, vector<16xi32>,
    %get3A_281 = arith.constant 96 : index
    %get3A_282 = tpu.vector_load %arg10[%get3A_281] {strides = array<i32>} : memref<128xi32, #tpu.memory_space<vmem>>, vector<16xi32>,
    %get3A_283 = vector.shape_cast %get3A_282 : vector<16xi32> to vector<16xi32>
    %mul3A_284 = arith.muli %get3A_283, %broadcast_in_dim3A_202 : vector<16xi32>
    %sub3A_285 = arith.constant 1 : i32
    %sub3A_286 = vector.broadcast %sub3A_285 : i32 to vector<16xi32>
    %sub3A_287 = arith.subi %sub3A_286, %broadcast_in_dim3A_202 : vector<16xi32>
    %mul3A_288 = arith.muli %broadcast_in_dim3A_3, %sub3A_287 : vector<16xi32>
    %add3A_289 = arith.addi %mul3A_284, %mul3A_288 : vector<16xi32>
    %swap3A_290 = arith.constant 96 : index
    %swap3A_291 = tpu.vector_load %arg10[%swap3A_290] {strides = array<i32>} : memref<128xi32, #tpu.memory_space<vmem>>, vector<16xi32>,
    %swap3A_292 = vector.shape_cast %swap3A_291 : vector<16xi32> to vector<16xi32>
    %swap3A_293 = vector.shape_cast %add3A_289 : vector<16xi32> to vector<16xi32>
    tpu.vector_store %arg10[%swap3A_290], %swap3A_293 {strides = array<i32>} : memref<128xi32, #tpu.memory_space<vmem>>, vector<16xi32>,
    %get3A_294 = arith.constant 112 : index
    %get3A_295 = tpu.vector_load %arg10[%get3A_294] {strides = array<i32>} : memref<128xi32, #tpu.memory_space<vmem>>, vector<16xi32>,
    %get3A_296 = vector.shape_cast %get3A_295 : vector<16xi32> to vector<16xi32>
    %mul3A_297 = arith.muli %get3A_296, %broadcast_in_dim3A_202 : vector<16xi32>
    %sub3A_298 = arith.constant 1 : i32
    %sub3A_299 = vector.broadcast %sub3A_298 : i32 to vector<16xi32>
    %sub3A_300 = arith.subi %sub3A_299, %broadcast_in_dim3A_202 : vector<16xi32>
    %mul3A_301 = arith.muli %broadcast_in_dim3A_3, %sub3A_300 : vector<16xi32>
    %add3A_302 = arith.addi %mul3A_297, %mul3A_301 : vector<16xi32>
    %swap3A_303 = arith.constant 112 : index
    %swap3A_304 = tpu.vector_load %arg10[%swap3A_303] {strides = array<i32>} : memref<128xi32, #tpu.memory_space<vmem>>, vector<16xi32>,
    %swap3A_305 = vector.shape_cast %swap3A_304 : vector<16xi32> to vector<16xi32>
    %swap3A_306 = vector.shape_cast %add3A_302 : vector<16xi32> to vector<16xi32>
    tpu.vector_store %arg10[%swap3A_303], %swap3A_306 {strides = array<i32>} : memref<128xi32, #tpu.memory_space<vmem>>, vector<16xi32>,
    %add3A_307 = arith.constant 96 : i32
    %add3A_308 = arith.addi %add3A, %add3A_307 : i32
    %min3A_309 = arith.constant 2499 : i32
    %min3A_310 = arith.minsi %add3A_308, %min3A_309 : i32
    %mul3A_311 = arith.constant 128 : i32
    %mul3A_312 = arith.muli %min3A_310, %mul3A_311 : i32
    %dma_start3A_313 = tpu.memref_slice %arg2[%mul3A_312] : memref<320000xi32, #tpu.memory_space<hbm>> -> memref<128xi32, #tpu.memory_space<hbm>>
    %dma_start3A_314 = tpu.memref_slice %arg2[%mul3A_312] : memref<320000xi32, #tpu.memory_space<hbm>> -> memref<128xi32, #tpu.memory_space<hbm>>
    tpu.enqueue_dma source(%dma_start3A_314 : memref<128xi32, #tpu.memory_space<hbm>>) target(%arg14 : memref<128xi32, #tpu.memory_space<vmem>>) target_semaphore(%arg31 : memref<!tpu.dma_semaphore, #tpu.memory_space<semaphore_mem>>)
    %add3A_315 = arith.constant 96 : i32
    %add3A_316 = arith.addi %add3A, %add3A_315 : i32
    %min3A_317 = arith.constant 2499 : i32
    %min3A_318 = arith.minsi %add3A_316, %min3A_317 : i32
    %mul3A_319 = arith.constant 128 : i32
    %mul3A_320 = arith.muli %min3A_318, %mul3A_319 : i32
    %dma_start3A_321 = arith.constant 0 : i32
    %dma_start3A_322 = tpu.memref_slice %arg3[%mul3A_320, %dma_start3A_321] : memref<320000x16xf32, #tpu.memory_space<hbm>> -> memref<128x16xf32, #tpu.memory_space<hbm>>
    %dma_start3A_323 = arith.constant 0 : i32
    %dma_start3A_324 = tpu.memref_slice %arg3[%mul3A_320, %dma_start3A_323] : memref<320000x16xf32, #tpu.memory_space<hbm>> -> memref<128x16xf32, #tpu.memory_space<hbm>>
    tpu.enqueue_dma source(%dma_start3A_324 : memref<128x16xf32, #tpu.memory_space<hbm>>) target(%arg15 : memref<128x16xf32, #tpu.memory_space<vmem>>) target_semaphore(%arg32 : memref<!tpu.dma_semaphore, #tpu.memory_space<semaphore_mem>>)
    %dma_start3A_325 = arith.constant 0 : i32
    %dma_start3A_326 = arith.constant 0 : i32
    %dma_start3A_327 = tpu.memref_slice %arg17[%dma_start3A_325, %dma_start3A_326] : memref<10112x16xf32, #tpu.memory_space<vmem_shared>> -> memref<10112x16xf32, #tpu.memory_space<vmem_shared>>
    tpu.enqueue_indirect_dma source(%arg11 : memref<128x16xf32, #tpu.memory_space<vmem>>) target(%dma_start3A_327 : memref<10112x16xf32, #tpu.memory_space<vmem_shared>>) offsets(%arg10 : memref<128xi32, #tpu.memory_space<vmem>>) semaphore(%arg25 : memref<!tpu.dma_semaphore, #tpu.memory_space<semaphore_mem>>) {add = true}
    %dma_start3A_328 = arith.constant 0 : i32
    %dma_start3A_329 = arith.constant 0 : i32
    %dma_start3A_330 = tpu.memref_slice %arg18[%dma_start3A_328, %dma_start3A_329] : memref<10112x8xf32, #tpu.memory_space<vmem_shared>> -> memref<10112x8xf32, #tpu.memory_space<vmem_shared>>
    tpu.enqueue_indirect_dma source(%arg16 : memref<128x8xf32, #tpu.memory_space<vmem>>) target(%dma_start3A_330 : memref<10112x8xf32, #tpu.memory_space<vmem_shared>>) offsets(%arg10 : memref<128xi32, #tpu.memory_space<vmem>>) semaphore(%arg26 : memref<!tpu.dma_semaphore, #tpu.memory_space<semaphore_mem>>) {add = true}
    %dma_wait3A_331 = arith.constant 0 : i32
    %dma_wait3A_332 = tpu.memref_slice %arg2[%dma_wait3A_331] : memref<320000xi32, #tpu.memory_space<hbm>> -> memref<128xi32, #tpu.memory_space<hbm>>
    %dma_wait3A_333 = arith.constant 0 : i32
    %dma_wait3A_334 = tpu.memref_slice %arg2[%dma_wait3A_333] : memref<320000xi32, #tpu.memory_space<hbm>> -> memref<128xi32, #tpu.memory_space<hbm>>
    tpu.wait_dma2 semaphore(%arg27 : memref<!tpu.dma_semaphore, #tpu.memory_space<semaphore_mem>>) src(%dma_wait3A_334 : memref<128xi32, #tpu.memory_space<hbm>>) dst(%arg12 : memref<128xi32, #tpu.memory_space<vmem>>)
    %dma_wait3A_335 = arith.constant 0 : i32
    %dma_wait3A_336 = arith.constant 0 : i32
    %dma_wait3A_337 = tpu.memref_slice %arg3[%dma_wait3A_335, %dma_wait3A_336] : memref<320000x16xf32, #tpu.memory_space<hbm>> -> memref<128x16xf32, #tpu.memory_space<hbm>>
    %dma_wait3A_338 = arith.constant 0 : i32
    %dma_wait3A_339 = arith.constant 0 : i32
    %dma_wait3A_340 = tpu.memref_slice %arg3[%dma_wait3A_338, %dma_wait3A_339] : memref<320000x16xf32, #tpu.memory_space<hbm>> -> memref<128x16xf32, #tpu.memory_space<hbm>>
    tpu.wait_dma2 semaphore(%arg28 : memref<!tpu.dma_semaphore, #tpu.memory_space<semaphore_mem>>) src(%dma_wait3A_340 : memref<128x16xf32, #tpu.memory_space<hbm>>) dst(%arg13 : memref<128x16xf32, #tpu.memory_space<vmem>>)
    %add3A_341 = arith.constant 64 : i32
    %add3A_342 = arith.addi %add3A, %add3A_341 : i32
    %lt3A_343 = arith.constant 2500 : i32
    %lt3A_344 = arith.cmpi slt, %add3A_342, %lt3A_343 : i32
    %convert_element_type3A_345 = arith.extui %lt3A_344 : i1 to i32
    %broadcast_in_dim3A_346 = vector.broadcast %convert_element_type3A_345 : i32 to vector<16xi32>
    %get3A_347 = arith.constant 0 : index
    %get3A_348 = tpu.vector_load %arg12[%get3A_347] {strides = array<i32>} : memref<128xi32, #tpu.memory_space<vmem>>, vector<16xi32>,
    %get3A_349 = vector.shape_cast %get3A_348 : vector<16xi32> to vector<16xi32>
    %mul3A_350 = arith.muli %get3A_349, %broadcast_in_dim3A_346 : vector<16xi32>
    %sub3A_351 = arith.constant 1 : i32
    %sub3A_352 = vector.broadcast %sub3A_351 : i32 to vector<16xi32>
    %sub3A_353 = arith.subi %sub3A_352, %broadcast_in_dim3A_346 : vector<16xi32>
    %mul3A_354 = arith.muli %broadcast_in_dim3A_3, %sub3A_353 : vector<16xi32>
    %add3A_355 = arith.addi %mul3A_350, %mul3A_354 : vector<16xi32>
    %swap3A_356 = arith.constant 0 : index
    %swap3A_357 = tpu.vector_load %arg12[%swap3A_356] {strides = array<i32>} : memref<128xi32, #tpu.memory_space<vmem>>, vector<16xi32>,
    %swap3A_358 = vector.shape_cast %swap3A_357 : vector<16xi32> to vector<16xi32>
    %swap3A_359 = vector.shape_cast %add3A_355 : vector<16xi32> to vector<16xi32>
    tpu.vector_store %arg12[%swap3A_356], %swap3A_359 {strides = array<i32>} : memref<128xi32, #tpu.memory_space<vmem>>, vector<16xi32>,
    %get3A_360 = arith.constant 16 : index
    %get3A_361 = tpu.vector_load %arg12[%get3A_360] {strides = array<i32>} : memref<128xi32, #tpu.memory_space<vmem>>, vector<16xi32>,
    %get3A_362 = vector.shape_cast %get3A_361 : vector<16xi32> to vector<16xi32>
    %mul3A_363 = arith.muli %get3A_362, %broadcast_in_dim3A_346 : vector<16xi32>
    %sub3A_364 = arith.constant 1 : i32
    %sub3A_365 = vector.broadcast %sub3A_364 : i32 to vector<16xi32>
    %sub3A_366 = arith.subi %sub3A_365, %broadcast_in_dim3A_346 : vector<16xi32>
    %mul3A_367 = arith.muli %broadcast_in_dim3A_3, %sub3A_366 : vector<16xi32>
    %add3A_368 = arith.addi %mul3A_363, %mul3A_367 : vector<16xi32>
    %swap3A_369 = arith.constant 16 : index
    %swap3A_370 = tpu.vector_load %arg12[%swap3A_369] {strides = array<i32>} : memref<128xi32, #tpu.memory_space<vmem>>, vector<16xi32>,
    %swap3A_371 = vector.shape_cast %swap3A_370 : vector<16xi32> to vector<16xi32>
    %swap3A_372 = vector.shape_cast %add3A_368 : vector<16xi32> to vector<16xi32>
    tpu.vector_store %arg12[%swap3A_369], %swap3A_372 {strides = array<i32>} : memref<128xi32, #tpu.memory_space<vmem>>, vector<16xi32>,
    %get3A_373 = arith.constant 32 : index
    %get3A_374 = tpu.vector_load %arg12[%get3A_373] {strides = array<i32>} : memref<128xi32, #tpu.memory_space<vmem>>, vector<16xi32>,
    %get3A_375 = vector.shape_cast %get3A_374 : vector<16xi32> to vector<16xi32>
    %mul3A_376 = arith.muli %get3A_375, %broadcast_in_dim3A_346 : vector<16xi32>
    %sub3A_377 = arith.constant 1 : i32
    %sub3A_378 = vector.broadcast %sub3A_377 : i32 to vector<16xi32>
    %sub3A_379 = arith.subi %sub3A_378, %broadcast_in_dim3A_346 : vector<16xi32>
    %mul3A_380 = arith.muli %broadcast_in_dim3A_3, %sub3A_379 : vector<16xi32>
    %add3A_381 = arith.addi %mul3A_376, %mul3A_380 : vector<16xi32>
    %swap3A_382 = arith.constant 32 : index
    %swap3A_383 = tpu.vector_load %arg12[%swap3A_382] {strides = array<i32>} : memref<128xi32, #tpu.memory_space<vmem>>, vector<16xi32>,
    %swap3A_384 = vector.shape_cast %swap3A_383 : vector<16xi32> to vector<16xi32>
    %swap3A_385 = vector.shape_cast %add3A_381 : vector<16xi32> to vector<16xi32>
    tpu.vector_store %arg12[%swap3A_382], %swap3A_385 {strides = array<i32>} : memref<128xi32, #tpu.memory_space<vmem>>, vector<16xi32>,
    %get3A_386 = arith.constant 48 : index
    %get3A_387 = tpu.vector_load %arg12[%get3A_386] {strides = array<i32>} : memref<128xi32, #tpu.memory_space<vmem>>, vector<16xi32>,
    %get3A_388 = vector.shape_cast %get3A_387 : vector<16xi32> to vector<16xi32>
    %mul3A_389 = arith.muli %get3A_388, %broadcast_in_dim3A_346 : vector<16xi32>
    %sub3A_390 = arith.constant 1 : i32
    %sub3A_391 = vector.broadcast %sub3A_390 : i32 to vector<16xi32>
    %sub3A_392 = arith.subi %sub3A_391, %broadcast_in_dim3A_346 : vector<16xi32>
    %mul3A_393 = arith.muli %broadcast_in_dim3A_3, %sub3A_392 : vector<16xi32>
    %add3A_394 = arith.addi %mul3A_389, %mul3A_393 : vector<16xi32>
    %swap3A_395 = arith.constant 48 : index
    %swap3A_396 = tpu.vector_load %arg12[%swap3A_395] {strides = array<i32>} : memref<128xi32, #tpu.memory_space<vmem>>, vector<16xi32>,
    %swap3A_397 = vector.shape_cast %swap3A_396 : vector<16xi32> to vector<16xi32>
    %swap3A_398 = vector.shape_cast %add3A_394 : vector<16xi32> to vector<16xi32>
    tpu.vector_store %arg12[%swap3A_395], %swap3A_398 {strides = array<i32>} : memref<128xi32, #tpu.memory_space<vmem>>, vector<16xi32>,
    %get3A_399 = arith.constant 64 : index
    %get3A_400 = tpu.vector_load %arg12[%get3A_399] {strides = array<i32>} : memref<128xi32, #tpu.memory_space<vmem>>, vector<16xi32>,
    %get3A_401 = vector.shape_cast %get3A_400 : vector<16xi32> to vector<16xi32>
    %mul3A_402 = arith.muli %get3A_401, %broadcast_in_dim3A_346 : vector<16xi32>
    %sub3A_403 = arith.constant 1 : i32
    %sub3A_404 = vector.broadcast %sub3A_403 : i32 to vector<16xi32>
    %sub3A_405 = arith.subi %sub3A_404, %broadcast_in_dim3A_346 : vector<16xi32>
    %mul3A_406 = arith.muli %broadcast_in_dim3A_3, %sub3A_405 : vector<16xi32>
    %add3A_407 = arith.addi %mul3A_402, %mul3A_406 : vector<16xi32>
    %swap3A_408 = arith.constant 64 : index
    %swap3A_409 = tpu.vector_load %arg12[%swap3A_408] {strides = array<i32>} : memref<128xi32, #tpu.memory_space<vmem>>, vector<16xi32>,
    %swap3A_410 = vector.shape_cast %swap3A_409 : vector<16xi32> to vector<16xi32>
    %swap3A_411 = vector.shape_cast %add3A_407 : vector<16xi32> to vector<16xi32>
    tpu.vector_store %arg12[%swap3A_408], %swap3A_411 {strides = array<i32>} : memref<128xi32, #tpu.memory_space<vmem>>, vector<16xi32>,
    %get3A_412 = arith.constant 80 : index
    %get3A_413 = tpu.vector_load %arg12[%get3A_412] {strides = array<i32>} : memref<128xi32, #tpu.memory_space<vmem>>, vector<16xi32>,
    %get3A_414 = vector.shape_cast %get3A_413 : vector<16xi32> to vector<16xi32>
    %mul3A_415 = arith.muli %get3A_414, %broadcast_in_dim3A_346 : vector<16xi32>
    %sub3A_416 = arith.constant 1 : i32
    %sub3A_417 = vector.broadcast %sub3A_416 : i32 to vector<16xi32>
    %sub3A_418 = arith.subi %sub3A_417, %broadcast_in_dim3A_346 : vector<16xi32>
    %mul3A_419 = arith.muli %broadcast_in_dim3A_3, %sub3A_418 : vector<16xi32>
    %add3A_420 = arith.addi %mul3A_415, %mul3A_419 : vector<16xi32>
    %swap3A_421 = arith.constant 80 : index
    %swap3A_422 = tpu.vector_load %arg12[%swap3A_421] {strides = array<i32>} : memref<128xi32, #tpu.memory_space<vmem>>, vector<16xi32>,
    %swap3A_423 = vector.shape_cast %swap3A_422 : vector<16xi32> to vector<16xi32>
    %swap3A_424 = vector.shape_cast %add3A_420 : vector<16xi32> to vector<16xi32>
    tpu.vector_store %arg12[%swap3A_421], %swap3A_424 {strides = array<i32>} : memref<128xi32, #tpu.memory_space<vmem>>, vector<16xi32>,
    %get3A_425 = arith.constant 96 : index
    %get3A_426 = tpu.vector_load %arg12[%get3A_425] {strides = array<i32>} : memref<128xi32, #tpu.memory_space<vmem>>, vector<16xi32>,
    %get3A_427 = vector.shape_cast %get3A_426 : vector<16xi32> to vector<16xi32>
    %mul3A_428 = arith.muli %get3A_427, %broadcast_in_dim3A_346 : vector<16xi32>
    %sub3A_429 = arith.constant 1 : i32
    %sub3A_430 = vector.broadcast %sub3A_429 : i32 to vector<16xi32>
    %sub3A_431 = arith.subi %sub3A_430, %broadcast_in_dim3A_346 : vector<16xi32>
    %mul3A_432 = arith.muli %broadcast_in_dim3A_3, %sub3A_431 : vector<16xi32>
    %add3A_433 = arith.addi %mul3A_428, %mul3A_432 : vector<16xi32>
    %swap3A_434 = arith.constant 96 : index
    %swap3A_435 = tpu.vector_load %arg12[%swap3A_434] {strides = array<i32>} : memref<128xi32, #tpu.memory_space<vmem>>, vector<16xi32>,
    %swap3A_436 = vector.shape_cast %swap3A_435 : vector<16xi32> to vector<16xi32>
    %swap3A_437 = vector.shape_cast %add3A_433 : vector<16xi32> to vector<16xi32>
    tpu.vector_store %arg12[%swap3A_434], %swap3A_437 {strides = array<i32>} : memref<128xi32, #tpu.memory_space<vmem>>, vector<16xi32>,
    %get3A_438 = arith.constant 112 : index
    %get3A_439 = tpu.vector_load %arg12[%get3A_438] {strides = array<i32>} : memref<128xi32, #tpu.memory_space<vmem>>, vector<16xi32>,
    %get3A_440 = vector.shape_cast %get3A_439 : vector<16xi32> to vector<16xi32>
    %mul3A_441 = arith.muli %get3A_440, %broadcast_in_dim3A_346 : vector<16xi32>
    %sub3A_442 = arith.constant 1 : i32
    %sub3A_443 = vector.broadcast %sub3A_442 : i32 to vector<16xi32>
    %sub3A_444 = arith.subi %sub3A_443, %broadcast_in_dim3A_346 : vector<16xi32>
    %mul3A_445 = arith.muli %broadcast_in_dim3A_3, %sub3A_444 : vector<16xi32>
    %add3A_446 = arith.addi %mul3A_441, %mul3A_445 : vector<16xi32>
    %swap3A_447 = arith.constant 112 : index
    %swap3A_448 = tpu.vector_load %arg12[%swap3A_447] {strides = array<i32>} : memref<128xi32, #tpu.memory_space<vmem>>, vector<16xi32>,
    %swap3A_449 = vector.shape_cast %swap3A_448 : vector<16xi32> to vector<16xi32>
    %swap3A_450 = vector.shape_cast %add3A_446 : vector<16xi32> to vector<16xi32>
    tpu.vector_store %arg12[%swap3A_447], %swap3A_450 {strides = array<i32>} : memref<128xi32, #tpu.memory_space<vmem>>, vector<16xi32>,
    %scan3A_451 = arith.constant 0 : i32
    %scan3A_452 = arith.constant 0 : i32
    %scan3A_453 = arith.constant 20 : i32
    %scan3A_454 = arith.addi %scan3A_452, %scan3A_453 : i32
    %scan3A_455 = arith.constant 1 : i32
    scf.for %scan3A_480 = %scan3A_452 to %scan3A_454 step %scan3A_455  : i32 {
      %mul3A_481 = arith.constant 4 : i32
      %mul3A_482 = arith.muli %mul3A_481, %scan3A_480 : i32
      %add3A_483 = arith.constant 2 : i32
      %add3A_484 = arith.addi %add3A_483, %mul3A_482 : i32
      %add3A_485 = arith.constant 0 : i32
      %add3A_486 = arith.addi %add3A_484, %add3A_485 : i32
      %dma_wait3A_487 = arith.constant 0 : i32
      %dma_wait3A_488 = arith.constant 0 : i32
      %dma_wait3A_489 = tpu.memref_slice %arg17[%dma_wait3A_487, %dma_wait3A_488] : memref<10112x16xf32, #tpu.memory_space<vmem_shared>> -> memref<10112x16xf32, #tpu.memory_space<vmem_shared>>
      tpu.wait_indirect_dma semaphore(%arg21 : memref<!tpu.dma_semaphore, #tpu.memory_space<semaphore_mem>>) src(%arg9 : memref<128x16xf32, #tpu.memory_space<vmem>>) dst(%dma_wait3A_489 : memref<10112x16xf32, #tpu.memory_space<vmem_shared>>)
      %dma_wait3A_490 = arith.constant 0 : i32
      %dma_wait3A_491 = arith.constant 0 : i32
      %dma_wait3A_492 = tpu.memref_slice %arg18[%dma_wait3A_490, %dma_wait3A_491] : memref<10112x8xf32, #tpu.memory_space<vmem_shared>> -> memref<10112x8xf32, #tpu.memory_space<vmem_shared>>
      tpu.wait_indirect_dma semaphore(%arg22 : memref<!tpu.dma_semaphore, #tpu.memory_space<semaphore_mem>>) src(%arg16 : memref<128x8xf32, #tpu.memory_space<vmem>>) dst(%dma_wait3A_492 : memref<10112x8xf32, #tpu.memory_space<vmem_shared>>)
      %add3A_493 = arith.constant 2 : i32
      %add3A_494 = arith.addi %add3A_486, %add3A_493 : i32
      %mul3A_495 = arith.constant 32 : i32
      %mul3A_496 = arith.muli %mul3A_495, %add3A_494 : i32
      %add3A_497 = arith.addi %add3A, %mul3A_496 : i32
      %min3A_498 = arith.constant 2499 : i32
      %min3A_499 = arith.minsi %add3A_497, %min3A_498 : i32
      %mul3A_500 = arith.constant 128 : i32
      %mul3A_501 = arith.muli %min3A_499, %mul3A_500 : i32
      %dma_start3A_502 = tpu.memref_slice %arg2[%mul3A_501] : memref<320000xi32, #tpu.memory_space<hbm>> -> memref<128xi32, #tpu.memory_space<hbm>>
      %dma_start3A_503 = tpu.memref_slice %arg2[%mul3A_501] : memref<320000xi32, #tpu.memory_space<hbm>> -> memref<128xi32, #tpu.memory_space<hbm>>
      tpu.enqueue_dma source(%dma_start3A_503 : memref<128xi32, #tpu.memory_space<hbm>>) target(%arg8 : memref<128xi32, #tpu.memory_space<vmem>>) target_semaphore(%arg19 : memref<!tpu.dma_semaphore, #tpu.memory_space<semaphore_mem>>)
      %mul3A_504 = arith.constant 32 : i32
      %mul3A_505 = arith.muli %mul3A_504, %add3A_494 : i32
      %add3A_506 = arith.addi %add3A, %mul3A_505 : i32
      %min3A_507 = arith.constant 2499 : i32
      %min3A_508 = arith.minsi %add3A_506, %min3A_507 : i32
      %mul3A_509 = arith.constant 128 : i32
      %mul3A_510 = arith.muli %min3A_508, %mul3A_509 : i32
      %dma_start3A_511 = arith.constant 0 : i32
      %dma_start3A_512 = tpu.memref_slice %arg3[%mul3A_510, %dma_start3A_511] : memref<320000x16xf32, #tpu.memory_space<hbm>> -> memref<128x16xf32, #tpu.memory_space<hbm>>
      %dma_start3A_513 = arith.constant 0 : i32
      %dma_start3A_514 = tpu.memref_slice %arg3[%mul3A_510, %dma_start3A_513] : memref<320000x16xf32, #tpu.memory_space<hbm>> -> memref<128x16xf32, #tpu.memory_space<hbm>>
      tpu.enqueue_dma source(%dma_start3A_514 : memref<128x16xf32, #tpu.memory_space<hbm>>) target(%arg9 : memref<128x16xf32, #tpu.memory_space<vmem>>) target_semaphore(%arg20 : memref<!tpu.dma_semaphore, #tpu.memory_space<semaphore_mem>>)
      %dma_start3A_515 = arith.constant 0 : i32
      %dma_start3A_516 = arith.constant 0 : i32
      %dma_start3A_517 = tpu.memref_slice %arg17[%dma_start3A_515, %dma_start3A_516] : memref<10112x16xf32, #tpu.memory_space<vmem_shared>> -> memref<10112x16xf32, #tpu.memory_space<vmem_shared>>
      tpu.enqueue_indirect_dma source(%arg13 : memref<128x16xf32, #tpu.memory_space<vmem>>) target(%dma_start3A_517 : memref<10112x16xf32, #tpu.memory_space<vmem_shared>>) offsets(%arg12 : memref<128xi32, #tpu.memory_space<vmem>>) semaphore(%arg29 : memref<!tpu.dma_semaphore, #tpu.memory_space<semaphore_mem>>) {add = true}
      %dma_start3A_518 = arith.constant 0 : i32
      %dma_start3A_519 = arith.constant 0 : i32
      %dma_start3A_520 = tpu.memref_slice %arg18[%dma_start3A_518, %dma_start3A_519] : memref<10112x8xf32, #tpu.memory_space<vmem_shared>> -> memref<10112x8xf32, #tpu.memory_space<vmem_shared>>
      tpu.enqueue_indirect_dma source(%arg16 : memref<128x8xf32, #tpu.memory_space<vmem>>) target(%dma_start3A_520 : memref<10112x8xf32, #tpu.memory_space<vmem_shared>>) offsets(%arg12 : memref<128xi32, #tpu.memory_space<vmem>>) semaphore(%arg30 : memref<!tpu.dma_semaphore, #tpu.memory_space<semaphore_mem>>) {add = true}
      %dma_wait3A_521 = arith.constant 0 : i32
      %dma_wait3A_522 = tpu.memref_slice %arg2[%dma_wait3A_521] : memref<320000xi32, #tpu.memory_space<hbm>> -> memref<128xi32, #tpu.memory_space<hbm>>
      %dma_wait3A_523 = arith.constant 0 : i32
      %dma_wait3A_524 = tpu.memref_slice %arg2[%dma_wait3A_523] : memref<320000xi32, #tpu.memory_space<hbm>> -> memref<128xi32, #tpu.memory_space<hbm>>
      tpu.wait_dma2 semaphore(%arg31 : memref<!tpu.dma_semaphore, #tpu.memory_space<semaphore_mem>>) src(%dma_wait3A_524 : memref<128xi32, #tpu.memory_space<hbm>>) dst(%arg14 : memref<128xi32, #tpu.memory_space<vmem>>)
      %dma_wait3A_525 = arith.constant 0 : i32
      %dma_wait3A_526 = arith.constant 0 : i32
      %dma_wait3A_527 = tpu.memref_slice %arg3[%dma_wait3A_525, %dma_wait3A_526] : memref<320000x16xf32, #tpu.memory_space<hbm>> -> memref<128x16xf32, #tpu.memory_space<hbm>>
      %dma_wait3A_528 = arith.constant 0 : i32
      %dma_wait3A_529 = arith.constant 0 : i32
      %dma_wait3A_530 = tpu.memref_slice %arg3[%dma_wait3A_528, %dma_wait3A_529] : memref<320000x16xf32, #tpu.memory_space<hbm>> -> memref<128x16xf32, #tpu.memory_space<hbm>>
      tpu.wait_dma2 semaphore(%arg32 : memref<!tpu.dma_semaphore, #tpu.memory_space<semaphore_mem>>) src(%dma_wait3A_530 : memref<128x16xf32, #tpu.memory_space<hbm>>) dst(%arg15 : memref<128x16xf32, #tpu.memory_space<vmem>>)
      %add3A_531 = arith.constant 1 : i32
      %add3A_532 = arith.addi %add3A_486, %add3A_531 : i32
      %mul3A_533 = arith.constant 32 : i32
      %mul3A_534 = arith.muli %mul3A_533, %add3A_532 : i32
      %add3A_535 = arith.addi %add3A, %mul3A_534 : i32
      %lt3A_536 = arith.constant 2500 : i32
      %lt3A_537 = arith.cmpi slt, %add3A_535, %lt3A_536 : i32
      %convert_element_type3A_538 = arith.extui %lt3A_537 : i1 to i32
      %broadcast_in_dim3A_539 = vector.broadcast %convert_element_type3A_538 : i32 to vector<16xi32>
      %get3A_540 = arith.constant 0 : index
      %get3A_541 = tpu.vector_load %arg14[%get3A_540] {strides = array<i32>} : memref<128xi32, #tpu.memory_space<vmem>>, vector<16xi32>,
      %get3A_542 = vector.shape_cast %get3A_541 : vector<16xi32> to vector<16xi32>
      %mul3A_543 = arith.muli %get3A_542, %broadcast_in_dim3A_539 : vector<16xi32>
      %sub3A_544 = arith.constant 1 : i32
      %sub3A_545 = vector.broadcast %sub3A_544 : i32 to vector<16xi32>
      %sub3A_546 = arith.subi %sub3A_545, %broadcast_in_dim3A_539 : vector<16xi32>
      %mul3A_547 = arith.muli %broadcast_in_dim3A_3, %sub3A_546 : vector<16xi32>
      %add3A_548 = arith.addi %mul3A_543, %mul3A_547 : vector<16xi32>
      %swap3A_549 = arith.constant 0 : index
      %swap3A_550 = tpu.vector_load %arg14[%swap3A_549] {strides = array<i32>} : memref<128xi32, #tpu.memory_space<vmem>>, vector<16xi32>,
      %swap3A_551 = vector.shape_cast %swap3A_550 : vector<16xi32> to vector<16xi32>
      %swap3A_552 = vector.shape_cast %add3A_548 : vector<16xi32> to vector<16xi32>
      tpu.vector_store %arg14[%swap3A_549], %swap3A_552 {strides = array<i32>} : memref<128xi32, #tpu.memory_space<vmem>>, vector<16xi32>,
      %get3A_553 = arith.constant 16 : index
      %get3A_554 = tpu.vector_load %arg14[%get3A_553] {strides = array<i32>} : memref<128xi32, #tpu.memory_space<vmem>>, vector<16xi32>,
      %get3A_555 = vector.shape_cast %get3A_554 : vector<16xi32> to vector<16xi32>
      %mul3A_556 = arith.muli %get3A_555, %broadcast_in_dim3A_539 : vector<16xi32>
      %sub3A_557 = arith.constant 1 : i32
      %sub3A_558 = vector.broadcast %sub3A_557 : i32 to vector<16xi32>
      %sub3A_559 = arith.subi %sub3A_558, %broadcast_in_dim3A_539 : vector<16xi32>
      %mul3A_560 = arith.muli %broadcast_in_dim3A_3, %sub3A_559 : vector<16xi32>
      %add3A_561 = arith.addi %mul3A_556, %mul3A_560 : vector<16xi32>
      %swap3A_562 = arith.constant 16 : index
      %swap3A_563 = tpu.vector_load %arg14[%swap3A_562] {strides = array<i32>} : memref<128xi32, #tpu.memory_space<vmem>>, vector<16xi32>,
      %swap3A_564 = vector.shape_cast %swap3A_563 : vector<16xi32> to vector<16xi32>
      %swap3A_565 = vector.shape_cast %add3A_561 : vector<16xi32> to vector<16xi32>
      tpu.vector_store %arg14[%swap3A_562], %swap3A_565 {strides = array<i32>} : memref<128xi32, #tpu.memory_space<vmem>>, vector<16xi32>,
      %get3A_566 = arith.constant 32 : index
      %get3A_567 = tpu.vector_load %arg14[%get3A_566] {strides = array<i32>} : memref<128xi32, #tpu.memory_space<vmem>>, vector<16xi32>,
      %get3A_568 = vector.shape_cast %get3A_567 : vector<16xi32> to vector<16xi32>
      %mul3A_569 = arith.muli %get3A_568, %broadcast_in_dim3A_539 : vector<16xi32>
      %sub3A_570 = arith.constant 1 : i32
      %sub3A_571 = vector.broadcast %sub3A_570 : i32 to vector<16xi32>
      %sub3A_572 = arith.subi %sub3A_571, %broadcast_in_dim3A_539 : vector<16xi32>
      %mul3A_573 = arith.muli %broadcast_in_dim3A_3, %sub3A_572 : vector<16xi32>
      %add3A_574 = arith.addi %mul3A_569, %mul3A_573 : vector<16xi32>
      %swap3A_575 = arith.constant 32 : index
      %swap3A_576 = tpu.vector_load %arg14[%swap3A_575] {strides = array<i32>} : memref<128xi32, #tpu.memory_space<vmem>>, vector<16xi32>,
      %swap3A_577 = vector.shape_cast %swap3A_576 : vector<16xi32> to vector<16xi32>
      %swap3A_578 = vector.shape_cast %add3A_574 : vector<16xi32> to vector<16xi32>
      tpu.vector_store %arg14[%swap3A_575], %swap3A_578 {strides = array<i32>} : memref<128xi32, #tpu.memory_space<vmem>>, vector<16xi32>,
      %get3A_579 = arith.constant 48 : index
      %get3A_580 = tpu.vector_load %arg14[%get3A_579] {strides = array<i32>} : memref<128xi32, #tpu.memory_space<vmem>>, vector<16xi32>,
      %get3A_581 = vector.shape_cast %get3A_580 : vector<16xi32> to vector<16xi32>
      %mul3A_582 = arith.muli %get3A_581, %broadcast_in_dim3A_539 : vector<16xi32>
      %sub3A_583 = arith.constant 1 : i32
      %sub3A_584 = vector.broadcast %sub3A_583 : i32 to vector<16xi32>
      %sub3A_585 = arith.subi %sub3A_584, %broadcast_in_dim3A_539 : vector<16xi32>
      %mul3A_586 = arith.muli %broadcast_in_dim3A_3, %sub3A_585 : vector<16xi32>
      %add3A_587 = arith.addi %mul3A_582, %mul3A_586 : vector<16xi32>
      %swap3A_588 = arith.constant 48 : index
      %swap3A_589 = tpu.vector_load %arg14[%swap3A_588] {strides = array<i32>} : memref<128xi32, #tpu.memory_space<vmem>>, vector<16xi32>,
      %swap3A_590 = vector.shape_cast %swap3A_589 : vector<16xi32> to vector<16xi32>
      %swap3A_591 = vector.shape_cast %add3A_587 : vector<16xi32> to vector<16xi32>
      tpu.vector_store %arg14[%swap3A_588], %swap3A_591 {strides = array<i32>} : memref<128xi32, #tpu.memory_space<vmem>>, vector<16xi32>,
      %get3A_592 = arith.constant 64 : index
      %get3A_593 = tpu.vector_load %arg14[%get3A_592] {strides = array<i32>} : memref<128xi32, #tpu.memory_space<vmem>>, vector<16xi32>,
      %get3A_594 = vector.shape_cast %get3A_593 : vector<16xi32> to vector<16xi32>
      %mul3A_595 = arith.muli %get3A_594, %broadcast_in_dim3A_539 : vector<16xi32>
      %sub3A_596 = arith.constant 1 : i32
      %sub3A_597 = vector.broadcast %sub3A_596 : i32 to vector<16xi32>
      %sub3A_598 = arith.subi %sub3A_597, %broadcast_in_dim3A_539 : vector<16xi32>
      %mul3A_599 = arith.muli %broadcast_in_dim3A_3, %sub3A_598 : vector<16xi32>
      %add3A_600 = arith.addi %mul3A_595, %mul3A_599 : vector<16xi32>
      %swap3A_601 = arith.constant 64 : index
      %swap3A_602 = tpu.vector_load %arg14[%swap3A_601] {strides = array<i32>} : memref<128xi32, #tpu.memory_space<vmem>>, vector<16xi32>,
      %swap3A_603 = vector.shape_cast %swap3A_602 : vector<16xi32> to vector<16xi32>
      %swap3A_604 = vector.shape_cast %add3A_600 : vector<16xi32> to vector<16xi32>
      tpu.vector_store %arg14[%swap3A_601], %swap3A_604 {strides = array<i32>} : memref<128xi32, #tpu.memory_space<vmem>>, vector<16xi32>,
      %get3A_605 = arith.constant 80 : index
      %get3A_606 = tpu.vector_load %arg14[%get3A_605] {strides = array<i32>} : memref<128xi32, #tpu.memory_space<vmem>>, vector<16xi32>,
      %get3A_607 = vector.shape_cast %get3A_606 : vector<16xi32> to vector<16xi32>
      %mul3A_608 = arith.muli %get3A_607, %broadcast_in_dim3A_539 : vector<16xi32>
      %sub3A_609 = arith.constant 1 : i32
      %sub3A_610 = vector.broadcast %sub3A_609 : i32 to vector<16xi32>
      %sub3A_611 = arith.subi %sub3A_610, %broadcast_in_dim3A_539 : vector<16xi32>
      %mul3A_612 = arith.muli %broadcast_in_dim3A_3, %sub3A_611 : vector<16xi32>
      %add3A_613 = arith.addi %mul3A_608, %mul3A_612 : vector<16xi32>
      %swap3A_614 = arith.constant 80 : index
      %swap3A_615 = tpu.vector_load %arg14[%swap3A_614] {strides = array<i32>} : memref<128xi32, #tpu.memory_space<vmem>>, vector<16xi32>,
      %swap3A_616 = vector.shape_cast %swap3A_615 : vector<16xi32> to vector<16xi32>
      %swap3A_617 = vector.shape_cast %add3A_613 : vector<16xi32> to vector<16xi32>
      tpu.vector_store %arg14[%swap3A_614], %swap3A_617 {strides = array<i32>} : memref<128xi32, #tpu.memory_space<vmem>>, vector<16xi32>,
      %get3A_618 = arith.constant 96 : index
      %get3A_619 = tpu.vector_load %arg14[%get3A_618] {strides = array<i32>} : memref<128xi32, #tpu.memory_space<vmem>>, vector<16xi32>,
      %get3A_620 = vector.shape_cast %get3A_619 : vector<16xi32> to vector<16xi32>
      %mul3A_621 = arith.muli %get3A_620, %broadcast_in_dim3A_539 : vector<16xi32>
      %sub3A_622 = arith.constant 1 : i32
      %sub3A_623 = vector.broadcast %sub3A_622 : i32 to vector<16xi32>
      %sub3A_624 = arith.subi %sub3A_623, %broadcast_in_dim3A_539 : vector<16xi32>
      %mul3A_625 = arith.muli %broadcast_in_dim3A_3, %sub3A_624 : vector<16xi32>
      %add3A_626 = arith.addi %mul3A_621, %mul3A_625 : vector<16xi32>
      %swap3A_627 = arith.constant 96 : index
      %swap3A_628 = tpu.vector_load %arg14[%swap3A_627] {strides = array<i32>} : memref<128xi32, #tpu.memory_space<vmem>>, vector<16xi32>,
      %swap3A_629 = vector.shape_cast %swap3A_628 : vector<16xi32> to vector<16xi32>
      %swap3A_630 = vector.shape_cast %add3A_626 : vector<16xi32> to vector<16xi32>
      tpu.vector_store %arg14[%swap3A_627], %swap3A_630 {strides = array<i32>} : memref<128xi32, #tpu.memory_space<vmem>>, vector<16xi32>,
      %get3A_631 = arith.constant 112 : index
      %get3A_632 = tpu.vector_load %arg14[%get3A_631] {strides = array<i32>} : memref<128xi32, #tpu.memory_space<vmem>>, vector<16xi32>,
      %get3A_633 = vector.shape_cast %get3A_632 : vector<16xi32> to vector<16xi32>
      %mul3A_634 = arith.muli %get3A_633, %broadcast_in_dim3A_539 : vector<16xi32>
      %sub3A_635 = arith.constant 1 : i32
      %sub3A_636 = vector.broadcast %sub3A_635 : i32 to vector<16xi32>
      %sub3A_637 = arith.subi %sub3A_636, %broadcast_in_dim3A_539 : vector<16xi32>
      %mul3A_638 = arith.muli %broadcast_in_dim3A_3, %sub3A_637 : vector<16xi32>
      %add3A_639 = arith.addi %mul3A_634, %mul3A_638 : vector<16xi32>
      %swap3A_640 = arith.constant 112 : index
      %swap3A_641 = tpu.vector_load %arg14[%swap3A_640] {strides = array<i32>} : memref<128xi32, #tpu.memory_space<vmem>>, vector<16xi32>,
      %swap3A_642 = vector.shape_cast %swap3A_641 : vector<16xi32> to vector<16xi32>
      %swap3A_643 = vector.shape_cast %add3A_639 : vector<16xi32> to vector<16xi32>
      tpu.vector_store %arg14[%swap3A_640], %swap3A_643 {strides = array<i32>} : memref<128xi32, #tpu.memory_space<vmem>>, vector<16xi32>,
      %add3A_644 = arith.constant 1 : i32
      %add3A_645 = arith.addi %add3A_484, %add3A_644 : i32
      %dma_wait3A_646 = arith.constant 0 : i32
      %dma_wait3A_647 = arith.constant 0 : i32
      %dma_wait3A_648 = tpu.memref_slice %arg17[%dma_wait3A_646, %dma_wait3A_647] : memref<10112x16xf32, #tpu.memory_space<vmem_shared>> -> memref<10112x16xf32, #tpu.memory_space<vmem_shared>>
      tpu.wait_indirect_dma semaphore(%arg25 : memref<!tpu.dma_semaphore, #tpu.memory_space<semaphore_mem>>) src(%arg11 : memref<128x16xf32, #tpu.memory_space<vmem>>) dst(%dma_wait3A_648 : memref<10112x16xf32, #tpu.memory_space<vmem_shared>>)
      %dma_wait3A_649 = arith.constant 0 : i32
      %dma_wait3A_650 = arith.constant 0 : i32
      %dma_wait3A_651 = tpu.memref_slice %arg18[%dma_wait3A_649, %dma_wait3A_650] : memref<10112x8xf32, #tpu.memory_space<vmem_shared>> -> memref<10112x8xf32, #tpu.memory_space<vmem_shared>>
      tpu.wait_indirect_dma semaphore(%arg26 : memref<!tpu.dma_semaphore, #tpu.memory_space<semaphore_mem>>) src(%arg16 : memref<128x8xf32, #tpu.memory_space<vmem>>) dst(%dma_wait3A_651 : memref<10112x8xf32, #tpu.memory_space<vmem_shared>>)
      %add3A_652 = arith.constant 2 : i32
      %add3A_653 = arith.addi %add3A_645, %add3A_652 : i32
      %mul3A_654 = arith.constant 32 : i32
      %mul3A_655 = arith.muli %mul3A_654, %add3A_653 : i32
      %add3A_656 = arith.addi %add3A, %mul3A_655 : i32
      %min3A_657 = arith.constant 2499 : i32
      %min3A_658 = arith.minsi %add3A_656, %min3A_657 : i32
      %mul3A_659 = arith.constant 128 : i32
      %mul3A_660 = arith.muli %min3A_658, %mul3A_659 : i32
      %dma_start3A_661 = tpu.memref_slice %arg2[%mul3A_660] : memref<320000xi32, #tpu.memory_space<hbm>> -> memref<128xi32, #tpu.memory_space<hbm>>
      %dma_start3A_662 = tpu.memref_slice %arg2[%mul3A_660] : memref<320000xi32, #tpu.memory_space<hbm>> -> memref<128xi32, #tpu.memory_space<hbm>>
      tpu.enqueue_dma source(%dma_start3A_662 : memref<128xi32, #tpu.memory_space<hbm>>) target(%arg10 : memref<128xi32, #tpu.memory_space<vmem>>) target_semaphore(%arg23 : memref<!tpu.dma_semaphore, #tpu.memory_space<semaphore_mem>>)
      %mul3A_663 = arith.constant 32 : i32
      %mul3A_664 = arith.muli %mul3A_663, %add3A_653 : i32
      %add3A_665 = arith.addi %add3A, %mul3A_664 : i32
      %min3A_666 = arith.constant 2499 : i32
      %min3A_667 = arith.minsi %add3A_665, %min3A_666 : i32
      %mul3A_668 = arith.constant 128 : i32
      %mul3A_669 = arith.muli %min3A_667, %mul3A_668 : i32
      %dma_start3A_670 = arith.constant 0 : i32
      %dma_start3A_671 = tpu.memref_slice %arg3[%mul3A_669, %dma_start3A_670] : memref<320000x16xf32, #tpu.memory_space<hbm>> -> memref<128x16xf32, #tpu.memory_space<hbm>>
      %dma_start3A_672 = arith.constant 0 : i32
      %dma_start3A_673 = tpu.memref_slice %arg3[%mul3A_669, %dma_start3A_672] : memref<320000x16xf32, #tpu.memory_space<hbm>> -> memref<128x16xf32, #tpu.memory_space<hbm>>
      tpu.enqueue_dma source(%dma_start3A_673 : memref<128x16xf32, #tpu.memory_space<hbm>>) target(%arg11 : memref<128x16xf32, #tpu.memory_space<vmem>>) target_semaphore(%arg24 : memref<!tpu.dma_semaphore, #tpu.memory_space<semaphore_mem>>)
      %dma_start3A_674 = arith.constant 0 : i32
      %dma_start3A_675 = arith.constant 0 : i32
      %dma_start3A_676 = tpu.memref_slice %arg17[%dma_start3A_674, %dma_start3A_675] : memref<10112x16xf32, #tpu.memory_space<vmem_shared>> -> memref<10112x16xf32, #tpu.memory_space<vmem_shared>>
      tpu.enqueue_indirect_dma source(%arg15 : memref<128x16xf32, #tpu.memory_space<vmem>>) target(%dma_start3A_676 : memref<10112x16xf32, #tpu.memory_space<vmem_shared>>) offsets(%arg14 : memref<128xi32, #tpu.memory_space<vmem>>) semaphore(%arg33 : memref<!tpu.dma_semaphore, #tpu.memory_space<semaphore_mem>>) {add = true}
      %dma_start3A_677 = arith.constant 0 : i32
      %dma_start3A_678 = arith.constant 0 : i32
      %dma_start3A_679 = tpu.memref_slice %arg18[%dma_start3A_677, %dma_start3A_678] : memref<10112x8xf32, #tpu.memory_space<vmem_shared>> -> memref<10112x8xf32, #tpu.memory_space<vmem_shared>>
      tpu.enqueue_indirect_dma source(%arg16 : memref<128x8xf32, #tpu.memory_space<vmem>>) target(%dma_start3A_679 : memref<10112x8xf32, #tpu.memory_space<vmem_shared>>) offsets(%arg14 : memref<128xi32, #tpu.memory_space<vmem>>) semaphore(%arg34 : memref<!tpu.dma_semaphore, #tpu.memory_space<semaphore_mem>>) {add = true}
      %dma_wait3A_680 = arith.constant 0 : i32
      %dma_wait3A_681 = tpu.memref_slice %arg2[%dma_wait3A_680] : memref<320000xi32, #tpu.memory_space<hbm>> -> memref<128xi32, #tpu.memory_space<hbm>>
      %dma_wait3A_682 = arith.constant 0 : i32
      %dma_wait3A_683 = tpu.memref_slice %arg2[%dma_wait3A_682] : memref<320000xi32, #tpu.memory_space<hbm>> -> memref<128xi32, #tpu.memory_space<hbm>>
      tpu.wait_dma2 semaphore(%arg19 : memref<!tpu.dma_semaphore, #tpu.memory_space<semaphore_mem>>) src(%dma_wait3A_683 : memref<128xi32, #tpu.memory_space<hbm>>) dst(%arg8 : memref<128xi32, #tpu.memory_space<vmem>>)
      %dma_wait3A_684 = arith.constant 0 : i32
      %dma_wait3A_685 = arith.constant 0 : i32
      %dma_wait3A_686 = tpu.memref_slice %arg3[%dma_wait3A_684, %dma_wait3A_685] : memref<320000x16xf32, #tpu.memory_space<hbm>> -> memref<128x16xf32, #tpu.memory_space<hbm>>
      %dma_wait3A_687 = arith.constant 0 : i32
      %dma_wait3A_688 = arith.constant 0 : i32
      %dma_wait3A_689 = tpu.memref_slice %arg3[%dma_wait3A_687, %dma_wait3A_688] : memref<320000x16xf32, #tpu.memory_space<hbm>> -> memref<128x16xf32, #tpu.memory_space<hbm>>
      tpu.wait_dma2 semaphore(%arg20 : memref<!tpu.dma_semaphore, #tpu.memory_space<semaphore_mem>>) src(%dma_wait3A_689 : memref<128x16xf32, #tpu.memory_space<hbm>>) dst(%arg9 : memref<128x16xf32, #tpu.memory_space<vmem>>)
      %add3A_690 = arith.constant 1 : i32
      %add3A_691 = arith.addi %add3A_645, %add3A_690 : i32
      %mul3A_692 = arith.constant 32 : i32
      %mul3A_693 = arith.muli %mul3A_692, %add3A_691 : i32
      %add3A_694 = arith.addi %add3A, %mul3A_693 : i32
      %lt3A_695 = arith.constant 2500 : i32
      %lt3A_696 = arith.cmpi slt, %add3A_694, %lt3A_695 : i32
      %convert_element_type3A_697 = arith.extui %lt3A_696 : i1 to i32
      %broadcast_in_dim3A_698 = vector.broadcast %convert_element_type3A_697 : i32 to vector<16xi32>
      %get3A_699 = arith.constant 0 : index
      %get3A_700 = tpu.vector_load %arg8[%get3A_699] {strides = array<i32>} : memref<128xi32, #tpu.memory_space<vmem>>, vector<16xi32>,
      %get3A_701 = vector.shape_cast %get3A_700 : vector<16xi32> to vector<16xi32>
      %mul3A_702 = arith.muli %get3A_701, %broadcast_in_dim3A_698 : vector<16xi32>
      %sub3A_703 = arith.constant 1 : i32
      %sub3A_704 = vector.broadcast %sub3A_703 : i32 to vector<16xi32>
      %sub3A_705 = arith.subi %sub3A_704, %broadcast_in_dim3A_698 : vector<16xi32>
      %mul3A_706 = arith.muli %broadcast_in_dim3A_3, %sub3A_705 : vector<16xi32>
      %add3A_707 = arith.addi %mul3A_702, %mul3A_706 : vector<16xi32>
      %swap3A_708 = arith.constant 0 : index
      %swap3A_709 = tpu.vector_load %arg8[%swap3A_708] {strides = array<i32>} : memref<128xi32, #tpu.memory_space<vmem>>, vector<16xi32>,
      %swap3A_710 = vector.shape_cast %swap3A_709 : vector<16xi32> to vector<16xi32>
      %swap3A_711 = vector.shape_cast %add3A_707 : vector<16xi32> to vector<16xi32>
      tpu.vector_store %arg8[%swap3A_708], %swap3A_711 {strides = array<i32>} : memref<128xi32, #tpu.memory_space<vmem>>, vector<16xi32>,
      %get3A_712 = arith.constant 16 : index
      %get3A_713 = tpu.vector_load %arg8[%get3A_712] {strides = array<i32>} : memref<128xi32, #tpu.memory_space<vmem>>, vector<16xi32>,
      %get3A_714 = vector.shape_cast %get3A_713 : vector<16xi32> to vector<16xi32>
      %mul3A_715 = arith.muli %get3A_714, %broadcast_in_dim3A_698 : vector<16xi32>
      %sub3A_716 = arith.constant 1 : i32
      %sub3A_717 = vector.broadcast %sub3A_716 : i32 to vector<16xi32>
      %sub3A_718 = arith.subi %sub3A_717, %broadcast_in_dim3A_698 : vector<16xi32>
      %mul3A_719 = arith.muli %broadcast_in_dim3A_3, %sub3A_718 : vector<16xi32>
      %add3A_720 = arith.addi %mul3A_715, %mul3A_719 : vector<16xi32>
      %swap3A_721 = arith.constant 16 : index
      %swap3A_722 = tpu.vector_load %arg8[%swap3A_721] {strides = array<i32>} : memref<128xi32, #tpu.memory_space<vmem>>, vector<16xi32>,
      %swap3A_723 = vector.shape_cast %swap3A_722 : vector<16xi32> to vector<16xi32>
      %swap3A_724 = vector.shape_cast %add3A_720 : vector<16xi32> to vector<16xi32>
      tpu.vector_store %arg8[%swap3A_721], %swap3A_724 {strides = array<i32>} : memref<128xi32, #tpu.memory_space<vmem>>, vector<16xi32>,
      %get3A_725 = arith.constant 32 : index
      %get3A_726 = tpu.vector_load %arg8[%get3A_725] {strides = array<i32>} : memref<128xi32, #tpu.memory_space<vmem>>, vector<16xi32>,
      %get3A_727 = vector.shape_cast %get3A_726 : vector<16xi32> to vector<16xi32>
      %mul3A_728 = arith.muli %get3A_727, %broadcast_in_dim3A_698 : vector<16xi32>
      %sub3A_729 = arith.constant 1 : i32
      %sub3A_730 = vector.broadcast %sub3A_729 : i32 to vector<16xi32>
      %sub3A_731 = arith.subi %sub3A_730, %broadcast_in_dim3A_698 : vector<16xi32>
      %mul3A_732 = arith.muli %broadcast_in_dim3A_3, %sub3A_731 : vector<16xi32>
      %add3A_733 = arith.addi %mul3A_728, %mul3A_732 : vector<16xi32>
      %swap3A_734 = arith.constant 32 : index
      %swap3A_735 = tpu.vector_load %arg8[%swap3A_734] {strides = array<i32>} : memref<128xi32, #tpu.memory_space<vmem>>, vector<16xi32>,
      %swap3A_736 = vector.shape_cast %swap3A_735 : vector<16xi32> to vector<16xi32>
      %swap3A_737 = vector.shape_cast %add3A_733 : vector<16xi32> to vector<16xi32>
      tpu.vector_store %arg8[%swap3A_734], %swap3A_737 {strides = array<i32>} : memref<128xi32, #tpu.memory_space<vmem>>, vector<16xi32>,
      %get3A_738 = arith.constant 48 : index
      %get3A_739 = tpu.vector_load %arg8[%get3A_738] {strides = array<i32>} : memref<128xi32, #tpu.memory_space<vmem>>, vector<16xi32>,
      %get3A_740 = vector.shape_cast %get3A_739 : vector<16xi32> to vector<16xi32>
      %mul3A_741 = arith.muli %get3A_740, %broadcast_in_dim3A_698 : vector<16xi32>
      %sub3A_742 = arith.constant 1 : i32
      %sub3A_743 = vector.broadcast %sub3A_742 : i32 to vector<16xi32>
      %sub3A_744 = arith.subi %sub3A_743, %broadcast_in_dim3A_698 : vector<16xi32>
      %mul3A_745 = arith.muli %broadcast_in_dim3A_3, %sub3A_744 : vector<16xi32>
      %add3A_746 = arith.addi %mul3A_741, %mul3A_745 : vector<16xi32>
      %swap3A_747 = arith.constant 48 : index
      %swap3A_748 = tpu.vector_load %arg8[%swap3A_747] {strides = array<i32>} : memref<128xi32, #tpu.memory_space<vmem>>, vector<16xi32>,
      %swap3A_749 = vector.shape_cast %swap3A_748 : vector<16xi32> to vector<16xi32>
      %swap3A_750 = vector.shape_cast %add3A_746 : vector<16xi32> to vector<16xi32>
      tpu.vector_store %arg8[%swap3A_747], %swap3A_750 {strides = array<i32>} : memref<128xi32, #tpu.memory_space<vmem>>, vector<16xi32>,
      %get3A_751 = arith.constant 64 : index
      %get3A_752 = tpu.vector_load %arg8[%get3A_751] {strides = array<i32>} : memref<128xi32, #tpu.memory_space<vmem>>, vector<16xi32>,
      %get3A_753 = vector.shape_cast %get3A_752 : vector<16xi32> to vector<16xi32>
      %mul3A_754 = arith.muli %get3A_753, %broadcast_in_dim3A_698 : vector<16xi32>
      %sub3A_755 = arith.constant 1 : i32
      %sub3A_756 = vector.broadcast %sub3A_755 : i32 to vector<16xi32>
      %sub3A_757 = arith.subi %sub3A_756, %broadcast_in_dim3A_698 : vector<16xi32>
      %mul3A_758 = arith.muli %broadcast_in_dim3A_3, %sub3A_757 : vector<16xi32>
      %add3A_759 = arith.addi %mul3A_754, %mul3A_758 : vector<16xi32>
      %swap3A_760 = arith.constant 64 : index
      %swap3A_761 = tpu.vector_load %arg8[%swap3A_760] {strides = array<i32>} : memref<128xi32, #tpu.memory_space<vmem>>, vector<16xi32>,
      %swap3A_762 = vector.shape_cast %swap3A_761 : vector<16xi32> to vector<16xi32>
      %swap3A_763 = vector.shape_cast %add3A_759 : vector<16xi32> to vector<16xi32>
      tpu.vector_store %arg8[%swap3A_760], %swap3A_763 {strides = array<i32>} : memref<128xi32, #tpu.memory_space<vmem>>, vector<16xi32>,
      %get3A_764 = arith.constant 80 : index
      %get3A_765 = tpu.vector_load %arg8[%get3A_764] {strides = array<i32>} : memref<128xi32, #tpu.memory_space<vmem>>, vector<16xi32>,
      %get3A_766 = vector.shape_cast %get3A_765 : vector<16xi32> to vector<16xi32>
      %mul3A_767 = arith.muli %get3A_766, %broadcast_in_dim3A_698 : vector<16xi32>
      %sub3A_768 = arith.constant 1 : i32
      %sub3A_769 = vector.broadcast %sub3A_768 : i32 to vector<16xi32>
      %sub3A_770 = arith.subi %sub3A_769, %broadcast_in_dim3A_698 : vector<16xi32>
      %mul3A_771 = arith.muli %broadcast_in_dim3A_3, %sub3A_770 : vector<16xi32>
      %add3A_772 = arith.addi %mul3A_767, %mul3A_771 : vector<16xi32>
      %swap3A_773 = arith.constant 80 : index
      %swap3A_774 = tpu.vector_load %arg8[%swap3A_773] {strides = array<i32>} : memref<128xi32, #tpu.memory_space<vmem>>, vector<16xi32>,
      %swap3A_775 = vector.shape_cast %swap3A_774 : vector<16xi32> to vector<16xi32>
      %swap3A_776 = vector.shape_cast %add3A_772 : vector<16xi32> to vector<16xi32>
      tpu.vector_store %arg8[%swap3A_773], %swap3A_776 {strides = array<i32>} : memref<128xi32, #tpu.memory_space<vmem>>, vector<16xi32>,
      %get3A_777 = arith.constant 96 : index
      %get3A_778 = tpu.vector_load %arg8[%get3A_777] {strides = array<i32>} : memref<128xi32, #tpu.memory_space<vmem>>, vector<16xi32>,
      %get3A_779 = vector.shape_cast %get3A_778 : vector<16xi32> to vector<16xi32>
      %mul3A_780 = arith.muli %get3A_779, %broadcast_in_dim3A_698 : vector<16xi32>
      %sub3A_781 = arith.constant 1 : i32
      %sub3A_782 = vector.broadcast %sub3A_781 : i32 to vector<16xi32>
      %sub3A_783 = arith.subi %sub3A_782, %broadcast_in_dim3A_698 : vector<16xi32>
      %mul3A_784 = arith.muli %broadcast_in_dim3A_3, %sub3A_783 : vector<16xi32>
      %add3A_785 = arith.addi %mul3A_780, %mul3A_784 : vector<16xi32>
      %swap3A_786 = arith.constant 96 : index
      %swap3A_787 = tpu.vector_load %arg8[%swap3A_786] {strides = array<i32>} : memref<128xi32, #tpu.memory_space<vmem>>, vector<16xi32>,
      %swap3A_788 = vector.shape_cast %swap3A_787 : vector<16xi32> to vector<16xi32>
      %swap3A_789 = vector.shape_cast %add3A_785 : vector<16xi32> to vector<16xi32>
      tpu.vector_store %arg8[%swap3A_786], %swap3A_789 {strides = array<i32>} : memref<128xi32, #tpu.memory_space<vmem>>, vector<16xi32>,
      %get3A_790 = arith.constant 112 : index
      %get3A_791 = tpu.vector_load %arg8[%get3A_790] {strides = array<i32>} : memref<128xi32, #tpu.memory_space<vmem>>, vector<16xi32>,
      %get3A_792 = vector.shape_cast %get3A_791 : vector<16xi32> to vector<16xi32>
      %mul3A_793 = arith.muli %get3A_792, %broadcast_in_dim3A_698 : vector<16xi32>
      %sub3A_794 = arith.constant 1 : i32
      %sub3A_795 = vector.broadcast %sub3A_794 : i32 to vector<16xi32>
      %sub3A_796 = arith.subi %sub3A_795, %broadcast_in_dim3A_698 : vector<16xi32>
      %mul3A_797 = arith.muli %broadcast_in_dim3A_3, %sub3A_796 : vector<16xi32>
      %add3A_798 = arith.addi %mul3A_793, %mul3A_797 : vector<16xi32>
      %swap3A_799 = arith.constant 112 : index
      %swap3A_800 = tpu.vector_load %arg8[%swap3A_799] {strides = array<i32>} : memref<128xi32, #tpu.memory_space<vmem>>, vector<16xi32>,
      %swap3A_801 = vector.shape_cast %swap3A_800 : vector<16xi32> to vector<16xi32>
      %swap3A_802 = vector.shape_cast %add3A_798 : vector<16xi32> to vector<16xi32>
      tpu.vector_store %arg8[%swap3A_799], %swap3A_802 {strides = array<i32>} : memref<128xi32, #tpu.memory_space<vmem>>, vector<16xi32>,
      %add3A_803 = arith.constant 2 : i32
      %add3A_804 = arith.addi %add3A_484, %add3A_803 : i32
      %dma_wait3A_805 = arith.constant 0 : i32
      %dma_wait3A_806 = arith.constant 0 : i32
      %dma_wait3A_807 = tpu.memref_slice %arg17[%dma_wait3A_805, %dma_wait3A_806] : memref<10112x16xf32, #tpu.memory_space<vmem_shared>> -> memref<10112x16xf32, #tpu.memory_space<vmem_shared>>
      tpu.wait_indirect_dma semaphore(%arg29 : memref<!tpu.dma_semaphore, #tpu.memory_space<semaphore_mem>>) src(%arg13 : memref<128x16xf32, #tpu.memory_space<vmem>>) dst(%dma_wait3A_807 : memref<10112x16xf32, #tpu.memory_space<vmem_shared>>)
      %dma_wait3A_808 = arith.constant 0 : i32
      %dma_wait3A_809 = arith.constant 0 : i32
      %dma_wait3A_810 = tpu.memref_slice %arg18[%dma_wait3A_808, %dma_wait3A_809] : memref<10112x8xf32, #tpu.memory_space<vmem_shared>> -> memref<10112x8xf32, #tpu.memory_space<vmem_shared>>
      tpu.wait_indirect_dma semaphore(%arg30 : memref<!tpu.dma_semaphore, #tpu.memory_space<semaphore_mem>>) src(%arg16 : memref<128x8xf32, #tpu.memory_space<vmem>>) dst(%dma_wait3A_810 : memref<10112x8xf32, #tpu.memory_space<vmem_shared>>)
      %add3A_811 = arith.constant 2 : i32
      %add3A_812 = arith.addi %add3A_804, %add3A_811 : i32
      %mul3A_813 = arith.constant 32 : i32
      %mul3A_814 = arith.muli %mul3A_813, %add3A_812 : i32
      %add3A_815 = arith.addi %add3A, %mul3A_814 : i32
      %min3A_816 = arith.constant 2499 : i32
      %min3A_817 = arith.minsi %add3A_815, %min3A_816 : i32
      %mul3A_818 = arith.constant 128 : i32
      %mul3A_819 = arith.muli %min3A_817, %mul3A_818 : i32
      %dma_start3A_820 = tpu.memref_slice %arg2[%mul3A_819] : memref<320000xi32, #tpu.memory_space<hbm>> -> memref<128xi32, #tpu.memory_space<hbm>>
      %dma_start3A_821 = tpu.memref_slice %arg2[%mul3A_819] : memref<320000xi32, #tpu.memory_space<hbm>> -> memref<128xi32, #tpu.memory_space<hbm>>
      tpu.enqueue_dma source(%dma_start3A_821 : memref<128xi32, #tpu.memory_space<hbm>>) target(%arg12 : memref<128xi32, #tpu.memory_space<vmem>>) target_semaphore(%arg27 : memref<!tpu.dma_semaphore, #tpu.memory_space<semaphore_mem>>)
      %mul3A_822 = arith.constant 32 : i32
      %mul3A_823 = arith.muli %mul3A_822, %add3A_812 : i32
      %add3A_824 = arith.addi %add3A, %mul3A_823 : i32
      %min3A_825 = arith.constant 2499 : i32
      %min3A_826 = arith.minsi %add3A_824, %min3A_825 : i32
      %mul3A_827 = arith.constant 128 : i32
      %mul3A_828 = arith.muli %min3A_826, %mul3A_827 : i32
      %dma_start3A_829 = arith.constant 0 : i32
      %dma_start3A_830 = tpu.memref_slice %arg3[%mul3A_828, %dma_start3A_829] : memref<320000x16xf32, #tpu.memory_space<hbm>> -> memref<128x16xf32, #tpu.memory_space<hbm>>
      %dma_start3A_831 = arith.constant 0 : i32
      %dma_start3A_832 = tpu.memref_slice %arg3[%mul3A_828, %dma_start3A_831] : memref<320000x16xf32, #tpu.memory_space<hbm>> -> memref<128x16xf32, #tpu.memory_space<hbm>>
      tpu.enqueue_dma source(%dma_start3A_832 : memref<128x16xf32, #tpu.memory_space<hbm>>) target(%arg13 : memref<128x16xf32, #tpu.memory_space<vmem>>) target_semaphore(%arg28 : memref<!tpu.dma_semaphore, #tpu.memory_space<semaphore_mem>>)
      %dma_start3A_833 = arith.constant 0 : i32
      %dma_start3A_834 = arith.constant 0 : i32
      %dma_start3A_835 = tpu.memref_slice %arg17[%dma_start3A_833, %dma_start3A_834] : memref<10112x16xf32, #tpu.memory_space<vmem_shared>> -> memref<10112x16xf32, #tpu.memory_space<vmem_shared>>
      tpu.enqueue_indirect_dma source(%arg9 : memref<128x16xf32, #tpu.memory_space<vmem>>) target(%dma_start3A_835 : memref<10112x16xf32, #tpu.memory_space<vmem_shared>>) offsets(%arg8 : memref<128xi32, #tpu.memory_space<vmem>>) semaphore(%arg21 : memref<!tpu.dma_semaphore, #tpu.memory_space<semaphore_mem>>) {add = true}
      %dma_start3A_836 = arith.constant 0 : i32
      %dma_start3A_837 = arith.constant 0 : i32
      %dma_start3A_838 = tpu.memref_slice %arg18[%dma_start3A_836, %dma_start3A_837] : memref<10112x8xf32, #tpu.memory_space<vmem_shared>> -> memref<10112x8xf32, #tpu.memory_space<vmem_shared>>
      tpu.enqueue_indirect_dma source(%arg16 : memref<128x8xf32, #tpu.memory_space<vmem>>) target(%dma_start3A_838 : memref<10112x8xf32, #tpu.memory_space<vmem_shared>>) offsets(%arg8 : memref<128xi32, #tpu.memory_space<vmem>>) semaphore(%arg22 : memref<!tpu.dma_semaphore, #tpu.memory_space<semaphore_mem>>) {add = true}
      %dma_wait3A_839 = arith.constant 0 : i32
      %dma_wait3A_840 = tpu.memref_slice %arg2[%dma_wait3A_839] : memref<320000xi32, #tpu.memory_space<hbm>> -> memref<128xi32, #tpu.memory_space<hbm>>
      %dma_wait3A_841 = arith.constant 0 : i32
      %dma_wait3A_842 = tpu.memref_slice %arg2[%dma_wait3A_841] : memref<320000xi32, #tpu.memory_space<hbm>> -> memref<128xi32, #tpu.memory_space<hbm>>
      tpu.wait_dma2 semaphore(%arg23 : memref<!tpu.dma_semaphore, #tpu.memory_space<semaphore_mem>>) src(%dma_wait3A_842 : memref<128xi32, #tpu.memory_space<hbm>>) dst(%arg10 : memref<128xi32, #tpu.memory_space<vmem>>)
      %dma_wait3A_843 = arith.constant 0 : i32
      %dma_wait3A_844 = arith.constant 0 : i32
      %dma_wait3A_845 = tpu.memref_slice %arg3[%dma_wait3A_843, %dma_wait3A_844] : memref<320000x16xf32, #tpu.memory_space<hbm>> -> memref<128x16xf32, #tpu.memory_space<hbm>>
      %dma_wait3A_846 = arith.constant 0 : i32
      %dma_wait3A_847 = arith.constant 0 : i32
      %dma_wait3A_848 = tpu.memref_slice %arg3[%dma_wait3A_846, %dma_wait3A_847] : memref<320000x16xf32, #tpu.memory_space<hbm>> -> memref<128x16xf32, #tpu.memory_space<hbm>>
      tpu.wait_dma2 semaphore(%arg24 : memref<!tpu.dma_semaphore, #tpu.memory_space<semaphore_mem>>) src(%dma_wait3A_848 : memref<128x16xf32, #tpu.memory_space<hbm>>) dst(%arg11 : memref<128x16xf32, #tpu.memory_space<vmem>>)
      %add3A_849 = arith.constant 1 : i32
      %add3A_850 = arith.addi %add3A_804, %add3A_849 : i32
      %mul3A_851 = arith.constant 32 : i32
      %mul3A_852 = arith.muli %mul3A_851, %add3A_850 : i32
      %add3A_853 = arith.addi %add3A, %mul3A_852 : i32
      %lt3A_854 = arith.constant 2500 : i32
      %lt3A_855 = arith.cmpi slt, %add3A_853, %lt3A_854 : i32
      %convert_element_type3A_856 = arith.extui %lt3A_855 : i1 to i32
      %broadcast_in_dim3A_857 = vector.broadcast %convert_element_type3A_856 : i32 to vector<16xi32>
      %get3A_858 = arith.constant 0 : index
      %get3A_859 = tpu.vector_load %arg10[%get3A_858] {strides = array<i32>} : memref<128xi32, #tpu.memory_space<vmem>>, vector<16xi32>,
      %get3A_860 = vector.shape_cast %get3A_859 : vector<16xi32> to vector<16xi32>
      %mul3A_861 = arith.muli %get3A_860, %broadcast_in_dim3A_857 : vector<16xi32>
      %sub3A_862 = arith.constant 1 : i32
      %sub3A_863 = vector.broadcast %sub3A_862 : i32 to vector<16xi32>
      %sub3A_864 = arith.subi %sub3A_863, %broadcast_in_dim3A_857 : vector<16xi32>
      %mul3A_865 = arith.muli %broadcast_in_dim3A_3, %sub3A_864 : vector<16xi32>
      %add3A_866 = arith.addi %mul3A_861, %mul3A_865 : vector<16xi32>
      %swap3A_867 = arith.constant 0 : index
      %swap3A_868 = tpu.vector_load %arg10[%swap3A_867] {strides = array<i32>} : memref<128xi32, #tpu.memory_space<vmem>>, vector<16xi32>,
      %swap3A_869 = vector.shape_cast %swap3A_868 : vector<16xi32> to vector<16xi32>
      %swap3A_870 = vector.shape_cast %add3A_866 : vector<16xi32> to vector<16xi32>
      tpu.vector_store %arg10[%swap3A_867], %swap3A_870 {strides = array<i32>} : memref<128xi32, #tpu.memory_space<vmem>>, vector<16xi32>,
      %get3A_871 = arith.constant 16 : index
      %get3A_872 = tpu.vector_load %arg10[%get3A_871] {strides = array<i32>} : memref<128xi32, #tpu.memory_space<vmem>>, vector<16xi32>,
      %get3A_873 = vector.shape_cast %get3A_872 : vector<16xi32> to vector<16xi32>
      %mul3A_874 = arith.muli %get3A_873, %broadcast_in_dim3A_857 : vector<16xi32>
      %sub3A_875 = arith.constant 1 : i32
      %sub3A_876 = vector.broadcast %sub3A_875 : i32 to vector<16xi32>
      %sub3A_877 = arith.subi %sub3A_876, %broadcast_in_dim3A_857 : vector<16xi32>
      %mul3A_878 = arith.muli %broadcast_in_dim3A_3, %sub3A_877 : vector<16xi32>
      %add3A_879 = arith.addi %mul3A_874, %mul3A_878 : vector<16xi32>
      %swap3A_880 = arith.constant 16 : index
      %swap3A_881 = tpu.vector_load %arg10[%swap3A_880] {strides = array<i32>} : memref<128xi32, #tpu.memory_space<vmem>>, vector<16xi32>,
      %swap3A_882 = vector.shape_cast %swap3A_881 : vector<16xi32> to vector<16xi32>
      %swap3A_883 = vector.shape_cast %add3A_879 : vector<16xi32> to vector<16xi32>
      tpu.vector_store %arg10[%swap3A_880], %swap3A_883 {strides = array<i32>} : memref<128xi32, #tpu.memory_space<vmem>>, vector<16xi32>,
      %get3A_884 = arith.constant 32 : index
      %get3A_885 = tpu.vector_load %arg10[%get3A_884] {strides = array<i32>} : memref<128xi32, #tpu.memory_space<vmem>>, vector<16xi32>,
      %get3A_886 = vector.shape_cast %get3A_885 : vector<16xi32> to vector<16xi32>
      %mul3A_887 = arith.muli %get3A_886, %broadcast_in_dim3A_857 : vector<16xi32>
      %sub3A_888 = arith.constant 1 : i32
      %sub3A_889 = vector.broadcast %sub3A_888 : i32 to vector<16xi32>
      %sub3A_890 = arith.subi %sub3A_889, %broadcast_in_dim3A_857 : vector<16xi32>
      %mul3A_891 = arith.muli %broadcast_in_dim3A_3, %sub3A_890 : vector<16xi32>
      %add3A_892 = arith.addi %mul3A_887, %mul3A_891 : vector<16xi32>
      %swap3A_893 = arith.constant 32 : index
      %swap3A_894 = tpu.vector_load %arg10[%swap3A_893] {strides = array<i32>} : memref<128xi32, #tpu.memory_space<vmem>>, vector<16xi32>,
      %swap3A_895 = vector.shape_cast %swap3A_894 : vector<16xi32> to vector<16xi32>
      %swap3A_896 = vector.shape_cast %add3A_892 : vector<16xi32> to vector<16xi32>
      tpu.vector_store %arg10[%swap3A_893], %swap3A_896 {strides = array<i32>} : memref<128xi32, #tpu.memory_space<vmem>>, vector<16xi32>,
      %get3A_897 = arith.constant 48 : index
      %get3A_898 = tpu.vector_load %arg10[%get3A_897] {strides = array<i32>} : memref<128xi32, #tpu.memory_space<vmem>>, vector<16xi32>,
      %get3A_899 = vector.shape_cast %get3A_898 : vector<16xi32> to vector<16xi32>
      %mul3A_900 = arith.muli %get3A_899, %broadcast_in_dim3A_857 : vector<16xi32>
      %sub3A_901 = arith.constant 1 : i32
      %sub3A_902 = vector.broadcast %sub3A_901 : i32 to vector<16xi32>
      %sub3A_903 = arith.subi %sub3A_902, %broadcast_in_dim3A_857 : vector<16xi32>
      %mul3A_904 = arith.muli %broadcast_in_dim3A_3, %sub3A_903 : vector<16xi32>
      %add3A_905 = arith.addi %mul3A_900, %mul3A_904 : vector<16xi32>
      %swap3A_906 = arith.constant 48 : index
      %swap3A_907 = tpu.vector_load %arg10[%swap3A_906] {strides = array<i32>} : memref<128xi32, #tpu.memory_space<vmem>>, vector<16xi32>,
      %swap3A_908 = vector.shape_cast %swap3A_907 : vector<16xi32> to vector<16xi32>
      %swap3A_909 = vector.shape_cast %add3A_905 : vector<16xi32> to vector<16xi32>
      tpu.vector_store %arg10[%swap3A_906], %swap3A_909 {strides = array<i32>} : memref<128xi32, #tpu.memory_space<vmem>>, vector<16xi32>,
      %get3A_910 = arith.constant 64 : index
      %get3A_911 = tpu.vector_load %arg10[%get3A_910] {strides = array<i32>} : memref<128xi32, #tpu.memory_space<vmem>>, vector<16xi32>,
      %get3A_912 = vector.shape_cast %get3A_911 : vector<16xi32> to vector<16xi32>
      %mul3A_913 = arith.muli %get3A_912, %broadcast_in_dim3A_857 : vector<16xi32>
      %sub3A_914 = arith.constant 1 : i32
      %sub3A_915 = vector.broadcast %sub3A_914 : i32 to vector<16xi32>
      %sub3A_916 = arith.subi %sub3A_915, %broadcast_in_dim3A_857 : vector<16xi32>
      %mul3A_917 = arith.muli %broadcast_in_dim3A_3, %sub3A_916 : vector<16xi32>
      %add3A_918 = arith.addi %mul3A_913, %mul3A_917 : vector<16xi32>
      %swap3A_919 = arith.constant 64 : index
      %swap3A_920 = tpu.vector_load %arg10[%swap3A_919] {strides = array<i32>} : memref<128xi32, #tpu.memory_space<vmem>>, vector<16xi32>,
      %swap3A_921 = vector.shape_cast %swap3A_920 : vector<16xi32> to vector<16xi32>
      %swap3A_922 = vector.shape_cast %add3A_918 : vector<16xi32> to vector<16xi32>
      tpu.vector_store %arg10[%swap3A_919], %swap3A_922 {strides = array<i32>} : memref<128xi32, #tpu.memory_space<vmem>>, vector<16xi32>,
      %get3A_923 = arith.constant 80 : index
      %get3A_924 = tpu.vector_load %arg10[%get3A_923] {strides = array<i32>} : memref<128xi32, #tpu.memory_space<vmem>>, vector<16xi32>,
      %get3A_925 = vector.shape_cast %get3A_924 : vector<16xi32> to vector<16xi32>
      %mul3A_926 = arith.muli %get3A_925, %broadcast_in_dim3A_857 : vector<16xi32>
      %sub3A_927 = arith.constant 1 : i32
      %sub3A_928 = vector.broadcast %sub3A_927 : i32 to vector<16xi32>
      %sub3A_929 = arith.subi %sub3A_928, %broadcast_in_dim3A_857 : vector<16xi32>
      %mul3A_930 = arith.muli %broadcast_in_dim3A_3, %sub3A_929 : vector<16xi32>
      %add3A_931 = arith.addi %mul3A_926, %mul3A_930 : vector<16xi32>
      %swap3A_932 = arith.constant 80 : index
      %swap3A_933 = tpu.vector_load %arg10[%swap3A_932] {strides = array<i32>} : memref<128xi32, #tpu.memory_space<vmem>>, vector<16xi32>,
      %swap3A_934 = vector.shape_cast %swap3A_933 : vector<16xi32> to vector<16xi32>
      %swap3A_935 = vector.shape_cast %add3A_931 : vector<16xi32> to vector<16xi32>
      tpu.vector_store %arg10[%swap3A_932], %swap3A_935 {strides = array<i32>} : memref<128xi32, #tpu.memory_space<vmem>>, vector<16xi32>,
      %get3A_936 = arith.constant 96 : index
      %get3A_937 = tpu.vector_load %arg10[%get3A_936] {strides = array<i32>} : memref<128xi32, #tpu.memory_space<vmem>>, vector<16xi32>,
      %get3A_938 = vector.shape_cast %get3A_937 : vector<16xi32> to vector<16xi32>
      %mul3A_939 = arith.muli %get3A_938, %broadcast_in_dim3A_857 : vector<16xi32>
      %sub3A_940 = arith.constant 1 : i32
      %sub3A_941 = vector.broadcast %sub3A_940 : i32 to vector<16xi32>
      %sub3A_942 = arith.subi %sub3A_941, %broadcast_in_dim3A_857 : vector<16xi32>
      %mul3A_943 = arith.muli %broadcast_in_dim3A_3, %sub3A_942 : vector<16xi32>
      %add3A_944 = arith.addi %mul3A_939, %mul3A_943 : vector<16xi32>
      %swap3A_945 = arith.constant 96 : index
      %swap3A_946 = tpu.vector_load %arg10[%swap3A_945] {strides = array<i32>} : memref<128xi32, #tpu.memory_space<vmem>>, vector<16xi32>,
      %swap3A_947 = vector.shape_cast %swap3A_946 : vector<16xi32> to vector<16xi32>
      %swap3A_948 = vector.shape_cast %add3A_944 : vector<16xi32> to vector<16xi32>
      tpu.vector_store %arg10[%swap3A_945], %swap3A_948 {strides = array<i32>} : memref<128xi32, #tpu.memory_space<vmem>>, vector<16xi32>,
      %get3A_949 = arith.constant 112 : index
      %get3A_950 = tpu.vector_load %arg10[%get3A_949] {strides = array<i32>} : memref<128xi32, #tpu.memory_space<vmem>>, vector<16xi32>,
      %get3A_951 = vector.shape_cast %get3A_950 : vector<16xi32> to vector<16xi32>
      %mul3A_952 = arith.muli %get3A_951, %broadcast_in_dim3A_857 : vector<16xi32>
      %sub3A_953 = arith.constant 1 : i32
      %sub3A_954 = vector.broadcast %sub3A_953 : i32 to vector<16xi32>
      %sub3A_955 = arith.subi %sub3A_954, %broadcast_in_dim3A_857 : vector<16xi32>
      %mul3A_956 = arith.muli %broadcast_in_dim3A_3, %sub3A_955 : vector<16xi32>
      %add3A_957 = arith.addi %mul3A_952, %mul3A_956 : vector<16xi32>
      %swap3A_958 = arith.constant 112 : index
      %swap3A_959 = tpu.vector_load %arg10[%swap3A_958] {strides = array<i32>} : memref<128xi32, #tpu.memory_space<vmem>>, vector<16xi32>,
      %swap3A_960 = vector.shape_cast %swap3A_959 : vector<16xi32> to vector<16xi32>
      %swap3A_961 = vector.shape_cast %add3A_957 : vector<16xi32> to vector<16xi32>
      tpu.vector_store %arg10[%swap3A_958], %swap3A_961 {strides = array<i32>} : memref<128xi32, #tpu.memory_space<vmem>>, vector<16xi32>,
      %add3A_962 = arith.constant 3 : i32
      %add3A_963 = arith.addi %add3A_484, %add3A_962 : i32
      %dma_wait3A_964 = arith.constant 0 : i32
      %dma_wait3A_965 = arith.constant 0 : i32
      %dma_wait3A_966 = tpu.memref_slice %arg17[%dma_wait3A_964, %dma_wait3A_965] : memref<10112x16xf32, #tpu.memory_space<vmem_shared>> -> memref<10112x16xf32, #tpu.memory_space<vmem_shared>>
      tpu.wait_indirect_dma semaphore(%arg33 : memref<!tpu.dma_semaphore, #tpu.memory_space<semaphore_mem>>) src(%arg15 : memref<128x16xf32, #tpu.memory_space<vmem>>) dst(%dma_wait3A_966 : memref<10112x16xf32, #tpu.memory_space<vmem_shared>>)
      %dma_wait3A_967 = arith.constant 0 : i32
      %dma_wait3A_968 = arith.constant 0 : i32
      %dma_wait3A_969 = tpu.memref_slice %arg18[%dma_wait3A_967, %dma_wait3A_968] : memref<10112x8xf32, #tpu.memory_space<vmem_shared>> -> memref<10112x8xf32, #tpu.memory_space<vmem_shared>>
      tpu.wait_indirect_dma semaphore(%arg34 : memref<!tpu.dma_semaphore, #tpu.memory_space<semaphore_mem>>) src(%arg16 : memref<128x8xf32, #tpu.memory_space<vmem>>) dst(%dma_wait3A_969 : memref<10112x8xf32, #tpu.memory_space<vmem_shared>>)
      %add3A_970 = arith.constant 2 : i32
      %add3A_971 = arith.addi %add3A_963, %add3A_970 : i32
      %mul3A_972 = arith.constant 32 : i32
      %mul3A_973 = arith.muli %mul3A_972, %add3A_971 : i32
      %add3A_974 = arith.addi %add3A, %mul3A_973 : i32
      %min3A_975 = arith.constant 2499 : i32
      %min3A_976 = arith.minsi %add3A_974, %min3A_975 : i32
      %mul3A_977 = arith.constant 128 : i32
      %mul3A_978 = arith.muli %min3A_976, %mul3A_977 : i32
      %dma_start3A_979 = tpu.memref_slice %arg2[%mul3A_978] : memref<320000xi32, #tpu.memory_space<hbm>> -> memref<128xi32, #tpu.memory_space<hbm>>
      %dma_start3A_980 = tpu.memref_slice %arg2[%mul3A_978] : memref<320000xi32, #tpu.memory_space<hbm>> -> memref<128xi32, #tpu.memory_space<hbm>>
      tpu.enqueue_dma source(%dma_start3A_980 : memref<128xi32, #tpu.memory_space<hbm>>) target(%arg14 : memref<128xi32, #tpu.memory_space<vmem>>) target_semaphore(%arg31 : memref<!tpu.dma_semaphore, #tpu.memory_space<semaphore_mem>>)
      %mul3A_981 = arith.constant 32 : i32
      %mul3A_982 = arith.muli %mul3A_981, %add3A_971 : i32
      %add3A_983 = arith.addi %add3A, %mul3A_982 : i32
      %min3A_984 = arith.constant 2499 : i32
      %min3A_985 = arith.minsi %add3A_983, %min3A_984 : i32
      %mul3A_986 = arith.constant 128 : i32
      %mul3A_987 = arith.muli %min3A_985, %mul3A_986 : i32
      %dma_start3A_988 = arith.constant 0 : i32
      %dma_start3A_989 = tpu.memref_slice %arg3[%mul3A_987, %dma_start3A_988] : memref<320000x16xf32, #tpu.memory_space<hbm>> -> memref<128x16xf32, #tpu.memory_space<hbm>>
      %dma_start3A_990 = arith.constant 0 : i32
      %dma_start3A_991 = tpu.memref_slice %arg3[%mul3A_987, %dma_start3A_990] : memref<320000x16xf32, #tpu.memory_space<hbm>> -> memref<128x16xf32, #tpu.memory_space<hbm>>
      tpu.enqueue_dma source(%dma_start3A_991 : memref<128x16xf32, #tpu.memory_space<hbm>>) target(%arg15 : memref<128x16xf32, #tpu.memory_space<vmem>>) target_semaphore(%arg32 : memref<!tpu.dma_semaphore, #tpu.memory_space<semaphore_mem>>)
      %dma_start3A_992 = arith.constant 0 : i32
      %dma_start3A_993 = arith.constant 0 : i32
      %dma_start3A_994 = tpu.memref_slice %arg17[%dma_start3A_992, %dma_start3A_993] : memref<10112x16xf32, #tpu.memory_space<vmem_shared>> -> memref<10112x16xf32, #tpu.memory_space<vmem_shared>>
      tpu.enqueue_indirect_dma source(%arg11 : memref<128x16xf32, #tpu.memory_space<vmem>>) target(%dma_start3A_994 : memref<10112x16xf32, #tpu.memory_space<vmem_shared>>) offsets(%arg10 : memref<128xi32, #tpu.memory_space<vmem>>) semaphore(%arg25 : memref<!tpu.dma_semaphore, #tpu.memory_space<semaphore_mem>>) {add = true}
      %dma_start3A_995 = arith.constant 0 : i32
      %dma_start3A_996 = arith.constant 0 : i32
      %dma_start3A_997 = tpu.memref_slice %arg18[%dma_start3A_995, %dma_start3A_996] : memref<10112x8xf32, #tpu.memory_space<vmem_shared>> -> memref<10112x8xf32, #tpu.memory_space<vmem_shared>>
      tpu.enqueue_indirect_dma source(%arg16 : memref<128x8xf32, #tpu.memory_space<vmem>>) target(%dma_start3A_997 : memref<10112x8xf32, #tpu.memory_space<vmem_shared>>) offsets(%arg10 : memref<128xi32, #tpu.memory_space<vmem>>) semaphore(%arg26 : memref<!tpu.dma_semaphore, #tpu.memory_space<semaphore_mem>>) {add = true}
      %dma_wait3A_998 = arith.constant 0 : i32
      %dma_wait3A_999 = tpu.memref_slice %arg2[%dma_wait3A_998] : memref<320000xi32, #tpu.memory_space<hbm>> -> memref<128xi32, #tpu.memory_space<hbm>>
      %dma_wait3A_1000 = arith.constant 0 : i32
      %dma_wait3A_1001 = tpu.memref_slice %arg2[%dma_wait3A_1000] : memref<320000xi32, #tpu.memory_space<hbm>> -> memref<128xi32, #tpu.memory_space<hbm>>
      tpu.wait_dma2 semaphore(%arg27 : memref<!tpu.dma_semaphore, #tpu.memory_space<semaphore_mem>>) src(%dma_wait3A_1001 : memref<128xi32, #tpu.memory_space<hbm>>) dst(%arg12 : memref<128xi32, #tpu.memory_space<vmem>>)
      %dma_wait3A_1002 = arith.constant 0 : i32
      %dma_wait3A_1003 = arith.constant 0 : i32
      %dma_wait3A_1004 = tpu.memref_slice %arg3[%dma_wait3A_1002, %dma_wait3A_1003] : memref<320000x16xf32, #tpu.memory_space<hbm>> -> memref<128x16xf32, #tpu.memory_space<hbm>>
      %dma_wait3A_1005 = arith.constant 0 : i32
      %dma_wait3A_1006 = arith.constant 0 : i32
      %dma_wait3A_1007 = tpu.memref_slice %arg3[%dma_wait3A_1005, %dma_wait3A_1006] : memref<320000x16xf32, #tpu.memory_space<hbm>> -> memref<128x16xf32, #tpu.memory_space<hbm>>
      tpu.wait_dma2 semaphore(%arg28 : memref<!tpu.dma_semaphore, #tpu.memory_space<semaphore_mem>>) src(%dma_wait3A_1007 : memref<128x16xf32, #tpu.memory_space<hbm>>) dst(%arg13 : memref<128x16xf32, #tpu.memory_space<vmem>>)
      %add3A_1008 = arith.constant 1 : i32
      %add3A_1009 = arith.addi %add3A_963, %add3A_1008 : i32
      %mul3A_1010 = arith.constant 32 : i32
      %mul3A_1011 = arith.muli %mul3A_1010, %add3A_1009 : i32
      %add3A_1012 = arith.addi %add3A, %mul3A_1011 : i32
      %lt3A_1013 = arith.constant 2500 : i32
      %lt3A_1014 = arith.cmpi slt, %add3A_1012, %lt3A_1013 : i32
      %convert_element_type3A_1015 = arith.extui %lt3A_1014 : i1 to i32
      %broadcast_in_dim3A_1016 = vector.broadcast %convert_element_type3A_1015 : i32 to vector<16xi32>
      %get3A_1017 = arith.constant 0 : index
      %get3A_1018 = tpu.vector_load %arg12[%get3A_1017] {strides = array<i32>} : memref<128xi32, #tpu.memory_space<vmem>>, vector<16xi32>,
      %get3A_1019 = vector.shape_cast %get3A_1018 : vector<16xi32> to vector<16xi32>
      %mul3A_1020 = arith.muli %get3A_1019, %broadcast_in_dim3A_1016 : vector<16xi32>
      %sub3A_1021 = arith.constant 1 : i32
      %sub3A_1022 = vector.broadcast %sub3A_1021 : i32 to vector<16xi32>
      %sub3A_1023 = arith.subi %sub3A_1022, %broadcast_in_dim3A_1016 : vector<16xi32>
      %mul3A_1024 = arith.muli %broadcast_in_dim3A_3, %sub3A_1023 : vector<16xi32>
      %add3A_1025 = arith.addi %mul3A_1020, %mul3A_1024 : vector<16xi32>
      %swap3A_1026 = arith.constant 0 : index
      %swap3A_1027 = tpu.vector_load %arg12[%swap3A_1026] {strides = array<i32>} : memref<128xi32, #tpu.memory_space<vmem>>, vector<16xi32>,
      %swap3A_1028 = vector.shape_cast %swap3A_1027 : vector<16xi32> to vector<16xi32>
      %swap3A_1029 = vector.shape_cast %add3A_1025 : vector<16xi32> to vector<16xi32>
      tpu.vector_store %arg12[%swap3A_1026], %swap3A_1029 {strides = array<i32>} : memref<128xi32, #tpu.memory_space<vmem>>, vector<16xi32>,
      %get3A_1030 = arith.constant 16 : index
      %get3A_1031 = tpu.vector_load %arg12[%get3A_1030] {strides = array<i32>} : memref<128xi32, #tpu.memory_space<vmem>>, vector<16xi32>,
      %get3A_1032 = vector.shape_cast %get3A_1031 : vector<16xi32> to vector<16xi32>
      %mul3A_1033 = arith.muli %get3A_1032, %broadcast_in_dim3A_1016 : vector<16xi32>
      %sub3A_1034 = arith.constant 1 : i32
      %sub3A_1035 = vector.broadcast %sub3A_1034 : i32 to vector<16xi32>
      %sub3A_1036 = arith.subi %sub3A_1035, %broadcast_in_dim3A_1016 : vector<16xi32>
      %mul3A_1037 = arith.muli %broadcast_in_dim3A_3, %sub3A_1036 : vector<16xi32>
      %add3A_1038 = arith.addi %mul3A_1033, %mul3A_1037 : vector<16xi32>
      %swap3A_1039 = arith.constant 16 : index
      %swap3A_1040 = tpu.vector_load %arg12[%swap3A_1039] {strides = array<i32>} : memref<128xi32, #tpu.memory_space<vmem>>, vector<16xi32>,
      %swap3A_1041 = vector.shape_cast %swap3A_1040 : vector<16xi32> to vector<16xi32>
      %swap3A_1042 = vector.shape_cast %add3A_1038 : vector<16xi32> to vector<16xi32>
      tpu.vector_store %arg12[%swap3A_1039], %swap3A_1042 {strides = array<i32>} : memref<128xi32, #tpu.memory_space<vmem>>, vector<16xi32>,
      %get3A_1043 = arith.constant 32 : index
      %get3A_1044 = tpu.vector_load %arg12[%get3A_1043] {strides = array<i32>} : memref<128xi32, #tpu.memory_space<vmem>>, vector<16xi32>,
      %get3A_1045 = vector.shape_cast %get3A_1044 : vector<16xi32> to vector<16xi32>
      %mul3A_1046 = arith.muli %get3A_1045, %broadcast_in_dim3A_1016 : vector<16xi32>
      %sub3A_1047 = arith.constant 1 : i32
      %sub3A_1048 = vector.broadcast %sub3A_1047 : i32 to vector<16xi32>
      %sub3A_1049 = arith.subi %sub3A_1048, %broadcast_in_dim3A_1016 : vector<16xi32>
      %mul3A_1050 = arith.muli %broadcast_in_dim3A_3, %sub3A_1049 : vector<16xi32>
      %add3A_1051 = arith.addi %mul3A_1046, %mul3A_1050 : vector<16xi32>
      %swap3A_1052 = arith.constant 32 : index
      %swap3A_1053 = tpu.vector_load %arg12[%swap3A_1052] {strides = array<i32>} : memref<128xi32, #tpu.memory_space<vmem>>, vector<16xi32>,
      %swap3A_1054 = vector.shape_cast %swap3A_1053 : vector<16xi32> to vector<16xi32>
      %swap3A_1055 = vector.shape_cast %add3A_1051 : vector<16xi32> to vector<16xi32>
      tpu.vector_store %arg12[%swap3A_1052], %swap3A_1055 {strides = array<i32>} : memref<128xi32, #tpu.memory_space<vmem>>, vector<16xi32>,
      %get3A_1056 = arith.constant 48 : index
      %get3A_1057 = tpu.vector_load %arg12[%get3A_1056] {strides = array<i32>} : memref<128xi32, #tpu.memory_space<vmem>>, vector<16xi32>,
      %get3A_1058 = vector.shape_cast %get3A_1057 : vector<16xi32> to vector<16xi32>
      %mul3A_1059 = arith.muli %get3A_1058, %broadcast_in_dim3A_1016 : vector<16xi32>
      %sub3A_1060 = arith.constant 1 : i32
      %sub3A_1061 = vector.broadcast %sub3A_1060 : i32 to vector<16xi32>
      %sub3A_1062 = arith.subi %sub3A_1061, %broadcast_in_dim3A_1016 : vector<16xi32>
      %mul3A_1063 = arith.muli %broadcast_in_dim3A_3, %sub3A_1062 : vector<16xi32>
      %add3A_1064 = arith.addi %mul3A_1059, %mul3A_1063 : vector<16xi32>
      %swap3A_1065 = arith.constant 48 : index
      %swap3A_1066 = tpu.vector_load %arg12[%swap3A_1065] {strides = array<i32>} : memref<128xi32, #tpu.memory_space<vmem>>, vector<16xi32>,
      %swap3A_1067 = vector.shape_cast %swap3A_1066 : vector<16xi32> to vector<16xi32>
      %swap3A_1068 = vector.shape_cast %add3A_1064 : vector<16xi32> to vector<16xi32>
      tpu.vector_store %arg12[%swap3A_1065], %swap3A_1068 {strides = array<i32>} : memref<128xi32, #tpu.memory_space<vmem>>, vector<16xi32>,
      %get3A_1069 = arith.constant 64 : index
      %get3A_1070 = tpu.vector_load %arg12[%get3A_1069] {strides = array<i32>} : memref<128xi32, #tpu.memory_space<vmem>>, vector<16xi32>,
      %get3A_1071 = vector.shape_cast %get3A_1070 : vector<16xi32> to vector<16xi32>
      %mul3A_1072 = arith.muli %get3A_1071, %broadcast_in_dim3A_1016 : vector<16xi32>
      %sub3A_1073 = arith.constant 1 : i32
      %sub3A_1074 = vector.broadcast %sub3A_1073 : i32 to vector<16xi32>
      %sub3A_1075 = arith.subi %sub3A_1074, %broadcast_in_dim3A_1016 : vector<16xi32>
      %mul3A_1076 = arith.muli %broadcast_in_dim3A_3, %sub3A_1075 : vector<16xi32>
      %add3A_1077 = arith.addi %mul3A_1072, %mul3A_1076 : vector<16xi32>
      %swap3A_1078 = arith.constant 64 : index
      %swap3A_1079 = tpu.vector_load %arg12[%swap3A_1078] {strides = array<i32>} : memref<128xi32, #tpu.memory_space<vmem>>, vector<16xi32>,
      %swap3A_1080 = vector.shape_cast %swap3A_1079 : vector<16xi32> to vector<16xi32>
      %swap3A_1081 = vector.shape_cast %add3A_1077 : vector<16xi32> to vector<16xi32>
      tpu.vector_store %arg12[%swap3A_1078], %swap3A_1081 {strides = array<i32>} : memref<128xi32, #tpu.memory_space<vmem>>, vector<16xi32>,
      %get3A_1082 = arith.constant 80 : index
      %get3A_1083 = tpu.vector_load %arg12[%get3A_1082] {strides = array<i32>} : memref<128xi32, #tpu.memory_space<vmem>>, vector<16xi32>,
      %get3A_1084 = vector.shape_cast %get3A_1083 : vector<16xi32> to vector<16xi32>
      %mul3A_1085 = arith.muli %get3A_1084, %broadcast_in_dim3A_1016 : vector<16xi32>
      %sub3A_1086 = arith.constant 1 : i32
      %sub3A_1087 = vector.broadcast %sub3A_1086 : i32 to vector<16xi32>
      %sub3A_1088 = arith.subi %sub3A_1087, %broadcast_in_dim3A_1016 : vector<16xi32>
      %mul3A_1089 = arith.muli %broadcast_in_dim3A_3, %sub3A_1088 : vector<16xi32>
      %add3A_1090 = arith.addi %mul3A_1085, %mul3A_1089 : vector<16xi32>
      %swap3A_1091 = arith.constant 80 : index
      %swap3A_1092 = tpu.vector_load %arg12[%swap3A_1091] {strides = array<i32>} : memref<128xi32, #tpu.memory_space<vmem>>, vector<16xi32>,
      %swap3A_1093 = vector.shape_cast %swap3A_1092 : vector<16xi32> to vector<16xi32>
      %swap3A_1094 = vector.shape_cast %add3A_1090 : vector<16xi32> to vector<16xi32>
      tpu.vector_store %arg12[%swap3A_1091], %swap3A_1094 {strides = array<i32>} : memref<128xi32, #tpu.memory_space<vmem>>, vector<16xi32>,
      %get3A_1095 = arith.constant 96 : index
      %get3A_1096 = tpu.vector_load %arg12[%get3A_1095] {strides = array<i32>} : memref<128xi32, #tpu.memory_space<vmem>>, vector<16xi32>,
      %get3A_1097 = vector.shape_cast %get3A_1096 : vector<16xi32> to vector<16xi32>
      %mul3A_1098 = arith.muli %get3A_1097, %broadcast_in_dim3A_1016 : vector<16xi32>
      %sub3A_1099 = arith.constant 1 : i32
      %sub3A_1100 = vector.broadcast %sub3A_1099 : i32 to vector<16xi32>
      %sub3A_1101 = arith.subi %sub3A_1100, %broadcast_in_dim3A_1016 : vector<16xi32>
      %mul3A_1102 = arith.muli %broadcast_in_dim3A_3, %sub3A_1101 : vector<16xi32>
      %add3A_1103 = arith.addi %mul3A_1098, %mul3A_1102 : vector<16xi32>
      %swap3A_1104 = arith.constant 96 : index
      %swap3A_1105 = tpu.vector_load %arg12[%swap3A_1104] {strides = array<i32>} : memref<128xi32, #tpu.memory_space<vmem>>, vector<16xi32>,
      %swap3A_1106 = vector.shape_cast %swap3A_1105 : vector<16xi32> to vector<16xi32>
      %swap3A_1107 = vector.shape_cast %add3A_1103 : vector<16xi32> to vector<16xi32>
      tpu.vector_store %arg12[%swap3A_1104], %swap3A_1107 {strides = array<i32>} : memref<128xi32, #tpu.memory_space<vmem>>, vector<16xi32>,
      %get3A_1108 = arith.constant 112 : index
      %get3A_1109 = tpu.vector_load %arg12[%get3A_1108] {strides = array<i32>} : memref<128xi32, #tpu.memory_space<vmem>>, vector<16xi32>,
      %get3A_1110 = vector.shape_cast %get3A_1109 : vector<16xi32> to vector<16xi32>
      %mul3A_1111 = arith.muli %get3A_1110, %broadcast_in_dim3A_1016 : vector<16xi32>
      %sub3A_1112 = arith.constant 1 : i32
      %sub3A_1113 = vector.broadcast %sub3A_1112 : i32 to vector<16xi32>
      %sub3A_1114 = arith.subi %sub3A_1113, %broadcast_in_dim3A_1016 : vector<16xi32>
      %mul3A_1115 = arith.muli %broadcast_in_dim3A_3, %sub3A_1114 : vector<16xi32>
      %add3A_1116 = arith.addi %mul3A_1111, %mul3A_1115 : vector<16xi32>
      %swap3A_1117 = arith.constant 112 : index
      %swap3A_1118 = tpu.vector_load %arg12[%swap3A_1117] {strides = array<i32>} : memref<128xi32, #tpu.memory_space<vmem>>, vector<16xi32>,
      %swap3A_1119 = vector.shape_cast %swap3A_1118 : vector<16xi32> to vector<16xi32>
      %swap3A_1120 = vector.shape_cast %add3A_1116 : vector<16xi32> to vector<16xi32>
      tpu.vector_store %arg12[%swap3A_1117], %swap3A_1120 {strides = array<i32>} : memref<128xi32, #tpu.memory_space<vmem>>, vector<16xi32>,
    }
    %scan3A_456 = arith.constant 20 : i32
    %dma_wait3A_457 = arith.constant 0 : i32
    %dma_wait3A_458 = arith.constant 0 : i32
    %dma_wait3A_459 = tpu.memref_slice %arg17[%dma_wait3A_457, %dma_wait3A_458] : memref<10112x16xf32, #tpu.memory_space<vmem_shared>> -> memref<10112x16xf32, #tpu.memory_space<vmem_shared>>
    tpu.wait_indirect_dma semaphore(%arg21 : memref<!tpu.dma_semaphore, #tpu.memory_space<semaphore_mem>>) src(%arg9 : memref<128x16xf32, #tpu.memory_space<vmem>>) dst(%dma_wait3A_459 : memref<10112x16xf32, #tpu.memory_space<vmem_shared>>)
    %dma_wait3A_460 = arith.constant 0 : i32
    %dma_wait3A_461 = arith.constant 0 : i32
    %dma_wait3A_462 = tpu.memref_slice %arg18[%dma_wait3A_460, %dma_wait3A_461] : memref<10112x8xf32, #tpu.memory_space<vmem_shared>> -> memref<10112x8xf32, #tpu.memory_space<vmem_shared>>
    tpu.wait_indirect_dma semaphore(%arg22 : memref<!tpu.dma_semaphore, #tpu.memory_space<semaphore_mem>>) src(%arg16 : memref<128x8xf32, #tpu.memory_space<vmem>>) dst(%dma_wait3A_462 : memref<10112x8xf32, #tpu.memory_space<vmem_shared>>)
    %dma_wait3A_463 = arith.constant 0 : i32
    %dma_wait3A_464 = arith.constant 0 : i32
    %dma_wait3A_465 = tpu.memref_slice %arg17[%dma_wait3A_463, %dma_wait3A_464] : memref<10112x16xf32, #tpu.memory_space<vmem_shared>> -> memref<10112x16xf32, #tpu.memory_space<vmem_shared>>
    tpu.wait_indirect_dma semaphore(%arg25 : memref<!tpu.dma_semaphore, #tpu.memory_space<semaphore_mem>>) src(%arg11 : memref<128x16xf32, #tpu.memory_space<vmem>>) dst(%dma_wait3A_465 : memref<10112x16xf32, #tpu.memory_space<vmem_shared>>)
    %dma_wait3A_466 = arith.constant 0 : i32
    %dma_wait3A_467 = arith.constant 0 : i32
    %dma_wait3A_468 = tpu.memref_slice %arg18[%dma_wait3A_466, %dma_wait3A_467] : memref<10112x8xf32, #tpu.memory_space<vmem_shared>> -> memref<10112x8xf32, #tpu.memory_space<vmem_shared>>
    tpu.wait_indirect_dma semaphore(%arg26 : memref<!tpu.dma_semaphore, #tpu.memory_space<semaphore_mem>>) src(%arg16 : memref<128x8xf32, #tpu.memory_space<vmem>>) dst(%dma_wait3A_468 : memref<10112x8xf32, #tpu.memory_space<vmem_shared>>)
    %dma_wait3A_469 = arith.constant 0 : i32
    %dma_wait3A_470 = tpu.memref_slice %arg2[%dma_wait3A_469] : memref<320000xi32, #tpu.memory_space<hbm>> -> memref<128xi32, #tpu.memory_space<hbm>>
    %dma_wait3A_471 = arith.constant 0 : i32
    %dma_wait3A_472 = tpu.memref_slice %arg2[%dma_wait3A_471] : memref<320000xi32, #tpu.memory_space<hbm>> -> memref<128xi32, #tpu.memory_space<hbm>>
    tpu.wait_dma2 semaphore(%arg31 : memref<!tpu.dma_semaphore, #tpu.memory_space<semaphore_mem>>) src(%dma_wait3A_472 : memref<128xi32, #tpu.memory_space<hbm>>) dst(%arg14 : memref<128xi32, #tpu.memory_space<vmem>>)
    %dma_wait3A_473 = arith.constant 0 : i32
    %dma_wait3A_474 = arith.constant 0 : i32
    %dma_wait3A_475 = tpu.memref_slice %arg3[%dma_wait3A_473, %dma_wait3A_474] : memref<320000x16xf32, #tpu.memory_space<hbm>> -> memref<128x16xf32, #tpu.memory_space<hbm>>
    %dma_wait3A_476 = arith.constant 0 : i32
    %dma_wait3A_477 = arith.constant 0 : i32
    %dma_wait3A_478 = tpu.memref_slice %arg3[%dma_wait3A_476, %dma_wait3A_477] : memref<320000x16xf32, #tpu.memory_space<hbm>> -> memref<128x16xf32, #tpu.memory_space<hbm>>
    tpu.wait_dma2 semaphore(%arg32 : memref<!tpu.dma_semaphore, #tpu.memory_space<semaphore_mem>>) src(%dma_wait3A_478 : memref<128x16xf32, #tpu.memory_space<hbm>>) dst(%arg15 : memref<128x16xf32, #tpu.memory_space<vmem>>)
    %barrier3A_479 = arith.constant 0 : index
    tpu.barrier barrier_id(%barrier3A_479)
    "tpu.region"() ({
      %run_scoped3A = tpu.sem_alloc : memref<!tpu.dma_semaphore, #tpu.memory_space<semaphore_mem>>
      %dma_start3A_480 = arith.constant 0 : i32
      %dma_start3A_481 = tpu.memref_slice %arg6[%arg0, %mul3A_10, %dma_start3A_480] : memref<2x10112x16xf32, #tpu.memory_space<hbm>> -> memref<1x632x16xf32, #tpu.memory_space<hbm>>
      %dma_start3A_482 = tpu.memref_squeeze %dma_start3A_481 : memref<1x632x16xf32, #tpu.memory_space<hbm>> -> memref<632x16xf32, #tpu.memory_space<hbm>>
      %dma_start3A_483 = arith.constant 0 : i32
      %dma_start3A_484 = tpu.memref_slice %arg17[%mul3A_10, %dma_start3A_483] : memref<10112x16xf32, #tpu.memory_space<vmem_shared>> -> memref<632x16xf32, #tpu.memory_space<vmem_shared>>
      tpu.enqueue_dma source(%dma_start3A_484 : memref<632x16xf32, #tpu.memory_space<vmem_shared>>) target(%dma_start3A_482 : memref<632x16xf32, #tpu.memory_space<hbm>>) target_semaphore(%run_scoped3A : memref<!tpu.dma_semaphore, #tpu.memory_space<semaphore_mem>>)
      %dma_wait3A_485 = arith.constant 0 : i32
      %dma_wait3A_486 = tpu.memref_slice %arg6[%arg0, %mul3A_10, %dma_wait3A_485] : memref<2x10112x16xf32, #tpu.memory_space<hbm>> -> memref<1x632x16xf32, #tpu.memory_space<hbm>>
      %dma_wait3A_487 = tpu.memref_squeeze %dma_wait3A_486 : memref<1x632x16xf32, #tpu.memory_space<hbm>> -> memref<632x16xf32, #tpu.memory_space<hbm>>
      %dma_wait3A_488 = arith.constant 0 : i32
      %dma_wait3A_489 = tpu.memref_slice %arg17[%mul3A_10, %dma_wait3A_488] : memref<10112x16xf32, #tpu.memory_space<vmem_shared>> -> memref<632x16xf32, #tpu.memory_space<vmem_shared>>
      tpu.wait_dma2 semaphore(%run_scoped3A : memref<!tpu.dma_semaphore, #tpu.memory_space<semaphore_mem>>) src(%dma_wait3A_489 : memref<632x16xf32, #tpu.memory_space<vmem_shared>>) dst(%dma_wait3A_487 : memref<632x16xf32, #tpu.memory_space<hbm>>)
      tpu.yield
    }) : () -> ()
    "tpu.region"() ({
      %run_scoped3A = tpu.sem_alloc : memref<!tpu.dma_semaphore, #tpu.memory_space<semaphore_mem>>
      %dma_start3A_480 = arith.constant 0 : i32
      %dma_start3A_481 = tpu.memref_slice %arg7[%arg0, %mul3A_10, %dma_start3A_480] : memref<2x10112x8xf32, #tpu.memory_space<hbm>> -> memref<1x632x8xf32, #tpu.memory_space<hbm>>
      %dma_start3A_482 = tpu.memref_squeeze %dma_start3A_481 : memref<1x632x8xf32, #tpu.memory_space<hbm>> -> memref<632x8xf32, #tpu.memory_space<hbm>>
      %dma_start3A_483 = arith.constant 0 : i32
      %dma_start3A_484 = tpu.memref_slice %arg18[%mul3A_10, %dma_start3A_483] : memref<10112x8xf32, #tpu.memory_space<vmem_shared>> -> memref<632x8xf32, #tpu.memory_space<vmem_shared>>
      tpu.enqueue_dma source(%dma_start3A_484 : memref<632x8xf32, #tpu.memory_space<vmem_shared>>) target(%dma_start3A_482 : memref<632x8xf32, #tpu.memory_space<hbm>>) target_semaphore(%run_scoped3A : memref<!tpu.dma_semaphore, #tpu.memory_space<semaphore_mem>>)
      %dma_wait3A_485 = arith.constant 0 : i32
      %dma_wait3A_486 = tpu.memref_slice %arg7[%arg0, %mul3A_10, %dma_wait3A_485] : memref<2x10112x8xf32, #tpu.memory_space<hbm>> -> memref<1x632x8xf32, #tpu.memory_space<hbm>>
      %dma_wait3A_487 = tpu.memref_squeeze %dma_wait3A_486 : memref<1x632x8xf32, #tpu.memory_space<hbm>> -> memref<632x8xf32, #tpu.memory_space<hbm>>
      %dma_wait3A_488 = arith.constant 0 : i32
      %dma_wait3A_489 = tpu.memref_slice %arg18[%mul3A_10, %dma_wait3A_488] : memref<10112x8xf32, #tpu.memory_space<vmem_shared>> -> memref<632x8xf32, #tpu.memory_space<vmem_shared>>
      tpu.wait_dma2 semaphore(%run_scoped3A : memref<!tpu.dma_semaphore, #tpu.memory_space<semaphore_mem>>) src(%dma_wait3A_489 : memref<632x8xf32, #tpu.memory_space<vmem_shared>>) dst(%dma_wait3A_487 : memref<632x8xf32, #tpu.memory_space<hbm>>)
      tpu.yield
    }) : () -> ()
    return
  }
}

module attributes {stable_mosaic.version = 14 : i64} {
  func.func @_combine_body(%arg0: memref<2x10112x64xf32, #tpu.memory_space<vmem>>, %arg1: memref<2x10112x16xf32, #tpu.memory_space<vmem>>, %arg2: memref<2x10112x8xf32, #tpu.memory_space<vmem>>, %arg3: memref<10000x128xf32, #tpu.memory_space<vmem>>, %arg4: memref<128x128xf32, #tpu.memory_space<vmem>>, %arg5: memref<16x128xf32, #tpu.memory_space<vmem>>, %arg6: memref<128x128xf32, #tpu.memory_space<vmem>>, %arg7: memref<1x128xf32, #tpu.memory_space<vmem>>, %arg8: memref<1x128xf32, #tpu.memory_space<vmem>>, %arg9: memref<1x128xf32, #tpu.memory_space<vmem>>, %arg10: memref<1x128xf32, #tpu.memory_space<vmem>>, %arg11: memref<10000x128xf32, #tpu.memory_space<vmem>>) attributes {dimension_semantics = [], scalar_prefetch = 0 : i64, scratch_operands = 0 : i64, tpu.core_type = #tpu.core_type<tc>} {
    %get3A = arith.constant 0 : index
    %get3A_0 = arith.constant 0 : index
    %get3A_1 = arith.constant 0 : index
    %get3A_2 = vector.load %arg0[%get3A, %get3A_0, %get3A_1] : memref<2x10112x64xf32, #tpu.memory_space<vmem>>, vector<1x10000x64xf32>
    %get3A_3 = vector.shape_cast %get3A_2 : vector<1x10000x64xf32> to vector<10000x64xf32>
    %get3A_4 = arith.constant 1 : index
    %get3A_5 = arith.constant 0 : index
    %get3A_6 = arith.constant 0 : index
    %get3A_7 = vector.load %arg0[%get3A_4, %get3A_5, %get3A_6] : memref<2x10112x64xf32, #tpu.memory_space<vmem>>, vector<1x10000x64xf32>
    %get3A_8 = vector.shape_cast %get3A_7 : vector<1x10000x64xf32> to vector<10000x64xf32>
    %concatenate3A = tpu.concatenate %get3A_3, %get3A_8 in 1 : vector<10000x64xf32>, vector<10000x64xf32> -> vector<10000x128xf32>
    %get3A_9 = arith.constant 0 : index
    %get3A_10 = arith.constant 0 : index
    %get3A_11 = arith.constant 0 : index
    %get3A_12 = vector.load %arg1[%get3A_9, %get3A_10, %get3A_11] : memref<2x10112x16xf32, #tpu.memory_space<vmem>>, vector<1x10000x16xf32>
    %get3A_13 = vector.shape_cast %get3A_12 : vector<1x10000x16xf32> to vector<10000x16xf32>
    %get3A_14 = arith.constant 1 : index
    %get3A_15 = arith.constant 0 : index
    %get3A_16 = arith.constant 0 : index
    %get3A_17 = vector.load %arg1[%get3A_14, %get3A_15, %get3A_16] : memref<2x10112x16xf32, #tpu.memory_space<vmem>>, vector<1x10000x16xf32>
    %get3A_18 = vector.shape_cast %get3A_17 : vector<1x10000x16xf32> to vector<10000x16xf32>
    %add3A = arith.addf %get3A_13, %get3A_18 : vector<10000x16xf32>
    %get3A_19 = arith.constant 0 : index
    %get3A_20 = arith.constant 0 : index
    %get3A_21 = arith.constant 0 : index
    %get3A_22 = vector.load %arg2[%get3A_19, %get3A_20, %get3A_21] : memref<2x10112x8xf32, #tpu.memory_space<vmem>>, vector<1x10000x1xf32>
    %get3A_23 = vector.shape_cast %get3A_22 : vector<1x10000x1xf32> to vector<10000x1xf32>
    %get3A_24 = arith.constant 1 : index
    %get3A_25 = arith.constant 0 : index
    %get3A_26 = arith.constant 0 : index
    %get3A_27 = vector.load %arg2[%get3A_24, %get3A_25, %get3A_26] : memref<2x10112x8xf32, #tpu.memory_space<vmem>>, vector<1x10000x1xf32>
    %get3A_28 = vector.shape_cast %get3A_27 : vector<1x10000x1xf32> to vector<10000x1xf32>
    %add3A_29 = arith.addf %get3A_23, %get3A_28 : vector<10000x1xf32>
    %get3A_30 = arith.constant 0 : index
    %get3A_31 = arith.constant 0 : index
    %get3A_32 = vector.load %arg4[%get3A_30, %get3A_31] : memref<128x128xf32, #tpu.memory_space<vmem>>, vector<128x128xf32>
    %dot_general3A = arith.constant dense<0.000000e+00> : vector<10000x128xf32>
    %dot_general3A_33 = tpu.matmul %concatenate3A, %get3A_32, %dot_general3A {dimension_numbers = #tpu.dot_dimension_numbers<[1], [0], [0], [1], [0, 0, 1, 1], [], []>, transpose_lhs_hint = false} : vector<10000x128xf32>, vector<128x128xf32>, vector<10000x128xf32> -> vector<10000x128xf32>
    %get3A_34 = arith.constant 0 : index
    %get3A_35 = arith.constant 0 : index
    %get3A_36 = vector.load %arg5[%get3A_34, %get3A_35] : memref<16x128xf32, #tpu.memory_space<vmem>>, vector<16x128xf32>
    %dot_general3A_37 = arith.constant dense<0.000000e+00> : vector<10000x128xf32>
    %dot_general3A_38 = tpu.matmul %add3A, %get3A_36, %dot_general3A_37 {dimension_numbers = #tpu.dot_dimension_numbers<[1], [0], [0], [1], [0, 0, 1, 1], [], []>, transpose_lhs_hint = false} : vector<10000x16xf32>, vector<16x128xf32>, vector<10000x128xf32> -> vector<10000x128xf32>
    %add3A_39 = arith.addf %dot_general3A_33, %dot_general3A_38 : vector<10000x128xf32>
    %get3A_40 = arith.constant 0 : index
    %get3A_41 = arith.constant 0 : index
    %get3A_42 = vector.load %arg7[%get3A_40, %get3A_41] : memref<1x128xf32, #tpu.memory_space<vmem>>, vector<1x128xf32>
    %mul3A = vector.broadcast %add3A_29 : vector<10000x1xf32> to vector<10000x128xf32>
    %mul3A_43 = vector.broadcast %get3A_42 : vector<1x128xf32> to vector<10000x128xf32>
    %mul3A_44 = arith.mulf %mul3A, %mul3A_43 : vector<10000x128xf32>
    %add3A_45 = arith.addf %add3A_39, %mul3A_44 : vector<10000x128xf32>
    %max3A = arith.constant 0.000000e+00 : f32
    %max3A_46 = vector.broadcast %max3A : f32 to vector<10000x128xf32>
    %max3A_47 = arith.maximumf %add3A_45, %max3A_46 : vector<10000x128xf32>
    %get3A_48 = arith.constant 0 : index
    %get3A_49 = arith.constant 0 : index
    %get3A_50 = vector.load %arg3[%get3A_48, %get3A_49] : memref<10000x128xf32, #tpu.memory_space<vmem>>, vector<10000x128xf32>
    %get3A_51 = arith.constant 0 : index
    %get3A_52 = arith.constant 0 : index
    %get3A_53 = vector.load %arg6[%get3A_51, %get3A_52] : memref<128x128xf32, #tpu.memory_space<vmem>>, vector<128x128xf32>
    %dot_general3A_54 = arith.constant dense<0.000000e+00> : vector<10000x128xf32>
    %dot_general3A_55 = tpu.matmul %get3A_50, %get3A_53, %dot_general3A_54 {dimension_numbers = #tpu.dot_dimension_numbers<[1], [0], [0], [1], [0, 0, 1, 1], [], []>, transpose_lhs_hint = false} : vector<10000x128xf32>, vector<128x128xf32>, vector<10000x128xf32> -> vector<10000x128xf32>
    %get3A_56 = arith.constant 0 : index
    %get3A_57 = arith.constant 0 : index
    %get3A_58 = vector.load %arg8[%get3A_56, %get3A_57] : memref<1x128xf32, #tpu.memory_space<vmem>>, vector<1x128xf32>
    %add3A_59 = vector.broadcast %get3A_58 : vector<1x128xf32> to vector<10000x128xf32>
    %add3A_60 = arith.addf %dot_general3A_55, %add3A_59 : vector<10000x128xf32>
    %max3A_61 = arith.constant 0.000000e+00 : f32
    %max3A_62 = vector.broadcast %max3A_61 : f32 to vector<10000x128xf32>
    %max3A_63 = arith.maximumf %add3A_60, %max3A_62 : vector<10000x128xf32>
    %add3A_64 = arith.addf %max3A_47, %max3A_63 : vector<10000x128xf32>
    %reduce_sum3A = arith.constant dense<0.000000e+00> : vector<128xf32>
    %reduce_sum3A_65 = vector.multi_reduction <add>, %add3A_64, %reduce_sum3A [0] : vector<10000x128xf32> to vector<128xf32>
    %broadcast_in_dim3A = vector.shape_cast %reduce_sum3A_65 : vector<128xf32> to vector<1x128xf32>
    %div3A = arith.constant 1.000000e+04 : f32
    %div3A_66 = vector.broadcast %div3A : f32 to vector<1x128xf32>
    %div3A_67 = arith.divf %broadcast_in_dim3A, %div3A_66 : vector<1x128xf32>
    %sub3A = vector.broadcast %div3A_67 : vector<1x128xf32> to vector<10000x128xf32>
    %sub3A_68 = arith.subf %add3A_64, %sub3A : vector<10000x128xf32>
    %integer_pow3A = arith.mulf %sub3A_68, %sub3A_68 : vector<10000x128xf32>
    %reduce_sum3A_69 = arith.constant dense<0.000000e+00> : vector<128xf32>
    %reduce_sum3A_70 = vector.multi_reduction <add>, %integer_pow3A, %reduce_sum3A_69 [0] : vector<10000x128xf32> to vector<128xf32>
    %broadcast_in_dim3A_71 = vector.shape_cast %reduce_sum3A_70 : vector<128xf32> to vector<1x128xf32>
    %div3A_72 = arith.constant 1.000000e+04 : f32
    %div3A_73 = vector.broadcast %div3A_72 : f32 to vector<1x128xf32>
    %div3A_74 = arith.divf %broadcast_in_dim3A_71, %div3A_73 : vector<1x128xf32>
    %sub3A_75 = vector.broadcast %div3A_67 : vector<1x128xf32> to vector<10000x128xf32>
    %sub3A_76 = arith.subf %add3A_64, %sub3A_75 : vector<10000x128xf32>
    %add3A_77 = arith.constant 9.99999974E-6 : f32
    %add3A_78 = vector.broadcast %add3A_77 : f32 to vector<1x128xf32>
    %add3A_79 = arith.addf %div3A_74, %add3A_78 : vector<1x128xf32>
    %rsqrt3A = math.rsqrt %add3A_79 : vector<1x128xf32>
    %mul3A_80 = vector.broadcast %rsqrt3A : vector<1x128xf32> to vector<10000x128xf32>
    %mul3A_81 = arith.mulf %sub3A_76, %mul3A_80 : vector<10000x128xf32>
    %get3A_82 = arith.constant 0 : index
    %get3A_83 = arith.constant 0 : index
    %get3A_84 = vector.load %arg9[%get3A_82, %get3A_83] : memref<1x128xf32, #tpu.memory_space<vmem>>, vector<1x128xf32>
    %mul3A_85 = vector.broadcast %get3A_84 : vector<1x128xf32> to vector<10000x128xf32>
    %mul3A_86 = arith.mulf %mul3A_81, %mul3A_85 : vector<10000x128xf32>
    %get3A_87 = arith.constant 0 : index
    %get3A_88 = arith.constant 0 : index
    %get3A_89 = vector.load %arg10[%get3A_87, %get3A_88] : memref<1x128xf32, #tpu.memory_space<vmem>>, vector<1x128xf32>
    %add3A_90 = vector.broadcast %get3A_89 : vector<1x128xf32> to vector<10000x128xf32>
    %add3A_91 = arith.addf %mul3A_86, %add3A_90 : vector<10000x128xf32>
    %swap3A = arith.constant 0 : index
    %swap3A_92 = arith.constant 0 : index
    %swap3A_93 = vector.load %arg11[%swap3A, %swap3A_92] : memref<10000x128xf32, #tpu.memory_space<vmem>>, vector<10000x128xf32>
    tpu.vector_store %arg11[%swap3A, %swap3A_92], %add3A_91 {strides = array<i32>} : memref<10000x128xf32, #tpu.memory_space<vmem>>, vector<10000x128xf32>,
    return
  }
}

</mosaic_0001>

<sc_bundles>
// kernel: kernel.5.cloned.1.call-start
scs
__scs_entry_jumppad:
0x0: {  	(pc) =	sbr.rel $0x88, $3  }
0x1: {  	(tag) =	ssettag $0x0;
	lr =	simm.s32 $0x1  }
0x2: {  	[smem:$0x3F96] =	sst lr;
	_ =	strace $0xD0000000  }
0x3: {  	_ = 	snop  }
0x4: {  	_ = 	snop  }
0x5: {  	_ = 	snop  }
0x6: {  	_ = 	snop  }
0x7: {  	_ = 	snop  }
__scs_overlays_trampoline_lowered:
0x8: {  	[smem:$0x3FA5] =	sst s0  }
0x9: {  	[smem:$0x3FA6] =	sst s1  }
0xa: {  	[smem:$0x3FA7] =	sst s2  }
0xb: {  	[smem:$0x3FA8] =	sst s3  }
0xc: {  	[smem:$0x3FA9] =	sst s4  }
0xd: {  	[smem:$0x3FAA] =	sst s5  }
0xe: {  	[smem:$0x3FAB] =	sst s6  }
0xf: {  	[smem:$0x3FAC] =	sst s7  }
0x10: {  	[smem:$0x3FAD] =	sst s8  }
0x11: {  	[smem:$0x3FAE] =	sst s9;
	s0 =	simm.s32 @!p0 $0x0  }
0x12: {  	s1 =	sld [smem:$0x3F94];
	s0 =	simm.s32 @p0 $0x1  }
0x13: {  	[smem:$0x3FAF] =	sst s0;
	s0 =	simm.s32 @!p1 $0x0  }
0x14: {  	s2 =	sld [smem:$0x3F93];
	s0 =	simm.s32 @p1 $0x1  }
0x15: {  	[smem:$0x3FB0] =	sst s0;
	s0 =	simm.s32 @!p2 $0x0  }
0x16: {  	s3 =	sld [smem:$0x3FDB];
	s0 =	simm.s32 @p2 $0x1  }
0x17: {  	s4 =	simm.s32 $0x1BF5;
	[smem:$0x3FB2] =	sst s0  }
0x18: {  	s0 =	sld [smem:$0x3F95];
	_ =	swait.ge [sflag:s4], $0x0  }
0x19: {  	s7 =	sld [smem:$0x3F96]  }
0x1a: {  	s8 =	sadd.s32 $0xFFFFE003, lr  }
0x1b: {  	s9 =	sadd.s32 $0xFFFFFEF7, lr;
	s5 =	simm.s32 $0xFFFFFFFF;
	p2 =	slt.u32 s8, $0xFFFFF086  }
0x1c: {  	p1 =	slt.u32 s9, $0xF7A;
	s5 =	simm.s32 @!p2 $0x0  }
0x1d: {  	s5 =	simm.s32 @p1 $0x1;
	p0 =	seq.s32 s7, s2  }
0x1e: {  	s7 =	smul.u32 @!p0 $0xF7A, s2;
	p2 =	seq.s32 @!p0 s5, $0x0  }
0x1f: {  	s9 =	smul.u32 $0xF7A, s1;
	s8 =	simm.s32 @!p0 $0x1BF5;
	p2 =	por !p2, p0  }
0x20: {  	[sflag:s8] =	ssyncset.s32 @!p0 $0xFFFFF086;
	s6 =	sadd.s32 @!p0 s3, s7;
	s7 =	simm.s32 @!p0 $0x108  }
0x21: {  	s3 =	sadd.s32 s3, s9;
	s6 =	sadd.s32 @!p0 $0x88, s6;
	s7 =	simm.s32 @p2 $0x1082  }
0x22: {  	[simem:s7], [sflag:s8] =	dma.local @!p0 [hbm:s6], $0xF7A  }
0x23: {  	s9 =	sor.u32 $0xD0000000, s2;
	s6 =	simm.s32 $0x108;
	_ =	swait.ge @!p0 [sflag:s8], $0x0  }
0x24: {  	s3 =	sadd.s32 $0x88, s3;
	s6 =	simm.s32 @!p1 $0x1082;
	[sflag:s4] =	ssyncset.s32 $0xFFFFF086  }
0x25: {  	[simem:s6], [sflag:s4] =	dma.local [hbm:s3], $0xF7A  }
0x26: {  	[smem:$0x3F96] =	sst s1;
	(tag) =	ssettag s2;
	_ =	strace s9  }
0x27: {  	s1 =	sld [smem:$0x3FA6]  }
0x28: {  	s2 =	sld [smem:$0x3FA7]  }
0x29: {  	s4 =	sld [smem:$0x3FA9]  }
0x2a: {  	p0 =	seq.s32 s5, $0x0;
	s5 =	sld [smem:$0x3FAA]  }
0x2b: {  	s6 =	sld [smem:$0x3FAB]  }
0x2c: {  	s7 =	sld [smem:$0x3FAC]  }
0x2d: {  	s3 =	simm.s32 $0x108;
	s8 =	sld [smem:$0x3FAD]  }
0x2e: {  	s3 =	simm.s32 @!p0 $0x1082;
	s9 =	sld [smem:$0x3FAE]  }
0x2f: {  	lr =	sadd.s32 s0, s3;
	s0 =	sld [smem:$0x3FA5]  }
0x30: {  	s3 =	sld [smem:$0x3FA8]  }
0x31: {  	[smem:$0x3FB1] =	sst s10  }
0x32: {  	s10 =	sld [smem:$0x3FAF];
	_ =	sdelay $0x3  }
0x33: {  	p0 =	seq.s32 s10, $0x1;
	s10 =	sld [smem:$0x3FB1];
	_ =	sdelay $0x3  }
0x34: {  	[smem:$0x3FB1] =	sst s10  }
0x35: {  	s10 =	sld [smem:$0x3FB0];
	_ =	sdelay $0x3  }
0x36: {  	p1 =	seq.s32 s10, $0x1;
	s10 =	sld [smem:$0x3FB1];
	_ =	sdelay $0x3  }
0x37: {  	[smem:$0x3FB1] =	sst s10  }
0x38: {  	s10 =	sld [smem:$0x3FB2]  }
0x39: {  	_ = 	snop;
	(pc) =	sbr.ind lr, $3  }
0x3a: {  	_ = 	snop  }
0x3b: {  	_ = 	snop  }
0x3c: {  	p2 =	seq.s32 s10, $0x1;
	s10 =	sld [smem:$0x3FB1]  }
0x3d: {  	_ =	shalt  }
0x3e: {  	_ =	shalt  }
0x3f: {  	_ =	shalt  }
0x40: {  	_ =	shalt  }
0x41: {  	_ =	shalt  }
0x42: {  	_ =	shalt  }
0x43: {  	_ =	shalt  }
0x44: {  	_ =	shalt  }
0x45: {  	_ =	shalt  }
0x46: {  	_ =	shalt  }
0x47: {  	_ =	shalt  }
0x48: {  	_ =	shalt  }
0x49: {  	_ =	shalt  }
0x4a: {  	_ =	shalt  }
0x4b: {  	_ =	shalt  }
0x4c: {  	_ =	shalt  }
0x4d: {  	_ =	shalt  }
0x4e: {  	_ =	shalt  }
0x4f: {  	_ =	shalt  }
0x50: {  	_ =	shalt  }
0x51: {  	_ =	shalt  }
0x52: {  	_ =	shalt  }
0x53: {  	_ =	shalt  }
0x54: {  	_ =	shalt  }
0x55: {  	_ =	shalt  }
0x56: {  	_ =	shalt  }
0x57: {  	_ =	shalt  }
0x58: {  	_ =	shalt  }
0x59: {  	_ =	shalt  }
0x5a: {  	_ =	shalt  }
0x5b: {  	_ =	shalt  }
0x5c: {  	_ =	shalt  }
0x5d: {  	_ =	shalt  }
0x5e: {  	_ =	shalt  }
0x5f: {  	_ =	shalt  }
0x60: {  	_ =	shalt  }
0x61: {  	_ =	shalt  }
0x62: {  	_ =	shalt  }
0x63: {  	_ =	shalt  }
0x64: {  	_ =	shalt  }
0x65: {  	_ =	shalt  }
0x66: {  	_ =	shalt  }
0x67: {  	_ =	shalt  }
0x68: {  	_ =	shalt  }
0x69: {  	_ =	shalt  }
0x6a: {  	_ =	shalt  }
0x6b: {  	_ =	shalt  }
0x6c: {  	_ =	shalt  }
0x6d: {  	_ =	shalt  }
0x6e: {  	_ =	shalt  }
0x6f: {  	_ =	shalt  }
0x70: {  	_ =	shalt  }
0x71: {  	_ =	shalt  }
0x72: {  	_ =	shalt  }
0x73: {  	_ =	shalt  }
0x74: {  	_ =	shalt  }
0x75: {  	_ =	shalt  }
0x76: {  	_ =	shalt  }
0x77: {  	_ =	shalt  }
0x78: {  	_ =	shalt  }
0x79: {  	_ =	shalt  }
0x7a: {  	_ =	shalt  }
0x7b: {  	_ =	shalt  }
0x7c: {  	_ =	shalt  }
0x7d: {  	_ =	shalt  }
0x7e: {  	_ =	shalt  }
0x7f: {  	_ =	shalt  }
0x80: {  	_ =	shalt  }
0x81: {  	_ =	shalt  }
0x82: {  	_ =	shalt  }
0x83: {  	_ =	shalt  }
0x84: {  	_ =	shalt  }
0x85: {  	_ =	shalt  }
0x86: {  	_ =	shalt  }
0x87: {  	_ =	shalt  }
.Lfunc_end0:
.L_simem_size_0:
called_computation_lowered:
.L_overlay_start_0:
0x88: {  	s2 =	sld [smem:$0x3FD9]  }
0x89: {  	s3 =	sld [smem:$0x3FFE];
	_ =	sdelay $0x1  }
0x8a: {  	s1 =	srdreg.scid  }
0x8b: {  	s0 =	sand.u32 $0x1, s1  }
0x8c: {  	s17 =	sshll.u32 s0, $0xA;
	s2 =	sadd.s32 s3, s2  }
0x8d: {  	s2 =	sadd.s32 s2, s17  }
0x8e: {  	[smem:$0x3FBD] =	sst s2  }
0x8f: {  	_ = 	snop  }
0x90: {  	s18 =	sld [smem:$0x3FC9];
	(tm) =	ssettm $0x1  }
0x91: {  	s19 =	sld [smem:$0x3FFB];
	_ =	sdelay $0x3  }
0x92: {  	_ =	strace s19  }
0x93: {  	s2 =	sld [smem:$0x3FFC];
	_ =	sdelay $0x3  }
0x94: {  	_ =	strace s2  }
0x95: {  	s2 =	sld [smem:$0x3FFD];
	_ =	sdelay $0x3  }
0x96: {  	_ =	strace s2  }
0x97: {  	_ =	strace $0x8FFFFFFF  }
0x98: {  	s20 =	sld [smem:$0x3FDB];
	_ =	sdelay $0x1  }
0x99: {  	s4 =	simm.s32 $_scs_section_size  }
0x9a: {  	s5 =	simm.s32 $_size__tile_overlayer_lowered;
	s6 =	simm.s32 $_tile_overlayer_lowered  }
0x9b: {  	s7 =	simm.s32 $0x1BFF;
	s21 =	sshll.u32 s6, $0x1;
	s4 =	sadd.s32 s4, s20  }
0x9c: {  	s22 =	simm.s32 $0x0;
	s5 =	sshll.u32 s5, $0x1;
	s6 =	sadd.s32 s21, s4  }
0x9d: {  	[timem:s22], [sflag:s7] =	dma.local [hbm:s6], s5  }
0x9e: {  	_ =	swait.ge [sflag:s7], s5  }
0x9f: {  	s5 =	ssub.s32 $0x0, s5;
	[sflag:s7] =	ssyncset.done $0x0  }
0xa0: {  	[sflag:s7] =	ssyncadd.s32 s5;
	_ =	sdelay $0x1  }
0xa1: {  	s23 =	simm.s32 $0x1B8B  }
0xa2: {  	_ =	swait.ge [sflag:s23], $0x1  }
0xa3: {  	[sflag:s23] =	ssyncset.done $0x0  }
0xa4: {  	[sflag:s23] =	ssyncadd.s32 $0xFFFFFFFF  }
0xa5: {  	s5 =	sld [smem:$0x0]  }
0xa6: {  	s6 =	sand.u32 $0xFFFFFFFE, s1  }
0xa7: {  	p0 =	sne.s32 s1, s6  }
0xa8: {  	s6 =	sshll.u32 @p0 s6, $0xE  }
0xa9: {  	s6 =	sadd.s32 @p0 $0x11B8D, s6;
	s7 =	sshll.u32 @p0 s5, $0x11  }
0xaa: {  	s6 =	sor.u32 @p0 s7, s6  }
0xab: {  	[sflag:s6] =	ssyncadd.remote.s32 @p0 $0x1;
	_ =	sdelay $0x1  }
0xac: {  	s6 =	simm.s32 @p0 $0x1B8D  }
0xad: {  	_ =	swait.eq @p0 [sflag:s6], $0x1  }
0xae: {  	[sflag:s6] =	ssyncadd.s32 @p0 $0xFFFFFFFF  }
0xaf: {  	s7 =	sshll.u32 @!p0 s1, $0xE  }
0xb0: {  	s7 =	sor.u32 @!p0 $0x4000, s7;
	s6 =	simm.s32 @!p0 $0x1B8D  }
0xb1: {  	s5 =	sshll.u32 @!p0 s5, $0x11;
	s7 =	sadd.s32 @!p0 $0x11B8D, s7;
	_ =	swait.eq @!p0 [sflag:s6], $0x1  }
0xb2: {  	s5 =	sor.u32 @!p0 s5, s7;
	[sflag:s6] =	ssyncadd.s32 @!p0 $0xFFFFFFFF  }
0xb3: {  	s25 =	simm.s32 $0x1B8E;
	s24 =	sld [smem:$0x3FFE];
	[sflag:s5] =	ssyncadd.remote.s32 @!p0 $0x1  }
0xb4: {  	s26 =	simm.s32 $execute0_lowered;
	[smem:$0x3FD2] =	sst s25  }
0xb5: {  	s6 =	sshll.u32 s26, $0x1;
	_ =	strace $0x80000049;
	[dreg:$0x1] =	wrdreg $0xFFFFFFFF  }
0xb6: {  	s28 =	simm.s32 $_size_execute0_lowered;
	s4 =	sadd.s32 s4, s6;
	[dreg:$0x0] =	wrdreg $0x0  }
0xb7: {  	s6 =	sshll.u32 s28, $0x1;
	[dreg:$0x2] =	wrdreg s4  }
0xb8: {  	[dreg:$0x3] =	wrdreg s6  }
0xb9: {  	[dreg:$0x4] =	wrdreg $0xC0  }
0xba: {  	_ =	task [dreg:s22], $0x5FFFF  }
0xbb: {  	[dreg:$0x1] =	wrdreg $0xFFFFFFFF  }
0xbc: {  	[dreg:$0x0] =	wrdreg $0x60  }
0xbd: {  	[dreg:$0x2] =	wrdreg s18  }
0xbe: {  	[dreg:$0x3] =	wrdreg s24  }
0xbf: {  	[dreg:$0x4] =	wrdreg $0xA5000  }
0xc0: {  	[dreg:$0x5] =	wrdreg $0x9  }
0xc1: {  	_ =	task.clear_ibuf [dreg:s22], $0x6FFFF;
	_ =	strace $0x90000049  }
0xc2: {  	s29 =	simm.s32 $0x9;
	_ =	strace $0x8000004B  }
0xc3: {  	_ =	swait.ge [sflag:s29], $0x1  }
0xc4: {  	[sflag:s29] =	ssyncadd.s32 $0xFFFFFFFF  }
0xc5: {  	_ =	strace $0x9000004B  }
0xc6: {  	_ =	sfence  }
0xc7: {  	s30 =	sld [smem:$0x0];
	_ =	sdelay $0x2  }
0xc8: {  	s31 =	sshll.u32 s1, $0xD;
	s1 =	sshrl.u32 s1, $0x2  }
0xc9: {  	s4 =	sand.u32 $0x4000, s31;
	s1 =	sadd.s32 s1, s30  }
0xca: {  	s0 =	sor.u32 s4, s0;
	s1 =	sshll.u32 s1, $0x11  }
0xcb: {  	s0 =	sor.u32 s1, s0  }
0xcc: {  	s0 =	sadd.s32 $0x8F2B, s0  }
0xcd: {  	[sflag:s0] =	ssyncadd.remote.s32 $0x1  }
0xce: {  	_ =	sfence.sel $0xFFFF  }
0xcf: {  	[dreg:$0x0] =	wrdreg $0xFFFFFFFF;
	(pc) =	sbr.abs _section_cstart, $3  }
0xd0: {  	[dreg:$0x1] =	wrdreg $0xFFFFFFFF  }
0xd1: {  	_ =	task.clear_ibuf [dreg:s22], $0x2FFFF;
	_ =	strace $0x9FFFFFFF  }
0xd2: {  	(tm) =	ssettm $0x7FFFFFFF  }
0xd3: {  	_ =	shalt  }
tec
execute0_lowered:
.L_overlay_start_1:
0x0: {  	(tag) =	ssettag $0x1  }
0x1: {  	s15 =	rddreg [dreg:$0x0]  }
0x2: {  	s0 =	rddreg [dreg:$0x1]  }
0x3: {  	s1 =	rddreg [dreg:$0x2]  }
0x4: {  	s2 =	srdreg.scid;
	s12 =	stileid.u32;
	s4 =	simm.s32 $0x0  }
0x5: {  	s29 =	simm.s32 $0x80;
	s30 =	simm.s32 $0x2100;
	s31 =	simm.s32 $0x2  }
0x6: {  	s28 =	simm.s32 $0x8400;
	s8 =	sand.u32 $0x1, s2;
	s23 =	smul.u32 $0x9E00, s12  }
0x7: {  	[smem:$0x7FF] =	sst s4;
	s5 =	sadd.s32 $0xBC00, s0;
	s9 =	smul.u32 $0x27800, s12  }
0x8: {  	s6 =	sadd.s32 $0x1E00, s0;
	s7 =	smul.u32 $0x9E000, s8;
	s10 =	ssub.s32 $0x2, s8  }
0x9: {  	_ =	strace $0x8000004A;
	s11 =	sshrl.u32 s10, $0x1;
	s9 =	sshrl.u32 s9, $0x2  }
0xa: {  	s7 =	sadd.s32 s23, s7;
	s9 =	sadd.s32 s9, s1;
	s23 =	sadd.s32 s23, s1  }
0xb: {  	s24 =	ssub.s32 s10, s11;
	s25 =	sadd.s32 $0x2000, s9;
	[dreg:$0x4] =	wrdreg s23  }
0xc: {  	s11 =	sshll.u32 s12, $0x4;
	s26 =	sadd.s32 $0x4000, s9;
	[dreg:$0x5] =	wrdreg s25  }
0xd: {  	s12 =	simm.s32 $0xE;
	s3 =	sadd.s32 $0x6000, s9;
	[dreg:$0x6] =	wrdreg s26  }
0xe: {  	s7 =	sshrl.u32 s7, $0x3;
	s10 =	sadd.s32 $0x8000, s9;
	[dreg:$0x7] =	wrdreg s3  }
0xf: {  	s13 =	sadd.s32 s5, s11;
	s24 =	smax.u32 s24, $0x1;
	[dreg:$0x8] =	wrdreg s10  }
0x10: {  	s14 =	sadd.s32 s6, s11;
	s16 =	sor.u32 $0x100, s11;
	[dreg:$0x14] =	wrdreg s24  }
0x11: {  	s18 =	sor.u32 $0x200, s11;
	s20 =	sor.u32 $0x300, s11;
	[dreg:$0xa] =	wrdreg s14  }
0x12: {  	s2 =	sor.u32 $0x400, s11;
	s17 =	sadd.s32 s5, s16;
	[dreg:$0x9] =	wrdreg s13  }
0x13: {  	s0 =	sadd.s32 s7, s0;
	s9 =	sadd.s32 s6, s16;
	[dreg:$0xb] =	wrdreg s17  }
0x14: {  	s19 =	sadd.s32 s5, s18;
	s21 =	sadd.s32 s5, s20;
	[dreg:$0xc] =	wrdreg s9  }
0x15: {  	s22 =	sadd.s32 s5, s2;
	s2 =	sadd.s32 s6, s2;
	[dreg:$0xd] =	wrdreg s19  }
0x16: {  	s25 =	sadd.s32 $0x500, s14;
	s26 =	sadd.s32 $0x500, s13;
	[dreg:$0xf] =	wrdreg s21  }
0x17: {  	s10 =	simm.s32 $0x100;
	s16 =	simm.s32 $0xA;
	[dreg:$0x11] =	wrdreg s22  }
0x18: {  	s3 =	simm.s32 $0x0;
	s13 =	simm.s32 $0xB;
	[dreg:$0x12] =	wrdreg s2  }
0x19: {  	s24 =	simm.s32 $0x4;
	s9 =	sadd.s32 s6, s18;
	[dreg:$0x15] =	wrdreg s25  }
0x1a: {  	s0 =	sadd.s32 $0x1AE00, s0;
	[dreg:$0x16] =	wrdreg s26;
	s26 =	simm.s32 $0x15  }
0x1b: {  	s19 =	simm.s32 $0x2180;
	s2 =	simm.s32 $0x9;
	s18 =	simm.s32 $0x7  }
0x1c: {  	s21 =	simm.s32 $0xD;
	s22 =	simm.s32 $0x6380;
	[dreg:$0xe] =	wrdreg s9  }
0x1d: {  	s25 =	simm.s32 $0x2200;
	s9 =	sadd.s32 s6, s20;
	[dreg:$0x13] =	wrdreg s0  }
0x1e: {  	v1 =	vimm.f32 $0.0e+00;
	v0 =	vmov s8;
	s0 =	simm.s32 $0x3;
	s20 =	simm.s32 $0x5;
	[dreg:$0x10] =	wrdreg s9  }
.LBB2_1:
0x1f: {  	[dreg:$0x17] =	wrdreg s3;
	s11 =	simm.s32 $0x100;
	s9 =	simm.s32 $0x0  }
.LBB2_2:
0x20: {  	p0 =	sne.s32 s11, $0x7F00;
	[tilespmem:s9+$0x130] =	vst v1;
	s14 =	smov.u32 s11;
	s11 =	sadd.s32 $0x100, s11  }
.Ltmp0:
0x21: {  	[tilespmem:s9+$0x120] =	vst v1;
	(pc) =	sbr.rel @p0 .LBB2_2-.Ltmp0, $3  }
0x22: {  	[tilespmem:s9+$0x100] =	vst v1  }
0x23: {  	[tilespmem:s9+$0x110] =	vst v1;
	_ =	sdelay $0x1  }
0x24: {  	s9 =	sshra.s32 s14, $0x2  }
0x25: {  	[tilespmem:s9+$0x130] =	vst v1  }
0x26: {  	[tilespmem:s9+$0x120] =	vst v1  }
0x27: {  	[tilespmem:s9+$0x100] =	vst v1  }
0x28: {  	[tilespmem:s9+$0x110] =	vst v1  }
0x29: {  	[spmem:s23] =	stream.linear.scatter [tilespmem:s10], [sflag:$0x15], $0x2000, $0x38;
	[tilespmem:$0x14300] =	vst v63  }
0x2a: {  	_ =	swait.ge [sflag:s26], $0x2000  }
0x2b: {  	[sflag:s26] =	ssyncset.done $0x0  }
0x2c: {  	s7 =	rddreg [dreg:$0x5];
	[sflag:s26] =	ssyncadd.s32 $0xFFFFE000  }
0x2d: {  	[spmem:s7] =	stream.linear.scatter [tilespmem:s10], [sflag:$0x15], $0x2000, $0x38;
	[tilespmem:$0x14300] =	vst v63  }
0x2e: {  	_ =	swait.ge [sflag:s26], $0x2000  }
0x2f: {  	[sflag:s26] =	ssyncset.done $0x0  }
0x30: {  	s14 =	rddreg [dreg:$0x6];
	[sflag:s26] =	ssyncadd.s32 $0xFFFFE000  }
0x31: {  	[spmem:s14] =	stream.linear.scatter [tilespmem:s10], [sflag:$0x15], $0x2000, $0x38;
	[tilespmem:$0x14300] =	vst v63  }
0x32: {  	_ =	swait.ge [sflag:s26], $0x2000  }
0x33: {  	[sflag:s26] =	ssyncset.done $0x0  }
0x34: {  	s17 =	rddreg [dreg:$0x7];
	[sflag:s26] =	ssyncadd.s32 $0xFFFFE000  }
0x35: {  	[spmem:s17] =	stream.linear.scatter [tilespmem:s10], [sflag:$0x15], $0x2000, $0x38;
	[tilespmem:$0x14300] =	vst v63  }
0x36: {  	_ =	swait.ge [sflag:s26], $0x2000  }
0x37: {  	[sflag:s26] =	ssyncset.done $0x0  }
0x38: {  	s23 =	rddreg [dreg:$0x8];
	[sflag:s26] =	ssyncadd.s32 $0xFFFFE000  }
0x39: {  	[spmem:s23] =	stream.linear.scatter [tilespmem:s10], [sflag:$0x15], $0x1E00, $0x38;
	[tilespmem:$0x14300] =	vst v63  }
0x3a: {  	_ =	swait.ge [sflag:s26], $0x1E00  }
0x3b: {  	[sflag:s26] =	ssyncset.done $0x0  }
0x3c: {  	[sflag:s26] =	ssyncadd.s32 $0xFFFFE200  }
0x3d: {  	[bflag:$0x0] =	sbarrier.arrive $0xFFFF  }
0x3e: {  	s9 =	simm.s32 $0x0;
	s3 =	rddreg [dreg:$0x9]  }
0x3f: {  	[tilespmem:s9], [sflag:$0x15] =	stream.linear.gather [hbm4b:s3+s9], $0x80, $0x38;
	[tilespmem:$0x14300] =	vst v63  }
0x40: {  	_ =	swait.ge [sflag:s26], $0x80  }
0x41: {  	[sflag:s26] =	ssyncset.done $0x0  }
0x42: {  	s8 =	rddreg [dreg:$0xa];
	[sflag:s26] =	ssyncadd.s32 $0xFFFFFF80  }
0x43: {  	[tilespmem:s29], [sflag:$0x15] =	stream.linear.gather [hbm4b:s8+s9], $0x80, $0x38;
	[tilespmem:$0x14300] =	vst v63  }
0x44: {  	_ =	swait.ge [sflag:s26], $0x80  }
0x45: {  	[sflag:s26] =	ssyncset.done $0x0  }
0x46: {  	[sflag:s26] =	ssyncadd.s32 $0xFFFFFF80  }
0x47: {  	v2 =	vld [tilespmem:$0x0]  }
0x48: {  	v3 =	vld [tilespmem:$0x10]  }
0x49: {  	v4 =	vld [tilespmem:$0x20]  }
0x4a: {  	v5 =	vld [tilespmem:$0x30]  }
0x4b: {  	v6 =	vld [tilespmem:$0x40]  }
0x4c: {  	v7 =	vld [tilespmem:$0x50];
	v2 =	vshll.u32 v2, $0x1  }
0x4d: {  	v8 =	vld [tilespmem:$0x60];
	v3 =	vshll.u32 v3, $0x1;
	v2 =	vor.u32 v0, v2  }
0x4e: {  	v45 =	vld [tilespmem:$0x70];
	[tilespmem:$0x0] =	vst v2;
	v2 =	vor.u32 v0, v3;
	v3 =	vshll.u32 v4, $0x1  }
0x4f: {  	[tilespmem:$0x10] =	vst v2;
	v2 =	vor.u32 v0, v3;
	v3 =	vshll.u32 v5, $0x1  }
0x50: {  	[tilespmem:$0x20] =	vst v2;
	v2 =	vor.u32 v0, v3;
	v3 =	vshll.u32 v6, $0x1  }
0x51: {  	[tilespmem:$0x30] =	vst v2;
	v2 =	vor.u32 v0, v3;
	v3 =	vshll.u32 v7, $0x1  }
0x52: {  	[tilespmem:$0x40] =	vst v2;
	v2 =	vor.u32 v0, v3;
	v3 =	vshll.u32 v8, $0x1  }
0x53: {  	[tilespmem:$0x50] =	vst v2;
	v2 =	vor.u32 v0, v3;
	v3 =	vshll.u32 v45, $0x1  }
0x54: {  	[tilespmem:$0x60] =	vst v2;
	v2 =	vor.u32 v0, v3  }
0x55: {  	[tilespmem:$0x70] =	vst v2  }
0x56: {  	[tilespmem:s10], [sflag:$0x3] =	stream.indirect.gather [hbm4b:s15+s29], $0x40, s9, s29, $0xb8;
	[tilespmem:$0x14300] =	vst v63  }
0x57: {  	s11 =	rddreg [dreg:$0xb]  }
0x58: {  	[tilespmem:s30], [sflag:$0x15] =	stream.linear.gather [hbm4b:s11+s9], $0x80, $0x38;
	[tilespmem:$0x14300] =	vst v63  }
0x59: {  	_ =	swait.ge [sflag:s26], $0x80  }
0x5a: {  	[sflag:s26] =	ssyncset.done $0x0  }
0x5b: {  	s14 =	rddreg [dreg:$0xc];
	[sflag:s26] =	ssyncadd.s32 $0xFFFFFF80  }
0x5c: {  	[tilespmem:s19], [sflag:$0x15] =	stream.linear.gather [hbm4b:s14+s9], $0x80, $0x38;
	[tilespmem:$0x14300] =	vst v63  }
0x5d: {  	_ =	swait.ge [sflag:s26], $0x80  }
0x5e: {  	[sflag:s26] =	ssyncset.done $0x0  }
0x5f: {  	[sflag:s26] =	ssyncadd.s32 $0xFFFFFF80  }
0x60: {  	v2 =	vld [tilespmem:$0x2100]  }
0x61: {  	v3 =	vld [tilespmem:$0x2110]  }
0x62: {  	v46 =	vld [tilespmem:$0x2120]  }
0x63: {  	v47 =	vld [tilespmem:$0x2130]  }
0x64: {  	v48 =	vld [tilespmem:$0x2140]  }
0x65: {  	v49 =	vld [tilespmem:$0x2150];
	v2 =	vshll.u32 v2, $0x1  }
0x66: {  	v50 =	vld [tilespmem:$0x2160];
	v3 =	vshll.u32 v3, $0x1;
	v2 =	vor.u32 v0, v2  }
0x67: {  	v51 =	vld [tilespmem:$0x2170];
	[tilespmem:$0x2100] =	vst v2;
	v2 =	vor.u32 v0, v3;
	v3 =	vshll.u32 v46, $0x1  }
0x68: {  	[tilespmem:$0x2110] =	vst v2;
	v2 =	vor.u32 v0, v3;
	v3 =	vshll.u32 v47, $0x1  }
0x69: {  	[tilespmem:$0x2120] =	vst v2;
	v2 =	vor.u32 v0, v3;
	v3 =	vshll.u32 v48, $0x1  }
0x6a: {  	[tilespmem:$0x2130] =	vst v2;
	v2 =	vor.u32 v0, v3;
	v3 =	vshll.u32 v49, $0x1  }
0x6b: {  	[tilespmem:$0x2140] =	vst v2;
	v2 =	vor.u32 v0, v3;
	v3 =	vshll.u32 v50, $0x1  }
0x6c: {  	[tilespmem:$0x2150] =	vst v2;
	v2 =	vor.u32 v0, v3;
	v3 =	vshll.u32 v51, $0x1  }
0x6d: {  	[tilespmem:$0x2160] =	vst v2;
	v2 =	vor.u32 v0, v3  }
0x6e: {  	s3 =	simm.s32 $0x2200;
	[tilespmem:$0x2170] =	vst v2  }
0x6f: {  	[tilespmem:s3], [sflag:$0x7] =	stream.indirect.gather [hbm4b:s15+s29], $0x40, s30, s29, $0xb8;
	[tilespmem:$0x14300] =	vst v63  }
0x70: {  	s8 =	simm.s32 $0x4200;
	s17 =	rddreg [dreg:$0xd]  }
0x71: {  	[tilespmem:s8], [sflag:$0x9] =	stream.linear.gather [hbm4b:s17+s9], $0x80, $0x38;
	[tilespmem:$0x14300] =	vst v63  }
0x72: {  	s14 =	simm.s32 $0x4280;
	s23 =	rddreg [dreg:$0xe]  }
0x73: {  	[tilespmem:s14], [sflag:$0xA] =	stream.linear.gather [hbm4b:s23+s9], $0x80, $0x38;
	[tilespmem:$0x14300] =	vst v63  }
0x74: {  	_ =	swait.ge [sflag:s0], $0x2000  }
0x75: {  	[sflag:s0] =	ssyncset.done $0x0  }
0x76: {  	[sflag:s0] =	ssyncadd.s32 $0xFFFFE000  }
0x77: {  	[spmem:s1] =	stream.indirect.scatter.add.f32 [tilespmem:s10], [sflag:$0x4], $0x40, s29, s29, $0xb8;
	[tilespmem:$0x14300] =	vst v63  }
0x78: {  	s26 =	rddreg [dreg:$0xf];
	s0 =	simm.s32 $0x6300  }
0x79: {  	[tilespmem:s0], [sflag:$0xD] =	stream.linear.gather [hbm4b:s26+s9], $0x80, $0x38;
	[tilespmem:$0x14300] =	vst v63  }
0x7a: {  	s11 =	simm.s32 $0x6380;
	s10 =	rddreg [dreg:$0x10]  }
0x7b: {  	[tilespmem:s11], [sflag:$0xE] =	stream.linear.gather [hbm4b:s10+s9], $0x80, $0x38;
	[tilespmem:$0x14300] =	vst v63  }
0x7c: {  	_ =	swait.ge [sflag:s2], $0x80  }
0x7d: {  	[sflag:s2] =	ssyncset.done $0x0  }
0x7e: {  	[sflag:s2] =	ssyncadd.s32 $0xFFFFFF80  }
0x7f: {  	_ =	swait.ge [sflag:s16], $0x80  }
0x80: {  	[sflag:s16] =	ssyncset.done $0x0  }
0x81: {  	[sflag:s16] =	ssyncadd.s32 $0xFFFFFF80  }
0x82: {  	v2 =	vld [tilespmem:$0x4200]  }
0x83: {  	v3 =	vld [tilespmem:$0x4210]  }
0x84: {  	v52 =	vld [tilespmem:$0x4220]  }
0x85: {  	v53 =	vld [tilespmem:$0x4230]  }
0x86: {  	v54 =	vld [tilespmem:$0x4240]  }
0x87: {  	v55 =	vld [tilespmem:$0x4250];
	v2 =	vshll.u32 v2, $0x1  }
0x88: {  	v56 =	vld [tilespmem:$0x4260];
	v3 =	vshll.u32 v3, $0x1;
	v2 =	vor.u32 v0, v2  }
0x89: {  	v57 =	vld [tilespmem:$0x4270];
	[tilespmem:$0x4200] =	vst v2;
	v2 =	vor.u32 v0, v3;
	v3 =	vshll.u32 v52, $0x1  }
0x8a: {  	[tilespmem:$0x4210] =	vst v2;
	v2 =	vor.u32 v0, v3;
	v3 =	vshll.u32 v53, $0x1  }
0x8b: {  	[tilespmem:$0x4220] =	vst v2;
	v2 =	vor.u32 v0, v3;
	v3 =	vshll.u32 v54, $0x1  }
0x8c: {  	[tilespmem:$0x4230] =	vst v2;
	v2 =	vor.u32 v0, v3;
	v3 =	vshll.u32 v55, $0x1  }
0x8d: {  	[tilespmem:$0x4240] =	vst v2;
	v2 =	vor.u32 v0, v3;
	v3 =	vshll.u32 v56, $0x1  }
0x8e: {  	[tilespmem:$0x4250] =	vst v2;
	v2 =	vor.u32 v0, v3;
	v3 =	vshll.u32 v57, $0x1  }
0x8f: {  	[tilespmem:$0x4260] =	vst v2;
	v2 =	vor.u32 v0, v3  }
0x90: {  	s26 =	simm.s32 $0x4300;
	[tilespmem:$0x4270] =	vst v2  }
0x91: {  	[tilespmem:s26], [sflag:$0xB] =	stream.indirect.gather [hbm4b:s15+s29], $0x40, s8, s29, $0xb8;
	[tilespmem:$0x14300] =	vst v63  }
0x92: {  	_ =	swait.ge [sflag:s18], $0x2000  }
0x93: {  	[sflag:s18] =	ssyncset.done $0x0  }
0x94: {  	[sflag:s18] =	ssyncadd.s32 $0xFFFFE000  }
0x95: {  	[spmem:s1] =	stream.indirect.scatter.add.f32 [tilespmem:s3], [sflag:$0x8], $0x40, s19, s29, $0xb8;
	[tilespmem:$0x14300] =	vst v63  }
0x96: {  	s17 =	simm.s32 $0x8400;
	s16 =	rddreg [dreg:$0x11]  }
0x97: {  	[tilespmem:s17], [sflag:$0x11] =	stream.linear.gather [hbm4b:s16+s9], $0x80, $0x38;
	[tilespmem:$0x14300] =	vst v63  }
0x98: {  	s23 =	simm.s32 $0x8480;
	s18 =	rddreg [dreg:$0x12]  }
0x99: {  	[tilespmem:s23], [sflag:$0x12] =	stream.linear.gather [hbm4b:s18+s9], $0x80, $0x38;
	[tilespmem:$0x14300] =	vst v63  }
0x9a: {  	_ =	swait.ge [sflag:s21], $0x80  }
0x9b: {  	[sflag:s21] =	ssyncset.done $0x0  }
0x9c: {  	[sflag:s21] =	ssyncadd.s32 $0xFFFFFF80  }
0x9d: {  	_ =	swait.ge [sflag:s12], $0x80  }
0x9e: {  	[sflag:s12] =	ssyncset.done $0x0  }
0x9f: {  	[sflag:s12] =	ssyncadd.s32 $0xFFFFFF80  }
0xa0: {  	v2 =	vld [tilespmem:$0x6300]  }
0xa1: {  	v3 =	vld [tilespmem:$0x6310]  }
0xa2: {  	v58 =	vld [tilespmem:$0x6320]  }
0xa3: {  	v59 =	vld [tilespmem:$0x6330]  }
0xa4: {  	v60 =	vld [tilespmem:$0x6340]  }
0xa5: {  	v61 =	vld [tilespmem:$0x6350];
	v2 =	vshll.u32 v2, $0x1  }
0xa6: {  	v62 =	vld [tilespmem:$0x6360];
	v3 =	vshll.u32 v3, $0x1;
	v2 =	vor.u32 v0, v2  }
0xa7: {  	v63 =	vld [tilespmem:$0x6370];
	[tilespmem:$0x6300] =	vst v2;
	v2 =	vor.u32 v0, v3;
	v3 =	vshll.u32 v58, $0x1  }
0xa8: {  	[tilespmem:$0x6310] =	vst v2;
	v2 =	vor.u32 v0, v3;
	v3 =	vshll.u32 v59, $0x1  }
0xa9: {  	[tilespmem:$0x6320] =	vst v2;
	v2 =	vor.u32 v0, v3;
	v3 =	vshll.u32 v60, $0x1  }
0xaa: {  	[tilespmem:$0x6330] =	vst v2;
	v2 =	vor.u32 v0, v3;
	v3 =	vshll.u32 v61, $0x1  }
0xab: {  	[tilespmem:$0x6340] =	vst v2;
	v2 =	vor.u32 v0, v3;
	v3 =	vshll.u32 v62, $0x1  }
0xac: {  	s7 =	simm.s32 $0x6400;
	s8 =	simm.s32 $0x10;
	[tilespmem:$0x6350] =	vst v2;
	v2 =	vor.u32 v0, v3;
	v3 =	vshll.u32 v63, $0x1  }
0xad: {  	s3 =	simm.s32 $0x14;
	s16 =	simm.s32 $0x6;
	s23 =	rddreg [dreg:$0x16];
	[tilespmem:$0x6360] =	vst v2;
	v2 =	vor.u32 v0, v3  }
0xae: {  	s18 =	simm.s32 $0x8;
	s21 =	simm.s32 $0x13;
	s11 =	rddreg [dreg:$0x15];
	[tilespmem:$0x6370] =	vst v2  }
0xaf: {  	[tilespmem:s7], [sflag:$0xF] =	stream.indirect.gather [hbm4b:s15+s29], $0x40, s0, s29, $0xb8;
	[tilespmem:$0x14300] =	vst v63  }
.LBB2_4:
0xb0: {  	_ =	swait.ge [sflag:s13], $0x2000  }
0xb1: {  	[sflag:s13] =	ssyncset.done $0x0  }
0xb2: {  	[sflag:s13] =	ssyncadd.s32 $0xFFFFE000  }
0xb3: {  	[spmem:s1] =	stream.indirect.scatter.add.f32 [tilespmem:s26], [sflag:$0xC], $0x40, s14, s29, $0xb8;
	[tilespmem:$0x14300] =	vst v63  }
0xb4: {  	_ =	swait.ge [sflag:s24], $0x2000  }
0xb5: {  	[sflag:s24] =	ssyncset.done $0x0  }
0xb6: {  	[sflag:s24] =	ssyncadd.s32 $0xFFFFE000  }
0xb7: {  	[tilespmem:s4], [sflag:$0x1] =	stream.linear.gather [hbm4b:s23+s4], $0x80, $0x38;
	[tilespmem:$0x14300] =	vst v63  }
0xb8: {  	s0 =	simm.s32 $0x11  }
0xb9: {  	[tilespmem:s29], [sflag:$0x2] =	stream.linear.gather [hbm4b:s11+s4], $0x80, $0x38;
	[tilespmem:$0x14300] =	vst v63  }
0xba: {  	_ =	swait.ge [sflag:s0], $0x80  }
0xbb: {  	[sflag:s0] =	ssyncset.done $0x0  }
0xbc: {  	s17 =	simm.s32 $0x12;
	[sflag:s0] =	ssyncadd.s32 $0xFFFFFF80  }
0xbd: {  	_ =	swait.ge [sflag:s17], $0x80  }
0xbe: {  	[sflag:s17] =	ssyncset.done $0x0  }
0xbf: {  	[sflag:s17] =	ssyncadd.s32 $0xFFFFFF80  }
0xc0: {  	v2 =	vld [tilespmem:$0x8400]  }
0xc1: {  	v3 =	vld [tilespmem:$0x8410]  }
0xc2: {  	v4 =	vld [tilespmem:$0x8420]  }
0xc3: {  	v5 =	vld [tilespmem:$0x8430]  }
0xc4: {  	v6 =	vld [tilespmem:$0x8440]  }
0xc5: {  	v7 =	vld [tilespmem:$0x8450];
	v2 =	vshll.u32 v2, $0x1  }
0xc6: {  	v8 =	vld [tilespmem:$0x8460];
	v3 =	vshll.u32 v3, $0x1;
	v2 =	vor.u32 v0, v2  }
0xc7: {  	v48 =	vld [tilespmem:$0x8470];
	[tilespmem:$0x8400] =	vst v2;
	v2 =	vor.u32 v0, v3;
	v3 =	vshll.u32 v4, $0x1  }
0xc8: {  	[tilespmem:$0x8410] =	vst v2;
	v2 =	vor.u32 v0, v3;
	v3 =	vshll.u32 v5, $0x1  }
0xc9: {  	[tilespmem:$0x8420] =	vst v2;
	v2 =	vor.u32 v0, v3;
	v3 =	vshll.u32 v6, $0x1  }
0xca: {  	[tilespmem:$0x8430] =	vst v2;
	v2 =	vor.u32 v0, v3;
	v3 =	vshll.u32 v7, $0x1  }
0xcb: {  	[tilespmem:$0x8440] =	vst v2;
	v2 =	vor.u32 v0, v3;
	v3 =	vshll.u32 v8, $0x1  }
0xcc: {  	[tilespmem:$0x8450] =	vst v2;
	v2 =	vor.u32 v0, v3;
	v3 =	vshll.u32 v48, $0x1  }
0xcd: {  	[tilespmem:$0x8460] =	vst v2;
	v2 =	vor.u32 v0, v3  }
0xce: {  	s2 =	simm.s32 $0x8500;
	s10 =	stileid.u32;
	s26 =	simm.s32 $0xF;
	[tilespmem:$0x8470] =	vst v2  }
0xcf: {  	[tilespmem:s2], [sflag:$0x13] =	stream.indirect.gather [hbm4b:s15+s29], $0x40, s28, s29, $0xb8;
	[tilespmem:$0x14300] =	vst v63  }
0xd0: {  	s17 =	sadd.s32 s9, s10;
	_ =	swait.ge [sflag:s26], $0x2000  }
0xd1: {  	s14 =	sadd.s32 $0x60, s17;
	[sflag:s26] =	ssyncset.done $0x0  }
0xd2: {  	p0 =	slt.s32 s14, $0x9C3;
	[sflag:s26] =	ssyncadd.s32 $0xFFFFE000;
	s26 =	smov.u32 s14  }
0xd3: {  	[spmem:s1] =	stream.indirect.scatter.add.f32 [tilespmem:s7], [sflag:$0x10], $0x40, s22, s29, $0xb8;
	[tilespmem:$0x14300] =	vst v63  }
0xd4: {  	s26 =	simm.s32 @!p0 $0x9C3;
	_ =	swait.ge [sflag:s18], $0x2000  }
0xd5: {  	s26 =	sshll.u32 s26, $0x4;
	[sflag:s18] =	ssyncset.done $0x0  }
0xd6: {  	s12 =	sadd.s32 s5, s26;
	[sflag:s18] =	ssyncadd.s32 $0xFFFFE000  }
0xd7: {  	[tilespmem:s30], [sflag:$0x5] =	stream.linear.gather [hbm4b:s12+s4], $0x80, $0x38;
	[tilespmem:$0x14300] =	vst v63  }
0xd8: {  	s10 =	sadd.s32 s6, s26;
	s12 =	simm.s32 $0x1  }
0xd9: {  	[tilespmem:s19], [sflag:$0x6] =	stream.linear.gather [hbm4b:s10+s4], $0x80, $0x38;
	[tilespmem:$0x14300] =	vst v63  }
0xda: {  	_ =	swait.ge [sflag:s12], $0x80  }
0xdb: {  	[sflag:s12] =	ssyncset.done $0x0  }
0xdc: {  	[sflag:s12] =	ssyncadd.s32 $0xFFFFFF80  }
0xdd: {  	_ =	swait.ge [sflag:s31], $0x80  }
0xde: {  	[sflag:s31] =	ssyncset.done $0x0  }
0xdf: {  	[sflag:s31] =	ssyncadd.s32 $0xFFFFFF80  }
0xe0: {  	v2 =	vld [tilespmem:$0x0]  }
0xe1: {  	v3 =	vld [tilespmem:$0x10]  }
0xe2: {  	v49 =	vld [tilespmem:$0x20]  }
0xe3: {  	v50 =	vld [tilespmem:$0x30]  }
0xe4: {  	v51 =	vld [tilespmem:$0x40]  }
0xe5: {  	v52 =	vld [tilespmem:$0x50];
	v2 =	vshll.u32 v2, $0x1  }
0xe6: {  	v53 =	vld [tilespmem:$0x60];
	v3 =	vshll.u32 v3, $0x1;
	v2 =	vor.u32 v0, v2  }
0xe7: {  	v54 =	vld [tilespmem:$0x70];
	[tilespmem:$0x0] =	vst v2;
	v2 =	vor.u32 v0, v3;
	v3 =	vshll.u32 v49, $0x1  }
0xe8: {  	[tilespmem:$0x10] =	vst v2;
	v2 =	vor.u32 v0, v3;
	v3 =	vshll.u32 v50, $0x1  }
0xe9: {  	[tilespmem:$0x20] =	vst v2;
	v2 =	vor.u32 v0, v3;
	v3 =	vshll.u32 v51, $0x1  }
0xea: {  	[tilespmem:$0x30] =	vst v2;
	v2 =	vor.u32 v0, v3;
	v3 =	vshll.u32 v52, $0x1  }
0xeb: {  	[tilespmem:$0x40] =	vst v2;
	v2 =	vor.u32 v0, v3;
	v3 =	vshll.u32 v53, $0x1  }
0xec: {  	[tilespmem:$0x50] =	vst v2;
	v2 =	vor.u32 v0, v3;
	v3 =	vshll.u32 v54, $0x1  }
0xed: {  	[tilespmem:$0x60] =	vst v2;
	v2 =	vor.u32 v0, v3  }
0xee: {  	s12 =	simm.s32 $0x100;
	[tilespmem:$0x70] =	vst v2  }
0xef: {  	[tilespmem:s12], [sflag:$0x3] =	stream.indirect.gather [hbm4b:s15+s29], $0x40, s4, s29, $0xb8;
	[tilespmem:$0x14300] =	vst v63  }
0xf0: {  	s26 =	sadd.s32 $0x70, s17;
	_ =	swait.ge [sflag:s21], $0x2000  }
0xf1: {  	p0 =	slt.s32 s26, $0x9C3;
	s7 =	smov.u32 s26;
	[sflag:s21] =	ssyncset.done $0x0  }
0xf2: {  	s10 =	simm.s32 $0x8480;
	s19 =	simm.s32 $0xC;
	[sflag:s21] =	ssyncadd.s32 $0xFFFFE000  }
0xf3: {  	[spmem:s1] =	stream.indirect.scatter.add.f32 [tilespmem:s2], [sflag:$0x14], $0x40, s10, s29, $0xb8;
	[tilespmem:$0x14300] =	vst v63  }
0xf4: {  	s7 =	simm.s32 @!p0 $0x9C3;
	_ =	swait.ge [sflag:s19], $0x2000  }
0xf5: {  	s7 =	sshll.u32 s7, $0x4;
	[sflag:s19] =	ssyncset.done $0x0  }
0xf6: {  	s30 =	sadd.s32 s5, s7;
	s2 =	simm.s32 $0x4200;
	[sflag:s19] =	ssyncadd.s32 $0xFFFFE000  }
0xf7: {  	[tilespmem:s2], [sflag:$0x9] =	stream.linear.gather [hbm4b:s30+s4], $0x80, $0x38;
	[tilespmem:$0x14300] =	vst v63  }
0xf8: {  	s0 =	simm.s32 $0x4280;
	s7 =	sadd.s32 s6, s7  }
0xf9: {  	[tilespmem:s0], [sflag:$0xA] =	stream.linear.gather [hbm4b:s7+s4], $0x80, $0x38;
	[tilespmem:$0x14300] =	vst v63  }
0xfa: {  	_ =	swait.ge [sflag:s20], $0x80  }
0xfb: {  	[sflag:s20] =	ssyncset.done $0x0  }
0xfc: {  	[sflag:s20] =	ssyncadd.s32 $0xFFFFFF80  }
0xfd: {  	_ =	swait.ge [sflag:s16], $0x80  }
0xfe: {  	[sflag:s16] =	ssyncset.done $0x0  }
0xff: {  	[sflag:s16] =	ssyncadd.s32 $0xFFFFFF80  }
0x100: {  	v2 =	vld [tilespmem:$0x2100]  }
0x101: {  	v3 =	vld [tilespmem:$0x2180]  }
0x102: {  	p0 =	slt.u32 s14, $0x9C4;
	s7 =	simm.s32 $0x1;
	v55 =	vld [tilespmem:$0x2110]  }
0x103: {  	s7 =	simm.s32 @!p0 $0x0;
	v56 =	vld [tilespmem:$0x2190]  }
0x104: {  	v57 =	vmov s7;
	v58 =	vld [tilespmem:$0x2120]  }
0x105: {  	v6 =	vxor.u32 $0x1, v57;
	v59 =	vld [tilespmem:$0x21A0]  }
0x106: {  	v6 =	vmul.u32 $0x2710, v6;
	v9 =	vld [tilespmem:$0x2130];
	v2 =	vshll.u32 v2, $0x1;
	v3 =	vmul.u32 s7, v3  }
0x107: {  	v10 =	vld [tilespmem:$0x21B0];
	v2 =	vor.u32 v0, v2  }
0x108: {  	v61 =	vld [tilespmem:$0x2140];
	v60 =	vmul.u32 s7, v56;
	[tilespmem:$0x2100] =	vst v2;
	v2 =	vadd.s32 v6, v3;
	v3 =	vshll.u32 v55, $0x1  }
0x109: {  	[tilespmem:$0x2180] =	vst v2;
	v2 =	vor.u32 v0, v3;
	v3 =	vld [tilespmem:$0x21C0]  }
0x10a: {  	v12 =	vld [tilespmem:$0x2150];
	v62 =	vshll.u32 v58, $0x1;
	v63 =	vmul.u32 s7, v59;
	[tilespmem:$0x2110] =	vst v2;
	v2 =	vadd.s32 v6, v60  }
0x10b: {  	v13 =	vld [tilespmem:$0x21D0];
	[tilespmem:$0x2190] =	vst v2;
	v2 =	vor.u32 v0, v62  }
0x10c: {  	v16 =	vld [tilespmem:$0x2160];
	v14 =	vshll.u32 v9, $0x1;
	v15 =	vmul.u32 s7, v10;
	[tilespmem:$0x2120] =	vst v2;
	v2 =	vadd.s32 v6, v63  }
0x10d: {  	v17 =	vld [tilespmem:$0x21E0];
	[tilespmem:$0x21A0] =	vst v2;
	v2 =	vor.u32 v0, v14  }
0x10e: {  	v18 =	vld [tilespmem:$0x2170];
	v5 =	vshll.u32 v61, $0x1;
	[tilespmem:$0x2130] =	vst v2;
	v2 =	vadd.s32 v6, v15;
	v3 =	vmul.u32 s7, v3  }
0x10f: {  	v19 =	vld [tilespmem:$0x21F0];
	[tilespmem:$0x21B0] =	vst v2;
	v2 =	vor.u32 v0, v5  }
0x110: {  	v4 =	vmul.u32 s7, v13;
	[tilespmem:$0x2140] =	vst v2;
	v2 =	vadd.s32 v6, v3;
	v3 =	vshll.u32 v12, $0x1  }
0x111: {  	[tilespmem:$0x21C0] =	vst v2;
	v2 =	vor.u32 v0, v3  }
0x112: {  	v20 =	vmul.u32 s7, v17;
	v3 =	vshll.u32 v16, $0x1;
	[tilespmem:$0x2150] =	vst v2;
	v2 =	vadd.s32 v6, v4  }
0x113: {  	[tilespmem:$0x21D0] =	vst v2;
	v2 =	vor.u32 v0, v3  }
0x114: {  	v21 =	vmul.u32 s7, v19;
	v3 =	vshll.u32 v18, $0x1;
	[tilespmem:$0x2160] =	vst v2;
	v2 =	vadd.s32 v6, v20  }
0x115: {  	[tilespmem:$0x21E0] =	vst v2;
	v2 =	vor.u32 v0, v3  }
0x116: {  	[tilespmem:$0x2170] =	vst v2;
	v2 =	vadd.s32 v6, v21  }
0x117: {  	s19 =	simm.s32 $0x2100;
	s0 =	simm.s32 $0x3;
	[tilespmem:$0x21F0] =	vst v2  }
0x118: {  	[tilespmem:s25], [sflag:$0x7] =	stream.indirect.gather [hbm4b:s15+s29], $0x40, s19, s29, $0xb8;
	[tilespmem:$0x14300] =	vst v63  }
0x119: {  	_ =	swait.ge [sflag:s0], $0x2000  }
0x11a: {  	s14 =	sadd.s32 $0x80, s17;
	[sflag:s0] =	ssyncset.done $0x0  }
0x11b: {  	p0 =	slt.s32 s14, $0x9C3;
	s7 =	smov.u32 s14;
	[sflag:s0] =	ssyncadd.s32 $0xFFFFE000  }
0x11c: {  	[spmem:s1] =	stream.indirect.scatter.add.f32 [tilespmem:s12], [sflag:$0x4], $0x40, s29, s29, $0xb8;
	[tilespmem:$0x14300] =	vst v63  }
0x11d: {  	s7 =	simm.s32 @!p0 $0x9C3;
	_ =	swait.ge [sflag:s8], $0x2000  }
0x11e: {  	s7 =	sshll.u32 s7, $0x4;
	[sflag:s8] =	ssyncset.done $0x0  }
0x11f: {  	s30 =	sadd.s32 s5, s7;
	s12 =	simm.s32 $0x6300;
	[sflag:s8] =	ssyncadd.s32 $0xFFFFE000  }
0x120: {  	[tilespmem:s12], [sflag:$0xD] =	stream.linear.gather [hbm4b:s30+s4], $0x80, $0x38;
	[tilespmem:$0x14300] =	vst v63  }
0x121: {  	s7 =	sadd.s32 s6, s7  }
0x122: {  	[tilespmem:s22], [sflag:$0xE] =	stream.linear.gather [hbm4b:s7+s4], $0x80, $0x38;
	[tilespmem:$0x14300] =	vst v63  }
0x123: {  	s7 =	simm.s32 $0x9  }
0x124: {  	_ =	swait.ge [sflag:s7], $0x80  }
0x125: {  	[sflag:s7] =	ssyncset.done $0x0  }
0x126: {  	[sflag:s7] =	ssyncadd.s32 $0xFFFFFF80;
	s7 =	simm.s32 $0xA  }
0x127: {  	_ =	swait.ge [sflag:s7], $0x80  }
0x128: {  	[sflag:s7] =	ssyncset.done $0x0  }
0x129: {  	[sflag:s7] =	ssyncadd.s32 $0xFFFFFF80  }
0x12a: {  	v2 =	vld [tilespmem:$0x4200]  }
0x12b: {  	v3 =	vld [tilespmem:$0x4280]  }
0x12c: {  	p0 =	slt.u32 s26, $0x9C4;
	s7 =	simm.s32 $0x1;
	v22 =	vld [tilespmem:$0x4210]  }
0x12d: {  	s7 =	simm.s32 @!p0 $0x0;
	v23 =	vld [tilespmem:$0x4290]  }
0x12e: {  	v25 =	vld [tilespmem:$0x4220];
	v24 =	vmov s7  }
0x12f: {  	v26 =	vld [tilespmem:$0x42A0];
	v6 =	vxor.u32 $0x1, v24  }
0x130: {  	v27 =	vld [tilespmem:$0x4230];
	v6 =	vmul.u32 $0x2710, v6;
	v2 =	vshll.u32 v2, $0x1;
	v3 =	vmul.u32 s7, v3  }
0x131: {  	v28 =	vld [tilespmem:$0x42B0];
	v2 =	vor.u32 v0, v2  }
0x132: {  	v30 =	vld [tilespmem:$0x4240];
	v29 =	vmul.u32 s7, v23;
	[tilespmem:$0x4200] =	vst v2;
	v2 =	vadd.s32 v6, v3;
	v3 =	vshll.u32 v22, $0x1  }
0x133: {  	[tilespmem:$0x4280] =	vst v2;
	v2 =	vor.u32 v0, v3;
	v3 =	vld [tilespmem:$0x42C0]  }
0x134: {  	v33 =	vld [tilespmem:$0x4250];
	v31 =	vshll.u32 v25, $0x1;
	v32 =	vmul.u32 s7, v26;
	[tilespmem:$0x4210] =	vst v2;
	v2 =	vadd.s32 v6, v29  }
0x135: {  	v34 =	vld [tilespmem:$0x42D0];
	[tilespmem:$0x4290] =	vst v2;
	v2 =	vor.u32 v0, v31  }
0x136: {  	v37 =	vld [tilespmem:$0x4260];
	v35 =	vshll.u32 v27, $0x1;
	v36 =	vmul.u32 s7, v28;
	[tilespmem:$0x4220] =	vst v2;
	v2 =	vadd.s32 v6, v32  }
0x137: {  	v38 =	vld [tilespmem:$0x42E0];
	[tilespmem:$0x42A0] =	vst v2;
	v2 =	vor.u32 v0, v35  }
0x138: {  	v39 =	vld [tilespmem:$0x4270];
	v5 =	vshll.u32 v30, $0x1;
	[tilespmem:$0x4230] =	vst v2;
	v2 =	vadd.s32 v6, v36;
	v3 =	vmul.u32 s7, v3  }
0x139: {  	v40 =	vld [tilespmem:$0x42F0];
	[tilespmem:$0x42B0] =	vst v2;
	v2 =	vor.u32 v0, v5  }
0x13a: {  	v4 =	vmul.u32 s7, v34;
	[tilespmem:$0x4240] =	vst v2;
	v2 =	vadd.s32 v6, v3;
	v3 =	vshll.u32 v33, $0x1  }
0x13b: {  	[tilespmem:$0x42C0] =	vst v2;
	v2 =	vor.u32 v0, v3  }
0x13c: {  	v41 =	vmul.u32 s7, v38;
	v3 =	vshll.u32 v37, $0x1;
	[tilespmem:$0x4250] =	vst v2;
	v2 =	vadd.s32 v6, v4  }
0x13d: {  	[tilespmem:$0x42D0] =	vst v2;
	v2 =	vor.u32 v0, v3  }
0x13e: {  	v42 =	vmul.u32 s7, v40;
	v3 =	vshll.u32 v39, $0x1;
	[tilespmem:$0x4260] =	vst v2;
	v2 =	vadd.s32 v6, v41  }
0x13f: {  	[tilespmem:$0x42E0] =	vst v2;
	v2 =	vor.u32 v0, v3  }
0x140: {  	[tilespmem:$0x4270] =	vst v2;
	v2 =	vadd.s32 v6, v42  }
0x141: {  	s26 =	simm.s32 $0x4300;
	s7 =	simm.s32 $0x7;
	[tilespmem:$0x42F0] =	vst v2  }
0x142: {  	[tilespmem:s26], [sflag:$0xB] =	stream.indirect.gather [hbm4b:s15+s29], $0x40, s2, s29, $0xb8;
	[tilespmem:$0x14300] =	vst v63  }
0x143: {  	_ =	swait.ge [sflag:s7], $0x2000  }
0x144: {  	[sflag:s7] =	ssyncset.done $0x0  }
0x145: {  	s19 =	simm.s32 $0x2180;
	[sflag:s7] =	ssyncadd.s32 $0xFFFFE000;
	s7 =	sadd.s32 $0x90, s17  }
0x146: {  	[spmem:s1] =	stream.indirect.scatter.add.f32 [tilespmem:s25], [sflag:$0x8], $0x40, s19, s29, $0xb8;
	[tilespmem:$0x14300] =	vst v63  }
0x147: {  	p0 =	slt.s32 s7, $0x9C3  }
0x148: {  	_ =	swait.ge [sflag:s3], $0x2000;
	s7 =	simm.s32 @!p0 $0x9C3  }
0x149: {  	[sflag:s3] =	ssyncset.done $0x0;
	s7 =	sshll.u32 s7, $0x4  }
0x14a: {  	[sflag:s3] =	ssyncadd.s32 $0xFFFFE000;
	s2 =	sadd.s32 s5, s7  }
0x14b: {  	[tilespmem:s28], [sflag:$0x11] =	stream.linear.gather [hbm4b:s2+s4], $0x80, $0x38;
	[tilespmem:$0x14300] =	vst v63  }
0x14c: {  	s7 =	sadd.s32 s6, s7  }
0x14d: {  	[tilespmem:s10], [sflag:$0x12] =	stream.linear.gather [hbm4b:s7+s4], $0x80, $0x38;
	[tilespmem:$0x14300] =	vst v63  }
0x14e: {  	s7 =	simm.s32 $0xD  }
0x14f: {  	_ =	swait.ge [sflag:s7], $0x80  }
0x150: {  	[sflag:s7] =	ssyncset.done $0x0  }
0x151: {  	s10 =	simm.s32 $0xE;
	[sflag:s7] =	ssyncadd.s32 $0xFFFFFF80  }
0x152: {  	_ =	swait.ge [sflag:s10], $0x80  }
0x153: {  	[sflag:s10] =	ssyncset.done $0x0  }
0x154: {  	[sflag:s10] =	ssyncadd.s32 $0xFFFFFF80  }
0x155: {  	v2 =	vld [tilespmem:$0x6300]  }
0x156: {  	v3 =	vld [tilespmem:$0x6380]  }
0x157: {  	p0 =	slt.u32 s14, $0x9C4;
	s7 =	simm.s32 $0x1;
	v43 =	vld [tilespmem:$0x6310]  }
0x158: {  	s7 =	simm.s32 @!p0 $0x0;
	v44 =	vld [tilespmem:$0x6390]  }
0x159: {  	v45 =	vmov s7;
	v46 =	vld [tilespmem:$0x6320]  }
0x15a: {  	v6 =	vxor.u32 $0x1, v45;
	v47 =	vld [tilespmem:$0x63A0]  }
0x15b: {  	v6 =	vmul.u32 $0x2710, v6;
	v48 =	vld [tilespmem:$0x6330];
	v2 =	vshll.u32 v2, $0x1;
	v3 =	vmul.u32 s7, v3  }
0x15c: {  	v49 =	vld [tilespmem:$0x63B0];
	v2 =	vor.u32 v0, v2  }
0x15d: {  	v51 =	vld [tilespmem:$0x6340];
	v50 =	vmul.u32 s7, v44;
	[tilespmem:$0x6300] =	vst v2;
	v2 =	vadd.s32 v6, v3;
	v3 =	vshll.u32 v43, $0x1  }
0x15e: {  	[tilespmem:$0x6380] =	vst v2;
	v2 =	vor.u32 v0, v3;
	v3 =	vld [tilespmem:$0x63C0]  }
0x15f: {  	v54 =	vld [tilespmem:$0x6350];
	v52 =	vshll.u32 v46, $0x1;
	v53 =	vmul.u32 s7, v47;
	[tilespmem:$0x6310] =	vst v2;
	v2 =	vadd.s32 v6, v50  }
0x160: {  	v55 =	vld [tilespmem:$0x63D0];
	[tilespmem:$0x6390] =	vst v2;
	v2 =	vor.u32 v0, v52  }
0x161: {  	v58 =	vld [tilespmem:$0x6360];
	v56 =	vshll.u32 v48, $0x1;
	v57 =	vmul.u32 s7, v49;
	[tilespmem:$0x6320] =	vst v2;
	v2 =	vadd.s32 v6, v53  }
0x162: {  	v59 =	vld [tilespmem:$0x63E0];
	[tilespmem:$0x63A0] =	vst v2;
	v2 =	vor.u32 v0, v56  }
0x163: {  	v60 =	vld [tilespmem:$0x6370];
	v5 =	vshll.u32 v51, $0x1;
	[tilespmem:$0x6330] =	vst v2;
	v2 =	vadd.s32 v6, v57;
	v3 =	vmul.u32 s7, v3  }
0x164: {  	v61 =	vld [tilespmem:$0x63F0];
	[tilespmem:$0x63B0] =	vst v2;
	v2 =	vor.u32 v0, v5  }
0x165: {  	v4 =	vmul.u32 s7, v55;
	[tilespmem:$0x6340] =	vst v2;
	v2 =	vadd.s32 v6, v3;
	v3 =	vshll.u32 v54, $0x1  }
0x166: {  	[tilespmem:$0x63C0] =	vst v2;
	v2 =	vor.u32 v0, v3  }
0x167: {  	v62 =	vmul.u32 s7, v59;
	v3 =	vshll.u32 v58, $0x1;
	[tilespmem:$0x6350] =	vst v2;
	v2 =	vadd.s32 v6, v4  }
0x168: {  	p0 =	sne.s32 s9, $0x960;
	[tilespmem:$0x63D0] =	vst v2;
	v2 =	vor.u32 v0, v3  }
.Ltmp1:
0x169: {  	v63 =	vshll.u32 v60, $0x1;
	v3 =	vmul.u32 s7, v61;
	[tilespmem:$0x6360] =	vst v2;
	v2 =	vadd.s32 v6, v62;
	(pc) =	sbr.rel @p0 .LBB2_4-.Ltmp1, $4  }
0x16a: {  	s23 =	sadd.s32 $0x500, s23;
	[tilespmem:$0x63E0] =	vst v2;
	v2 =	vor.u32 v0, v63  }
0x16b: {  	s11 =	sadd.s32 $0x500, s11;
	s30 =	simm.s32 $0x2100;
	s17 =	stileid.u32;
	[tilespmem:$0x6370] =	vst v2;
	v2 =	vadd.s32 v6, v3  }
0x16c: {  	s14 =	simm.s32 $0x4280;
	s9 =	sadd.s32 $0x50, s9;
	s7 =	simm.s32 $0x6400;
	[tilespmem:$0x63F0] =	vst v2  }
0x16d: {  	[tilespmem:s7], [sflag:$0xF] =	stream.indirect.gather [hbm4b:s15+s29], $0x40, s12, s29, $0xb8;
	[tilespmem:$0x14300] =	vst v63  }
0x16e: {  	_ =	swait.ge [sflag:s13], $0x2000  }
0x16f: {  	[sflag:s13] =	ssyncset.done $0x0  }
0x170: {  	[sflag:s13] =	ssyncadd.s32 $0xFFFFE000  }
0x171: {  	[spmem:s1] =	stream.indirect.scatter.add.f32 [tilespmem:s26], [sflag:$0xC], $0x40, s14, s29, $0xb8;
	[tilespmem:$0x14300] =	vst v63  }
0x172: {  	_ =	swait.ge [sflag:s24], $0x2000  }
0x173: {  	[sflag:s24] =	ssyncset.done $0x0  }
0x174: {  	[sflag:s24] =	ssyncadd.s32 $0xFFFFE000  }
0x175: {  	_ =	swait.ge [sflag:s18], $0x2000  }
0x176: {  	[sflag:s18] =	ssyncset.done $0x0  }
0x177: {  	s2 =	simm.s32 $0xC;
	[sflag:s18] =	ssyncadd.s32 $0xFFFFE000  }
0x178: {  	_ =	swait.ge [sflag:s2], $0x2000  }
0x179: {  	[sflag:s2] =	ssyncset.done $0x0  }
0x17a: {  	s14 =	simm.s32 $0xF;
	[sflag:s2] =	ssyncadd.s32 $0xFFFFE000  }
0x17b: {  	_ =	swait.ge [sflag:s14], $0x2000  }
0x17c: {  	[sflag:s14] =	ssyncset.done $0x0  }
0x17d: {  	s16 =	simm.s32 $0x11;
	[sflag:s14] =	ssyncadd.s32 $0xFFFFE000  }
0x17e: {  	_ =	swait.ge [sflag:s16], $0x80  }
0x17f: {  	[sflag:s16] =	ssyncset.done $0x0  }
0x180: {  	s18 =	simm.s32 $0x12;
	[sflag:s16] =	ssyncadd.s32 $0xFFFFFF80  }
0x181: {  	_ =	swait.ge [sflag:s18], $0x80  }
0x182: {  	[sflag:s18] =	ssyncset.done $0x0  }
0x183: {  	[sflag:s18] =	ssyncadd.s32 $0xFFFFFF80  }
0x184: {  	s7 =	sshll.u32 s17, $0x6;
	[bflag:$0x0] =	sbarrier.arrive $0xFFFF  }
0x185: {  	s7 =	sor.u32 $0x1C15, s7;
	s23 =	rddreg [dreg:$0x4]  }
0x186: {  	s26 =	simm.s32 $0x15;
	s11 =	rddreg [dreg:$0x13];
	s9 =	sshrl.u32 s23, $0x3  }
0x187: {  	[hbm:s11], [sflag:s7] =	dma.local [spmem:s9], $0x13C0  }
0x188: {  	_ =	swait.ge [sflag:s26], $0x13C0  }
0x189: {  	s3 =	rddreg [dreg:$0x17]  }
0x18a: {  	s21 =	rddreg [dreg:$0x14];
	s3 =	sadd.s32 $0x1, s3  }
0x18b: {  	p0 =	sne.s32 s3, s21  }
.Ltmp2:
0x18c: {  	_ = 	snop;
	(pc) =	sbr.rel @p0 .LBB2_1-.Ltmp2, $4  }
0x18d: {  	_ = 	snop  }
0x18e: {  	s10 =	simm.s32 $0x100;
	s12 =	simm.s32 $0xE  }
0x18f: {  	s2 =	simm.s32 $0x9;
	s16 =	simm.s32 $0xA;
	[sflag:s26] =	ssyncset.done $0x0  }
0x190: {  	s18 =	simm.s32 $0x7;
	[sflag:s26] =	ssyncadd.s32 $0xFFFFEC40;
	s21 =	simm.s32 $0xD  }
0x191: {  	_ =	sfence.sel $0x180000  }
0x192: {  	[bflag:$0x0] =	sbarrier.arrive $0xFFFF  }
0x193: {  	_ =	strace $0x9000004A  }
0x194: {  	[bflag:$0x2] =	sbarrier.arrive $0xFFFF  }
0x195: {  	p0 =	sne.s32 s17, $0x0;
	s0 =	rddreg [dreg:$0x3]  }
0x196: {  	s0 =	sadd.s32 @!p0 $0x100000, s0  }
0x197: {  	[sflag:s0] =	ssyncadd.tile.s32 @!p0 $0x1;
	_ =	shalt  }
.Lfunc_end2:
_tile_overlayer_lowered:
.L_overlay_start_2:
0x198: {  	(tag) =	ssettag $0x2  }
0x199: {  	s0 =	rddreg [dreg:$0x0];
	s2 =	stileid.u32  }
0x19a: {  	s1 =	rddreg [dreg:$0x1];
	p0 =	sne.s32 s2, $0x0  }
0x19b: {  	s3 =	rddreg [dreg:$0x2];
	[bflag:$0x3] =	sbarrier.arrive $0xFFFF;
	s2 =	simm.s32 @!p0 $0x1C15  }
0x19c: {  	[timem:s3], [sflag:s2] =	dma.local @!p0 [hbm:s0], s1  }
0x19d: {  	s0 =	simm.s32 @!p0 $0x15  }
0x19e: {  	_ =	swait.ge @!p0 [sflag:s0], s1  }
0x19f: {  	s1 =	ssub.s32 @!p0 $0x0, s1;
	[sflag:s0] =	ssyncset.done @!p0 $0x0  }
0x1a0: {  	[sflag:s0] =	ssyncadd.s32 @!p0 s1  }
0x1a1: {  	[bflag:$0x3] =	sbarrier.arrive $0xFFFF  }
0x1a2: {  	_ =	shalt  }

// kernel: kernel.8.cloned.1.call-start
scs
__scs_entry_jumppad:
0x0: {  	(pc) =	sbr.rel $0x88, $3  }
0x1: {  	(tag) =	ssettag $0x0;
	lr =	simm.s32 $0x1  }
0x2: {  	[smem:$0x3F96] =	sst lr;
	_ =	strace $0xD0000000  }
0x3: {  	_ = 	snop  }
0x4: {  	_ = 	snop  }
0x5: {  	_ = 	snop  }
0x6: {  	_ = 	snop  }
0x7: {  	_ = 	snop  }
__scs_overlays_trampoline_lowered:
0x8: {  	[smem:$0x3FA5] =	sst s0  }
0x9: {  	[smem:$0x3FA6] =	sst s1  }
0xa: {  	[smem:$0x3FA7] =	sst s2  }
0xb: {  	[smem:$0x3FA8] =	sst s3  }
0xc: {  	[smem:$0x3FA9] =	sst s4  }
0xd: {  	[smem:$0x3FAA] =	sst s5  }
0xe: {  	[smem:$0x3FAB] =	sst s6  }
0xf: {  	[smem:$0x3FAC] =	sst s7  }
0x10: {  	[smem:$0x3FAD] =	sst s8  }
0x11: {  	[smem:$0x3FAE] =	sst s9;
	s0 =	simm.s32 @!p0 $0x0  }
0x12: {  	s1 =	sld [smem:$0x3F94];
	s0 =	simm.s32 @p0 $0x1  }
0x13: {  	[smem:$0x3FAF] =	sst s0;
	s0 =	simm.s32 @!p1 $0x0  }
0x14: {  	s2 =	sld [smem:$0x3F93];
	s0 =	simm.s32 @p1 $0x1  }
0x15: {  	[smem:$0x3FB0] =	sst s0;
	s0 =	simm.s32 @!p2 $0x0  }
0x16: {  	s3 =	sld [smem:$0x3FDB];
	s0 =	simm.s32 @p2 $0x1  }
0x17: {  	s4 =	simm.s32 $0x1BF5;
	[smem:$0x3FB2] =	sst s0  }
0x18: {  	s0 =	sld [smem:$0x3F95];
	_ =	swait.ge [sflag:s4], $0x0  }
0x19: {  	s7 =	sld [smem:$0x3F96]  }
0x1a: {  	s8 =	sadd.s32 $0xFFFFE003, lr  }
0x1b: {  	s9 =	sadd.s32 $0xFFFFFEF7, lr;
	s5 =	simm.s32 $0xFFFFFFFF;
	p2 =	slt.u32 s8, $0xFFFFF086  }
0x1c: {  	p1 =	slt.u32 s9, $0xF7A;
	s5 =	simm.s32 @!p2 $0x0  }
0x1d: {  	s5 =	simm.s32 @p1 $0x1;
	p0 =	seq.s32 s7, s2  }
0x1e: {  	s7 =	smul.u32 @!p0 $0xF7A, s2;
	p2 =	seq.s32 @!p0 s5, $0x0  }
0x1f: {  	s9 =	smul.u32 $0xF7A, s1;
	s8 =	simm.s32 @!p0 $0x1BF5;
	p2 =	por !p2, p0  }
0x20: {  	[sflag:s8] =	ssyncset.s32 @!p0 $0xFFFFF086;
	s6 =	sadd.s32 @!p0 s3, s7;
	s7 =	simm.s32 @!p0 $0x108  }
0x21: {  	s3 =	sadd.s32 s3, s9;
	s6 =	sadd.s32 @!p0 $0x88, s6;
	s7 =	simm.s32 @p2 $0x1082  }
0x22: {  	[simem:s7], [sflag:s8] =	dma.local @!p0 [hbm:s6], $0xF7A  }
0x23: {  	s9 =	sor.u32 $0xD0000000, s2;
	s6 =	simm.s32 $0x108;
	_ =	swait.ge @!p0 [sflag:s8], $0x0  }
0x24: {  	s3 =	sadd.s32 $0x88, s3;
	s6 =	simm.s32 @!p1 $0x1082;
	[sflag:s4] =	ssyncset.s32 $0xFFFFF086  }
0x25: {  	[simem:s6], [sflag:s4] =	dma.local [hbm:s3], $0xF7A  }
0x26: {  	[smem:$0x3F96] =	sst s1;
	(tag) =	ssettag s2;
	_ =	strace s9  }
0x27: {  	s1 =	sld [smem:$0x3FA6]  }
0x28: {  	s2 =	sld [smem:$0x3FA7]  }
0x29: {  	s4 =	sld [smem:$0x3FA9]  }
0x2a: {  	p0 =	seq.s32 s5, $0x0;
	s5 =	sld [smem:$0x3FAA]  }
0x2b: {  	s6 =	sld [smem:$0x3FAB]  }
0x2c: {  	s7 =	sld [smem:$0x3FAC]  }
0x2d: {  	s3 =	simm.s32 $0x108;
	s8 =	sld [smem:$0x3FAD]  }
0x2e: {  	s3 =	simm.s32 @!p0 $0x1082;
	s9 =	sld [smem:$0x3FAE]  }
0x2f: {  	lr =	sadd.s32 s0, s3;
	s0 =	sld [smem:$0x3FA5]  }
0x30: {  	s3 =	sld [smem:$0x3FA8]  }
0x31: {  	[smem:$0x3FB1] =	sst s10  }
0x32: {  	s10 =	sld [smem:$0x3FAF];
	_ =	sdelay $0x3  }
0x33: {  	p0 =	seq.s32 s10, $0x1;
	s10 =	sld [smem:$0x3FB1];
	_ =	sdelay $0x3  }
0x34: {  	[smem:$0x3FB1] =	sst s10  }
0x35: {  	s10 =	sld [smem:$0x3FB0];
	_ =	sdelay $0x3  }
0x36: {  	p1 =	seq.s32 s10, $0x1;
	s10 =	sld [smem:$0x3FB1];
	_ =	sdelay $0x3  }
0x37: {  	[smem:$0x3FB1] =	sst s10  }
0x38: {  	s10 =	sld [smem:$0x3FB2]  }
0x39: {  	_ = 	snop;
	(pc) =	sbr.ind lr, $3  }
0x3a: {  	_ = 	snop  }
0x3b: {  	_ = 	snop  }
0x3c: {  	p2 =	seq.s32 s10, $0x1;
	s10 =	sld [smem:$0x3FB1]  }
0x3d: {  	_ =	shalt  }
0x3e: {  	_ =	shalt  }
0x3f: {  	_ =	shalt  }
0x40: {  	_ =	shalt  }
0x41: {  	_ =	shalt  }
0x42: {  	_ =	shalt  }
0x43: {  	_ =	shalt  }
0x44: {  	_ =	shalt  }
0x45: {  	_ =	shalt  }
0x46: {  	_ =	shalt  }
0x47: {  	_ =	shalt  }
0x48: {  	_ =	shalt  }
0x49: {  	_ =	shalt  }
0x4a: {  	_ =	shalt  }
0x4b: {  	_ =	shalt  }
0x4c: {  	_ =	shalt  }
0x4d: {  	_ =	shalt  }
0x4e: {  	_ =	shalt  }
0x4f: {  	_ =	shalt  }
0x50: {  	_ =	shalt  }
0x51: {  	_ =	shalt  }
0x52: {  	_ =	shalt  }
0x53: {  	_ =	shalt  }
0x54: {  	_ =	shalt  }
0x55: {  	_ =	shalt  }
0x56: {  	_ =	shalt  }
0x57: {  	_ =	shalt  }
0x58: {  	_ =	shalt  }
0x59: {  	_ =	shalt  }
0x5a: {  	_ =	shalt  }
0x5b: {  	_ =	shalt  }
0x5c: {  	_ =	shalt  }
0x5d: {  	_ =	shalt  }
0x5e: {  	_ =	shalt  }
0x5f: {  	_ =	shalt  }
0x60: {  	_ =	shalt  }
0x61: {  	_ =	shalt  }
0x62: {  	_ =	shalt  }
0x63: {  	_ =	shalt  }
0x64: {  	_ =	shalt  }
0x65: {  	_ =	shalt  }
0x66: {  	_ =	shalt  }
0x67: {  	_ =	shalt  }
0x68: {  	_ =	shalt  }
0x69: {  	_ =	shalt  }
0x6a: {  	_ =	shalt  }
0x6b: {  	_ =	shalt  }
0x6c: {  	_ =	shalt  }
0x6d: {  	_ =	shalt  }
0x6e: {  	_ =	shalt  }
0x6f: {  	_ =	shalt  }
0x70: {  	_ =	shalt  }
0x71: {  	_ =	shalt  }
0x72: {  	_ =	shalt  }
0x73: {  	_ =	shalt  }
0x74: {  	_ =	shalt  }
0x75: {  	_ =	shalt  }
0x76: {  	_ =	shalt  }
0x77: {  	_ =	shalt  }
0x78: {  	_ =	shalt  }
0x79: {  	_ =	shalt  }
0x7a: {  	_ =	shalt  }
0x7b: {  	_ =	shalt  }
0x7c: {  	_ =	shalt  }
0x7d: {  	_ =	shalt  }
0x7e: {  	_ =	shalt  }
0x7f: {  	_ =	shalt  }
0x80: {  	_ =	shalt  }
0x81: {  	_ =	shalt  }
0x82: {  	_ =	shalt  }
0x83: {  	_ =	shalt  }
0x84: {  	_ =	shalt  }
0x85: {  	_ =	shalt  }
0x86: {  	_ =	shalt  }
0x87: {  	_ =	shalt  }
.Lfunc_end0:
.L_simem_size_0:
called_computation.1_lowered:
.L_overlay_start_0:
0x88: {  	s2 =	sld [smem:$0x3FD9]  }
0x89: {  	s3 =	sld [smem:$0x3FFE];
	_ =	sdelay $0x1  }
0x8a: {  	s1 =	srdreg.scid  }
0x8b: {  	s0 =	sand.u32 $0x1, s1  }
0x8c: {  	s17 =	sshll.u32 s0, $0xA;
	s2 =	sadd.s32 s3, s2  }
0x8d: {  	s2 =	sadd.s32 s2, s17  }
0x8e: {  	[smem:$0x3FBD] =	sst s2  }
0x8f: {  	_ = 	snop  }
0x90: {  	s2 =	sld [smem:$0x3FD0];
	(tm) =	ssettm $0x1  }
0x91: {  	s18 =	sld [smem:$0x3FFB];
	_ =	sdelay $0x3  }
0x92: {  	_ =	strace s18  }
0x93: {  	s3 =	sld [smem:$0x3FFC];
	_ =	sdelay $0x3  }
0x94: {  	_ =	strace s3  }
0x95: {  	s3 =	sld [smem:$0x3FFD];
	_ =	sdelay $0x3  }
0x96: {  	_ =	strace s3  }
0x97: {  	_ =	strace $0x8FFFFFFF  }
0x98: {  	s19 =	sld [smem:$0x3FDB];
	_ =	sdelay $0x1  }
0x99: {  	s4 =	simm.s32 $_scs_section_size  }
0x9a: {  	s5 =	simm.s32 $_size__tile_overlayer_lowered;
	s6 =	simm.s32 $_tile_overlayer_lowered  }
0x9b: {  	s22 =	simm.s32 $0x1BFF;
	s21 =	sshll.u32 s6, $0x1;
	s3 =	sadd.s32 s4, s19  }
0x9c: {  	s7 =	simm.s32 $0x0;
	s20 =	sshll.u32 s5, $0x1;
	s5 =	sadd.s32 s21, s3  }
0x9d: {  	[timem:s7], [sflag:s22] =	dma.local [hbm:s5], s20  }
0x9e: {  	_ =	swait.ge [sflag:s22], s20  }
0x9f: {  	s4 =	ssub.s32 $0x0, s20;
	[sflag:s22] =	ssyncset.done $0x0  }
0xa0: {  	[sflag:s22] =	ssyncadd.s32 s4;
	_ =	sdelay $0x1  }
0xa1: {  	s23 =	simm.s32 $0x1B8B  }
0xa2: {  	_ =	swait.ge [sflag:s23], $0x1  }
0xa3: {  	[sflag:s23] =	ssyncset.done $0x0  }
0xa4: {  	s25 =	simm.s32 $0x1B8E;
	s24 =	sld [smem:$0x3FFE];
	[sflag:s23] =	ssyncadd.s32 $0xFFFFFFFF  }
0xa5: {  	s26 =	simm.s32 $execute0_lowered;
	[smem:$0x3FD2] =	sst s25  }
0xa6: {  	s5 =	sshll.u32 s26, $0x1;
	_ =	strace $0x80000046;
	[dreg:$0x1] =	wrdreg $0xFFFFFFFF  }
0xa7: {  	s28 =	simm.s32 $_size_execute0_lowered;
	s3 =	sadd.s32 s3, s5;
	[dreg:$0x0] =	wrdreg $0x0  }
0xa8: {  	s5 =	sshll.u32 s28, $0x1;
	[dreg:$0x2] =	wrdreg s3  }
0xa9: {  	[dreg:$0x3] =	wrdreg s5  }
0xaa: {  	[dreg:$0x4] =	wrdreg $0xC0  }
0xab: {  	_ =	task [dreg:s7], $0x5FFFF  }
0xac: {  	[dreg:$0x1] =	wrdreg $0xFFFFFFFF  }
0xad: {  	[dreg:$0x0] =	wrdreg $0x60  }
0xae: {  	[dreg:$0x2] =	wrdreg s24  }
0xaf: {  	[dreg:$0x3] =	wrdreg s2  }
0xb0: {  	[dreg:$0x4] =	wrdreg $0x26000  }
0xb1: {  	[dreg:$0x5] =	wrdreg $0x4D800  }
0xb2: {  	[dreg:$0x6] =	wrdreg $0xA  }
0xb3: {  	_ =	task.clear_ibuf [dreg:s7], $0x7FFFF;
	_ =	strace $0x90000046  }
0xb4: {  	s29 =	simm.s32 $0xA;
	_ =	strace $0x80000048  }
0xb5: {  	_ =	swait.ge [sflag:s29], $0x1  }
0xb6: {  	[sflag:s29] =	ssyncadd.s32 $0xFFFFFFFF  }
0xb7: {  	_ =	strace $0x90000048  }
0xb8: {  	_ =	sfence  }
0xb9: {  	s30 =	sld [smem:$0x0];
	_ =	sdelay $0x2  }
0xba: {  	s31 =	sshll.u32 s1, $0xD;
	s1 =	sshrl.u32 s1, $0x2  }
0xbb: {  	s3 =	sand.u32 $0x4000, s31;
	s1 =	sadd.s32 s1, s30  }
0xbc: {  	s0 =	sor.u32 s3, s0;
	s1 =	sshll.u32 s1, $0x11  }
0xbd: {  	s0 =	sor.u32 s1, s0  }
0xbe: {  	s0 =	sadd.s32 $0x8F2B, s0  }
0xbf: {  	[sflag:s0] =	ssyncadd.remote.s32 $0x1  }
0xc0: {  	_ =	sfence.sel $0xFFFF  }
0xc1: {  	[dreg:$0x0] =	wrdreg $0xFFFFFFFF;
	(pc) =	sbr.abs _section_cstart, $3  }
0xc2: {  	[dreg:$0x1] =	wrdreg $0xFFFFFFFF  }
0xc3: {  	_ =	task.clear_ibuf [dreg:s7], $0x2FFFF;
	_ =	strace $0x9FFFFFFF  }
0xc4: {  	(tm) =	ssettm $0x7FFFFFFF  }
0xc5: {  	_ =	shalt  }
tec
execute0_lowered:
.L_overlay_start_1:
0x0: {  	(tag) =	ssettag $0x1  }
0x1: {  	s0 =	rddreg [dreg:$0x0]  }
0x2: {  	s1 =	rddreg [dreg:$0x1]  }
0x3: {  	s2 =	rddreg [dreg:$0x2]  }
0x4: {  	s22 =	rddreg [dreg:$0x3]  }
0x5: {  	s5 =	srdreg.scid;
	s13 =	stileid.u32;
	s4 =	simm.s32 $0x0  }
0x6: {  	s28 =	simm.s32 $0xD;
	s29 =	simm.s32 $0xE;
	s30 =	simm.s32 $0x1  }
0x7: {  	s31 =	simm.s32 $0x2;
	s7 =	sand.u32 $0x1, s5;
	s8 =	smul.u32 $0x13C0, s13  }
0x8: {  	[smem:$0x7FF] =	sst s4;
	s5 =	sadd.s32 $0x1E00, s0;
	s10 =	sadd.s32 $0x15C00, s0  }
0x9: {  	s20 =	sadd.s32 $0x15A00, s0;
	s23 =	smul.u32 $0x278, s13;
	s12 =	sshll.u32 s13, $0x1  }
0xa: {  	s13 =	smul.u32 $0x2780, s13;
	_ =	strace $0x80000047;
	[dreg:$0x6] =	wrdreg s10  }
0xb: {  	s6 =	sadd.s32 $0x4F7A00, s0;
	s9 =	smul.u32 $0x13C00, s7;
	[dreg:$0x7] =	wrdreg s20  }
0xc: {  	s21 =	ssub.s32 $0x2, s7;
	s16 =	sor.u32 s7, s12;
	s7 =	smul.u32 $0x27800, s7  }
0xd: {  	s12 =	ssub.s32 $0x964, s12;
	s11 =	sshrl.u32 s21, $0x1;
	s24 =	sadd.s32 $0x80, s23  }
0xe: {  	s17 =	sadd.s32 s13, s2;
	s3 =	sadd.s32 $0x100, s23;
	s15 =	sadd.s32 $0x180, s23  }
0xf: {  	s10 =	sadd.s32 $0x200, s23;
	[dreg:$0x5] =	wrdreg s12;
	s23 =	sshll.u32 s16, $0x8  }
0x10: {  	s9 =	sadd.s32 s8, s9;
	s8 =	sadd.s32 s8, s22;
	s25 =	sshll.u32 s24, $0x4  }
0x11: {  	s26 =	sshll.u32 s24, $0x3;
	s14 =	sshll.u32 s3, $0x4;
	s18 =	sshll.u32 s15, $0x4  }
0x12: {  	s19 =	sshll.u32 s15, $0x3;
	s20 =	sshll.u32 s10, $0x4;
	s10 =	sshll.u32 s10, $0x3  }
0x13: {  	s7 =	sadd.s32 s13, s7;
	s24 =	sor.u32 $0x20, s16;
	[dreg:$0x8] =	wrdreg s17  }
0x14: {  	s13 =	sor.u32 $0x60, s16;
	s9 =	sshrl.u32 s9, $0x3;
	[dreg:$0x9] =	wrdreg s8  }
0x15: {  	s8 =	sadd.s32 s25, s2;
	s14 =	sadd.s32 s14, s2;
	s15 =	sadd.s32 s20, s2  }
0x16: {  	s10 =	sadd.s32 s10, s22;
	s7 =	sshrl.u32 s7, $0x3;
	s20 =	sshll.u32 s13, $0x8  }
0x17: {  	s0 =	sadd.s32 s9, s0;
	s9 =	ssub.s32 s21, s11;
	[dreg:$0xa] =	wrdreg s8  }
0x18: {  	s8 =	sadd.s32 s26, s22;
	[dreg:$0xb] =	wrdreg s14;
	s11 =	sshll.u32 s3, $0x3  }
0x19: {  	s14 =	sadd.s32 s18, s2;
	[dreg:$0xd] =	wrdreg s15;
	s21 =	sshll.u32 s16, $0x4  }
0x1a: {  	s1 =	sadd.s32 s1, s7;
	s26 =	sadd.s32 s6, s23;
	s2 =	sshll.u32 s24, $0x4  }
0x1b: {  	s3 =	sor.u32 $0x40, s16;
	s18 =	sshll.u32 s13, $0x4;
	[dreg:$0xc] =	wrdreg s14  }
0x1c: {  	s13 =	simm.s32 $0x1180;
	s11 =	sadd.s32 s11, s22;
	[dreg:$0xe] =	wrdreg s1  }
0x1d: {  	s14 =	sadd.s32 s19, s22;
	s25 =	sadd.s32 s5, s21;
	[dreg:$0x10] =	wrdreg s26  }
0x1e: {  	s7 =	sadd.s32 s5, s2;
	s1 =	sshll.u32 s24, $0x8;
	s12 =	sshll.u32 s3, $0x4  }
0x1f: {  	s15 =	sshll.u32 s3, $0x8;
	s19 =	sadd.s32 s5, s18;
	[dreg:$0xf] =	wrdreg s25  }
0x20: {  	s0 =	sadd.s32 $0x15E00, s0;
	s21 =	smax.u32 s9, $0x1;
	[dreg:$0x11] =	wrdreg s7  }
0x21: {  	s23 =	sshrl.u32 s8, $0x3;
	s26 =	sshrl.u32 s10, $0x3;
	[dreg:$0x15] =	wrdreg s19  }
0x22: {  	s18 =	simm.s32 $0x6;
	s2 =	simm.s32 $0x1A00;
	[dreg:$0x17] =	wrdreg s0  }
0x23: {  	s10 =	simm.s32 $0x7;
	s8 =	simm.s32 $0x8;
	[dreg:$0x18] =	wrdreg s21  }
0x24: {  	s3 =	simm.s32 $0x0;
	s1 =	sadd.s32 s6, s1;
	[dreg:$0x19] =	wrdreg s23  }
0x25: {  	s24 =	sshrl.u32 s11, $0x3;
	s25 =	sshrl.u32 s14, $0x3;
	[dreg:$0x1c] =	wrdreg s26  }
0x26: {  	s0 =	simm.s32 $0x2200;
	s7 =	simm.s32 $0x80;
	s19 =	simm.s32 $0x880  }
0x27: {  	s14 =	simm.s32 $0x5;
	s21 =	simm.s32 $0x1980;
	[dreg:$0x12] =	wrdreg s1  }
0x28: {  	s23 =	simm.s32 $0x9;
	s26 =	simm.s32 $0x4;
	[dreg:$0x1a] =	wrdreg s24  }
0x29: {  	s1 =	sadd.s32 s5, s12;
	[dreg:$0x1b] =	wrdreg s25;
	s12 =	simm.s32 $0x11  }
0x2a: {  	s24 =	simm.s32 $0xA;
	[dreg:$0x13] =	wrdreg s1;
	s1 =	sadd.s32 s6, s15  }
0x2b: {  	s25 =	simm.s32 $0x3;
	[dreg:$0x14] =	wrdreg s1;
	s1 =	sadd.s32 s6, s20  }
0x2c: {  	v0 =	vimm.f32 $0.0e+00;
	s15 =	simm.s32 $0x900;
	s20 =	simm.s32 $0x1100;
	[dreg:$0x16] =	wrdreg s1  }
.LBB2_1:
0x2d: {  	[dreg:$0x1d] =	wrdreg s3;
	s1 =	simm.s32 $0x40;
	s9 =	simm.s32 $0x0  }
.LBB2_2:
0x2e: {  	p0 =	sne.s32 s1, $0x1FC0;
	[tilespmem:s9+$0x80] =	vst v0;
	s9 =	smov.u32 s1;
	s1 =	sadd.s32 $0x40, s1  }
.Ltmp0:
0x2f: {  	(pc) =	sbr.rel @p0 .LBB2_2-.Ltmp0, $2  }
0x30: {  	_ =	sdelay $0x2  }
0x31: {  	s9 =	sshra.s32 s9, $0x2  }
0x32: {  	[tilespmem:s9+$0x80] =	vst v0;
	s1 =	simm.s32 $0x0;
	s11 =	rddreg [dreg:$0x6]  }
0x33: {  	[tilespmem:s0], [sflag:$0x11] =	stream.linear.gather [hbm4b:s11+s1], $0x400, $0x38;
	[tilespmem:$0x6140] =	vst v63  }
0x34: {  	_ =	swait.ge [sflag:s12], $0x400  }
0x35: {  	[sflag:s12] =	ssyncset.done $0x0  }
0x36: {  	s3 =	stileid.u32;
	[sflag:s12] =	ssyncadd.s32 $0xFFFFFC00  }
0x37: {  	[spmem:s17] =	stream.linear.scatter [tilespmem:s7], [sflag:$0x11], $0x800, $0x38;
	[tilespmem:$0x6140] =	vst v63  }
0x38: {  	s9 =	sshll.u32 s3, $0x6;
	_ =	swait.ge [sflag:s12], $0x800  }
0x39: {  	s3 =	sor.u32 $0x1C11, s9;
	s11 =	rddreg [dreg:$0x9]  }
0x3a: {  	[sflag:s12] =	ssyncset.done $0x0;
	s9 =	rddreg [dreg:$0x7];
	s11 =	sshrl.u32 s11, $0x3  }
0x3b: {  	[sflag:s12] =	ssyncadd.s32 $0xFFFFF800;
	[dreg:$0x1f] =	wrdreg s11  }
0x3c: {  	[spmem:s11], [sflag:s3] =	dma.local [hbm:s9], $0x80  }
0x3d: {  	_ =	swait.ge [sflag:s12], $0x80  }
0x3e: {  	[sflag:s12] =	ssyncset.done $0x0  }
0x3f: {  	s17 =	rddreg [dreg:$0xa];
	[sflag:s12] =	ssyncadd.s32 $0xFFFFFF80  }
0x40: {  	[spmem:s17] =	stream.linear.scatter [tilespmem:s7], [sflag:$0x11], $0x800, $0x38;
	[tilespmem:$0x6140] =	vst v63  }
0x41: {  	_ =	swait.ge [sflag:s12], $0x800  }
0x42: {  	[sflag:s12] =	ssyncset.done $0x0  }
0x43: {  	s17 =	rddreg [dreg:$0x19];
	[sflag:s12] =	ssyncadd.s32 $0xFFFFF800  }
0x44: {  	[spmem:s17], [sflag:s3] =	dma.local [hbm:s9], $0x80  }
0x45: {  	_ =	swait.ge [sflag:s12], $0x80  }
0x46: {  	[sflag:s12] =	ssyncset.done $0x0  }
0x47: {  	s17 =	rddreg [dreg:$0xb];
	[sflag:s12] =	ssyncadd.s32 $0xFFFFFF80  }
0x48: {  	[spmem:s17] =	stream.linear.scatter [tilespmem:s7], [sflag:$0x11], $0x800, $0x38;
	[tilespmem:$0x6140] =	vst v63  }
0x49: {  	_ =	swait.ge [sflag:s12], $0x800  }
0x4a: {  	[sflag:s12] =	ssyncset.done $0x0  }
0x4b: {  	s17 =	rddreg [dreg:$0x1a];
	[sflag:s12] =	ssyncadd.s32 $0xFFFFF800  }
0x4c: {  	[spmem:s17], [sflag:s3] =	dma.local [hbm:s9], $0x80  }
0x4d: {  	_ =	swait.ge [sflag:s12], $0x80  }
0x4e: {  	[sflag:s12] =	ssyncset.done $0x0  }
0x4f: {  	s17 =	rddreg [dreg:$0xc];
	[sflag:s12] =	ssyncadd.s32 $0xFFFFFF80  }
0x50: {  	[spmem:s17] =	stream.linear.scatter [tilespmem:s7], [sflag:$0x11], $0x800, $0x38;
	[tilespmem:$0x6140] =	vst v63  }
0x51: {  	_ =	swait.ge [sflag:s12], $0x800  }
0x52: {  	[sflag:s12] =	ssyncset.done $0x0  }
0x53: {  	s17 =	rddreg [dreg:$0x1b];
	[sflag:s12] =	ssyncadd.s32 $0xFFFFF800  }
0x54: {  	[spmem:s17], [sflag:s3] =	dma.local [hbm:s9], $0x80  }
0x55: {  	_ =	swait.ge [sflag:s12], $0x80  }
0x56: {  	[sflag:s12] =	ssyncset.done $0x0  }
0x57: {  	s17 =	rddreg [dreg:$0xd];
	[sflag:s12] =	ssyncadd.s32 $0xFFFFFF80  }
0x58: {  	[spmem:s17] =	stream.linear.scatter [tilespmem:s7], [sflag:$0x11], $0x780, $0x38;
	[tilespmem:$0x6140] =	vst v63  }
0x59: {  	_ =	swait.ge [sflag:s12], $0x780  }
0x5a: {  	[dreg:$0x1e] =	wrdreg s3;
	[sflag:s12] =	ssyncset.done $0x0  }
0x5b: {  	s17 =	rddreg [dreg:$0x1c];
	[sflag:s12] =	ssyncadd.s32 $0xFFFFF880  }
0x5c: {  	[spmem:s17], [sflag:s3] =	dma.local [hbm:s9], $0x78  }
0x5d: {  	_ =	swait.ge [sflag:s12], $0x78  }
0x5e: {  	[sflag:s12] =	ssyncset.done $0x0  }
0x5f: {  	[sflag:s12] =	ssyncadd.s32 $0xFFFFFF88  }
0x60: {  	[bflag:$0x0] =	sbarrier.arrive $0xFFFF  }
0x61: {  	s11 =	rddreg [dreg:$0xf]  }
0x62: {  	[tilespmem:s1], [sflag:$0x11] =	stream.linear.gather [hbm4b:s11+s1], $0x80, $0x38;
	[tilespmem:$0x6140] =	vst v63  }
0x63: {  	_ =	swait.ge [sflag:s12], $0x80  }
0x64: {  	[sflag:s12] =	ssyncset.done $0x0  }
0x65: {  	s17 =	rddreg [dreg:$0x10];
	[sflag:s12] =	ssyncadd.s32 $0xFFFFFF80  }
0x66: {  	[tilespmem:s7], [sflag:$0x11] =	stream.linear.gather [hbm4b:s17+s1], $0x800, $0x38;
	[tilespmem:$0x6140] =	vst v63  }
0x67: {  	_ =	swait.ge [sflag:s12], $0x800  }
0x68: {  	[sflag:s12] =	ssyncset.done $0x0  }
0x69: {  	s3 =	rddreg [dreg:$0x11];
	[sflag:s12] =	ssyncadd.s32 $0xFFFFF800  }
0x6a: {  	[tilespmem:s19], [sflag:$0x5] =	stream.linear.gather [hbm4b:s3+s1], $0x80, $0x38;
	[tilespmem:$0x6140] =	vst v63  }
0x6b: {  	s11 =	rddreg [dreg:$0x12]  }
0x6c: {  	[tilespmem:s15], [sflag:$0x6] =	stream.linear.gather [hbm4b:s11+s1], $0x800, $0x38;
	[tilespmem:$0x6140] =	vst v63  }
0x6d: {  	s12 =	rddreg [dreg:$0x13]  }
0x6e: {  	[tilespmem:s20], [sflag:$0x9] =	stream.linear.gather [hbm4b:s12+s1], $0x80, $0x38;
	[tilespmem:$0x6140] =	vst v63  }
0x6f: {  	s17 =	rddreg [dreg:$0x14]  }
0x70: {  	[tilespmem:s13], [sflag:$0xA] =	stream.linear.gather [hbm4b:s17+s1], $0x800, $0x38;
	[tilespmem:$0x6140] =	vst v63  }
0x71: {  	s17 =	rddreg [dreg:$0x2]  }
0x72: {  	[spmem:s17] =	stream.indirect.scatter.add.f32 [tilespmem:s7], [sflag:$0x3], $0x10, s1, s7, $0xb8;
	[tilespmem:$0x6140] =	vst v63  }
0x73: {  	_ = 	snop  }
0x74: {  	[spmem:s22] =	stream.indirect.scatter.add.f32 [tilespmem:s0], [sflag:$0x4], $0x8, s1, s7, $0xb8;
	[tilespmem:$0x6140] =	vst v63  }
0x75: {  	_ =	swait.ge [sflag:s14], $0x80  }
0x76: {  	[sflag:s14] =	ssyncset.done $0x0  }
0x77: {  	[sflag:s14] =	ssyncadd.s32 $0xFFFFFF80  }
0x78: {  	_ =	swait.ge [sflag:s18], $0x800  }
0x79: {  	[sflag:s18] =	ssyncset.done $0x0  }
0x7a: {  	s3 =	rddreg [dreg:$0x15];
	[sflag:s18] =	ssyncadd.s32 $0xFFFFF800  }
0x7b: {  	[tilespmem:s21], [sflag:$0xD] =	stream.linear.gather [hbm4b:s3+s1], $0x80, $0x38;
	[tilespmem:$0x6140] =	vst v63  }
0x7c: {  	s11 =	rddreg [dreg:$0x16]  }
0x7d: {  	[tilespmem:s2], [sflag:$0xE] =	stream.linear.gather [hbm4b:s11+s1], $0x800, $0x38;
	[tilespmem:$0x6140] =	vst v63  }
0x7e: {  	_ = 	snop  }
0x7f: {  	[spmem:s17] =	stream.indirect.scatter.add.f32 [tilespmem:s15], [sflag:$0x7], $0x10, s19, s7, $0xb8;
	[tilespmem:$0x6140] =	vst v63  }
0x80: {  	_ = 	snop  }
0x81: {  	[spmem:s22] =	stream.indirect.scatter.add.f32 [tilespmem:s0], [sflag:$0x8], $0x8, s19, s7, $0xb8;
	[tilespmem:$0x6140] =	vst v63  }
0x82: {  	_ =	swait.ge [sflag:s23], $0x80  }
0x83: {  	[sflag:s23] =	ssyncset.done $0x0  }
0x84: {  	[sflag:s23] =	ssyncadd.s32 $0xFFFFFF80  }
0x85: {  	_ =	swait.ge [sflag:s24], $0x800  }
0x86: {  	[sflag:s24] =	ssyncset.done $0x0  }
0x87: {  	[sflag:s24] =	ssyncadd.s32 $0xFFFFF800  }
0x88: {  	s12 =	sadd.s32 $0x0, s16;
	_ =	swait.ge [sflag:s25], $0x800  }
0x89: {  	s9 =	sadd.s32 $0x80, s12;
	[sflag:s25] =	ssyncset.done $0x0  }
0x8a: {  	p1 =	slt.s32 s9, $0x9C3;
	[sflag:s25] =	ssyncadd.s32 $0xFFFFF800  }
0x8b: {  	p0 =	slt.u32 s9, $0x9C4;
	s9 =	simm.s32 @!p1 $0x9C3;
	_ =	swait.ge [sflag:s26], $0x400  }
0x8c: {  	s24 =	sshll.u32 s9, $0x4;
	[sflag:s26] =	ssyncset.done $0x0  }
0x8d: {  	s9 =	sshll.u32 s9, $0x8;
	s11 =	sadd.s32 s5, s24;
	[sflag:s26] =	ssyncadd.s32 $0xFFFFFC00  }
0x8e: {  	[tilespmem:s4], [sflag:$0x1] =	stream.linear.gather [hbm4b:s11+s4], $0x80, $0x38;
	[tilespmem:$0x6140] =	vst v63  }
0x8f: {  	s9 =	sadd.s32 s6, s9  }
0x90: {  	[tilespmem:s7], [sflag:$0x2] =	stream.linear.gather [hbm4b:s9+s4], $0x800, $0x38;
	[tilespmem:$0x6140] =	vst v63  }
0x91: {  	_ = 	snop  }
0x92: {  	[spmem:s17] =	stream.indirect.scatter.add.f32 [tilespmem:s13], [sflag:$0xB], $0x10, s20, s7, $0xb8;
	[tilespmem:$0x6140] =	vst v63  }
0x93: {  	_ = 	snop  }
0x94: {  	[spmem:s22] =	stream.indirect.scatter.add.f32 [tilespmem:s0], [sflag:$0xC], $0x8, s20, s7, $0xb8;
	[tilespmem:$0x6140] =	vst v63  }
0x95: {  	_ =	swait.ge [sflag:s28], $0x80  }
0x96: {  	[sflag:s28] =	ssyncset.done $0x0  }
0x97: {  	[sflag:s28] =	ssyncadd.s32 $0xFFFFFF80  }
0x98: {  	_ =	swait.ge [sflag:s29], $0x800  }
0x99: {  	[sflag:s29] =	ssyncset.done $0x0  }
0x9a: {  	[sflag:s29] =	ssyncadd.s32 $0xFFFFF800  }
0x9b: {  	s25 =	rddreg [dreg:$0x5];
	v1 =	vld [tilespmem:$0x19A0]  }
0x9c: {  	s9 =	simm.s32 $0x1;
	p1 =	sgt.u32 s25, $0x0;
	v2 =	vld [tilespmem:$0x19F0]  }
0x9d: {  	v3 =	vld [tilespmem:$0x19E0];
	s9 =	simm.s32 @!p1 $0x0  }
0x9e: {  	v5 =	vld [tilespmem:$0x19B0];
	v4 =	vmov s9  }
0x9f: {  	v6 =	vld [tilespmem:$0x19D0];
	v4 =	vxor.u32 $0x1, v4  }
0xa0: {  	v7 =	vld [tilespmem:$0x1980];
	v4 =	vmul.u32 $0x2710, v4;
	v1 =	vmul.u32 s9, v1  }
0xa1: {  	v8 =	vld [tilespmem:$0x1990];
	v2 =	vmul.u32 s9, v2  }
0xa2: {  	v9 =	vld [tilespmem:$0x19C0];
	v3 =	vmul.u32 s9, v3;
	v1 =	vadd.s32 v4, v1  }
0xa3: {  	v5 =	vmul.u32 s9, v5;
	[tilespmem:$0x19A0] =	vst v1;
	v1 =	vadd.s32 v4, v2  }
0xa4: {  	v2 =	vadd.s32 v4, v3;
	v3 =	vmul.u32 s9, v6;
	[tilespmem:$0x19F0] =	vst v1  }
0xa5: {  	v1 =	vadd.s32 v4, v5;
	v5 =	vmul.u32 s9, v7;
	[tilespmem:$0x19E0] =	vst v2  }
0xa6: {  	v2 =	vmul.u32 s9, v8;
	[tilespmem:$0x19B0] =	vst v1;
	v1 =	vadd.s32 v4, v3  }
0xa7: {  	v3 =	vmul.u32 s9, v9;
	v5 =	vadd.s32 v4, v5;
	[tilespmem:$0x19D0] =	vst v1  }
0xa8: {  	v1 =	vadd.s32 v4, v2;
	[tilespmem:$0x1980] =	vst v5  }
0xa9: {  	v2 =	vadd.s32 v4, v3;
	[tilespmem:$0x1990] =	vst v1  }
0xaa: {  	[tilespmem:$0x19C0] =	vst v2  }
0xab: {  	_ =	swait.ge [sflag:s10], $0x800  }
0xac: {  	s9 =	sadd.s32 $0xA0, s12;
	[sflag:s10] =	ssyncset.done $0x0  }
0xad: {  	p2 =	slt.s32 s9, $0x9C3;
	[sflag:s10] =	ssyncadd.s32 $0xFFFFF800  }
0xae: {  	p1 =	slt.u32 s9, $0x9C4;
	s9 =	simm.s32 @!p2 $0x9C3;
	_ =	swait.ge [sflag:s8], $0x400  }
0xaf: {  	s26 =	sshll.u32 s9, $0x4;
	[sflag:s8] =	ssyncset.done $0x0  }
0xb0: {  	s9 =	sshll.u32 s9, $0x8;
	s11 =	sadd.s32 s5, s26;
	[sflag:s8] =	ssyncadd.s32 $0xFFFFFC00  }
0xb1: {  	[tilespmem:s19], [sflag:$0x5] =	stream.linear.gather [hbm4b:s11+s4], $0x80, $0x38;
	[tilespmem:$0x6140] =	vst v63  }
0xb2: {  	s9 =	sadd.s32 s6, s9  }
0xb3: {  	[tilespmem:s15], [sflag:$0x6] =	stream.linear.gather [hbm4b:s9+s4], $0x800, $0x38;
	[tilespmem:$0x6140] =	vst v63  }
0xb4: {  	_ = 	snop  }
0xb5: {  	[spmem:s17] =	stream.indirect.scatter.add.f32 [tilespmem:s2], [sflag:$0xF], $0x10, s21, s7, $0xb8;
	[tilespmem:$0x6140] =	vst v63  }
0xb6: {  	_ = 	snop  }
0xb7: {  	[spmem:s22] =	stream.indirect.scatter.add.f32 [tilespmem:s0], [sflag:$0x10], $0x8, s21, s7, $0xb8;
	[tilespmem:$0x6140] =	vst v63  }
0xb8: {  	_ =	swait.ge [sflag:s30], $0x80  }
0xb9: {  	[sflag:s30] =	ssyncset.done $0x0  }
0xba: {  	[sflag:s30] =	ssyncadd.s32 $0xFFFFFF80  }
0xbb: {  	_ =	swait.ge [sflag:s31], $0x800  }
0xbc: {  	[sflag:s31] =	ssyncset.done $0x0  }
0xbd: {  	[sflag:s31] =	ssyncadd.s32 $0xFFFFF800  }
0xbe: {  	v1 =	vld [tilespmem:$0x60]  }
0xbf: {  	s9 =	simm.s32 $0x1;
	v2 =	vld [tilespmem:$0x10]  }
0xc0: {  	s9 =	simm.s32 @!p0 $0x0;
	v5 =	vld [tilespmem:$0x30]  }
0xc1: {  	v4 =	vmov s9;
	v3 =	vld [tilespmem:$0x50]  }
0xc2: {  	v4 =	vxor.u32 $0x1, v4;
	v6 =	vld [tilespmem:$0x0]  }
0xc3: {  	v4 =	vmul.u32 $0x2710, v4;
	v7 =	vld [tilespmem:$0x20];
	v1 =	vmul.u32 s9, v1  }
0xc4: {  	v8 =	vld [tilespmem:$0x40];
	v2 =	vmul.u32 s9, v2  }
0xc5: {  	v9 =	vld [tilespmem:$0x70];
	v5 =	vmul.u32 s9, v5;
	v1 =	vadd.s32 v4, v1  }
0xc6: {  	v3 =	vmul.u32 s9, v3;
	v2 =	vadd.s32 v4, v2;
	[tilespmem:$0x60] =	vst v1  }
0xc7: {  	v5 =	vadd.s32 v4, v5;
	v1 =	vmul.u32 s9, v6;
	[tilespmem:$0x10] =	vst v2  }
0xc8: {  	v2 =	vadd.s32 v4, v3;
	v3 =	vmul.u32 s9, v7;
	[tilespmem:$0x30] =	vst v5  }
0xc9: {  	[tilespmem:$0x50] =	vst v2;
	v2 =	vmul.u32 s9, v8;
	v1 =	vadd.s32 v4, v1  }
0xca: {  	[tilespmem:$0x0] =	vst v1;
	v1 =	vadd.s32 v4, v3;
	v3 =	vmul.u32 s9, v9  }
0xcb: {  	[tilespmem:$0x20] =	vst v1;
	v1 =	vadd.s32 v4, v2  }
0xcc: {  	[tilespmem:$0x40] =	vst v1;
	v1 =	vadd.s32 v4, v3  }
0xcd: {  	s2 =	simm.s32 $0xB;
	[tilespmem:$0x70] =	vst v1  }
0xce: {  	_ =	swait.ge [sflag:s2], $0x800  }
0xcf: {  	s9 =	sadd.s32 $0xC0, s12;
	[sflag:s2] =	ssyncset.done $0x0  }
0xd0: {  	s3 =	simm.s32 $0xC;
	p2 =	slt.s32 s9, $0x9C3;
	[sflag:s2] =	ssyncadd.s32 $0xFFFFF800  }
0xd1: {  	p0 =	slt.u32 s9, $0x9C4;
	s9 =	simm.s32 @!p2 $0x9C3;
	_ =	swait.ge [sflag:s3], $0x400  }
0xd2: {  	s28 =	sshll.u32 s9, $0x4;
	[sflag:s3] =	ssyncset.done $0x0  }
0xd3: {  	s9 =	sshll.u32 s9, $0x8;
	s11 =	sadd.s32 s5, s28;
	[sflag:s3] =	ssyncadd.s32 $0xFFFFFC00  }
0xd4: {  	[tilespmem:s20], [sflag:$0x9] =	stream.linear.gather [hbm4b:s11+s4], $0x80, $0x38;
	[tilespmem:$0x6140] =	vst v63  }
0xd5: {  	s9 =	sadd.s32 s6, s9  }
0xd6: {  	[tilespmem:s13], [sflag:$0xA] =	stream.linear.gather [hbm4b:s9+s4], $0x800, $0x38;
	[tilespmem:$0x6140] =	vst v63  }
0xd7: {  	_ = 	snop  }
0xd8: {  	[spmem:s17] =	stream.indirect.scatter.add.f32 [tilespmem:s7], [sflag:$0x3], $0x10, s4, s7, $0xb8;
	[tilespmem:$0x6140] =	vst v63  }
0xd9: {  	_ = 	snop  }
0xda: {  	[spmem:s22] =	stream.indirect.scatter.add.f32 [tilespmem:s0], [sflag:$0x4], $0x8, s4, s7, $0xb8;
	[tilespmem:$0x6140] =	vst v63  }
0xdb: {  	_ =	swait.ge [sflag:s14], $0x80  }
0xdc: {  	[sflag:s14] =	ssyncset.done $0x0  }
0xdd: {  	[sflag:s14] =	ssyncadd.s32 $0xFFFFFF80  }
0xde: {  	_ =	swait.ge [sflag:s18], $0x800  }
0xdf: {  	[sflag:s18] =	ssyncset.done $0x0  }
0xe0: {  	[sflag:s18] =	ssyncadd.s32 $0xFFFFF800  }
0xe1: {  	v2 =	vld [tilespmem:$0x8E0]  }
0xe2: {  	s13 =	simm.s32 $0x1;
	v7 =	vld [tilespmem:$0x8C0]  }
0xe3: {  	s13 =	simm.s32 @!p1 $0x0;
	v8 =	vld [tilespmem:$0x8B0]  }
0xe4: {  	s1 =	simm.s32 $0x80;
	s23 =	simm.s32 $0x2;
	v1 =	vmov s13;
	v5 =	vld [tilespmem:$0x8A0]  }
0xe5: {  	s24 =	simm.s32 $0x9;
	s25 =	simm.s32 $0xA;
	s9 =	sadd.s32 $0xE0, s12;
	v1 =	vxor.u32 $0x1, v1;
	v6 =	vld [tilespmem:$0x890]  }
0xe6: {  	s29 =	simm.s32 $0x10;
	s26 =	simm.s32 $0x3;
	p1 =	slt.s32 s9, $0x9C3;
	v1 =	vmul.u32 $0x2710, v1;
	v4 =	vld [tilespmem:$0x880];
	v9 =	vmul.u32 s13, v2  }
0xe7: {  	s30 =	simm.s32 $0x2200;
	s31 =	simm.s32 $0x1;
	s9 =	simm.s32 @!p1 $0x9C3;
	v3 =	vld [tilespmem:$0x8D0]  }
0xe8: {  	s12 =	sshll.u32 s9, $0x4;
	s9 =	sshll.u32 s9, $0x8;
	s0 =	simm.s32 $0xF;
	v2 =	vmul.u32 s13, v7;
	v8 =	vmul.u32 s13, v8;
	v7 =	vld [tilespmem:$0x8F0];
	v9 =	vadd.s32 v1, v9  }
.LBB2_4:
0xe9: {  	_ = 	snop  }
0xea: {  	[tilespmem:$0x8E0] =	vst v9;
	v8 =	vadd.s32 v1, v8;
	v5 =	vmul.u32 s13, v5  }
0xeb: {  	v2 =	vadd.s32 v1, v2;
	[tilespmem:$0x8B0] =	vst v8;
	v6 =	vmul.u32 s13, v6  }
0xec: {  	[tilespmem:$0x8C0] =	vst v2;
	v4 =	vmul.u32 s13, v4;
	v5 =	vadd.s32 v1, v5  }
0xed: {  	v3 =	vmul.u32 s13, v3;
	v6 =	vadd.s32 v1, v6;
	[tilespmem:$0x8A0] =	vst v5  }
0xee: {  	v4 =	vadd.s32 v1, v4;
	[tilespmem:$0x890] =	vst v6;
	v5 =	vmul.u32 s13, v7  }
0xef: {  	v3 =	vadd.s32 v1, v3;
	[tilespmem:$0x880] =	vst v4  }
0xf0: {  	[tilespmem:$0x8D0] =	vst v3;
	v1 =	vadd.s32 v1, v5  }
0xf1: {  	[tilespmem:$0x8F0] =	vst v1  }
0xf2: {  	_ =	swait.ge [sflag:s0], $0x800  }
0xf3: {  	[sflag:s0] =	ssyncset.done $0x0  }
0xf4: {  	[sflag:s0] =	ssyncadd.s32 $0xFFFFF800  }
0xf5: {  	_ =	swait.ge [sflag:s29], $0x400  }
0xf6: {  	[sflag:s29] =	ssyncset.done $0x0  }
0xf7: {  	s12 =	sadd.s32 s5, s12;
	[sflag:s29] =	ssyncadd.s32 $0xFFFFFC00  }
0xf8: {  	[tilespmem:s21], [sflag:$0xD] =	stream.linear.gather [hbm4b:s12+s4], $0x80, $0x38;
	[tilespmem:$0x6140] =	vst v63  }
0xf9: {  	s9 =	sadd.s32 s6, s9;
	s10 =	simm.s32 $0x1A00  }
0xfa: {  	[tilespmem:s10], [sflag:$0xE] =	stream.linear.gather [hbm4b:s9+s4], $0x800, $0x38;
	[tilespmem:$0x6140] =	vst v63  }
0xfb: {  	_ = 	snop  }
0xfc: {  	[spmem:s17] =	stream.indirect.scatter.add.f32 [tilespmem:s15], [sflag:$0x7], $0x10, s19, s7, $0xb8;
	[tilespmem:$0x6140] =	vst v63  }
0xfd: {  	_ = 	snop  }
0xfe: {  	[spmem:s22] =	stream.indirect.scatter.add.f32 [tilespmem:s30], [sflag:$0x8], $0x8, s19, s7, $0xb8;
	[tilespmem:$0x6140] =	vst v63  }
0xff: {  	_ =	swait.ge [sflag:s24], $0x80  }
0x100: {  	[sflag:s24] =	ssyncset.done $0x0  }
0x101: {  	[sflag:s24] =	ssyncadd.s32 $0xFFFFFF80  }
0x102: {  	_ =	swait.ge [sflag:s25], $0x800  }
0x103: {  	[sflag:s25] =	ssyncset.done $0x0  }
0x104: {  	[sflag:s25] =	ssyncadd.s32 $0xFFFFF800  }
0x105: {  	v1 =	vld [tilespmem:$0x1100]  }
0x106: {  	s9 =	simm.s32 $0x1;
	v2 =	vld [tilespmem:$0x1110]  }
0x107: {  	s9 =	simm.s32 @!p0 $0x0;
	v3 =	vld [tilespmem:$0x1120]  }
0x108: {  	v4 =	vmov s9;
	v5 =	vld [tilespmem:$0x1130]  }
0x109: {  	v4 =	vxor.u32 $0x1, v4;
	v6 =	vld [tilespmem:$0x1140]  }
0x10a: {  	v4 =	vmul.u32 $0x2710, v4;
	v7 =	vld [tilespmem:$0x1150];
	v1 =	vmul.u32 s9, v1  }
0x10b: {  	v8 =	vld [tilespmem:$0x1160];
	v2 =	vmul.u32 s9, v2  }
0x10c: {  	v9 =	vld [tilespmem:$0x1170];
	v3 =	vmul.u32 s9, v3;
	v1 =	vadd.s32 v4, v1  }
0x10d: {  	[tilespmem:$0x1100] =	vst v1;
	v1 =	vadd.s32 v4, v2;
	v2 =	vmul.u32 s9, v5  }
0x10e: {  	[tilespmem:$0x1110] =	vst v1;
	v1 =	vadd.s32 v4, v3;
	v3 =	vmul.u32 s9, v6  }
0x10f: {  	[tilespmem:$0x1120] =	vst v1;
	v1 =	vadd.s32 v4, v2;
	v2 =	vmul.u32 s9, v7  }
0x110: {  	s11 =	smov.u32 s1;
	[tilespmem:$0x1130] =	vst v1;
	v1 =	vadd.s32 v4, v3;
	v3 =	vmul.u32 s9, v8  }
0x111: {  	s8 =	sadd.s32 s11, s16;
	[tilespmem:$0x1140] =	vst v1;
	v1 =	vadd.s32 v4, v2;
	v2 =	vmul.u32 s9, v9  }
0x112: {  	s17 =	sadd.s32 $0xA0, s8;
	[tilespmem:$0x1150] =	vst v1;
	v1 =	vadd.s32 v4, v3  }
0x113: {  	p2 =	slt.s32 s17, $0x9C3;
	s14 =	smov.u32 s17;
	[tilespmem:$0x1160] =	vst v1;
	v1 =	vadd.s32 v4, v2  }
0x114: {  	s13 =	sadd.s32 $0x80, s8;
	s21 =	smov.u32 s16;
	s14 =	simm.s32 @!p2 $0x9C3;
	[tilespmem:$0x1170] =	vst v1  }
0x115: {  	p2 =	slt.u32 s17, $0x9C4;
	s17 =	rddreg [dreg:$0x2];
	_ =	swait.ge [sflag:s26], $0x800  }
0x116: {  	s16 =	sadd.s32 $0xE0, s8;
	p0 =	slt.s32 s13, $0x9C3;
	[sflag:s26] =	ssyncset.done $0x0  }
0x117: {  	s19 =	sadd.s32 $0xC0, s8;
	s8 =	simm.s32 $0x4;
	[sflag:s26] =	ssyncadd.s32 $0xFFFFF800  }
0x118: {  	p3 =	slt.u32 s13, $0x9C4;
	s13 =	simm.s32 @!p0 $0x9C3;
	_ =	swait.ge [sflag:s8], $0x400  }
0x119: {  	s20 =	sshll.u32 s13, $0x4;
	[sflag:s8] =	ssyncset.done $0x0  }
0x11a: {  	s28 =	sshll.u32 s13, $0x8;
	s20 =	sadd.s32 s5, s20;
	[sflag:s8] =	ssyncadd.s32 $0xFFFFFC00  }
0x11b: {  	[tilespmem:s4], [sflag:$0x1] =	stream.linear.gather [hbm4b:s20+s4], $0x80, $0x38;
	[tilespmem:$0x6140] =	vst v63  }
0x11c: {  	p4 =	slt.s32 s16, $0x9C3;
	s8 =	sadd.s32 s6, s28  }
0x11d: {  	[tilespmem:s7], [sflag:$0x2] =	stream.linear.gather [hbm4b:s8+s4], $0x800, $0x38;
	[tilespmem:$0x6140] =	vst v63  }
0x11e: {  	s16 =	simm.s32 @!p4 $0x9C3;
	s28 =	simm.s32 $0x1180;
	s20 =	simm.s32 $0x1100  }
0x11f: {  	[spmem:s17] =	stream.indirect.scatter.add.f32 [tilespmem:s28], [sflag:$0xB], $0x10, s20, s7, $0xb8;
	[tilespmem:$0x6140] =	vst v63  }
0x120: {  	s12 =	sshll.u32 s16, $0x4;
	s9 =	sshll.u32 s16, $0x8;
	s16 =	simm.s32 $0xD  }
0x121: {  	[spmem:s22] =	stream.indirect.scatter.add.f32 [tilespmem:s30], [sflag:$0xC], $0x8, s20, s7, $0xb8;
	[tilespmem:$0x6140] =	vst v63  }
0x122: {  	_ =	swait.ge [sflag:s16], $0x80  }
0x123: {  	[sflag:s16] =	ssyncset.done $0x0  }
0x124: {  	s8 =	simm.s32 $0xE;
	[sflag:s16] =	ssyncadd.s32 $0xFFFFFF80  }
0x125: {  	_ =	swait.ge [sflag:s8], $0x800  }
0x126: {  	[sflag:s8] =	ssyncset.done $0x0  }
0x127: {  	[sflag:s8] =	ssyncadd.s32 $0xFFFFF800  }
0x128: {  	v1 =	vld [tilespmem:$0x19E0]  }
0x129: {  	s16 =	rddreg [dreg:$0x5];
	v2 =	vld [tilespmem:$0x19A0]  }
0x12a: {  	p4 =	slt.u32 s11, s16;
	s11 =	simm.s32 $0x1;
	v3 =	vld [tilespmem:$0x19F0]  }
0x12b: {  	s11 =	simm.s32 @!p4 $0x0;
	v5 =	vld [tilespmem:$0x19B0]  }
0x12c: {  	v6 =	vld [tilespmem:$0x19C0];
	v4 =	vmov s11  }
0x12d: {  	v7 =	vld [tilespmem:$0x19D0];
	v4 =	vxor.u32 $0x1, v4  }
0x12e: {  	v8 =	vld [tilespmem:$0x1980];
	v4 =	vmul.u32 $0x2710, v4;
	v2 =	vmul.u32 s11, v2  }
0x12f: {  	v9 =	vld [tilespmem:$0x1990];
	v3 =	vmul.u32 s11, v3  }
0x130: {  	v1 =	vmul.u32 s11, v1;
	v2 =	vadd.s32 v4, v2  }
0x131: {  	v5 =	vmul.u32 s11, v5;
	v3 =	vadd.s32 v4, v3;
	[tilespmem:$0x19A0] =	vst v2  }
0x132: {  	v1 =	vadd.s32 v4, v1;
	v2 =	vmul.u32 s11, v6;
	v6 =	vmul.u32 s11, v7;
	[tilespmem:$0x19F0] =	vst v3  }
0x133: {  	v5 =	vadd.s32 v4, v5;
	v3 =	vmul.u32 s11, v8;
	[tilespmem:$0x19E0] =	vst v1  }
0x134: {  	v1 =	vmul.u32 s11, v9;
	[tilespmem:$0x19B0] =	vst v5;
	v5 =	vadd.s32 v4, v6  }
0x135: {  	v3 =	vadd.s32 v4, v3;
	[tilespmem:$0x19D0] =	vst v5  }
0x136: {  	v1 =	vadd.s32 v4, v1;
	[tilespmem:$0x1980] =	vst v3  }
0x137: {  	v2 =	vadd.s32 v4, v2;
	[tilespmem:$0x1990] =	vst v1  }
0x138: {  	s11 =	simm.s32 $0x7;
	[tilespmem:$0x19C0] =	vst v2  }
0x139: {  	_ =	swait.ge [sflag:s11], $0x800  }
0x13a: {  	p0 =	slt.s32 s19, $0x9C3;
	[sflag:s11] =	ssyncset.done $0x0  }
0x13b: {  	s13 =	sshll.u32 s14, $0x4;
	[sflag:s11] =	ssyncadd.s32 $0xFFFFF800;
	s11 =	simm.s32 $0x8  }
0x13c: {  	s15 =	sshll.u32 s14, $0x8;
	s14 =	smov.u32 s19;
	_ =	swait.ge [sflag:s11], $0x400  }
0x13d: {  	s14 =	simm.s32 @!p0 $0x9C3;
	p0 =	slt.u32 s19, $0x9C4;
	[sflag:s11] =	ssyncset.done $0x0  }
0x13e: {  	s19 =	simm.s32 $0x880;
	s13 =	sadd.s32 s5, s13;
	[sflag:s11] =	ssyncadd.s32 $0xFFFFFC00  }
0x13f: {  	[tilespmem:s19], [sflag:$0x5] =	stream.linear.gather [hbm4b:s13+s4], $0x80, $0x38;
	[tilespmem:$0x6140] =	vst v63  }
0x140: {  	s8 =	sadd.s32 s6, s15;
	s15 =	simm.s32 $0x900  }
0x141: {  	[tilespmem:s15], [sflag:$0x6] =	stream.linear.gather [hbm4b:s8+s4], $0x800, $0x38;
	[tilespmem:$0x6140] =	vst v63  }
0x142: {  	s16 =	smov.u32 s21;
	s21 =	simm.s32 $0x1980  }
0x143: {  	[spmem:s17] =	stream.indirect.scatter.add.f32 [tilespmem:s10], [sflag:$0xF], $0x10, s21, s7, $0xb8;
	[tilespmem:$0x6140] =	vst v63  }
0x144: {  	_ = 	snop  }
0x145: {  	[spmem:s22] =	stream.indirect.scatter.add.f32 [tilespmem:s30], [sflag:$0x10], $0x8, s21, s7, $0xb8;
	[tilespmem:$0x6140] =	vst v63  }
0x146: {  	_ =	swait.ge [sflag:s31], $0x80  }
0x147: {  	[sflag:s31] =	ssyncset.done $0x0  }
0x148: {  	[sflag:s31] =	ssyncadd.s32 $0xFFFFFF80  }
0x149: {  	_ =	swait.ge [sflag:s23], $0x800  }
0x14a: {  	[sflag:s23] =	ssyncset.done $0x0  }
0x14b: {  	[sflag:s23] =	ssyncadd.s32 $0xFFFFF800  }
0x14c: {  	v1 =	vld [tilespmem:$0x60]  }
0x14d: {  	s11 =	simm.s32 $0x1;
	v2 =	vld [tilespmem:$0x10]  }
0x14e: {  	s11 =	simm.s32 @!p3 $0x0;
	v5 =	vld [tilespmem:$0x30]  }
0x14f: {  	v4 =	vmov s11;
	v3 =	vld [tilespmem:$0x50]  }
0x150: {  	v4 =	vxor.u32 $0x1, v4;
	v6 =	vld [tilespmem:$0x0]  }
0x151: {  	v4 =	vmul.u32 $0x2710, v4;
	v7 =	vld [tilespmem:$0x20];
	v1 =	vmul.u32 s11, v1  }
0x152: {  	v8 =	vld [tilespmem:$0x40];
	v2 =	vmul.u32 s11, v2  }
0x153: {  	v9 =	vld [tilespmem:$0x70];
	v5 =	vmul.u32 s11, v5;
	v1 =	vadd.s32 v4, v1  }
0x154: {  	v3 =	vmul.u32 s11, v3;
	v2 =	vadd.s32 v4, v2;
	[tilespmem:$0x60] =	vst v1  }
0x155: {  	v5 =	vadd.s32 v4, v5;
	v1 =	vmul.u32 s11, v6;
	[tilespmem:$0x10] =	vst v2  }
0x156: {  	v2 =	vadd.s32 v4, v3;
	v3 =	vmul.u32 s11, v7;
	[tilespmem:$0x30] =	vst v5  }
0x157: {  	[tilespmem:$0x50] =	vst v2;
	v2 =	vmul.u32 s11, v8;
	v1 =	vadd.s32 v4, v1  }
0x158: {  	[tilespmem:$0x0] =	vst v1;
	v1 =	vadd.s32 v4, v3;
	v3 =	vmul.u32 s11, v9  }
0x159: {  	[tilespmem:$0x20] =	vst v1;
	v1 =	vadd.s32 v4, v2  }
0x15a: {  	[tilespmem:$0x40] =	vst v1;
	v1 =	vadd.s32 v4, v3  }
0x15b: {  	[tilespmem:$0x70] =	vst v1  }
0x15c: {  	_ =	swait.ge [sflag:s2], $0x800  }
0x15d: {  	[sflag:s2] =	ssyncset.done $0x0  }
0x15e: {  	[sflag:s2] =	ssyncadd.s32 $0xFFFFF800  }
0x15f: {  	_ =	swait.ge [sflag:s3], $0x400  }
0x160: {  	s18 =	sshll.u32 s14, $0x4;
	[sflag:s3] =	ssyncset.done $0x0  }
0x161: {  	s14 =	sshll.u32 s14, $0x8;
	s10 =	sadd.s32 s5, s18;
	[sflag:s3] =	ssyncadd.s32 $0xFFFFFC00  }
0x162: {  	[tilespmem:s20], [sflag:$0x9] =	stream.linear.gather [hbm4b:s10+s4], $0x80, $0x38;
	[tilespmem:$0x6140] =	vst v63  }
0x163: {  	s13 =	sadd.s32 s6, s14  }
0x164: {  	[tilespmem:s28], [sflag:$0xA] =	stream.linear.gather [hbm4b:s13+s4], $0x800, $0x38;
	[tilespmem:$0x6140] =	vst v63  }
0x165: {  	_ = 	snop  }
0x166: {  	[spmem:s17] =	stream.indirect.scatter.add.f32 [tilespmem:s7], [sflag:$0x3], $0x10, s4, s7, $0xb8;
	[tilespmem:$0x6140] =	vst v63  }
0x167: {  	s14 =	simm.s32 $0x5  }
0x168: {  	[spmem:s22] =	stream.indirect.scatter.add.f32 [tilespmem:s30], [sflag:$0x4], $0x8, s4, s7, $0xb8;
	[tilespmem:$0x6140] =	vst v63  }
0x169: {  	_ =	swait.ge [sflag:s14], $0x80  }
0x16a: {  	[sflag:s14] =	ssyncset.done $0x0  }
0x16b: {  	s18 =	simm.s32 $0x6;
	[sflag:s14] =	ssyncadd.s32 $0xFFFFFF80  }
0x16c: {  	_ =	swait.ge [sflag:s18], $0x800  }
0x16d: {  	[sflag:s18] =	ssyncset.done $0x0  }
0x16e: {  	[sflag:s18] =	ssyncadd.s32 $0xFFFFF800  }
0x16f: {  	v2 =	vld [tilespmem:$0x8E0]  }
0x170: {  	s13 =	simm.s32 $0x1;
	v3 =	vld [tilespmem:$0x8C0]  }
0x171: {  	p1 =	sne.s32 s1, $0x980;
	s13 =	simm.s32 @!p2 $0x0;
	v7 =	vld [tilespmem:$0x8B0]  }
.Ltmp1:
0x172: {  	v1 =	vmov s13;
	v5 =	vld [tilespmem:$0x8A0];
	(pc) =	sbr.rel @p1 .LBB2_4-.Ltmp1, $4  }
0x173: {  	v1 =	vxor.u32 $0x1, v1;
	v6 =	vld [tilespmem:$0x890]  }
0x174: {  	v1 =	vmul.u32 $0x2710, v1;
	v4 =	vld [tilespmem:$0x880];
	v9 =	vmul.u32 s13, v2  }
0x175: {  	v2 =	vmul.u32 s13, v3;
	v3 =	vld [tilespmem:$0x8D0]  }
0x176: {  	s1 =	sadd.s32 $0x80, s1;
	s8 =	simm.s32 $0x1A00;
	v8 =	vmul.u32 s13, v7;
	v7 =	vld [tilespmem:$0x8F0];
	v9 =	vadd.s32 v1, v9  }
0x177: {  	_ = 	snop  }
0x178: {  	v5 =	vmul.u32 s13, v5;
	[tilespmem:$0x8E0] =	vst v9;
	v2 =	vadd.s32 v1, v2  }
0x179: {  	v6 =	vmul.u32 s13, v6;
	v8 =	vadd.s32 v1, v8;
	[tilespmem:$0x8C0] =	vst v2  }
0x17a: {  	v4 =	vmul.u32 s13, v4;
	v5 =	vadd.s32 v1, v5;
	[tilespmem:$0x8B0] =	vst v8  }
0x17b: {  	v6 =	vadd.s32 v1, v6;
	[tilespmem:$0x8A0] =	vst v5;
	v57 =	vmul.u32 s13, v7  }
0x17c: {  	v3 =	vmul.u32 s13, v3;
	v4 =	vadd.s32 v1, v4;
	[tilespmem:$0x890] =	vst v6  }
0x17d: {  	[tilespmem:$0x880] =	vst v4;
	v2 =	vadd.s32 v1, v57  }
0x17e: {  	v1 =	vadd.s32 v1, v3;
	[tilespmem:$0x8F0] =	vst v2  }
0x17f: {  	[tilespmem:$0x8D0] =	vst v1  }
0x180: {  	_ =	swait.ge [sflag:s0], $0x800  }
0x181: {  	[sflag:s0] =	ssyncset.done $0x0  }
0x182: {  	[sflag:s0] =	ssyncadd.s32 $0xFFFFF800  }
0x183: {  	_ =	swait.ge [sflag:s29], $0x400  }
0x184: {  	[sflag:s29] =	ssyncset.done $0x0  }
0x185: {  	s1 =	sadd.s32 s5, s12;
	[sflag:s29] =	ssyncadd.s32 $0xFFFFFC00  }
0x186: {  	[tilespmem:s21], [sflag:$0xD] =	stream.linear.gather [hbm4b:s1+s4], $0x80, $0x38;
	[tilespmem:$0x6140] =	vst v63  }
0x187: {  	s3 =	sadd.s32 s6, s9  }
0x188: {  	[tilespmem:s8], [sflag:$0xE] =	stream.linear.gather [hbm4b:s3+s4], $0x800, $0x38;
	[tilespmem:$0x6140] =	vst v63  }
0x189: {  	_ = 	snop  }
0x18a: {  	[spmem:s17] =	stream.indirect.scatter.add.f32 [tilespmem:s15], [sflag:$0x7], $0x10, s19, s7, $0xb8;
	[tilespmem:$0x6140] =	vst v63  }
0x18b: {  	_ = 	snop  }
0x18c: {  	[spmem:s22] =	stream.indirect.scatter.add.f32 [tilespmem:s30], [sflag:$0x8], $0x8, s19, s7, $0xb8;
	[tilespmem:$0x6140] =	vst v63  }
0x18d: {  	_ =	swait.ge [sflag:s24], $0x80  }
0x18e: {  	[sflag:s24] =	ssyncset.done $0x0  }
0x18f: {  	[sflag:s24] =	ssyncadd.s32 $0xFFFFFF80  }
0x190: {  	_ =	swait.ge [sflag:s25], $0x800  }
0x191: {  	[sflag:s25] =	ssyncset.done $0x0  }
0x192: {  	[sflag:s25] =	ssyncadd.s32 $0xFFFFF800  }
0x193: {  	v1 =	vld [tilespmem:$0x1100]  }
0x194: {  	s1 =	simm.s32 $0x1;
	v2 =	vld [tilespmem:$0x1110]  }
0x195: {  	s1 =	simm.s32 @!p0 $0x0;
	v3 =	vld [tilespmem:$0x1120]  }
0x196: {  	v58 =	vmov s1;
	v59 =	vld [tilespmem:$0x1130]  }
0x197: {  	v4 =	vxor.u32 $0x1, v58;
	v60 =	vld [tilespmem:$0x1140]  }
0x198: {  	v4 =	vmul.u32 $0x2710, v4;
	v61 =	vld [tilespmem:$0x1150];
	v1 =	vmul.u32 s1, v1  }
0x199: {  	v62 =	vld [tilespmem:$0x1160];
	v2 =	vmul.u32 s1, v2  }
0x19a: {  	v63 =	vld [tilespmem:$0x1170];
	v3 =	vmul.u32 s1, v3;
	v1 =	vadd.s32 v4, v1  }
0x19b: {  	[tilespmem:$0x1100] =	vst v1;
	v1 =	vadd.s32 v4, v2;
	v2 =	vmul.u32 s1, v59  }
0x19c: {  	[tilespmem:$0x1110] =	vst v1;
	v1 =	vadd.s32 v4, v3;
	v3 =	vmul.u32 s1, v60  }
0x19d: {  	[tilespmem:$0x1120] =	vst v1;
	v1 =	vadd.s32 v4, v2;
	v2 =	vmul.u32 s1, v61  }
0x19e: {  	[tilespmem:$0x1130] =	vst v1;
	v1 =	vadd.s32 v4, v3;
	v3 =	vmul.u32 s1, v62  }
0x19f: {  	[tilespmem:$0x1140] =	vst v1;
	v1 =	vadd.s32 v4, v2;
	v2 =	vmul.u32 s1, v63  }
0x1a0: {  	[tilespmem:$0x1150] =	vst v1;
	v1 =	vadd.s32 v4, v3  }
0x1a1: {  	[tilespmem:$0x1160] =	vst v1;
	v1 =	vadd.s32 v4, v2  }
0x1a2: {  	[tilespmem:$0x1170] =	vst v1  }
0x1a3: {  	_ =	swait.ge [sflag:s26], $0x800  }
0x1a4: {  	[sflag:s26] =	ssyncset.done $0x0  }
0x1a5: {  	s8 =	simm.s32 $0x4;
	[sflag:s26] =	ssyncadd.s32 $0xFFFFF800  }
0x1a6: {  	_ =	swait.ge [sflag:s8], $0x400  }
0x1a7: {  	[sflag:s8] =	ssyncset.done $0x0  }
0x1a8: {  	s9 =	simm.s32 $0x7;
	[sflag:s8] =	ssyncadd.s32 $0xFFFFFC00  }
0x1a9: {  	_ =	swait.ge [sflag:s9], $0x800  }
0x1aa: {  	[sflag:s9] =	ssyncset.done $0x0  }
0x1ab: {  	s10 =	simm.s32 $0x8;
	[sflag:s9] =	ssyncadd.s32 $0xFFFFF800  }
0x1ac: {  	_ =	swait.ge [sflag:s10], $0x400  }
0x1ad: {  	[sflag:s10] =	ssyncset.done $0x0  }
0x1ae: {  	s11 =	simm.s32 $0xD;
	[sflag:s10] =	ssyncadd.s32 $0xFFFFFC00  }
0x1af: {  	_ =	swait.ge [sflag:s11], $0x80  }
0x1b0: {  	[sflag:s11] =	ssyncset.done $0x0  }
0x1b1: {  	s12 =	simm.s32 $0xE;
	[sflag:s11] =	ssyncadd.s32 $0xFFFFFF80  }
0x1b2: {  	_ =	swait.ge [sflag:s12], $0x800  }
0x1b3: {  	[sflag:s12] =	ssyncset.done $0x0  }
0x1b4: {  	[sflag:s12] =	ssyncadd.s32 $0xFFFFF800  }
0x1b5: {  	[bflag:$0x0] =	sbarrier.arrive $0xFFFF  }
0x1b6: {  	s17 =	rddreg [dreg:$0x8]  }
0x1b7: {  	s23 =	rddreg [dreg:$0xe]  }
0x1b8: {  	s12 =	simm.s32 $0x11;
	s24 =	rddreg [dreg:$0x1e];
	s13 =	sshrl.u32 s17, $0x3  }
0x1b9: {  	[hbm:s23], [sflag:s24] =	dma.local [spmem:s13], $0x4F0  }
0x1ba: {  	_ =	swait.ge [sflag:s12], $0x4F0  }
0x1bb: {  	[sflag:s12] =	ssyncset.done $0x0;
	s25 =	rddreg [dreg:$0x17]  }
0x1bc: {  	s2 =	rddreg [dreg:$0x1f];
	[sflag:s12] =	ssyncadd.s32 $0xFFFFFB10  }
0x1bd: {  	[hbm:s25], [sflag:s24] =	dma.local [spmem:s2], $0x278  }
0x1be: {  	_ =	swait.ge [sflag:s12], $0x278  }
0x1bf: {  	s3 =	rddreg [dreg:$0x1d]  }
0x1c0: {  	s26 =	rddreg [dreg:$0x18];
	s3 =	sadd.s32 $0x1, s3  }
0x1c1: {  	s28 =	simm.s32 $0xD;
	p0 =	sne.s32 s3, s26  }
.Ltmp2:
0x1c2: {  	s31 =	simm.s32 $0x2;
	s0 =	simm.s32 $0x2200;
	(pc) =	sbr.rel @p0 .LBB2_1-.Ltmp2, $4  }
0x1c3: {  	s29 =	simm.s32 $0xE;
	s30 =	simm.s32 $0x1;
	s8 =	simm.s32 $0x8  }
0x1c4: {  	s10 =	simm.s32 $0x7;
	s13 =	simm.s32 $0x1180;
	s23 =	simm.s32 $0x9  }
0x1c5: {  	s2 =	simm.s32 $0x1A00;
	s24 =	simm.s32 $0xA;
	[sflag:s12] =	ssyncset.done $0x0  }
0x1c6: {  	s25 =	simm.s32 $0x3;
	[sflag:s12] =	ssyncadd.s32 $0xFFFFFD88;
	s26 =	simm.s32 $0x4  }
0x1c7: {  	_ =	sfence.sel $0x180000  }
0x1c8: {  	[bflag:$0x0] =	sbarrier.arrive $0xFFFF  }
0x1c9: {  	_ =	strace $0x90000047  }
0x1ca: {  	s0 =	stileid.u32;
	[bflag:$0x2] =	sbarrier.arrive $0xFFFF  }
0x1cb: {  	p0 =	sne.s32 s0, $0x0;
	s0 =	rddreg [dreg:$0x4]  }
0x1cc: {  	s0 =	sadd.s32 @!p0 $0x100000, s0  }
0x1cd: {  	[sflag:s0] =	ssyncadd.tile.s32 @!p0 $0x1;
	_ =	shalt  }
.Lfunc_end2:
_tile_overlayer_lowered:
.L_overlay_start_2:
0x1ce: {  	(tag) =	ssettag $0x2  }
0x1cf: {  	s0 =	rddreg [dreg:$0x0];
	s2 =	stileid.u32  }
0x1d0: {  	s1 =	rddreg [dreg:$0x1];
	p0 =	sne.s32 s2, $0x0  }
0x1d1: {  	s3 =	rddreg [dreg:$0x2];
	[bflag:$0x3] =	sbarrier.arrive $0xFFFF;
	s2 =	simm.s32 @!p0 $0x1C11  }
0x1d2: {  	[timem:s3], [sflag:s2] =	dma.local @!p0 [hbm:s0], s1  }
0x1d3: {  	s0 =	simm.s32 @!p0 $0x11  }
0x1d4: {  	_ =	swait.ge @!p0 [sflag:s0], s1  }
0x1d5: {  	s1 =	ssub.s32 @!p0 $0x0, s1;
	[sflag:s0] =	ssyncset.done @!p0 $0x0  }
0x1d6: {  	[sflag:s0] =	ssyncadd.s32 @!p0 s1  }
0x1d7: {  	[bflag:$0x3] =	sbarrier.arrive $0xFFFF  }
0x1d8: {  	_ =	shalt  }

</sc_bundles>
